<compile_context>
chip_gen: v7x
topology: tpu7x:2x2x1
jax: 0.10.2.dev20260603
libtpu: 0.0.44.dev20260713+nightly
codegen_flags: <defaults>
</compile_context>

<pallas_src>
import functools

import jax
import jax.numpy as jnp
from jax import lax
from jax.experimental import pallas as pl
from jax.experimental.pallas import tpu as pltpu
from jax.experimental.pallas import tpu_sc as plsc

_K = 32
_CUTOFF = 10.0
_N = 4096
_L = 16
_NW = 32
_RPW = _N // _NW
_BITS100 = 0x42C80000
_HUGE = 0x7F000000


def _bsearch16_2(bt_ref, keys_a, keys_b):
    lo_a = jnp.zeros((_L,), jnp.int32)
    hi_a = jnp.full((_L,), _N, jnp.int32)
    lo_b = jnp.zeros((_L,), jnp.int32)
    hi_b = jnp.full((_L,), _N, jnp.int32)
    for _ in range(12):
        mid_a = (lo_a + hi_a) >> 1
        mid_b = (lo_b + hi_b) >> 1
        va = plsc.load_gather(bt_ref, [mid_a])
        vb = plsc.load_gather(bt_ref, [mid_b])
        ca = va < keys_a
        cb = vb < keys_b
        lo_a = jnp.where(ca, mid_a + 1, lo_a)
        hi_a = jnp.where(ca, hi_a, mid_a)
        lo_b = jnp.where(cb, mid_b + 1, lo_b)
        hi_b = jnp.where(cb, hi_b, mid_b)
    return lo_a, lo_b


def _merge32(c1k, c1v, c2k, c2v):
    c = c2k < c1k
    lk = jnp.where(c, c2k, c1k)
    lv = jnp.where(c, c2v, c1v)
    hk = jnp.where(c, c1k, c2k)
    hv = jnp.where(c, c1v, c2v)
    lk, lv = plsc.sort_key_val(lk, lv, descending=True)
    hk, hv = plsc.sort_key_val(hk, hv, descending=True)
    return lk, lv, hk, hv


def _tmerge(t, c0k, c0v, c1k, c1v):
    t0k, t0v, t1k, t1v = t
    c = c1k < t0k
    l0k = jnp.where(c, c1k, t0k)
    l0v = jnp.where(c, c1v, t0v)
    c = c0k < t1k
    l1k = jnp.where(c, c0k, t1k)
    l1v = jnp.where(c, c0v, t1v)
    c = l1k < l0k
    b0k = jnp.where(c, l1k, l0k)
    b0v = jnp.where(c, l1v, l0v)
    b1k = jnp.where(c, l0k, l1k)
    b1v = jnp.where(c, l0v, l1v)
    b0k, b0v = plsc.sort_key_val(b0k, b0v)
    b1k, b1v = plsc.sort_key_val(b1k, b1v)
    return b0k, b0v, b1k, b1v


def _sqrt16(s):
    sc = jnp.maximum(s, 1e-30)
    b = plsc.bitcast(sc, jnp.int32)
    y = plsc.bitcast(0x5F3759DF - (b >> 1), jnp.float32)
    h = 0.5 * sc
    y = y * (1.5 - h * y * y)
    y = y * (1.5 - h * y * y)
    w = sc * y
    w = 0.5 * (w + sc / w)
    return jnp.where(s > 0.0, w, 0.0)


def _sc_topk():
    mesh = plsc.VectorSubcoreMesh(core_axis_name="c", subcore_axis_name="s")

    @functools.partial(
        pl.kernel,
        mesh=mesh,
        compiler_params=pltpu.CompilerParams(needs_layout_passes=False),
        out_type=[
            jax.ShapeDtypeStruct((2, _N * _K), jnp.int32),
            jax.ShapeDtypeStruct((_N * _K,), jnp.float32),
        ],
        scratch_types=[
            pltpu.VMEM((_N + _L,), jnp.float32),
            pltpu.VMEM((_N + _L,), jnp.float32),
            pltpu.VMEM((_N + _L,), jnp.float32),
            pltpu.VMEM((_N + _L,), jnp.int32),
            pltpu.VMEM((_RPW + _L,), jnp.int32),
            pltpu.VMEM((_RPW + _L,), jnp.int32),
            pltpu.VMEM((_RPW * _K,), jnp.float32),
            pltpu.VMEM((_RPW * _K,), jnp.int32),
            pltpu.VMEM((_RPW * _K,), jnp.int32),
            pltpu.SemaphoreType.DMA,
        ],
    )
    def kfn(xs_h, ys_h, zs_h, bt_h, ei_h, ew_h,
            xs, ys, zs, bt, seg_s, seg_e, ow, oidx, orow, dsem):
        wid = lax.axis_index("c") * 16 + lax.axis_index("s")
        base = wid * _RPW

        cx = pltpu.async_copy(xs_h, xs.at[pl.ds(0, _N)], dsem)
        cy = pltpu.async_copy(ys_h, ys.at[pl.ds(0, _N)], dsem)
        cz = pltpu.async_copy(zs_h, zs.at[pl.ds(0, _N)], dsem)
        pltpu.sync_copy(bt_h, bt.at[pl.ds(0, _N)])

        lane = lax.iota(jnp.int32, _L)
        for g in range(_RPW // _L):
            bb = bt[pl.ds(base + g * _L, _L)]
            ls, le = _bsearch16_2(bt, bb, bb + 1)
            seg_s[pl.ds(g * _L, _L)] = ls
            seg_e[pl.ds(g * _L, _L)] = le
        cx.wait()
        cy.wait()
        cz.wait()

        _G = 2

        def group_body(p, _):
            r0 = _G * p
            i0 = base + r0
            sv = seg_s[pl.ds(r0, _L)]
            ev = seg_e[pl.ds(r0, _L)]
            vx = xs[pl.ds(i0, _L)]
            vy = ys[pl.ds(i0, _L)]
            vz = zs[pl.ds(i0, _L)]
            rows = [
                (i0 + q, sv[q], ev[q], vx[q], vy[q], vz[q])
                for q in range(_G)
            ]

            def keys_for(row, cx, cy, cz, jvec):
                i, s_r, e_r, bx, by, bz = row
                dx = bx - cx
                dy = by - cy
                dz = bz - cz
                sq = dx * dx + dy * dy + dz * dz
                kbits = plsc.bitcast(sq, jnp.int32)
                masked = (
                    (jvec < s_r) | (jvec >= e_r) | (jvec == i)
                    | (sq >= _CUTOFF * _CUTOFF)
                )
                return jnp.where(masked, _BITS100 + jvec, kbits), jvec

            def super_chunk(j0, ts):
                j1 = j0 + _L
                cx1 = xs[pl.ds(j0, _L)]
                cy1 = ys[pl.ds(j0, _L)]
                cz1 = zs[pl.ds(j0, _L)]
                cx2 = xs[pl.ds(j1, _L)]
                cy2 = ys[pl.ds(j1, _L)]
                cz2 = zs[pl.ds(j1, _L)]
                jv1 = lane + j0
                jv2 = lane + j1
                outs = []
                for row, t in zip(rows, ts):
                    k1, v1 = keys_for(row, cx1, cy1, cz1, jv1)
                    k2, v2 = keys_for(row, cx2, cy2, cz2, jv2)
                    k1, v1 = plsc.sort_key_val(k1, v1)
                    k2, v2 = plsc.sort_key_val(k2, v2, descending=True)
                    c0k, c0v, c1k, c1v = _merge32(k1, v1, k2, v2)
                    outs.append(tuple(_tmerge(t, c0k, c0v, c1k, c1v)))
                return tuple(outs)

            init = (
                jnp.full((_L,), _HUGE, jnp.int32),
                jnp.zeros((_L,), jnp.int32),
                jnp.full((_L,), _HUGE, jnp.int32),
                jnp.zeros((_L,), jnp.int32),
            )

            s_grp = rows[0][1]
            e_grp = rows[0][2]
            for q in range(1, _G):
                s_grp = jnp.minimum(s_grp, rows[q][1])
                e_grp = jnp.maximum(e_grp, rows[q][2])
            c_lo = jnp.maximum(s_grp >> 5, 2)
            c_hi = jnp.maximum((e_grp + 31) >> 5, 2)

            def seg_body(c, ts):
                return super_chunk(pl.multiple_of(c * 2 * _L, 2 * _L), ts)

            ts = lax.fori_loop(c_lo, c_hi, seg_body, (init,) * _G)

            def do_prefix(ts):
                return super_chunk(2 * _L, super_chunk(0, ts))

            need = s_grp < 4 * _L
            for q in range(_G):
                need = need | (ts[q][2][_L - 1] >= _BITS100)
            ts = lax.cond(need, do_prefix, lambda ts: ts, ts)

            for q in range(_G):
                t0k, t0v, t1k, t1v = ts[q]
                w0 = jnp.where(
                    t0k >= _BITS100, _CUTOFF,
                    _sqrt16(plsc.bitcast(t0k, jnp.float32)))
                w1 = jnp.where(
                    t1k >= _BITS100, _CUTOFF,
                    _sqrt16(plsc.bitcast(t1k, jnp.float32)))
                o = pl.multiple_of((r0 + q) * _K, _K)
                ow[pl.ds(o, _L)] = w0
                ow[pl.ds(o + _L, _L)] = w1
                oidx[pl.ds(o, _L)] = t0v
                oidx[pl.ds(o + _L, _L)] = t1v
                ivec = jnp.full((_L,), i0 + q, jnp.int32)
                orow[pl.ds(o, _L)] = ivec
                orow[pl.ds(o + _L, _L)] = ivec
            return 0

        lax.fori_loop(0, _RPW // _G, group_body, 0)

        pltpu.sync_copy(oidx, ei_h.at[0, pl.ds(base * _K, _RPW * _K)])
        pltpu.sync_copy(orow, ei_h.at[1, pl.ds(base * _K, _RPW * _K)])
        pltpu.sync_copy(ow, ew_h.at[pl.ds(base * _K, _RPW * _K)])

    return kfn


@jax.jit
def kernel(pos, batch):
    n = pos.shape[0]
    pos = pos.astype(jnp.float32)
    batch = batch.astype(jnp.int32)

    edge_index, edge_weight = _sc_topk()(pos[:, 0], pos[:, 1], pos[:, 2], batch)
    return edge_index, edge_weight

# --- scband reference (transcript-rebuilt; emitter-appended) ---
"""Pipeline reference for scband-knninteraction-graph-4260607557911 (READ-ONLY COPY).

The authoritative reference and input builder live on the scoring server;
editing this copy changes nothing except your own understanding.
"""

import jax, jax.numpy as jnp
import numpy as np

K = 32
CUTOFF = 10.0
N_ATOMS = 4096
N_MOLS = 64

def setup_inputs(seed: int = 0) -> dict:
    key = jax.random.key(seed)
    k1, k2 = jax.random.split(key)
    pos = jax.random.normal(k1, (N_ATOMS, 3), dtype=jnp.float32)
    batch = jnp.sort(jax.random.randint(k2, (N_ATOMS,), 0, N_MOLS)).astype(jnp.int64)
    return {"pos": pos, "batch": batch}

def reference(pos, batch):
    n = pos.shape[0]
    # F.pairwise_distance(pos[:, None], pos, eps=0) -> full N x N euclidean distance matrix
    diff = pos[:, None, :] - pos[None, :, :]
    sq = jnp.sum(diff * diff, axis=-1)
    safe = jnp.where(sq > 0, sq, 1.0)
    pdist = jnp.where(sq > 0, jnp.sqrt(safe), 0.0)
    rows = jnp.arange(n)
    diag = rows[:, None] == rows[None, :]
    cross = batch[:, None] != batch[None, :]
    outer = pdist > CUTOFF
    mask = diag | cross | outer
    pdist = jnp.where(mask, CUTOFF, pdist)
    neg_w, indices = jax.lax.top_k(-pdist, K)
    rows_e = jnp.broadcast_to(rows[:, None], indices.shape)
    edge_index = jnp.vstack([indices.reshape(-1), rows_e.reshape(-1)])
    edge_weight = -neg_w.reshape(-1)
    return edge_index, edge_weight

if __name__ == "__main__":
    import jax
    _d = setup_inputs()
    print(jax.jit(kernel)(*tuple(_d.values())))

</pallas_src>

<mosaic_0001>
#map = affine_map<(d0, d1) -> (0)>
#map1 = affine_map<(d0, d1) -> (0, 0)>
module attributes {stable_mosaic.version = 14 : i64} {
  func.func @kfn(%arg0: i32, %arg1: i32, %arg2: memref<4096xf32, #tpu.memory_space<hbm>>, %arg3: memref<4096xf32, #tpu.memory_space<hbm>>, %arg4: memref<4096xf32, #tpu.memory_space<hbm>>, %arg5: memref<4096xi32, #tpu.memory_space<hbm>>, %arg6: memref<2x131072xi32, #tpu.memory_space<hbm>>, %arg7: memref<131072xf32, #tpu.memory_space<hbm>>, %arg8: memref<4112xf32, #tpu.memory_space<vmem>>, %arg9: memref<4112xf32, #tpu.memory_space<vmem>>, %arg10: memref<4112xf32, #tpu.memory_space<vmem>>, %arg11: memref<4112xi32, #tpu.memory_space<vmem>>, %arg12: memref<144xi32, #tpu.memory_space<vmem>>, %arg13: memref<144xi32, #tpu.memory_space<vmem>>, %arg14: memref<4096xf32, #tpu.memory_space<vmem>>, %arg15: memref<4096xi32, #tpu.memory_space<vmem>>, %arg16: memref<4096xi32, #tpu.memory_space<vmem>>, %arg17: memref<!tpu.dma_semaphore, #tpu.memory_space<semaphore_mem>>) attributes {dimension_semantics = [#tpu.dimension_semantics<core_parallel>, #tpu.dimension_semantics<subcore_parallel>], iteration_bounds = array<i64: 2, 16>, scalar_prefetch = 0 : i64, scratch_operands = 10 : i64, tpu.core_type = #tpu.core_type<sc_vector_subcore>, window_params = [{transform_indices = #map}, {transform_indices = #map}, {transform_indices = #map}, {transform_indices = #map}, {transform_indices = #map1}, {transform_indices = #map}]} {
    %mul3A = arith.constant 16 : i32
    %mul3A_0 = arith.muli %arg0, %mul3A : i32
    %add3A = arith.addi %mul3A_0, %arg1 : i32
    %mul3A_1 = arith.constant 128 : i32
    %mul3A_2 = arith.muli %add3A, %mul3A_1 : i32
    %dma_start3A = arith.constant 0 : i32
    %dma_start3A_3 = tpu.memref_slice %arg8[%dma_start3A] : memref<4112xf32, #tpu.memory_space<vmem>> -> memref<4096xf32, #tpu.memory_space<vmem>>
    %dma_start3A_4 = arith.constant 0 : i32
    %dma_start3A_5 = tpu.memref_slice %arg8[%dma_start3A_4] : memref<4112xf32, #tpu.memory_space<vmem>> -> memref<4096xf32, #tpu.memory_space<vmem>>
    tpu.enqueue_dma source(%arg2 : memref<4096xf32, #tpu.memory_space<hbm>>) target(%dma_start3A_5 : memref<4096xf32, #tpu.memory_space<vmem>>) target_semaphore(%arg17 : memref<!tpu.dma_semaphore, #tpu.memory_space<semaphore_mem>>)
    %dma_start3A_6 = arith.constant 0 : i32
    %dma_start3A_7 = tpu.memref_slice %arg9[%dma_start3A_6] : memref<4112xf32, #tpu.memory_space<vmem>> -> memref<4096xf32, #tpu.memory_space<vmem>>
    %dma_start3A_8 = arith.constant 0 : i32
    %dma_start3A_9 = tpu.memref_slice %arg9[%dma_start3A_8] : memref<4112xf32, #tpu.memory_space<vmem>> -> memref<4096xf32, #tpu.memory_space<vmem>>
    tpu.enqueue_dma source(%arg3 : memref<4096xf32, #tpu.memory_space<hbm>>) target(%dma_start3A_9 : memref<4096xf32, #tpu.memory_space<vmem>>) target_semaphore(%arg17 : memref<!tpu.dma_semaphore, #tpu.memory_space<semaphore_mem>>)
    %dma_start3A_10 = arith.constant 0 : i32
    %dma_start3A_11 = tpu.memref_slice %arg10[%dma_start3A_10] : memref<4112xf32, #tpu.memory_space<vmem>> -> memref<4096xf32, #tpu.memory_space<vmem>>
    %dma_start3A_12 = arith.constant 0 : i32
    %dma_start3A_13 = tpu.memref_slice %arg10[%dma_start3A_12] : memref<4112xf32, #tpu.memory_space<vmem>> -> memref<4096xf32, #tpu.memory_space<vmem>>
    tpu.enqueue_dma source(%arg4 : memref<4096xf32, #tpu.memory_space<hbm>>) target(%dma_start3A_13 : memref<4096xf32, #tpu.memory_space<vmem>>) target_semaphore(%arg17 : memref<!tpu.dma_semaphore, #tpu.memory_space<semaphore_mem>>)
    "tpu.region"() ({
      %run_scoped3A_2295 = tpu.sem_alloc : memref<!tpu.dma_semaphore, #tpu.memory_space<semaphore_mem>>
      %dma_start3A_2296 = arith.constant 0 : i32
      %dma_start3A_2297 = tpu.memref_slice %arg11[%dma_start3A_2296] : memref<4112xi32, #tpu.memory_space<vmem>> -> memref<4096xi32, #tpu.memory_space<vmem>>
      %dma_start3A_2298 = arith.constant 0 : i32
      %dma_start3A_2299 = tpu.memref_slice %arg11[%dma_start3A_2298] : memref<4112xi32, #tpu.memory_space<vmem>> -> memref<4096xi32, #tpu.memory_space<vmem>>
      tpu.enqueue_dma source(%arg5 : memref<4096xi32, #tpu.memory_space<hbm>>) target(%dma_start3A_2299 : memref<4096xi32, #tpu.memory_space<vmem>>) target_semaphore(%run_scoped3A_2295 : memref<!tpu.dma_semaphore, #tpu.memory_space<semaphore_mem>>)
      %dma_wait3A_2300 = arith.constant 0 : i32
      %dma_wait3A_2301 = tpu.memref_slice %arg11[%dma_wait3A_2300] : memref<4112xi32, #tpu.memory_space<vmem>> -> memref<4096xi32, #tpu.memory_space<vmem>>
      %dma_wait3A_2302 = arith.constant 0 : i32
      %dma_wait3A_2303 = tpu.memref_slice %arg11[%dma_wait3A_2302] : memref<4112xi32, #tpu.memory_space<vmem>> -> memref<4096xi32, #tpu.memory_space<vmem>>
      tpu.wait_dma2 semaphore(%run_scoped3A_2295 : memref<!tpu.dma_semaphore, #tpu.memory_space<semaphore_mem>>) src(%arg5 : memref<4096xi32, #tpu.memory_space<hbm>>) dst(%dma_wait3A_2303 : memref<4096xi32, #tpu.memory_space<vmem>>)
      tpu.yield
    }) : () -> ()
    %iota3A = tpu.iota {dimensions = array<i32: 0>} : vector<16xi32>
    %add3A_14 = arith.constant 0 : i32
    %add3A_15 = arith.addi %mul3A_2, %add3A_14 : i32
    %get3A = arith.index_cast %add3A_15 : i32 to index
    %get3A_16 = tpu.vector_load %arg11[%get3A] {strides = array<i32>} : memref<4112xi32, #tpu.memory_space<vmem>>, vector<16xi32>,
    %add3A_17 = arith.constant 1 : i32
    %add3A_18 = vector.broadcast %add3A_17 : i32 to vector<16xi32>
    %add3A_19 = arith.addi %get3A_16, %add3A_18 : vector<16xi32>
    %broadcast_in_dim3A = arith.constant 0 : i32
    %broadcast_in_dim3A_20 = vector.broadcast %broadcast_in_dim3A : i32 to vector<16xi32>
    %broadcast_in_dim3A_21 = arith.constant 4096 : i32
    %broadcast_in_dim3A_22 = vector.broadcast %broadcast_in_dim3A_21 : i32 to vector<16xi32>
    %broadcast_in_dim3A_23 = arith.constant 0 : i32
    %broadcast_in_dim3A_24 = vector.broadcast %broadcast_in_dim3A_23 : i32 to vector<16xi32>
    %broadcast_in_dim3A_25 = arith.constant 4096 : i32
    %broadcast_in_dim3A_26 = vector.broadcast %broadcast_in_dim3A_25 : i32 to vector<16xi32>
    %add3A_27 = arith.addi %broadcast_in_dim3A_20, %broadcast_in_dim3A_22 : vector<16xi32>
    %shift_right_arithmetic3A = arith.constant 1 : i32
    %shift_right_arithmetic3A_28 = vector.broadcast %shift_right_arithmetic3A : i32 to vector<16xi32>
    %shift_right_arithmetic3A_29 = arith.shrsi %add3A_27, %shift_right_arithmetic3A_28 : vector<16xi32>
    %add3A_30 = arith.addi %broadcast_in_dim3A_24, %broadcast_in_dim3A_26 : vector<16xi32>
    %shift_right_arithmetic3A_31 = arith.constant 1 : i32
    %shift_right_arithmetic3A_32 = vector.broadcast %shift_right_arithmetic3A_31 : i32 to vector<16xi32>
    %shift_right_arithmetic3A_33 = arith.shrsi %add3A_30, %shift_right_arithmetic3A_32 : vector<16xi32>
    %gather3A = tpu.vector_load_idx %arg11[%shift_right_arithmetic3A_29] : memref<4112xi32, #tpu.memory_space<vmem>>[vector<16xi32>], vector<16xi32>,
    %gather3A_34 = tpu.vector_load_idx %arg11[%shift_right_arithmetic3A_33] : memref<4112xi32, #tpu.memory_space<vmem>>[vector<16xi32>], vector<16xi32>,
    %lt3A = arith.cmpi slt, %gather3A, %get3A_16 : vector<16xi32>
    %lt3A_35 = arith.cmpi slt, %gather3A_34, %add3A_19 : vector<16xi32>
    %add3A_36 = arith.constant 1 : i32
    %add3A_37 = vector.broadcast %add3A_36 : i32 to vector<16xi32>
    %add3A_38 = arith.addi %shift_right_arithmetic3A_29, %add3A_37 : vector<16xi32>
    %select_n3A = arith.select %lt3A, %add3A_38, %broadcast_in_dim3A_20 : vector<16xi1>, vector<16xi32>
    %select_n3A_39 = arith.select %lt3A, %broadcast_in_dim3A_22, %shift_right_arithmetic3A_29 : vector<16xi1>, vector<16xi32>
    %add3A_40 = arith.constant 1 : i32
    %add3A_41 = vector.broadcast %add3A_40 : i32 to vector<16xi32>
    %add3A_42 = arith.addi %shift_right_arithmetic3A_33, %add3A_41 : vector<16xi32>
    %select_n3A_43 = arith.select %lt3A_35, %add3A_42, %broadcast_in_dim3A_24 : vector<16xi1>, vector<16xi32>
    %select_n3A_44 = arith.select %lt3A_35, %broadcast_in_dim3A_26, %shift_right_arithmetic3A_33 : vector<16xi1>, vector<16xi32>
    %add3A_45 = arith.addi %select_n3A, %select_n3A_39 : vector<16xi32>
    %shift_right_arithmetic3A_46 = arith.constant 1 : i32
    %shift_right_arithmetic3A_47 = vector.broadcast %shift_right_arithmetic3A_46 : i32 to vector<16xi32>
    %shift_right_arithmetic3A_48 = arith.shrsi %add3A_45, %shift_right_arithmetic3A_47 : vector<16xi32>
    %add3A_49 = arith.addi %select_n3A_43, %select_n3A_44 : vector<16xi32>
    %shift_right_arithmetic3A_50 = arith.constant 1 : i32
    %shift_right_arithmetic3A_51 = vector.broadcast %shift_right_arithmetic3A_50 : i32 to vector<16xi32>
    %shift_right_arithmetic3A_52 = arith.shrsi %add3A_49, %shift_right_arithmetic3A_51 : vector<16xi32>
    %gather3A_53 = tpu.vector_load_idx %arg11[%shift_right_arithmetic3A_48] : memref<4112xi32, #tpu.memory_space<vmem>>[vector<16xi32>], vector<16xi32>,
    %gather3A_54 = tpu.vector_load_idx %arg11[%shift_right_arithmetic3A_52] : memref<4112xi32, #tpu.memory_space<vmem>>[vector<16xi32>], vector<16xi32>,
    %lt3A_55 = arith.cmpi slt, %gather3A_53, %get3A_16 : vector<16xi32>
    %lt3A_56 = arith.cmpi slt, %gather3A_54, %add3A_19 : vector<16xi32>
    %add3A_57 = arith.constant 1 : i32
    %add3A_58 = vector.broadcast %add3A_57 : i32 to vector<16xi32>
    %add3A_59 = arith.addi %shift_right_arithmetic3A_48, %add3A_58 : vector<16xi32>
    %select_n3A_60 = arith.select %lt3A_55, %add3A_59, %select_n3A : vector<16xi1>, vector<16xi32>
    %select_n3A_61 = arith.select %lt3A_55, %select_n3A_39, %shift_right_arithmetic3A_48 : vector<16xi1>, vector<16xi32>
    %add3A_62 = arith.constant 1 : i32
    %add3A_63 = vector.broadcast %add3A_62 : i32 to vector<16xi32>
    %add3A_64 = arith.addi %shift_right_arithmetic3A_52, %add3A_63 : vector<16xi32>
    %select_n3A_65 = arith.select %lt3A_56, %add3A_64, %select_n3A_43 : vector<16xi1>, vector<16xi32>
    %select_n3A_66 = arith.select %lt3A_56, %select_n3A_44, %shift_right_arithmetic3A_52 : vector<16xi1>, vector<16xi32>
    %add3A_67 = arith.addi %select_n3A_60, %select_n3A_61 : vector<16xi32>
    %shift_right_arithmetic3A_68 = arith.constant 1 : i32
    %shift_right_arithmetic3A_69 = vector.broadcast %shift_right_arithmetic3A_68 : i32 to vector<16xi32>
    %shift_right_arithmetic3A_70 = arith.shrsi %add3A_67, %shift_right_arithmetic3A_69 : vector<16xi32>
    %add3A_71 = arith.addi %select_n3A_65, %select_n3A_66 : vector<16xi32>
    %shift_right_arithmetic3A_72 = arith.constant 1 : i32
    %shift_right_arithmetic3A_73 = vector.broadcast %shift_right_arithmetic3A_72 : i32 to vector<16xi32>
    %shift_right_arithmetic3A_74 = arith.shrsi %add3A_71, %shift_right_arithmetic3A_73 : vector<16xi32>
    %gather3A_75 = tpu.vector_load_idx %arg11[%shift_right_arithmetic3A_70] : memref<4112xi32, #tpu.memory_space<vmem>>[vector<16xi32>], vector<16xi32>,
    %gather3A_76 = tpu.vector_load_idx %arg11[%shift_right_arithmetic3A_74] : memref<4112xi32, #tpu.memory_space<vmem>>[vector<16xi32>], vector<16xi32>,
    %lt3A_77 = arith.cmpi slt, %gather3A_75, %get3A_16 : vector<16xi32>
    %lt3A_78 = arith.cmpi slt, %gather3A_76, %add3A_19 : vector<16xi32>
    %add3A_79 = arith.constant 1 : i32
    %add3A_80 = vector.broadcast %add3A_79 : i32 to vector<16xi32>
    %add3A_81 = arith.addi %shift_right_arithmetic3A_70, %add3A_80 : vector<16xi32>
    %select_n3A_82 = arith.select %lt3A_77, %add3A_81, %select_n3A_60 : vector<16xi1>, vector<16xi32>
    %select_n3A_83 = arith.select %lt3A_77, %select_n3A_61, %shift_right_arithmetic3A_70 : vector<16xi1>, vector<16xi32>
    %add3A_84 = arith.constant 1 : i32
    %add3A_85 = vector.broadcast %add3A_84 : i32 to vector<16xi32>
    %add3A_86 = arith.addi %shift_right_arithmetic3A_74, %add3A_85 : vector<16xi32>
    %select_n3A_87 = arith.select %lt3A_78, %add3A_86, %select_n3A_65 : vector<16xi1>, vector<16xi32>
    %select_n3A_88 = arith.select %lt3A_78, %select_n3A_66, %shift_right_arithmetic3A_74 : vector<16xi1>, vector<16xi32>
    %add3A_89 = arith.addi %select_n3A_82, %select_n3A_83 : vector<16xi32>
    %shift_right_arithmetic3A_90 = arith.constant 1 : i32
    %shift_right_arithmetic3A_91 = vector.broadcast %shift_right_arithmetic3A_90 : i32 to vector<16xi32>
    %shift_right_arithmetic3A_92 = arith.shrsi %add3A_89, %shift_right_arithmetic3A_91 : vector<16xi32>
    %add3A_93 = arith.addi %select_n3A_87, %select_n3A_88 : vector<16xi32>
    %shift_right_arithmetic3A_94 = arith.constant 1 : i32
    %shift_right_arithmetic3A_95 = vector.broadcast %shift_right_arithmetic3A_94 : i32 to vector<16xi32>
    %shift_right_arithmetic3A_96 = arith.shrsi %add3A_93, %shift_right_arithmetic3A_95 : vector<16xi32>
    %gather3A_97 = tpu.vector_load_idx %arg11[%shift_right_arithmetic3A_92] : memref<4112xi32, #tpu.memory_space<vmem>>[vector<16xi32>], vector<16xi32>,
    %gather3A_98 = tpu.vector_load_idx %arg11[%shift_right_arithmetic3A_96] : memref<4112xi32, #tpu.memory_space<vmem>>[vector<16xi32>], vector<16xi32>,
    %lt3A_99 = arith.cmpi slt, %gather3A_97, %get3A_16 : vector<16xi32>
    %lt3A_100 = arith.cmpi slt, %gather3A_98, %add3A_19 : vector<16xi32>
    %add3A_101 = arith.constant 1 : i32
    %add3A_102 = vector.broadcast %add3A_101 : i32 to vector<16xi32>
    %add3A_103 = arith.addi %shift_right_arithmetic3A_92, %add3A_102 : vector<16xi32>
    %select_n3A_104 = arith.select %lt3A_99, %add3A_103, %select_n3A_82 : vector<16xi1>, vector<16xi32>
    %select_n3A_105 = arith.select %lt3A_99, %select_n3A_83, %shift_right_arithmetic3A_92 : vector<16xi1>, vector<16xi32>
    %add3A_106 = arith.constant 1 : i32
    %add3A_107 = vector.broadcast %add3A_106 : i32 to vector<16xi32>
    %add3A_108 = arith.addi %shift_right_arithmetic3A_96, %add3A_107 : vector<16xi32>
    %select_n3A_109 = arith.select %lt3A_100, %add3A_108, %select_n3A_87 : vector<16xi1>, vector<16xi32>
    %select_n3A_110 = arith.select %lt3A_100, %select_n3A_88, %shift_right_arithmetic3A_96 : vector<16xi1>, vector<16xi32>
    %add3A_111 = arith.addi %select_n3A_104, %select_n3A_105 : vector<16xi32>
    %shift_right_arithmetic3A_112 = arith.constant 1 : i32
    %shift_right_arithmetic3A_113 = vector.broadcast %shift_right_arithmetic3A_112 : i32 to vector<16xi32>
    %shift_right_arithmetic3A_114 = arith.shrsi %add3A_111, %shift_right_arithmetic3A_113 : vector<16xi32>
    %add3A_115 = arith.addi %select_n3A_109, %select_n3A_110 : vector<16xi32>
    %shift_right_arithmetic3A_116 = arith.constant 1 : i32
    %shift_right_arithmetic3A_117 = vector.broadcast %shift_right_arithmetic3A_116 : i32 to vector<16xi32>
    %shift_right_arithmetic3A_118 = arith.shrsi %add3A_115, %shift_right_arithmetic3A_117 : vector<16xi32>
    %gather3A_119 = tpu.vector_load_idx %arg11[%shift_right_arithmetic3A_114] : memref<4112xi32, #tpu.memory_space<vmem>>[vector<16xi32>], vector<16xi32>,
    %gather3A_120 = tpu.vector_load_idx %arg11[%shift_right_arithmetic3A_118] : memref<4112xi32, #tpu.memory_space<vmem>>[vector<16xi32>], vector<16xi32>,
    %lt3A_121 = arith.cmpi slt, %gather3A_119, %get3A_16 : vector<16xi32>
    %lt3A_122 = arith.cmpi slt, %gather3A_120, %add3A_19 : vector<16xi32>
    %add3A_123 = arith.constant 1 : i32
    %add3A_124 = vector.broadcast %add3A_123 : i32 to vector<16xi32>
    %add3A_125 = arith.addi %shift_right_arithmetic3A_114, %add3A_124 : vector<16xi32>
    %select_n3A_126 = arith.select %lt3A_121, %add3A_125, %select_n3A_104 : vector<16xi1>, vector<16xi32>
    %select_n3A_127 = arith.select %lt3A_121, %select_n3A_105, %shift_right_arithmetic3A_114 : vector<16xi1>, vector<16xi32>
    %add3A_128 = arith.constant 1 : i32
    %add3A_129 = vector.broadcast %add3A_128 : i32 to vector<16xi32>
    %add3A_130 = arith.addi %shift_right_arithmetic3A_118, %add3A_129 : vector<16xi32>
    %select_n3A_131 = arith.select %lt3A_122, %add3A_130, %select_n3A_109 : vector<16xi1>, vector<16xi32>
    %select_n3A_132 = arith.select %lt3A_122, %select_n3A_110, %shift_right_arithmetic3A_118 : vector<16xi1>, vector<16xi32>
    %add3A_133 = arith.addi %select_n3A_126, %select_n3A_127 : vector<16xi32>
    %shift_right_arithmetic3A_134 = arith.constant 1 : i32
    %shift_right_arithmetic3A_135 = vector.broadcast %shift_right_arithmetic3A_134 : i32 to vector<16xi32>
    %shift_right_arithmetic3A_136 = arith.shrsi %add3A_133, %shift_right_arithmetic3A_135 : vector<16xi32>
    %add3A_137 = arith.addi %select_n3A_131, %select_n3A_132 : vector<16xi32>
    %shift_right_arithmetic3A_138 = arith.constant 1 : i32
    %shift_right_arithmetic3A_139 = vector.broadcast %shift_right_arithmetic3A_138 : i32 to vector<16xi32>
    %shift_right_arithmetic3A_140 = arith.shrsi %add3A_137, %shift_right_arithmetic3A_139 : vector<16xi32>
    %gather3A_141 = tpu.vector_load_idx %arg11[%shift_right_arithmetic3A_136] : memref<4112xi32, #tpu.memory_space<vmem>>[vector<16xi32>], vector<16xi32>,
    %gather3A_142 = tpu.vector_load_idx %arg11[%shift_right_arithmetic3A_140] : memref<4112xi32, #tpu.memory_space<vmem>>[vector<16xi32>], vector<16xi32>,
    %lt3A_143 = arith.cmpi slt, %gather3A_141, %get3A_16 : vector<16xi32>
    %lt3A_144 = arith.cmpi slt, %gather3A_142, %add3A_19 : vector<16xi32>
    %add3A_145 = arith.constant 1 : i32
    %add3A_146 = vector.broadcast %add3A_145 : i32 to vector<16xi32>
    %add3A_147 = arith.addi %shift_right_arithmetic3A_136, %add3A_146 : vector<16xi32>
    %select_n3A_148 = arith.select %lt3A_143, %add3A_147, %select_n3A_126 : vector<16xi1>, vector<16xi32>
    %select_n3A_149 = arith.select %lt3A_143, %select_n3A_127, %shift_right_arithmetic3A_136 : vector<16xi1>, vector<16xi32>
    %add3A_150 = arith.constant 1 : i32
    %add3A_151 = vector.broadcast %add3A_150 : i32 to vector<16xi32>
    %add3A_152 = arith.addi %shift_right_arithmetic3A_140, %add3A_151 : vector<16xi32>
    %select_n3A_153 = arith.select %lt3A_144, %add3A_152, %select_n3A_131 : vector<16xi1>, vector<16xi32>
    %select_n3A_154 = arith.select %lt3A_144, %select_n3A_132, %shift_right_arithmetic3A_140 : vector<16xi1>, vector<16xi32>
    %add3A_155 = arith.addi %select_n3A_148, %select_n3A_149 : vector<16xi32>
    %shift_right_arithmetic3A_156 = arith.constant 1 : i32
    %shift_right_arithmetic3A_157 = vector.broadcast %shift_right_arithmetic3A_156 : i32 to vector<16xi32>
    %shift_right_arithmetic3A_158 = arith.shrsi %add3A_155, %shift_right_arithmetic3A_157 : vector<16xi32>
    %add3A_159 = arith.addi %select_n3A_153, %select_n3A_154 : vector<16xi32>
    %shift_right_arithmetic3A_160 = arith.constant 1 : i32
    %shift_right_arithmetic3A_161 = vector.broadcast %shift_right_arithmetic3A_160 : i32 to vector<16xi32>
    %shift_right_arithmetic3A_162 = arith.shrsi %add3A_159, %shift_right_arithmetic3A_161 : vector<16xi32>
    %gather3A_163 = tpu.vector_load_idx %arg11[%shift_right_arithmetic3A_158] : memref<4112xi32, #tpu.memory_space<vmem>>[vector<16xi32>], vector<16xi32>,
    %gather3A_164 = tpu.vector_load_idx %arg11[%shift_right_arithmetic3A_162] : memref<4112xi32, #tpu.memory_space<vmem>>[vector<16xi32>], vector<16xi32>,
    %lt3A_165 = arith.cmpi slt, %gather3A_163, %get3A_16 : vector<16xi32>
    %lt3A_166 = arith.cmpi slt, %gather3A_164, %add3A_19 : vector<16xi32>
    %add3A_167 = arith.constant 1 : i32
    %add3A_168 = vector.broadcast %add3A_167 : i32 to vector<16xi32>
    %add3A_169 = arith.addi %shift_right_arithmetic3A_158, %add3A_168 : vector<16xi32>
    %select_n3A_170 = arith.select %lt3A_165, %add3A_169, %select_n3A_148 : vector<16xi1>, vector<16xi32>
    %select_n3A_171 = arith.select %lt3A_165, %select_n3A_149, %shift_right_arithmetic3A_158 : vector<16xi1>, vector<16xi32>
    %add3A_172 = arith.constant 1 : i32
    %add3A_173 = vector.broadcast %add3A_172 : i32 to vector<16xi32>
    %add3A_174 = arith.addi %shift_right_arithmetic3A_162, %add3A_173 : vector<16xi32>
    %select_n3A_175 = arith.select %lt3A_166, %add3A_174, %select_n3A_153 : vector<16xi1>, vector<16xi32>
    %select_n3A_176 = arith.select %lt3A_166, %select_n3A_154, %shift_right_arithmetic3A_162 : vector<16xi1>, vector<16xi32>
    %add3A_177 = arith.addi %select_n3A_170, %select_n3A_171 : vector<16xi32>
    %shift_right_arithmetic3A_178 = arith.constant 1 : i32
    %shift_right_arithmetic3A_179 = vector.broadcast %shift_right_arithmetic3A_178 : i32 to vector<16xi32>
    %shift_right_arithmetic3A_180 = arith.shrsi %add3A_177, %shift_right_arithmetic3A_179 : vector<16xi32>
    %add3A_181 = arith.addi %select_n3A_175, %select_n3A_176 : vector<16xi32>
    %shift_right_arithmetic3A_182 = arith.constant 1 : i32
    %shift_right_arithmetic3A_183 = vector.broadcast %shift_right_arithmetic3A_182 : i32 to vector<16xi32>
    %shift_right_arithmetic3A_184 = arith.shrsi %add3A_181, %shift_right_arithmetic3A_183 : vector<16xi32>
    %gather3A_185 = tpu.vector_load_idx %arg11[%shift_right_arithmetic3A_180] : memref<4112xi32, #tpu.memory_space<vmem>>[vector<16xi32>], vector<16xi32>,
    %gather3A_186 = tpu.vector_load_idx %arg11[%shift_right_arithmetic3A_184] : memref<4112xi32, #tpu.memory_space<vmem>>[vector<16xi32>], vector<16xi32>,
    %lt3A_187 = arith.cmpi slt, %gather3A_185, %get3A_16 : vector<16xi32>
    %lt3A_188 = arith.cmpi slt, %gather3A_186, %add3A_19 : vector<16xi32>
    %add3A_189 = arith.constant 1 : i32
    %add3A_190 = vector.broadcast %add3A_189 : i32 to vector<16xi32>
    %add3A_191 = arith.addi %shift_right_arithmetic3A_180, %add3A_190 : vector<16xi32>
    %select_n3A_192 = arith.select %lt3A_187, %add3A_191, %select_n3A_170 : vector<16xi1>, vector<16xi32>
    %select_n3A_193 = arith.select %lt3A_187, %select_n3A_171, %shift_right_arithmetic3A_180 : vector<16xi1>, vector<16xi32>
    %add3A_194 = arith.constant 1 : i32
    %add3A_195 = vector.broadcast %add3A_194 : i32 to vector<16xi32>
    %add3A_196 = arith.addi %shift_right_arithmetic3A_184, %add3A_195 : vector<16xi32>
    %select_n3A_197 = arith.select %lt3A_188, %add3A_196, %select_n3A_175 : vector<16xi1>, vector<16xi32>
    %select_n3A_198 = arith.select %lt3A_188, %select_n3A_176, %shift_right_arithmetic3A_184 : vector<16xi1>, vector<16xi32>
    %add3A_199 = arith.addi %select_n3A_192, %select_n3A_193 : vector<16xi32>
    %shift_right_arithmetic3A_200 = arith.constant 1 : i32
    %shift_right_arithmetic3A_201 = vector.broadcast %shift_right_arithmetic3A_200 : i32 to vector<16xi32>
    %shift_right_arithmetic3A_202 = arith.shrsi %add3A_199, %shift_right_arithmetic3A_201 : vector<16xi32>
    %add3A_203 = arith.addi %select_n3A_197, %select_n3A_198 : vector<16xi32>
    %shift_right_arithmetic3A_204 = arith.constant 1 : i32
    %shift_right_arithmetic3A_205 = vector.broadcast %shift_right_arithmetic3A_204 : i32 to vector<16xi32>
    %shift_right_arithmetic3A_206 = arith.shrsi %add3A_203, %shift_right_arithmetic3A_205 : vector<16xi32>
    %gather3A_207 = tpu.vector_load_idx %arg11[%shift_right_arithmetic3A_202] : memref<4112xi32, #tpu.memory_space<vmem>>[vector<16xi32>], vector<16xi32>,
    %gather3A_208 = tpu.vector_load_idx %arg11[%shift_right_arithmetic3A_206] : memref<4112xi32, #tpu.memory_space<vmem>>[vector<16xi32>], vector<16xi32>,
    %lt3A_209 = arith.cmpi slt, %gather3A_207, %get3A_16 : vector<16xi32>
    %lt3A_210 = arith.cmpi slt, %gather3A_208, %add3A_19 : vector<16xi32>
    %add3A_211 = arith.constant 1 : i32
    %add3A_212 = vector.broadcast %add3A_211 : i32 to vector<16xi32>
    %add3A_213 = arith.addi %shift_right_arithmetic3A_202, %add3A_212 : vector<16xi32>
    %select_n3A_214 = arith.select %lt3A_209, %add3A_213, %select_n3A_192 : vector<16xi1>, vector<16xi32>
    %select_n3A_215 = arith.select %lt3A_209, %select_n3A_193, %shift_right_arithmetic3A_202 : vector<16xi1>, vector<16xi32>
    %add3A_216 = arith.constant 1 : i32
    %add3A_217 = vector.broadcast %add3A_216 : i32 to vector<16xi32>
    %add3A_218 = arith.addi %shift_right_arithmetic3A_206, %add3A_217 : vector<16xi32>
    %select_n3A_219 = arith.select %lt3A_210, %add3A_218, %select_n3A_197 : vector<16xi1>, vector<16xi32>
    %select_n3A_220 = arith.select %lt3A_210, %select_n3A_198, %shift_right_arithmetic3A_206 : vector<16xi1>, vector<16xi32>
    %add3A_221 = arith.addi %select_n3A_214, %select_n3A_215 : vector<16xi32>
    %shift_right_arithmetic3A_222 = arith.constant 1 : i32
    %shift_right_arithmetic3A_223 = vector.broadcast %shift_right_arithmetic3A_222 : i32 to vector<16xi32>
    %shift_right_arithmetic3A_224 = arith.shrsi %add3A_221, %shift_right_arithmetic3A_223 : vector<16xi32>
    %add3A_225 = arith.addi %select_n3A_219, %select_n3A_220 : vector<16xi32>
    %shift_right_arithmetic3A_226 = arith.constant 1 : i32
    %shift_right_arithmetic3A_227 = vector.broadcast %shift_right_arithmetic3A_226 : i32 to vector<16xi32>
    %shift_right_arithmetic3A_228 = arith.shrsi %add3A_225, %shift_right_arithmetic3A_227 : vector<16xi32>
    %gather3A_229 = tpu.vector_load_idx %arg11[%shift_right_arithmetic3A_224] : memref<4112xi32, #tpu.memory_space<vmem>>[vector<16xi32>], vector<16xi32>,
    %gather3A_230 = tpu.vector_load_idx %arg11[%shift_right_arithmetic3A_228] : memref<4112xi32, #tpu.memory_space<vmem>>[vector<16xi32>], vector<16xi32>,
    %lt3A_231 = arith.cmpi slt, %gather3A_229, %get3A_16 : vector<16xi32>
    %lt3A_232 = arith.cmpi slt, %gather3A_230, %add3A_19 : vector<16xi32>
    %add3A_233 = arith.constant 1 : i32
    %add3A_234 = vector.broadcast %add3A_233 : i32 to vector<16xi32>
    %add3A_235 = arith.addi %shift_right_arithmetic3A_224, %add3A_234 : vector<16xi32>
    %select_n3A_236 = arith.select %lt3A_231, %add3A_235, %select_n3A_214 : vector<16xi1>, vector<16xi32>
    %select_n3A_237 = arith.select %lt3A_231, %select_n3A_215, %shift_right_arithmetic3A_224 : vector<16xi1>, vector<16xi32>
    %add3A_238 = arith.constant 1 : i32
    %add3A_239 = vector.broadcast %add3A_238 : i32 to vector<16xi32>
    %add3A_240 = arith.addi %shift_right_arithmetic3A_228, %add3A_239 : vector<16xi32>
    %select_n3A_241 = arith.select %lt3A_232, %add3A_240, %select_n3A_219 : vector<16xi1>, vector<16xi32>
    %select_n3A_242 = arith.select %lt3A_232, %select_n3A_220, %shift_right_arithmetic3A_228 : vector<16xi1>, vector<16xi32>
    %add3A_243 = arith.addi %select_n3A_236, %select_n3A_237 : vector<16xi32>
    %shift_right_arithmetic3A_244 = arith.constant 1 : i32
    %shift_right_arithmetic3A_245 = vector.broadcast %shift_right_arithmetic3A_244 : i32 to vector<16xi32>
    %shift_right_arithmetic3A_246 = arith.shrsi %add3A_243, %shift_right_arithmetic3A_245 : vector<16xi32>
    %add3A_247 = arith.addi %select_n3A_241, %select_n3A_242 : vector<16xi32>
    %shift_right_arithmetic3A_248 = arith.constant 1 : i32
    %shift_right_arithmetic3A_249 = vector.broadcast %shift_right_arithmetic3A_248 : i32 to vector<16xi32>
    %shift_right_arithmetic3A_250 = arith.shrsi %add3A_247, %shift_right_arithmetic3A_249 : vector<16xi32>
    %gather3A_251 = tpu.vector_load_idx %arg11[%shift_right_arithmetic3A_246] : memref<4112xi32, #tpu.memory_space<vmem>>[vector<16xi32>], vector<16xi32>,
    %gather3A_252 = tpu.vector_load_idx %arg11[%shift_right_arithmetic3A_250] : memref<4112xi32, #tpu.memory_space<vmem>>[vector<16xi32>], vector<16xi32>,
    %lt3A_253 = arith.cmpi slt, %gather3A_251, %get3A_16 : vector<16xi32>
    %lt3A_254 = arith.cmpi slt, %gather3A_252, %add3A_19 : vector<16xi32>
    %add3A_255 = arith.constant 1 : i32
    %add3A_256 = vector.broadcast %add3A_255 : i32 to vector<16xi32>
    %add3A_257 = arith.addi %shift_right_arithmetic3A_246, %add3A_256 : vector<16xi32>
    %select_n3A_258 = arith.select %lt3A_253, %add3A_257, %select_n3A_236 : vector<16xi1>, vector<16xi32>
    %select_n3A_259 = arith.select %lt3A_253, %select_n3A_237, %shift_right_arithmetic3A_246 : vector<16xi1>, vector<16xi32>
    %add3A_260 = arith.constant 1 : i32
    %add3A_261 = vector.broadcast %add3A_260 : i32 to vector<16xi32>
    %add3A_262 = arith.addi %shift_right_arithmetic3A_250, %add3A_261 : vector<16xi32>
    %select_n3A_263 = arith.select %lt3A_254, %add3A_262, %select_n3A_241 : vector<16xi1>, vector<16xi32>
    %select_n3A_264 = arith.select %lt3A_254, %select_n3A_242, %shift_right_arithmetic3A_250 : vector<16xi1>, vector<16xi32>
    %add3A_265 = arith.addi %select_n3A_258, %select_n3A_259 : vector<16xi32>
    %shift_right_arithmetic3A_266 = arith.constant 1 : i32
    %shift_right_arithmetic3A_267 = vector.broadcast %shift_right_arithmetic3A_266 : i32 to vector<16xi32>
    %shift_right_arithmetic3A_268 = arith.shrsi %add3A_265, %shift_right_arithmetic3A_267 : vector<16xi32>
    %add3A_269 = arith.addi %select_n3A_263, %select_n3A_264 : vector<16xi32>
    %shift_right_arithmetic3A_270 = arith.constant 1 : i32
    %shift_right_arithmetic3A_271 = vector.broadcast %shift_right_arithmetic3A_270 : i32 to vector<16xi32>
    %shift_right_arithmetic3A_272 = arith.shrsi %add3A_269, %shift_right_arithmetic3A_271 : vector<16xi32>
    %gather3A_273 = tpu.vector_load_idx %arg11[%shift_right_arithmetic3A_268] : memref<4112xi32, #tpu.memory_space<vmem>>[vector<16xi32>], vector<16xi32>,
    %gather3A_274 = tpu.vector_load_idx %arg11[%shift_right_arithmetic3A_272] : memref<4112xi32, #tpu.memory_space<vmem>>[vector<16xi32>], vector<16xi32>,
    %lt3A_275 = arith.cmpi slt, %gather3A_273, %get3A_16 : vector<16xi32>
    %lt3A_276 = arith.cmpi slt, %gather3A_274, %add3A_19 : vector<16xi32>
    %add3A_277 = arith.constant 1 : i32
    %add3A_278 = vector.broadcast %add3A_277 : i32 to vector<16xi32>
    %add3A_279 = arith.addi %shift_right_arithmetic3A_268, %add3A_278 : vector<16xi32>
    %select_n3A_280 = arith.select %lt3A_275, %add3A_279, %select_n3A_258 : vector<16xi1>, vector<16xi32>
    %select_n3A_281 = arith.select %lt3A_275, %select_n3A_259, %shift_right_arithmetic3A_268 : vector<16xi1>, vector<16xi32>
    %add3A_282 = arith.constant 1 : i32
    %add3A_283 = vector.broadcast %add3A_282 : i32 to vector<16xi32>
    %add3A_284 = arith.addi %shift_right_arithmetic3A_272, %add3A_283 : vector<16xi32>
    %select_n3A_285 = arith.select %lt3A_276, %add3A_284, %select_n3A_263 : vector<16xi1>, vector<16xi32>
    %select_n3A_286 = arith.select %lt3A_276, %select_n3A_264, %shift_right_arithmetic3A_272 : vector<16xi1>, vector<16xi32>
    %swap3A = arith.constant 0 : index
    %swap3A_287 = tpu.vector_load %arg12[%swap3A] {strides = array<i32>} : memref<144xi32, #tpu.memory_space<vmem>>, vector<16xi32>,
    tpu.vector_store %arg12[%swap3A], %select_n3A_280 {strides = array<i32>} : memref<144xi32, #tpu.memory_space<vmem>>, vector<16xi32>,
    %swap3A_288 = arith.constant 0 : index
    %swap3A_289 = tpu.vector_load %arg13[%swap3A_288] {strides = array<i32>} : memref<144xi32, #tpu.memory_space<vmem>>, vector<16xi32>,
    tpu.vector_store %arg13[%swap3A_288], %select_n3A_285 {strides = array<i32>} : memref<144xi32, #tpu.memory_space<vmem>>, vector<16xi32>,
    %add3A_290 = arith.constant 16 : i32
    %add3A_291 = arith.addi %mul3A_2, %add3A_290 : i32
    %get3A_292 = arith.index_cast %add3A_291 : i32 to index
    %get3A_293 = tpu.vector_load %arg11[%get3A_292] {strides = array<i32>} : memref<4112xi32, #tpu.memory_space<vmem>>, vector<16xi32>,
    %add3A_294 = arith.constant 1 : i32
    %add3A_295 = vector.broadcast %add3A_294 : i32 to vector<16xi32>
    %add3A_296 = arith.addi %get3A_293, %add3A_295 : vector<16xi32>
    %broadcast_in_dim3A_297 = arith.constant 0 : i32
    %broadcast_in_dim3A_298 = vector.broadcast %broadcast_in_dim3A_297 : i32 to vector<16xi32>
    %broadcast_in_dim3A_299 = arith.constant 4096 : i32
    %broadcast_in_dim3A_300 = vector.broadcast %broadcast_in_dim3A_299 : i32 to vector<16xi32>
    %broadcast_in_dim3A_301 = arith.constant 0 : i32
    %broadcast_in_dim3A_302 = vector.broadcast %broadcast_in_dim3A_301 : i32 to vector<16xi32>
    %broadcast_in_dim3A_303 = arith.constant 4096 : i32
    %broadcast_in_dim3A_304 = vector.broadcast %broadcast_in_dim3A_303 : i32 to vector<16xi32>
    %add3A_305 = arith.addi %broadcast_in_dim3A_298, %broadcast_in_dim3A_300 : vector<16xi32>
    %shift_right_arithmetic3A_306 = arith.constant 1 : i32
    %shift_right_arithmetic3A_307 = vector.broadcast %shift_right_arithmetic3A_306 : i32 to vector<16xi32>
    %shift_right_arithmetic3A_308 = arith.shrsi %add3A_305, %shift_right_arithmetic3A_307 : vector<16xi32>
    %add3A_309 = arith.addi %broadcast_in_dim3A_302, %broadcast_in_dim3A_304 : vector<16xi32>
    %shift_right_arithmetic3A_310 = arith.constant 1 : i32
    %shift_right_arithmetic3A_311 = vector.broadcast %shift_right_arithmetic3A_310 : i32 to vector<16xi32>
    %shift_right_arithmetic3A_312 = arith.shrsi %add3A_309, %shift_right_arithmetic3A_311 : vector<16xi32>
    %gather3A_313 = tpu.vector_load_idx %arg11[%shift_right_arithmetic3A_308] : memref<4112xi32, #tpu.memory_space<vmem>>[vector<16xi32>], vector<16xi32>,
    %gather3A_314 = tpu.vector_load_idx %arg11[%shift_right_arithmetic3A_312] : memref<4112xi32, #tpu.memory_space<vmem>>[vector<16xi32>], vector<16xi32>,
    %lt3A_315 = arith.cmpi slt, %gather3A_313, %get3A_293 : vector<16xi32>
    %lt3A_316 = arith.cmpi slt, %gather3A_314, %add3A_296 : vector<16xi32>
    %add3A_317 = arith.constant 1 : i32
    %add3A_318 = vector.broadcast %add3A_317 : i32 to vector<16xi32>
    %add3A_319 = arith.addi %shift_right_arithmetic3A_308, %add3A_318 : vector<16xi32>
    %select_n3A_320 = arith.select %lt3A_315, %add3A_319, %broadcast_in_dim3A_298 : vector<16xi1>, vector<16xi32>
    %select_n3A_321 = arith.select %lt3A_315, %broadcast_in_dim3A_300, %shift_right_arithmetic3A_308 : vector<16xi1>, vector<16xi32>
    %add3A_322 = arith.constant 1 : i32
    %add3A_323 = vector.broadcast %add3A_322 : i32 to vector<16xi32>
    %add3A_324 = arith.addi %shift_right_arithmetic3A_312, %add3A_323 : vector<16xi32>
    %select_n3A_325 = arith.select %lt3A_316, %add3A_324, %broadcast_in_dim3A_302 : vector<16xi1>, vector<16xi32>
    %select_n3A_326 = arith.select %lt3A_316, %broadcast_in_dim3A_304, %shift_right_arithmetic3A_312 : vector<16xi1>, vector<16xi32>
    %add3A_327 = arith.addi %select_n3A_320, %select_n3A_321 : vector<16xi32>
    %shift_right_arithmetic3A_328 = arith.constant 1 : i32
    %shift_right_arithmetic3A_329 = vector.broadcast %shift_right_arithmetic3A_328 : i32 to vector<16xi32>
    %shift_right_arithmetic3A_330 = arith.shrsi %add3A_327, %shift_right_arithmetic3A_329 : vector<16xi32>
    %add3A_331 = arith.addi %select_n3A_325, %select_n3A_326 : vector<16xi32>
    %shift_right_arithmetic3A_332 = arith.constant 1 : i32
    %shift_right_arithmetic3A_333 = vector.broadcast %shift_right_arithmetic3A_332 : i32 to vector<16xi32>
    %shift_right_arithmetic3A_334 = arith.shrsi %add3A_331, %shift_right_arithmetic3A_333 : vector<16xi32>
    %gather3A_335 = tpu.vector_load_idx %arg11[%shift_right_arithmetic3A_330] : memref<4112xi32, #tpu.memory_space<vmem>>[vector<16xi32>], vector<16xi32>,
    %gather3A_336 = tpu.vector_load_idx %arg11[%shift_right_arithmetic3A_334] : memref<4112xi32, #tpu.memory_space<vmem>>[vector<16xi32>], vector<16xi32>,
    %lt3A_337 = arith.cmpi slt, %gather3A_335, %get3A_293 : vector<16xi32>
    %lt3A_338 = arith.cmpi slt, %gather3A_336, %add3A_296 : vector<16xi32>
    %add3A_339 = arith.constant 1 : i32
    %add3A_340 = vector.broadcast %add3A_339 : i32 to vector<16xi32>
    %add3A_341 = arith.addi %shift_right_arithmetic3A_330, %add3A_340 : vector<16xi32>
    %select_n3A_342 = arith.select %lt3A_337, %add3A_341, %select_n3A_320 : vector<16xi1>, vector<16xi32>
    %select_n3A_343 = arith.select %lt3A_337, %select_n3A_321, %shift_right_arithmetic3A_330 : vector<16xi1>, vector<16xi32>
    %add3A_344 = arith.constant 1 : i32
    %add3A_345 = vector.broadcast %add3A_344 : i32 to vector<16xi32>
    %add3A_346 = arith.addi %shift_right_arithmetic3A_334, %add3A_345 : vector<16xi32>
    %select_n3A_347 = arith.select %lt3A_338, %add3A_346, %select_n3A_325 : vector<16xi1>, vector<16xi32>
    %select_n3A_348 = arith.select %lt3A_338, %select_n3A_326, %shift_right_arithmetic3A_334 : vector<16xi1>, vector<16xi32>
    %add3A_349 = arith.addi %select_n3A_342, %select_n3A_343 : vector<16xi32>
    %shift_right_arithmetic3A_350 = arith.constant 1 : i32
    %shift_right_arithmetic3A_351 = vector.broadcast %shift_right_arithmetic3A_350 : i32 to vector<16xi32>
    %shift_right_arithmetic3A_352 = arith.shrsi %add3A_349, %shift_right_arithmetic3A_351 : vector<16xi32>
    %add3A_353 = arith.addi %select_n3A_347, %select_n3A_348 : vector<16xi32>
    %shift_right_arithmetic3A_354 = arith.constant 1 : i32
    %shift_right_arithmetic3A_355 = vector.broadcast %shift_right_arithmetic3A_354 : i32 to vector<16xi32>
    %shift_right_arithmetic3A_356 = arith.shrsi %add3A_353, %shift_right_arithmetic3A_355 : vector<16xi32>
    %gather3A_357 = tpu.vector_load_idx %arg11[%shift_right_arithmetic3A_352] : memref<4112xi32, #tpu.memory_space<vmem>>[vector<16xi32>], vector<16xi32>,
    %gather3A_358 = tpu.vector_load_idx %arg11[%shift_right_arithmetic3A_356] : memref<4112xi32, #tpu.memory_space<vmem>>[vector<16xi32>], vector<16xi32>,
    %lt3A_359 = arith.cmpi slt, %gather3A_357, %get3A_293 : vector<16xi32>
    %lt3A_360 = arith.cmpi slt, %gather3A_358, %add3A_296 : vector<16xi32>
    %add3A_361 = arith.constant 1 : i32
    %add3A_362 = vector.broadcast %add3A_361 : i32 to vector<16xi32>
    %add3A_363 = arith.addi %shift_right_arithmetic3A_352, %add3A_362 : vector<16xi32>
    %select_n3A_364 = arith.select %lt3A_359, %add3A_363, %select_n3A_342 : vector<16xi1>, vector<16xi32>
    %select_n3A_365 = arith.select %lt3A_359, %select_n3A_343, %shift_right_arithmetic3A_352 : vector<16xi1>, vector<16xi32>
    %add3A_366 = arith.constant 1 : i32
    %add3A_367 = vector.broadcast %add3A_366 : i32 to vector<16xi32>
    %add3A_368 = arith.addi %shift_right_arithmetic3A_356, %add3A_367 : vector<16xi32>
    %select_n3A_369 = arith.select %lt3A_360, %add3A_368, %select_n3A_347 : vector<16xi1>, vector<16xi32>
    %select_n3A_370 = arith.select %lt3A_360, %select_n3A_348, %shift_right_arithmetic3A_356 : vector<16xi1>, vector<16xi32>
    %add3A_371 = arith.addi %select_n3A_364, %select_n3A_365 : vector<16xi32>
    %shift_right_arithmetic3A_372 = arith.constant 1 : i32
    %shift_right_arithmetic3A_373 = vector.broadcast %shift_right_arithmetic3A_372 : i32 to vector<16xi32>
    %shift_right_arithmetic3A_374 = arith.shrsi %add3A_371, %shift_right_arithmetic3A_373 : vector<16xi32>
    %add3A_375 = arith.addi %select_n3A_369, %select_n3A_370 : vector<16xi32>
    %shift_right_arithmetic3A_376 = arith.constant 1 : i32
    %shift_right_arithmetic3A_377 = vector.broadcast %shift_right_arithmetic3A_376 : i32 to vector<16xi32>
    %shift_right_arithmetic3A_378 = arith.shrsi %add3A_375, %shift_right_arithmetic3A_377 : vector<16xi32>
    %gather3A_379 = tpu.vector_load_idx %arg11[%shift_right_arithmetic3A_374] : memref<4112xi32, #tpu.memory_space<vmem>>[vector<16xi32>], vector<16xi32>,
    %gather3A_380 = tpu.vector_load_idx %arg11[%shift_right_arithmetic3A_378] : memref<4112xi32, #tpu.memory_space<vmem>>[vector<16xi32>], vector<16xi32>,
    %lt3A_381 = arith.cmpi slt, %gather3A_379, %get3A_293 : vector<16xi32>
    %lt3A_382 = arith.cmpi slt, %gather3A_380, %add3A_296 : vector<16xi32>
    %add3A_383 = arith.constant 1 : i32
    %add3A_384 = vector.broadcast %add3A_383 : i32 to vector<16xi32>
    %add3A_385 = arith.addi %shift_right_arithmetic3A_374, %add3A_384 : vector<16xi32>
    %select_n3A_386 = arith.select %lt3A_381, %add3A_385, %select_n3A_364 : vector<16xi1>, vector<16xi32>
    %select_n3A_387 = arith.select %lt3A_381, %select_n3A_365, %shift_right_arithmetic3A_374 : vector<16xi1>, vector<16xi32>
    %add3A_388 = arith.constant 1 : i32
    %add3A_389 = vector.broadcast %add3A_388 : i32 to vector<16xi32>
    %add3A_390 = arith.addi %shift_right_arithmetic3A_378, %add3A_389 : vector<16xi32>
    %select_n3A_391 = arith.select %lt3A_382, %add3A_390, %select_n3A_369 : vector<16xi1>, vector<16xi32>
    %select_n3A_392 = arith.select %lt3A_382, %select_n3A_370, %shift_right_arithmetic3A_378 : vector<16xi1>, vector<16xi32>
    %add3A_393 = arith.addi %select_n3A_386, %select_n3A_387 : vector<16xi32>
    %shift_right_arithmetic3A_394 = arith.constant 1 : i32
    %shift_right_arithmetic3A_395 = vector.broadcast %shift_right_arithmetic3A_394 : i32 to vector<16xi32>
    %shift_right_arithmetic3A_396 = arith.shrsi %add3A_393, %shift_right_arithmetic3A_395 : vector<16xi32>
    %add3A_397 = arith.addi %select_n3A_391, %select_n3A_392 : vector<16xi32>
    %shift_right_arithmetic3A_398 = arith.constant 1 : i32
    %shift_right_arithmetic3A_399 = vector.broadcast %shift_right_arithmetic3A_398 : i32 to vector<16xi32>
    %shift_right_arithmetic3A_400 = arith.shrsi %add3A_397, %shift_right_arithmetic3A_399 : vector<16xi32>
    %gather3A_401 = tpu.vector_load_idx %arg11[%shift_right_arithmetic3A_396] : memref<4112xi32, #tpu.memory_space<vmem>>[vector<16xi32>], vector<16xi32>,
    %gather3A_402 = tpu.vector_load_idx %arg11[%shift_right_arithmetic3A_400] : memref<4112xi32, #tpu.memory_space<vmem>>[vector<16xi32>], vector<16xi32>,
    %lt3A_403 = arith.cmpi slt, %gather3A_401, %get3A_293 : vector<16xi32>
    %lt3A_404 = arith.cmpi slt, %gather3A_402, %add3A_296 : vector<16xi32>
    %add3A_405 = arith.constant 1 : i32
    %add3A_406 = vector.broadcast %add3A_405 : i32 to vector<16xi32>
    %add3A_407 = arith.addi %shift_right_arithmetic3A_396, %add3A_406 : vector<16xi32>
    %select_n3A_408 = arith.select %lt3A_403, %add3A_407, %select_n3A_386 : vector<16xi1>, vector<16xi32>
    %select_n3A_409 = arith.select %lt3A_403, %select_n3A_387, %shift_right_arithmetic3A_396 : vector<16xi1>, vector<16xi32>
    %add3A_410 = arith.constant 1 : i32
    %add3A_411 = vector.broadcast %add3A_410 : i32 to vector<16xi32>
    %add3A_412 = arith.addi %shift_right_arithmetic3A_400, %add3A_411 : vector<16xi32>
    %select_n3A_413 = arith.select %lt3A_404, %add3A_412, %select_n3A_391 : vector<16xi1>, vector<16xi32>
    %select_n3A_414 = arith.select %lt3A_404, %select_n3A_392, %shift_right_arithmetic3A_400 : vector<16xi1>, vector<16xi32>
    %add3A_415 = arith.addi %select_n3A_408, %select_n3A_409 : vector<16xi32>
    %shift_right_arithmetic3A_416 = arith.constant 1 : i32
    %shift_right_arithmetic3A_417 = vector.broadcast %shift_right_arithmetic3A_416 : i32 to vector<16xi32>
    %shift_right_arithmetic3A_418 = arith.shrsi %add3A_415, %shift_right_arithmetic3A_417 : vector<16xi32>
    %add3A_419 = arith.addi %select_n3A_413, %select_n3A_414 : vector<16xi32>
    %shift_right_arithmetic3A_420 = arith.constant 1 : i32
    %shift_right_arithmetic3A_421 = vector.broadcast %shift_right_arithmetic3A_420 : i32 to vector<16xi32>
    %shift_right_arithmetic3A_422 = arith.shrsi %add3A_419, %shift_right_arithmetic3A_421 : vector<16xi32>
    %gather3A_423 = tpu.vector_load_idx %arg11[%shift_right_arithmetic3A_418] : memref<4112xi32, #tpu.memory_space<vmem>>[vector<16xi32>], vector<16xi32>,
    %gather3A_424 = tpu.vector_load_idx %arg11[%shift_right_arithmetic3A_422] : memref<4112xi32, #tpu.memory_space<vmem>>[vector<16xi32>], vector<16xi32>,
    %lt3A_425 = arith.cmpi slt, %gather3A_423, %get3A_293 : vector<16xi32>
    %lt3A_426 = arith.cmpi slt, %gather3A_424, %add3A_296 : vector<16xi32>
    %add3A_427 = arith.constant 1 : i32
    %add3A_428 = vector.broadcast %add3A_427 : i32 to vector<16xi32>
    %add3A_429 = arith.addi %shift_right_arithmetic3A_418, %add3A_428 : vector<16xi32>
    %select_n3A_430 = arith.select %lt3A_425, %add3A_429, %select_n3A_408 : vector<16xi1>, vector<16xi32>
    %select_n3A_431 = arith.select %lt3A_425, %select_n3A_409, %shift_right_arithmetic3A_418 : vector<16xi1>, vector<16xi32>
    %add3A_432 = arith.constant 1 : i32
    %add3A_433 = vector.broadcast %add3A_432 : i32 to vector<16xi32>
    %add3A_434 = arith.addi %shift_right_arithmetic3A_422, %add3A_433 : vector<16xi32>
    %select_n3A_435 = arith.select %lt3A_426, %add3A_434, %select_n3A_413 : vector<16xi1>, vector<16xi32>
    %select_n3A_436 = arith.select %lt3A_426, %select_n3A_414, %shift_right_arithmetic3A_422 : vector<16xi1>, vector<16xi32>
    %add3A_437 = arith.addi %select_n3A_430, %select_n3A_431 : vector<16xi32>
    %shift_right_arithmetic3A_438 = arith.constant 1 : i32
    %shift_right_arithmetic3A_439 = vector.broadcast %shift_right_arithmetic3A_438 : i32 to vector<16xi32>
    %shift_right_arithmetic3A_440 = arith.shrsi %add3A_437, %shift_right_arithmetic3A_439 : vector<16xi32>
    %add3A_441 = arith.addi %select_n3A_435, %select_n3A_436 : vector<16xi32>
    %shift_right_arithmetic3A_442 = arith.constant 1 : i32
    %shift_right_arithmetic3A_443 = vector.broadcast %shift_right_arithmetic3A_442 : i32 to vector<16xi32>
    %shift_right_arithmetic3A_444 = arith.shrsi %add3A_441, %shift_right_arithmetic3A_443 : vector<16xi32>
    %gather3A_445 = tpu.vector_load_idx %arg11[%shift_right_arithmetic3A_440] : memref<4112xi32, #tpu.memory_space<vmem>>[vector<16xi32>], vector<16xi32>,
    %gather3A_446 = tpu.vector_load_idx %arg11[%shift_right_arithmetic3A_444] : memref<4112xi32, #tpu.memory_space<vmem>>[vector<16xi32>], vector<16xi32>,
    %lt3A_447 = arith.cmpi slt, %gather3A_445, %get3A_293 : vector<16xi32>
    %lt3A_448 = arith.cmpi slt, %gather3A_446, %add3A_296 : vector<16xi32>
    %add3A_449 = arith.constant 1 : i32
    %add3A_450 = vector.broadcast %add3A_449 : i32 to vector<16xi32>
    %add3A_451 = arith.addi %shift_right_arithmetic3A_440, %add3A_450 : vector<16xi32>
    %select_n3A_452 = arith.select %lt3A_447, %add3A_451, %select_n3A_430 : vector<16xi1>, vector<16xi32>
    %select_n3A_453 = arith.select %lt3A_447, %select_n3A_431, %shift_right_arithmetic3A_440 : vector<16xi1>, vector<16xi32>
    %add3A_454 = arith.constant 1 : i32
    %add3A_455 = vector.broadcast %add3A_454 : i32 to vector<16xi32>
    %add3A_456 = arith.addi %shift_right_arithmetic3A_444, %add3A_455 : vector<16xi32>
    %select_n3A_457 = arith.select %lt3A_448, %add3A_456, %select_n3A_435 : vector<16xi1>, vector<16xi32>
    %select_n3A_458 = arith.select %lt3A_448, %select_n3A_436, %shift_right_arithmetic3A_444 : vector<16xi1>, vector<16xi32>
    %add3A_459 = arith.addi %select_n3A_452, %select_n3A_453 : vector<16xi32>
    %shift_right_arithmetic3A_460 = arith.constant 1 : i32
    %shift_right_arithmetic3A_461 = vector.broadcast %shift_right_arithmetic3A_460 : i32 to vector<16xi32>
    %shift_right_arithmetic3A_462 = arith.shrsi %add3A_459, %shift_right_arithmetic3A_461 : vector<16xi32>
    %add3A_463 = arith.addi %select_n3A_457, %select_n3A_458 : vector<16xi32>
    %shift_right_arithmetic3A_464 = arith.constant 1 : i32
    %shift_right_arithmetic3A_465 = vector.broadcast %shift_right_arithmetic3A_464 : i32 to vector<16xi32>
    %shift_right_arithmetic3A_466 = arith.shrsi %add3A_463, %shift_right_arithmetic3A_465 : vector<16xi32>
    %gather3A_467 = tpu.vector_load_idx %arg11[%shift_right_arithmetic3A_462] : memref<4112xi32, #tpu.memory_space<vmem>>[vector<16xi32>], vector<16xi32>,
    %gather3A_468 = tpu.vector_load_idx %arg11[%shift_right_arithmetic3A_466] : memref<4112xi32, #tpu.memory_space<vmem>>[vector<16xi32>], vector<16xi32>,
    %lt3A_469 = arith.cmpi slt, %gather3A_467, %get3A_293 : vector<16xi32>
    %lt3A_470 = arith.cmpi slt, %gather3A_468, %add3A_296 : vector<16xi32>
    %add3A_471 = arith.constant 1 : i32
    %add3A_472 = vector.broadcast %add3A_471 : i32 to vector<16xi32>
    %add3A_473 = arith.addi %shift_right_arithmetic3A_462, %add3A_472 : vector<16xi32>
    %select_n3A_474 = arith.select %lt3A_469, %add3A_473, %select_n3A_452 : vector<16xi1>, vector<16xi32>
    %select_n3A_475 = arith.select %lt3A_469, %select_n3A_453, %shift_right_arithmetic3A_462 : vector<16xi1>, vector<16xi32>
    %add3A_476 = arith.constant 1 : i32
    %add3A_477 = vector.broadcast %add3A_476 : i32 to vector<16xi32>
    %add3A_478 = arith.addi %shift_right_arithmetic3A_466, %add3A_477 : vector<16xi32>
    %select_n3A_479 = arith.select %lt3A_470, %add3A_478, %select_n3A_457 : vector<16xi1>, vector<16xi32>
    %select_n3A_480 = arith.select %lt3A_470, %select_n3A_458, %shift_right_arithmetic3A_466 : vector<16xi1>, vector<16xi32>
    %add3A_481 = arith.addi %select_n3A_474, %select_n3A_475 : vector<16xi32>
    %shift_right_arithmetic3A_482 = arith.constant 1 : i32
    %shift_right_arithmetic3A_483 = vector.broadcast %shift_right_arithmetic3A_482 : i32 to vector<16xi32>
    %shift_right_arithmetic3A_484 = arith.shrsi %add3A_481, %shift_right_arithmetic3A_483 : vector<16xi32>
    %add3A_485 = arith.addi %select_n3A_479, %select_n3A_480 : vector<16xi32>
    %shift_right_arithmetic3A_486 = arith.constant 1 : i32
    %shift_right_arithmetic3A_487 = vector.broadcast %shift_right_arithmetic3A_486 : i32 to vector<16xi32>
    %shift_right_arithmetic3A_488 = arith.shrsi %add3A_485, %shift_right_arithmetic3A_487 : vector<16xi32>
    %gather3A_489 = tpu.vector_load_idx %arg11[%shift_right_arithmetic3A_484] : memref<4112xi32, #tpu.memory_space<vmem>>[vector<16xi32>], vector<16xi32>,
    %gather3A_490 = tpu.vector_load_idx %arg11[%shift_right_arithmetic3A_488] : memref<4112xi32, #tpu.memory_space<vmem>>[vector<16xi32>], vector<16xi32>,
    %lt3A_491 = arith.cmpi slt, %gather3A_489, %get3A_293 : vector<16xi32>
    %lt3A_492 = arith.cmpi slt, %gather3A_490, %add3A_296 : vector<16xi32>
    %add3A_493 = arith.constant 1 : i32
    %add3A_494 = vector.broadcast %add3A_493 : i32 to vector<16xi32>
    %add3A_495 = arith.addi %shift_right_arithmetic3A_484, %add3A_494 : vector<16xi32>
    %select_n3A_496 = arith.select %lt3A_491, %add3A_495, %select_n3A_474 : vector<16xi1>, vector<16xi32>
    %select_n3A_497 = arith.select %lt3A_491, %select_n3A_475, %shift_right_arithmetic3A_484 : vector<16xi1>, vector<16xi32>
    %add3A_498 = arith.constant 1 : i32
    %add3A_499 = vector.broadcast %add3A_498 : i32 to vector<16xi32>
    %add3A_500 = arith.addi %shift_right_arithmetic3A_488, %add3A_499 : vector<16xi32>
    %select_n3A_501 = arith.select %lt3A_492, %add3A_500, %select_n3A_479 : vector<16xi1>, vector<16xi32>
    %select_n3A_502 = arith.select %lt3A_492, %select_n3A_480, %shift_right_arithmetic3A_488 : vector<16xi1>, vector<16xi32>
    %add3A_503 = arith.addi %select_n3A_496, %select_n3A_497 : vector<16xi32>
    %shift_right_arithmetic3A_504 = arith.constant 1 : i32
    %shift_right_arithmetic3A_505 = vector.broadcast %shift_right_arithmetic3A_504 : i32 to vector<16xi32>
    %shift_right_arithmetic3A_506 = arith.shrsi %add3A_503, %shift_right_arithmetic3A_505 : vector<16xi32>
    %add3A_507 = arith.addi %select_n3A_501, %select_n3A_502 : vector<16xi32>
    %shift_right_arithmetic3A_508 = arith.constant 1 : i32
    %shift_right_arithmetic3A_509 = vector.broadcast %shift_right_arithmetic3A_508 : i32 to vector<16xi32>
    %shift_right_arithmetic3A_510 = arith.shrsi %add3A_507, %shift_right_arithmetic3A_509 : vector<16xi32>
    %gather3A_511 = tpu.vector_load_idx %arg11[%shift_right_arithmetic3A_506] : memref<4112xi32, #tpu.memory_space<vmem>>[vector<16xi32>], vector<16xi32>,
    %gather3A_512 = tpu.vector_load_idx %arg11[%shift_right_arithmetic3A_510] : memref<4112xi32, #tpu.memory_space<vmem>>[vector<16xi32>], vector<16xi32>,
    %lt3A_513 = arith.cmpi slt, %gather3A_511, %get3A_293 : vector<16xi32>
    %lt3A_514 = arith.cmpi slt, %gather3A_512, %add3A_296 : vector<16xi32>
    %add3A_515 = arith.constant 1 : i32
    %add3A_516 = vector.broadcast %add3A_515 : i32 to vector<16xi32>
    %add3A_517 = arith.addi %shift_right_arithmetic3A_506, %add3A_516 : vector<16xi32>
    %select_n3A_518 = arith.select %lt3A_513, %add3A_517, %select_n3A_496 : vector<16xi1>, vector<16xi32>
    %select_n3A_519 = arith.select %lt3A_513, %select_n3A_497, %shift_right_arithmetic3A_506 : vector<16xi1>, vector<16xi32>
    %add3A_520 = arith.constant 1 : i32
    %add3A_521 = vector.broadcast %add3A_520 : i32 to vector<16xi32>
    %add3A_522 = arith.addi %shift_right_arithmetic3A_510, %add3A_521 : vector<16xi32>
    %select_n3A_523 = arith.select %lt3A_514, %add3A_522, %select_n3A_501 : vector<16xi1>, vector<16xi32>
    %select_n3A_524 = arith.select %lt3A_514, %select_n3A_502, %shift_right_arithmetic3A_510 : vector<16xi1>, vector<16xi32>
    %add3A_525 = arith.addi %select_n3A_518, %select_n3A_519 : vector<16xi32>
    %shift_right_arithmetic3A_526 = arith.constant 1 : i32
    %shift_right_arithmetic3A_527 = vector.broadcast %shift_right_arithmetic3A_526 : i32 to vector<16xi32>
    %shift_right_arithmetic3A_528 = arith.shrsi %add3A_525, %shift_right_arithmetic3A_527 : vector<16xi32>
    %add3A_529 = arith.addi %select_n3A_523, %select_n3A_524 : vector<16xi32>
    %shift_right_arithmetic3A_530 = arith.constant 1 : i32
    %shift_right_arithmetic3A_531 = vector.broadcast %shift_right_arithmetic3A_530 : i32 to vector<16xi32>
    %shift_right_arithmetic3A_532 = arith.shrsi %add3A_529, %shift_right_arithmetic3A_531 : vector<16xi32>
    %gather3A_533 = tpu.vector_load_idx %arg11[%shift_right_arithmetic3A_528] : memref<4112xi32, #tpu.memory_space<vmem>>[vector<16xi32>], vector<16xi32>,
    %gather3A_534 = tpu.vector_load_idx %arg11[%shift_right_arithmetic3A_532] : memref<4112xi32, #tpu.memory_space<vmem>>[vector<16xi32>], vector<16xi32>,
    %lt3A_535 = arith.cmpi slt, %gather3A_533, %get3A_293 : vector<16xi32>
    %lt3A_536 = arith.cmpi slt, %gather3A_534, %add3A_296 : vector<16xi32>
    %add3A_537 = arith.constant 1 : i32
    %add3A_538 = vector.broadcast %add3A_537 : i32 to vector<16xi32>
    %add3A_539 = arith.addi %shift_right_arithmetic3A_528, %add3A_538 : vector<16xi32>
    %select_n3A_540 = arith.select %lt3A_535, %add3A_539, %select_n3A_518 : vector<16xi1>, vector<16xi32>
    %select_n3A_541 = arith.select %lt3A_535, %select_n3A_519, %shift_right_arithmetic3A_528 : vector<16xi1>, vector<16xi32>
    %add3A_542 = arith.constant 1 : i32
    %add3A_543 = vector.broadcast %add3A_542 : i32 to vector<16xi32>
    %add3A_544 = arith.addi %shift_right_arithmetic3A_532, %add3A_543 : vector<16xi32>
    %select_n3A_545 = arith.select %lt3A_536, %add3A_544, %select_n3A_523 : vector<16xi1>, vector<16xi32>
    %select_n3A_546 = arith.select %lt3A_536, %select_n3A_524, %shift_right_arithmetic3A_532 : vector<16xi1>, vector<16xi32>
    %add3A_547 = arith.addi %select_n3A_540, %select_n3A_541 : vector<16xi32>
    %shift_right_arithmetic3A_548 = arith.constant 1 : i32
    %shift_right_arithmetic3A_549 = vector.broadcast %shift_right_arithmetic3A_548 : i32 to vector<16xi32>
    %shift_right_arithmetic3A_550 = arith.shrsi %add3A_547, %shift_right_arithmetic3A_549 : vector<16xi32>
    %add3A_551 = arith.addi %select_n3A_545, %select_n3A_546 : vector<16xi32>
    %shift_right_arithmetic3A_552 = arith.constant 1 : i32
    %shift_right_arithmetic3A_553 = vector.broadcast %shift_right_arithmetic3A_552 : i32 to vector<16xi32>
    %shift_right_arithmetic3A_554 = arith.shrsi %add3A_551, %shift_right_arithmetic3A_553 : vector<16xi32>
    %gather3A_555 = tpu.vector_load_idx %arg11[%shift_right_arithmetic3A_550] : memref<4112xi32, #tpu.memory_space<vmem>>[vector<16xi32>], vector<16xi32>,
    %gather3A_556 = tpu.vector_load_idx %arg11[%shift_right_arithmetic3A_554] : memref<4112xi32, #tpu.memory_space<vmem>>[vector<16xi32>], vector<16xi32>,
    %lt3A_557 = arith.cmpi slt, %gather3A_555, %get3A_293 : vector<16xi32>
    %lt3A_558 = arith.cmpi slt, %gather3A_556, %add3A_296 : vector<16xi32>
    %add3A_559 = arith.constant 1 : i32
    %add3A_560 = vector.broadcast %add3A_559 : i32 to vector<16xi32>
    %add3A_561 = arith.addi %shift_right_arithmetic3A_550, %add3A_560 : vector<16xi32>
    %select_n3A_562 = arith.select %lt3A_557, %add3A_561, %select_n3A_540 : vector<16xi1>, vector<16xi32>
    %select_n3A_563 = arith.select %lt3A_557, %select_n3A_541, %shift_right_arithmetic3A_550 : vector<16xi1>, vector<16xi32>
    %add3A_564 = arith.constant 1 : i32
    %add3A_565 = vector.broadcast %add3A_564 : i32 to vector<16xi32>
    %add3A_566 = arith.addi %shift_right_arithmetic3A_554, %add3A_565 : vector<16xi32>
    %select_n3A_567 = arith.select %lt3A_558, %add3A_566, %select_n3A_545 : vector<16xi1>, vector<16xi32>
    %select_n3A_568 = arith.select %lt3A_558, %select_n3A_546, %shift_right_arithmetic3A_554 : vector<16xi1>, vector<16xi32>
    %swap3A_569 = arith.constant 16 : index
    %swap3A_570 = tpu.vector_load %arg12[%swap3A_569] {strides = array<i32>} : memref<144xi32, #tpu.memory_space<vmem>>, vector<16xi32>,
    tpu.vector_store %arg12[%swap3A_569], %select_n3A_562 {strides = array<i32>} : memref<144xi32, #tpu.memory_space<vmem>>, vector<16xi32>,
    %swap3A_571 = arith.constant 16 : index
    %swap3A_572 = tpu.vector_load %arg13[%swap3A_571] {strides = array<i32>} : memref<144xi32, #tpu.memory_space<vmem>>, vector<16xi32>,
    tpu.vector_store %arg13[%swap3A_571], %select_n3A_567 {strides = array<i32>} : memref<144xi32, #tpu.memory_space<vmem>>, vector<16xi32>,
    %add3A_573 = arith.constant 32 : i32
    %add3A_574 = arith.addi %mul3A_2, %add3A_573 : i32
    %get3A_575 = arith.index_cast %add3A_574 : i32 to index
    %get3A_576 = tpu.vector_load %arg11[%get3A_575] {strides = array<i32>} : memref<4112xi32, #tpu.memory_space<vmem>>, vector<16xi32>,
    %add3A_577 = arith.constant 1 : i32
    %add3A_578 = vector.broadcast %add3A_577 : i32 to vector<16xi32>
    %add3A_579 = arith.addi %get3A_576, %add3A_578 : vector<16xi32>
    %broadcast_in_dim3A_580 = arith.constant 0 : i32
    %broadcast_in_dim3A_581 = vector.broadcast %broadcast_in_dim3A_580 : i32 to vector<16xi32>
    %broadcast_in_dim3A_582 = arith.constant 4096 : i32
    %broadcast_in_dim3A_583 = vector.broadcast %broadcast_in_dim3A_582 : i32 to vector<16xi32>
    %broadcast_in_dim3A_584 = arith.constant 0 : i32
    %broadcast_in_dim3A_585 = vector.broadcast %broadcast_in_dim3A_584 : i32 to vector<16xi32>
    %broadcast_in_dim3A_586 = arith.constant 4096 : i32
    %broadcast_in_dim3A_587 = vector.broadcast %broadcast_in_dim3A_586 : i32 to vector<16xi32>
    %add3A_588 = arith.addi %broadcast_in_dim3A_581, %broadcast_in_dim3A_583 : vector<16xi32>
    %shift_right_arithmetic3A_589 = arith.constant 1 : i32
    %shift_right_arithmetic3A_590 = vector.broadcast %shift_right_arithmetic3A_589 : i32 to vector<16xi32>
    %shift_right_arithmetic3A_591 = arith.shrsi %add3A_588, %shift_right_arithmetic3A_590 : vector<16xi32>
    %add3A_592 = arith.addi %broadcast_in_dim3A_585, %broadcast_in_dim3A_587 : vector<16xi32>
    %shift_right_arithmetic3A_593 = arith.constant 1 : i32
    %shift_right_arithmetic3A_594 = vector.broadcast %shift_right_arithmetic3A_593 : i32 to vector<16xi32>
    %shift_right_arithmetic3A_595 = arith.shrsi %add3A_592, %shift_right_arithmetic3A_594 : vector<16xi32>
    %gather3A_596 = tpu.vector_load_idx %arg11[%shift_right_arithmetic3A_591] : memref<4112xi32, #tpu.memory_space<vmem>>[vector<16xi32>], vector<16xi32>,
    %gather3A_597 = tpu.vector_load_idx %arg11[%shift_right_arithmetic3A_595] : memref<4112xi32, #tpu.memory_space<vmem>>[vector<16xi32>], vector<16xi32>,
    %lt3A_598 = arith.cmpi slt, %gather3A_596, %get3A_576 : vector<16xi32>
    %lt3A_599 = arith.cmpi slt, %gather3A_597, %add3A_579 : vector<16xi32>
    %add3A_600 = arith.constant 1 : i32
    %add3A_601 = vector.broadcast %add3A_600 : i32 to vector<16xi32>
    %add3A_602 = arith.addi %shift_right_arithmetic3A_591, %add3A_601 : vector<16xi32>
    %select_n3A_603 = arith.select %lt3A_598, %add3A_602, %broadcast_in_dim3A_581 : vector<16xi1>, vector<16xi32>
    %select_n3A_604 = arith.select %lt3A_598, %broadcast_in_dim3A_583, %shift_right_arithmetic3A_591 : vector<16xi1>, vector<16xi32>
    %add3A_605 = arith.constant 1 : i32
    %add3A_606 = vector.broadcast %add3A_605 : i32 to vector<16xi32>
    %add3A_607 = arith.addi %shift_right_arithmetic3A_595, %add3A_606 : vector<16xi32>
    %select_n3A_608 = arith.select %lt3A_599, %add3A_607, %broadcast_in_dim3A_585 : vector<16xi1>, vector<16xi32>
    %select_n3A_609 = arith.select %lt3A_599, %broadcast_in_dim3A_587, %shift_right_arithmetic3A_595 : vector<16xi1>, vector<16xi32>
    %add3A_610 = arith.addi %select_n3A_603, %select_n3A_604 : vector<16xi32>
    %shift_right_arithmetic3A_611 = arith.constant 1 : i32
    %shift_right_arithmetic3A_612 = vector.broadcast %shift_right_arithmetic3A_611 : i32 to vector<16xi32>
    %shift_right_arithmetic3A_613 = arith.shrsi %add3A_610, %shift_right_arithmetic3A_612 : vector<16xi32>
    %add3A_614 = arith.addi %select_n3A_608, %select_n3A_609 : vector<16xi32>
    %shift_right_arithmetic3A_615 = arith.constant 1 : i32
    %shift_right_arithmetic3A_616 = vector.broadcast %shift_right_arithmetic3A_615 : i32 to vector<16xi32>
    %shift_right_arithmetic3A_617 = arith.shrsi %add3A_614, %shift_right_arithmetic3A_616 : vector<16xi32>
    %gather3A_618 = tpu.vector_load_idx %arg11[%shift_right_arithmetic3A_613] : memref<4112xi32, #tpu.memory_space<vmem>>[vector<16xi32>], vector<16xi32>,
    %gather3A_619 = tpu.vector_load_idx %arg11[%shift_right_arithmetic3A_617] : memref<4112xi32, #tpu.memory_space<vmem>>[vector<16xi32>], vector<16xi32>,
    %lt3A_620 = arith.cmpi slt, %gather3A_618, %get3A_576 : vector<16xi32>
    %lt3A_621 = arith.cmpi slt, %gather3A_619, %add3A_579 : vector<16xi32>
    %add3A_622 = arith.constant 1 : i32
    %add3A_623 = vector.broadcast %add3A_622 : i32 to vector<16xi32>
    %add3A_624 = arith.addi %shift_right_arithmetic3A_613, %add3A_623 : vector<16xi32>
    %select_n3A_625 = arith.select %lt3A_620, %add3A_624, %select_n3A_603 : vector<16xi1>, vector<16xi32>
    %select_n3A_626 = arith.select %lt3A_620, %select_n3A_604, %shift_right_arithmetic3A_613 : vector<16xi1>, vector<16xi32>
    %add3A_627 = arith.constant 1 : i32
    %add3A_628 = vector.broadcast %add3A_627 : i32 to vector<16xi32>
    %add3A_629 = arith.addi %shift_right_arithmetic3A_617, %add3A_628 : vector<16xi32>
    %select_n3A_630 = arith.select %lt3A_621, %add3A_629, %select_n3A_608 : vector<16xi1>, vector<16xi32>
    %select_n3A_631 = arith.select %lt3A_621, %select_n3A_609, %shift_right_arithmetic3A_617 : vector<16xi1>, vector<16xi32>
    %add3A_632 = arith.addi %select_n3A_625, %select_n3A_626 : vector<16xi32>
    %shift_right_arithmetic3A_633 = arith.constant 1 : i32
    %shift_right_arithmetic3A_634 = vector.broadcast %shift_right_arithmetic3A_633 : i32 to vector<16xi32>
    %shift_right_arithmetic3A_635 = arith.shrsi %add3A_632, %shift_right_arithmetic3A_634 : vector<16xi32>
    %add3A_636 = arith.addi %select_n3A_630, %select_n3A_631 : vector<16xi32>
    %shift_right_arithmetic3A_637 = arith.constant 1 : i32
    %shift_right_arithmetic3A_638 = vector.broadcast %shift_right_arithmetic3A_637 : i32 to vector<16xi32>
    %shift_right_arithmetic3A_639 = arith.shrsi %add3A_636, %shift_right_arithmetic3A_638 : vector<16xi32>
    %gather3A_640 = tpu.vector_load_idx %arg11[%shift_right_arithmetic3A_635] : memref<4112xi32, #tpu.memory_space<vmem>>[vector<16xi32>], vector<16xi32>,
    %gather3A_641 = tpu.vector_load_idx %arg11[%shift_right_arithmetic3A_639] : memref<4112xi32, #tpu.memory_space<vmem>>[vector<16xi32>], vector<16xi32>,
    %lt3A_642 = arith.cmpi slt, %gather3A_640, %get3A_576 : vector<16xi32>
    %lt3A_643 = arith.cmpi slt, %gather3A_641, %add3A_579 : vector<16xi32>
    %add3A_644 = arith.constant 1 : i32
    %add3A_645 = vector.broadcast %add3A_644 : i32 to vector<16xi32>
    %add3A_646 = arith.addi %shift_right_arithmetic3A_635, %add3A_645 : vector<16xi32>
    %select_n3A_647 = arith.select %lt3A_642, %add3A_646, %select_n3A_625 : vector<16xi1>, vector<16xi32>
    %select_n3A_648 = arith.select %lt3A_642, %select_n3A_626, %shift_right_arithmetic3A_635 : vector<16xi1>, vector<16xi32>
    %add3A_649 = arith.constant 1 : i32
    %add3A_650 = vector.broadcast %add3A_649 : i32 to vector<16xi32>
    %add3A_651 = arith.addi %shift_right_arithmetic3A_639, %add3A_650 : vector<16xi32>
    %select_n3A_652 = arith.select %lt3A_643, %add3A_651, %select_n3A_630 : vector<16xi1>, vector<16xi32>
    %select_n3A_653 = arith.select %lt3A_643, %select_n3A_631, %shift_right_arithmetic3A_639 : vector<16xi1>, vector<16xi32>
    %add3A_654 = arith.addi %select_n3A_647, %select_n3A_648 : vector<16xi32>
    %shift_right_arithmetic3A_655 = arith.constant 1 : i32
    %shift_right_arithmetic3A_656 = vector.broadcast %shift_right_arithmetic3A_655 : i32 to vector<16xi32>
    %shift_right_arithmetic3A_657 = arith.shrsi %add3A_654, %shift_right_arithmetic3A_656 : vector<16xi32>
    %add3A_658 = arith.addi %select_n3A_652, %select_n3A_653 : vector<16xi32>
    %shift_right_arithmetic3A_659 = arith.constant 1 : i32
    %shift_right_arithmetic3A_660 = vector.broadcast %shift_right_arithmetic3A_659 : i32 to vector<16xi32>
    %shift_right_arithmetic3A_661 = arith.shrsi %add3A_658, %shift_right_arithmetic3A_660 : vector<16xi32>
    %gather3A_662 = tpu.vector_load_idx %arg11[%shift_right_arithmetic3A_657] : memref<4112xi32, #tpu.memory_space<vmem>>[vector<16xi32>], vector<16xi32>,
    %gather3A_663 = tpu.vector_load_idx %arg11[%shift_right_arithmetic3A_661] : memref<4112xi32, #tpu.memory_space<vmem>>[vector<16xi32>], vector<16xi32>,
    %lt3A_664 = arith.cmpi slt, %gather3A_662, %get3A_576 : vector<16xi32>
    %lt3A_665 = arith.cmpi slt, %gather3A_663, %add3A_579 : vector<16xi32>
    %add3A_666 = arith.constant 1 : i32
    %add3A_667 = vector.broadcast %add3A_666 : i32 to vector<16xi32>
    %add3A_668 = arith.addi %shift_right_arithmetic3A_657, %add3A_667 : vector<16xi32>
    %select_n3A_669 = arith.select %lt3A_664, %add3A_668, %select_n3A_647 : vector<16xi1>, vector<16xi32>
    %select_n3A_670 = arith.select %lt3A_664, %select_n3A_648, %shift_right_arithmetic3A_657 : vector<16xi1>, vector<16xi32>
    %add3A_671 = arith.constant 1 : i32
    %add3A_672 = vector.broadcast %add3A_671 : i32 to vector<16xi32>
    %add3A_673 = arith.addi %shift_right_arithmetic3A_661, %add3A_672 : vector<16xi32>
    %select_n3A_674 = arith.select %lt3A_665, %add3A_673, %select_n3A_652 : vector<16xi1>, vector<16xi32>
    %select_n3A_675 = arith.select %lt3A_665, %select_n3A_653, %shift_right_arithmetic3A_661 : vector<16xi1>, vector<16xi32>
    %add3A_676 = arith.addi %select_n3A_669, %select_n3A_670 : vector<16xi32>
    %shift_right_arithmetic3A_677 = arith.constant 1 : i32
    %shift_right_arithmetic3A_678 = vector.broadcast %shift_right_arithmetic3A_677 : i32 to vector<16xi32>
    %shift_right_arithmetic3A_679 = arith.shrsi %add3A_676, %shift_right_arithmetic3A_678 : vector<16xi32>
    %add3A_680 = arith.addi %select_n3A_674, %select_n3A_675 : vector<16xi32>
    %shift_right_arithmetic3A_681 = arith.constant 1 : i32
    %shift_right_arithmetic3A_682 = vector.broadcast %shift_right_arithmetic3A_681 : i32 to vector<16xi32>
    %shift_right_arithmetic3A_683 = arith.shrsi %add3A_680, %shift_right_arithmetic3A_682 : vector<16xi32>
    %gather3A_684 = tpu.vector_load_idx %arg11[%shift_right_arithmetic3A_679] : memref<4112xi32, #tpu.memory_space<vmem>>[vector<16xi32>], vector<16xi32>,
    %gather3A_685 = tpu.vector_load_idx %arg11[%shift_right_arithmetic3A_683] : memref<4112xi32, #tpu.memory_space<vmem>>[vector<16xi32>], vector<16xi32>,
    %lt3A_686 = arith.cmpi slt, %gather3A_684, %get3A_576 : vector<16xi32>
    %lt3A_687 = arith.cmpi slt, %gather3A_685, %add3A_579 : vector<16xi32>
    %add3A_688 = arith.constant 1 : i32
    %add3A_689 = vector.broadcast %add3A_688 : i32 to vector<16xi32>
    %add3A_690 = arith.addi %shift_right_arithmetic3A_679, %add3A_689 : vector<16xi32>
    %select_n3A_691 = arith.select %lt3A_686, %add3A_690, %select_n3A_669 : vector<16xi1>, vector<16xi32>
    %select_n3A_692 = arith.select %lt3A_686, %select_n3A_670, %shift_right_arithmetic3A_679 : vector<16xi1>, vector<16xi32>
    %add3A_693 = arith.constant 1 : i32
    %add3A_694 = vector.broadcast %add3A_693 : i32 to vector<16xi32>
    %add3A_695 = arith.addi %shift_right_arithmetic3A_683, %add3A_694 : vector<16xi32>
    %select_n3A_696 = arith.select %lt3A_687, %add3A_695, %select_n3A_674 : vector<16xi1>, vector<16xi32>
    %select_n3A_697 = arith.select %lt3A_687, %select_n3A_675, %shift_right_arithmetic3A_683 : vector<16xi1>, vector<16xi32>
    %add3A_698 = arith.addi %select_n3A_691, %select_n3A_692 : vector<16xi32>
    %shift_right_arithmetic3A_699 = arith.constant 1 : i32
    %shift_right_arithmetic3A_700 = vector.broadcast %shift_right_arithmetic3A_699 : i32 to vector<16xi32>
    %shift_right_arithmetic3A_701 = arith.shrsi %add3A_698, %shift_right_arithmetic3A_700 : vector<16xi32>
    %add3A_702 = arith.addi %select_n3A_696, %select_n3A_697 : vector<16xi32>
    %shift_right_arithmetic3A_703 = arith.constant 1 : i32
    %shift_right_arithmetic3A_704 = vector.broadcast %shift_right_arithmetic3A_703 : i32 to vector<16xi32>
    %shift_right_arithmetic3A_705 = arith.shrsi %add3A_702, %shift_right_arithmetic3A_704 : vector<16xi32>
    %gather3A_706 = tpu.vector_load_idx %arg11[%shift_right_arithmetic3A_701] : memref<4112xi32, #tpu.memory_space<vmem>>[vector<16xi32>], vector<16xi32>,
    %gather3A_707 = tpu.vector_load_idx %arg11[%shift_right_arithmetic3A_705] : memref<4112xi32, #tpu.memory_space<vmem>>[vector<16xi32>], vector<16xi32>,
    %lt3A_708 = arith.cmpi slt, %gather3A_706, %get3A_576 : vector<16xi32>
    %lt3A_709 = arith.cmpi slt, %gather3A_707, %add3A_579 : vector<16xi32>
    %add3A_710 = arith.constant 1 : i32
    %add3A_711 = vector.broadcast %add3A_710 : i32 to vector<16xi32>
    %add3A_712 = arith.addi %shift_right_arithmetic3A_701, %add3A_711 : vector<16xi32>
    %select_n3A_713 = arith.select %lt3A_708, %add3A_712, %select_n3A_691 : vector<16xi1>, vector<16xi32>
    %select_n3A_714 = arith.select %lt3A_708, %select_n3A_692, %shift_right_arithmetic3A_701 : vector<16xi1>, vector<16xi32>
    %add3A_715 = arith.constant 1 : i32
    %add3A_716 = vector.broadcast %add3A_715 : i32 to vector<16xi32>
    %add3A_717 = arith.addi %shift_right_arithmetic3A_705, %add3A_716 : vector<16xi32>
    %select_n3A_718 = arith.select %lt3A_709, %add3A_717, %select_n3A_696 : vector<16xi1>, vector<16xi32>
    %select_n3A_719 = arith.select %lt3A_709, %select_n3A_697, %shift_right_arithmetic3A_705 : vector<16xi1>, vector<16xi32>
    %add3A_720 = arith.addi %select_n3A_713, %select_n3A_714 : vector<16xi32>
    %shift_right_arithmetic3A_721 = arith.constant 1 : i32
    %shift_right_arithmetic3A_722 = vector.broadcast %shift_right_arithmetic3A_721 : i32 to vector<16xi32>
    %shift_right_arithmetic3A_723 = arith.shrsi %add3A_720, %shift_right_arithmetic3A_722 : vector<16xi32>
    %add3A_724 = arith.addi %select_n3A_718, %select_n3A_719 : vector<16xi32>
    %shift_right_arithmetic3A_725 = arith.constant 1 : i32
    %shift_right_arithmetic3A_726 = vector.broadcast %shift_right_arithmetic3A_725 : i32 to vector<16xi32>
    %shift_right_arithmetic3A_727 = arith.shrsi %add3A_724, %shift_right_arithmetic3A_726 : vector<16xi32>
    %gather3A_728 = tpu.vector_load_idx %arg11[%shift_right_arithmetic3A_723] : memref<4112xi32, #tpu.memory_space<vmem>>[vector<16xi32>], vector<16xi32>,
    %gather3A_729 = tpu.vector_load_idx %arg11[%shift_right_arithmetic3A_727] : memref<4112xi32, #tpu.memory_space<vmem>>[vector<16xi32>], vector<16xi32>,
    %lt3A_730 = arith.cmpi slt, %gather3A_728, %get3A_576 : vector<16xi32>
    %lt3A_731 = arith.cmpi slt, %gather3A_729, %add3A_579 : vector<16xi32>
    %add3A_732 = arith.constant 1 : i32
    %add3A_733 = vector.broadcast %add3A_732 : i32 to vector<16xi32>
    %add3A_734 = arith.addi %shift_right_arithmetic3A_723, %add3A_733 : vector<16xi32>
    %select_n3A_735 = arith.select %lt3A_730, %add3A_734, %select_n3A_713 : vector<16xi1>, vector<16xi32>
    %select_n3A_736 = arith.select %lt3A_730, %select_n3A_714, %shift_right_arithmetic3A_723 : vector<16xi1>, vector<16xi32>
    %add3A_737 = arith.constant 1 : i32
    %add3A_738 = vector.broadcast %add3A_737 : i32 to vector<16xi32>
    %add3A_739 = arith.addi %shift_right_arithmetic3A_727, %add3A_738 : vector<16xi32>
    %select_n3A_740 = arith.select %lt3A_731, %add3A_739, %select_n3A_718 : vector<16xi1>, vector<16xi32>
    %select_n3A_741 = arith.select %lt3A_731, %select_n3A_719, %shift_right_arithmetic3A_727 : vector<16xi1>, vector<16xi32>
    %add3A_742 = arith.addi %select_n3A_735, %select_n3A_736 : vector<16xi32>
    %shift_right_arithmetic3A_743 = arith.constant 1 : i32
    %shift_right_arithmetic3A_744 = vector.broadcast %shift_right_arithmetic3A_743 : i32 to vector<16xi32>
    %shift_right_arithmetic3A_745 = arith.shrsi %add3A_742, %shift_right_arithmetic3A_744 : vector<16xi32>
    %add3A_746 = arith.addi %select_n3A_740, %select_n3A_741 : vector<16xi32>
    %shift_right_arithmetic3A_747 = arith.constant 1 : i32
    %shift_right_arithmetic3A_748 = vector.broadcast %shift_right_arithmetic3A_747 : i32 to vector<16xi32>
    %shift_right_arithmetic3A_749 = arith.shrsi %add3A_746, %shift_right_arithmetic3A_748 : vector<16xi32>
    %gather3A_750 = tpu.vector_load_idx %arg11[%shift_right_arithmetic3A_745] : memref<4112xi32, #tpu.memory_space<vmem>>[vector<16xi32>], vector<16xi32>,
    %gather3A_751 = tpu.vector_load_idx %arg11[%shift_right_arithmetic3A_749] : memref<4112xi32, #tpu.memory_space<vmem>>[vector<16xi32>], vector<16xi32>,
    %lt3A_752 = arith.cmpi slt, %gather3A_750, %get3A_576 : vector<16xi32>
    %lt3A_753 = arith.cmpi slt, %gather3A_751, %add3A_579 : vector<16xi32>
    %add3A_754 = arith.constant 1 : i32
    %add3A_755 = vector.broadcast %add3A_754 : i32 to vector<16xi32>
    %add3A_756 = arith.addi %shift_right_arithmetic3A_745, %add3A_755 : vector<16xi32>
    %select_n3A_757 = arith.select %lt3A_752, %add3A_756, %select_n3A_735 : vector<16xi1>, vector<16xi32>
    %select_n3A_758 = arith.select %lt3A_752, %select_n3A_736, %shift_right_arithmetic3A_745 : vector<16xi1>, vector<16xi32>
    %add3A_759 = arith.constant 1 : i32
    %add3A_760 = vector.broadcast %add3A_759 : i32 to vector<16xi32>
    %add3A_761 = arith.addi %shift_right_arithmetic3A_749, %add3A_760 : vector<16xi32>
    %select_n3A_762 = arith.select %lt3A_753, %add3A_761, %select_n3A_740 : vector<16xi1>, vector<16xi32>
    %select_n3A_763 = arith.select %lt3A_753, %select_n3A_741, %shift_right_arithmetic3A_749 : vector<16xi1>, vector<16xi32>
    %add3A_764 = arith.addi %select_n3A_757, %select_n3A_758 : vector<16xi32>
    %shift_right_arithmetic3A_765 = arith.constant 1 : i32
    %shift_right_arithmetic3A_766 = vector.broadcast %shift_right_arithmetic3A_765 : i32 to vector<16xi32>
    %shift_right_arithmetic3A_767 = arith.shrsi %add3A_764, %shift_right_arithmetic3A_766 : vector<16xi32>
    %add3A_768 = arith.addi %select_n3A_762, %select_n3A_763 : vector<16xi32>
    %shift_right_arithmetic3A_769 = arith.constant 1 : i32
    %shift_right_arithmetic3A_770 = vector.broadcast %shift_right_arithmetic3A_769 : i32 to vector<16xi32>
    %shift_right_arithmetic3A_771 = arith.shrsi %add3A_768, %shift_right_arithmetic3A_770 : vector<16xi32>
    %gather3A_772 = tpu.vector_load_idx %arg11[%shift_right_arithmetic3A_767] : memref<4112xi32, #tpu.memory_space<vmem>>[vector<16xi32>], vector<16xi32>,
    %gather3A_773 = tpu.vector_load_idx %arg11[%shift_right_arithmetic3A_771] : memref<4112xi32, #tpu.memory_space<vmem>>[vector<16xi32>], vector<16xi32>,
    %lt3A_774 = arith.cmpi slt, %gather3A_772, %get3A_576 : vector<16xi32>
    %lt3A_775 = arith.cmpi slt, %gather3A_773, %add3A_579 : vector<16xi32>
    %add3A_776 = arith.constant 1 : i32
    %add3A_777 = vector.broadcast %add3A_776 : i32 to vector<16xi32>
    %add3A_778 = arith.addi %shift_right_arithmetic3A_767, %add3A_777 : vector<16xi32>
    %select_n3A_779 = arith.select %lt3A_774, %add3A_778, %select_n3A_757 : vector<16xi1>, vector<16xi32>
    %select_n3A_780 = arith.select %lt3A_774, %select_n3A_758, %shift_right_arithmetic3A_767 : vector<16xi1>, vector<16xi32>
    %add3A_781 = arith.constant 1 : i32
    %add3A_782 = vector.broadcast %add3A_781 : i32 to vector<16xi32>
    %add3A_783 = arith.addi %shift_right_arithmetic3A_771, %add3A_782 : vector<16xi32>
    %select_n3A_784 = arith.select %lt3A_775, %add3A_783, %select_n3A_762 : vector<16xi1>, vector<16xi32>
    %select_n3A_785 = arith.select %lt3A_775, %select_n3A_763, %shift_right_arithmetic3A_771 : vector<16xi1>, vector<16xi32>
    %add3A_786 = arith.addi %select_n3A_779, %select_n3A_780 : vector<16xi32>
    %shift_right_arithmetic3A_787 = arith.constant 1 : i32
    %shift_right_arithmetic3A_788 = vector.broadcast %shift_right_arithmetic3A_787 : i32 to vector<16xi32>
    %shift_right_arithmetic3A_789 = arith.shrsi %add3A_786, %shift_right_arithmetic3A_788 : vector<16xi32>
    %add3A_790 = arith.addi %select_n3A_784, %select_n3A_785 : vector<16xi32>
    %shift_right_arithmetic3A_791 = arith.constant 1 : i32
    %shift_right_arithmetic3A_792 = vector.broadcast %shift_right_arithmetic3A_791 : i32 to vector<16xi32>
    %shift_right_arithmetic3A_793 = arith.shrsi %add3A_790, %shift_right_arithmetic3A_792 : vector<16xi32>
    %gather3A_794 = tpu.vector_load_idx %arg11[%shift_right_arithmetic3A_789] : memref<4112xi32, #tpu.memory_space<vmem>>[vector<16xi32>], vector<16xi32>,
    %gather3A_795 = tpu.vector_load_idx %arg11[%shift_right_arithmetic3A_793] : memref<4112xi32, #tpu.memory_space<vmem>>[vector<16xi32>], vector<16xi32>,
    %lt3A_796 = arith.cmpi slt, %gather3A_794, %get3A_576 : vector<16xi32>
    %lt3A_797 = arith.cmpi slt, %gather3A_795, %add3A_579 : vector<16xi32>
    %add3A_798 = arith.constant 1 : i32
    %add3A_799 = vector.broadcast %add3A_798 : i32 to vector<16xi32>
    %add3A_800 = arith.addi %shift_right_arithmetic3A_789, %add3A_799 : vector<16xi32>
    %select_n3A_801 = arith.select %lt3A_796, %add3A_800, %select_n3A_779 : vector<16xi1>, vector<16xi32>
    %select_n3A_802 = arith.select %lt3A_796, %select_n3A_780, %shift_right_arithmetic3A_789 : vector<16xi1>, vector<16xi32>
    %add3A_803 = arith.constant 1 : i32
    %add3A_804 = vector.broadcast %add3A_803 : i32 to vector<16xi32>
    %add3A_805 = arith.addi %shift_right_arithmetic3A_793, %add3A_804 : vector<16xi32>
    %select_n3A_806 = arith.select %lt3A_797, %add3A_805, %select_n3A_784 : vector<16xi1>, vector<16xi32>
    %select_n3A_807 = arith.select %lt3A_797, %select_n3A_785, %shift_right_arithmetic3A_793 : vector<16xi1>, vector<16xi32>
    %add3A_808 = arith.addi %select_n3A_801, %select_n3A_802 : vector<16xi32>
    %shift_right_arithmetic3A_809 = arith.constant 1 : i32
    %shift_right_arithmetic3A_810 = vector.broadcast %shift_right_arithmetic3A_809 : i32 to vector<16xi32>
    %shift_right_arithmetic3A_811 = arith.shrsi %add3A_808, %shift_right_arithmetic3A_810 : vector<16xi32>
    %add3A_812 = arith.addi %select_n3A_806, %select_n3A_807 : vector<16xi32>
    %shift_right_arithmetic3A_813 = arith.constant 1 : i32
    %shift_right_arithmetic3A_814 = vector.broadcast %shift_right_arithmetic3A_813 : i32 to vector<16xi32>
    %shift_right_arithmetic3A_815 = arith.shrsi %add3A_812, %shift_right_arithmetic3A_814 : vector<16xi32>
    %gather3A_816 = tpu.vector_load_idx %arg11[%shift_right_arithmetic3A_811] : memref<4112xi32, #tpu.memory_space<vmem>>[vector<16xi32>], vector<16xi32>,
    %gather3A_817 = tpu.vector_load_idx %arg11[%shift_right_arithmetic3A_815] : memref<4112xi32, #tpu.memory_space<vmem>>[vector<16xi32>], vector<16xi32>,
    %lt3A_818 = arith.cmpi slt, %gather3A_816, %get3A_576 : vector<16xi32>
    %lt3A_819 = arith.cmpi slt, %gather3A_817, %add3A_579 : vector<16xi32>
    %add3A_820 = arith.constant 1 : i32
    %add3A_821 = vector.broadcast %add3A_820 : i32 to vector<16xi32>
    %add3A_822 = arith.addi %shift_right_arithmetic3A_811, %add3A_821 : vector<16xi32>
    %select_n3A_823 = arith.select %lt3A_818, %add3A_822, %select_n3A_801 : vector<16xi1>, vector<16xi32>
    %select_n3A_824 = arith.select %lt3A_818, %select_n3A_802, %shift_right_arithmetic3A_811 : vector<16xi1>, vector<16xi32>
    %add3A_825 = arith.constant 1 : i32
    %add3A_826 = vector.broadcast %add3A_825 : i32 to vector<16xi32>
    %add3A_827 = arith.addi %shift_right_arithmetic3A_815, %add3A_826 : vector<16xi32>
    %select_n3A_828 = arith.select %lt3A_819, %add3A_827, %select_n3A_806 : vector<16xi1>, vector<16xi32>
    %select_n3A_829 = arith.select %lt3A_819, %select_n3A_807, %shift_right_arithmetic3A_815 : vector<16xi1>, vector<16xi32>
    %add3A_830 = arith.addi %select_n3A_823, %select_n3A_824 : vector<16xi32>
    %shift_right_arithmetic3A_831 = arith.constant 1 : i32
    %shift_right_arithmetic3A_832 = vector.broadcast %shift_right_arithmetic3A_831 : i32 to vector<16xi32>
    %shift_right_arithmetic3A_833 = arith.shrsi %add3A_830, %shift_right_arithmetic3A_832 : vector<16xi32>
    %add3A_834 = arith.addi %select_n3A_828, %select_n3A_829 : vector<16xi32>
    %shift_right_arithmetic3A_835 = arith.constant 1 : i32
    %shift_right_arithmetic3A_836 = vector.broadcast %shift_right_arithmetic3A_835 : i32 to vector<16xi32>
    %shift_right_arithmetic3A_837 = arith.shrsi %add3A_834, %shift_right_arithmetic3A_836 : vector<16xi32>
    %gather3A_838 = tpu.vector_load_idx %arg11[%shift_right_arithmetic3A_833] : memref<4112xi32, #tpu.memory_space<vmem>>[vector<16xi32>], vector<16xi32>,
    %gather3A_839 = tpu.vector_load_idx %arg11[%shift_right_arithmetic3A_837] : memref<4112xi32, #tpu.memory_space<vmem>>[vector<16xi32>], vector<16xi32>,
    %lt3A_840 = arith.cmpi slt, %gather3A_838, %get3A_576 : vector<16xi32>
    %lt3A_841 = arith.cmpi slt, %gather3A_839, %add3A_579 : vector<16xi32>
    %add3A_842 = arith.constant 1 : i32
    %add3A_843 = vector.broadcast %add3A_842 : i32 to vector<16xi32>
    %add3A_844 = arith.addi %shift_right_arithmetic3A_833, %add3A_843 : vector<16xi32>
    %select_n3A_845 = arith.select %lt3A_840, %add3A_844, %select_n3A_823 : vector<16xi1>, vector<16xi32>
    %select_n3A_846 = arith.select %lt3A_840, %select_n3A_824, %shift_right_arithmetic3A_833 : vector<16xi1>, vector<16xi32>
    %add3A_847 = arith.constant 1 : i32
    %add3A_848 = vector.broadcast %add3A_847 : i32 to vector<16xi32>
    %add3A_849 = arith.addi %shift_right_arithmetic3A_837, %add3A_848 : vector<16xi32>
    %select_n3A_850 = arith.select %lt3A_841, %add3A_849, %select_n3A_828 : vector<16xi1>, vector<16xi32>
    %select_n3A_851 = arith.select %lt3A_841, %select_n3A_829, %shift_right_arithmetic3A_837 : vector<16xi1>, vector<16xi32>
    %swap3A_852 = arith.constant 32 : index
    %swap3A_853 = tpu.vector_load %arg12[%swap3A_852] {strides = array<i32>} : memref<144xi32, #tpu.memory_space<vmem>>, vector<16xi32>,
    tpu.vector_store %arg12[%swap3A_852], %select_n3A_845 {strides = array<i32>} : memref<144xi32, #tpu.memory_space<vmem>>, vector<16xi32>,
    %swap3A_854 = arith.constant 32 : index
    %swap3A_855 = tpu.vector_load %arg13[%swap3A_854] {strides = array<i32>} : memref<144xi32, #tpu.memory_space<vmem>>, vector<16xi32>,
    tpu.vector_store %arg13[%swap3A_854], %select_n3A_850 {strides = array<i32>} : memref<144xi32, #tpu.memory_space<vmem>>, vector<16xi32>,
    %add3A_856 = arith.constant 48 : i32
    %add3A_857 = arith.addi %mul3A_2, %add3A_856 : i32
    %get3A_858 = arith.index_cast %add3A_857 : i32 to index
    %get3A_859 = tpu.vector_load %arg11[%get3A_858] {strides = array<i32>} : memref<4112xi32, #tpu.memory_space<vmem>>, vector<16xi32>,
    %add3A_860 = arith.constant 1 : i32
    %add3A_861 = vector.broadcast %add3A_860 : i32 to vector<16xi32>
    %add3A_862 = arith.addi %get3A_859, %add3A_861 : vector<16xi32>
    %broadcast_in_dim3A_863 = arith.constant 0 : i32
    %broadcast_in_dim3A_864 = vector.broadcast %broadcast_in_dim3A_863 : i32 to vector<16xi32>
    %broadcast_in_dim3A_865 = arith.constant 4096 : i32
    %broadcast_in_dim3A_866 = vector.broadcast %broadcast_in_dim3A_865 : i32 to vector<16xi32>
    %broadcast_in_dim3A_867 = arith.constant 0 : i32
    %broadcast_in_dim3A_868 = vector.broadcast %broadcast_in_dim3A_867 : i32 to vector<16xi32>
    %broadcast_in_dim3A_869 = arith.constant 4096 : i32
    %broadcast_in_dim3A_870 = vector.broadcast %broadcast_in_dim3A_869 : i32 to vector<16xi32>
    %add3A_871 = arith.addi %broadcast_in_dim3A_864, %broadcast_in_dim3A_866 : vector<16xi32>
    %shift_right_arithmetic3A_872 = arith.constant 1 : i32
    %shift_right_arithmetic3A_873 = vector.broadcast %shift_right_arithmetic3A_872 : i32 to vector<16xi32>
    %shift_right_arithmetic3A_874 = arith.shrsi %add3A_871, %shift_right_arithmetic3A_873 : vector<16xi32>
    %add3A_875 = arith.addi %broadcast_in_dim3A_868, %broadcast_in_dim3A_870 : vector<16xi32>
    %shift_right_arithmetic3A_876 = arith.constant 1 : i32
    %shift_right_arithmetic3A_877 = vector.broadcast %shift_right_arithmetic3A_876 : i32 to vector<16xi32>
    %shift_right_arithmetic3A_878 = arith.shrsi %add3A_875, %shift_right_arithmetic3A_877 : vector<16xi32>
    %gather3A_879 = tpu.vector_load_idx %arg11[%shift_right_arithmetic3A_874] : memref<4112xi32, #tpu.memory_space<vmem>>[vector<16xi32>], vector<16xi32>,
    %gather3A_880 = tpu.vector_load_idx %arg11[%shift_right_arithmetic3A_878] : memref<4112xi32, #tpu.memory_space<vmem>>[vector<16xi32>], vector<16xi32>,
    %lt3A_881 = arith.cmpi slt, %gather3A_879, %get3A_859 : vector<16xi32>
    %lt3A_882 = arith.cmpi slt, %gather3A_880, %add3A_862 : vector<16xi32>
    %add3A_883 = arith.constant 1 : i32
    %add3A_884 = vector.broadcast %add3A_883 : i32 to vector<16xi32>
    %add3A_885 = arith.addi %shift_right_arithmetic3A_874, %add3A_884 : vector<16xi32>
    %select_n3A_886 = arith.select %lt3A_881, %add3A_885, %broadcast_in_dim3A_864 : vector<16xi1>, vector<16xi32>
    %select_n3A_887 = arith.select %lt3A_881, %broadcast_in_dim3A_866, %shift_right_arithmetic3A_874 : vector<16xi1>, vector<16xi32>
    %add3A_888 = arith.constant 1 : i32
    %add3A_889 = vector.broadcast %add3A_888 : i32 to vector<16xi32>
    %add3A_890 = arith.addi %shift_right_arithmetic3A_878, %add3A_889 : vector<16xi32>
    %select_n3A_891 = arith.select %lt3A_882, %add3A_890, %broadcast_in_dim3A_868 : vector<16xi1>, vector<16xi32>
    %select_n3A_892 = arith.select %lt3A_882, %broadcast_in_dim3A_870, %shift_right_arithmetic3A_878 : vector<16xi1>, vector<16xi32>
    %add3A_893 = arith.addi %select_n3A_886, %select_n3A_887 : vector<16xi32>
    %shift_right_arithmetic3A_894 = arith.constant 1 : i32
    %shift_right_arithmetic3A_895 = vector.broadcast %shift_right_arithmetic3A_894 : i32 to vector<16xi32>
    %shift_right_arithmetic3A_896 = arith.shrsi %add3A_893, %shift_right_arithmetic3A_895 : vector<16xi32>
    %add3A_897 = arith.addi %select_n3A_891, %select_n3A_892 : vector<16xi32>
    %shift_right_arithmetic3A_898 = arith.constant 1 : i32
    %shift_right_arithmetic3A_899 = vector.broadcast %shift_right_arithmetic3A_898 : i32 to vector<16xi32>
    %shift_right_arithmetic3A_900 = arith.shrsi %add3A_897, %shift_right_arithmetic3A_899 : vector<16xi32>
    %gather3A_901 = tpu.vector_load_idx %arg11[%shift_right_arithmetic3A_896] : memref<4112xi32, #tpu.memory_space<vmem>>[vector<16xi32>], vector<16xi32>,
    %gather3A_902 = tpu.vector_load_idx %arg11[%shift_right_arithmetic3A_900] : memref<4112xi32, #tpu.memory_space<vmem>>[vector<16xi32>], vector<16xi32>,
    %lt3A_903 = arith.cmpi slt, %gather3A_901, %get3A_859 : vector<16xi32>
    %lt3A_904 = arith.cmpi slt, %gather3A_902, %add3A_862 : vector<16xi32>
    %add3A_905 = arith.constant 1 : i32
    %add3A_906 = vector.broadcast %add3A_905 : i32 to vector<16xi32>
    %add3A_907 = arith.addi %shift_right_arithmetic3A_896, %add3A_906 : vector<16xi32>
    %select_n3A_908 = arith.select %lt3A_903, %add3A_907, %select_n3A_886 : vector<16xi1>, vector<16xi32>
    %select_n3A_909 = arith.select %lt3A_903, %select_n3A_887, %shift_right_arithmetic3A_896 : vector<16xi1>, vector<16xi32>
    %add3A_910 = arith.constant 1 : i32
    %add3A_911 = vector.broadcast %add3A_910 : i32 to vector<16xi32>
    %add3A_912 = arith.addi %shift_right_arithmetic3A_900, %add3A_911 : vector<16xi32>
    %select_n3A_913 = arith.select %lt3A_904, %add3A_912, %select_n3A_891 : vector<16xi1>, vector<16xi32>
    %select_n3A_914 = arith.select %lt3A_904, %select_n3A_892, %shift_right_arithmetic3A_900 : vector<16xi1>, vector<16xi32>
    %add3A_915 = arith.addi %select_n3A_908, %select_n3A_909 : vector<16xi32>
    %shift_right_arithmetic3A_916 = arith.constant 1 : i32
    %shift_right_arithmetic3A_917 = vector.broadcast %shift_right_arithmetic3A_916 : i32 to vector<16xi32>
    %shift_right_arithmetic3A_918 = arith.shrsi %add3A_915, %shift_right_arithmetic3A_917 : vector<16xi32>
    %add3A_919 = arith.addi %select_n3A_913, %select_n3A_914 : vector<16xi32>
    %shift_right_arithmetic3A_920 = arith.constant 1 : i32
    %shift_right_arithmetic3A_921 = vector.broadcast %shift_right_arithmetic3A_920 : i32 to vector<16xi32>
    %shift_right_arithmetic3A_922 = arith.shrsi %add3A_919, %shift_right_arithmetic3A_921 : vector<16xi32>
    %gather3A_923 = tpu.vector_load_idx %arg11[%shift_right_arithmetic3A_918] : memref<4112xi32, #tpu.memory_space<vmem>>[vector<16xi32>], vector<16xi32>,
    %gather3A_924 = tpu.vector_load_idx %arg11[%shift_right_arithmetic3A_922] : memref<4112xi32, #tpu.memory_space<vmem>>[vector<16xi32>], vector<16xi32>,
    %lt3A_925 = arith.cmpi slt, %gather3A_923, %get3A_859 : vector<16xi32>
    %lt3A_926 = arith.cmpi slt, %gather3A_924, %add3A_862 : vector<16xi32>
    %add3A_927 = arith.constant 1 : i32
    %add3A_928 = vector.broadcast %add3A_927 : i32 to vector<16xi32>
    %add3A_929 = arith.addi %shift_right_arithmetic3A_918, %add3A_928 : vector<16xi32>
    %select_n3A_930 = arith.select %lt3A_925, %add3A_929, %select_n3A_908 : vector<16xi1>, vector<16xi32>
    %select_n3A_931 = arith.select %lt3A_925, %select_n3A_909, %shift_right_arithmetic3A_918 : vector<16xi1>, vector<16xi32>
    %add3A_932 = arith.constant 1 : i32
    %add3A_933 = vector.broadcast %add3A_932 : i32 to vector<16xi32>
    %add3A_934 = arith.addi %shift_right_arithmetic3A_922, %add3A_933 : vector<16xi32>
    %select_n3A_935 = arith.select %lt3A_926, %add3A_934, %select_n3A_913 : vector<16xi1>, vector<16xi32>
    %select_n3A_936 = arith.select %lt3A_926, %select_n3A_914, %shift_right_arithmetic3A_922 : vector<16xi1>, vector<16xi32>
    %add3A_937 = arith.addi %select_n3A_930, %select_n3A_931 : vector<16xi32>
    %shift_right_arithmetic3A_938 = arith.constant 1 : i32
    %shift_right_arithmetic3A_939 = vector.broadcast %shift_right_arithmetic3A_938 : i32 to vector<16xi32>
    %shift_right_arithmetic3A_940 = arith.shrsi %add3A_937, %shift_right_arithmetic3A_939 : vector<16xi32>
    %add3A_941 = arith.addi %select_n3A_935, %select_n3A_936 : vector<16xi32>
    %shift_right_arithmetic3A_942 = arith.constant 1 : i32
    %shift_right_arithmetic3A_943 = vector.broadcast %shift_right_arithmetic3A_942 : i32 to vector<16xi32>
    %shift_right_arithmetic3A_944 = arith.shrsi %add3A_941, %shift_right_arithmetic3A_943 : vector<16xi32>
    %gather3A_945 = tpu.vector_load_idx %arg11[%shift_right_arithmetic3A_940] : memref<4112xi32, #tpu.memory_space<vmem>>[vector<16xi32>], vector<16xi32>,
    %gather3A_946 = tpu.vector_load_idx %arg11[%shift_right_arithmetic3A_944] : memref<4112xi32, #tpu.memory_space<vmem>>[vector<16xi32>], vector<16xi32>,
    %lt3A_947 = arith.cmpi slt, %gather3A_945, %get3A_859 : vector<16xi32>
    %lt3A_948 = arith.cmpi slt, %gather3A_946, %add3A_862 : vector<16xi32>
    %add3A_949 = arith.constant 1 : i32
    %add3A_950 = vector.broadcast %add3A_949 : i32 to vector<16xi32>
    %add3A_951 = arith.addi %shift_right_arithmetic3A_940, %add3A_950 : vector<16xi32>
    %select_n3A_952 = arith.select %lt3A_947, %add3A_951, %select_n3A_930 : vector<16xi1>, vector<16xi32>
    %select_n3A_953 = arith.select %lt3A_947, %select_n3A_931, %shift_right_arithmetic3A_940 : vector<16xi1>, vector<16xi32>
    %add3A_954 = arith.constant 1 : i32
    %add3A_955 = vector.broadcast %add3A_954 : i32 to vector<16xi32>
    %add3A_956 = arith.addi %shift_right_arithmetic3A_944, %add3A_955 : vector<16xi32>
    %select_n3A_957 = arith.select %lt3A_948, %add3A_956, %select_n3A_935 : vector<16xi1>, vector<16xi32>
    %select_n3A_958 = arith.select %lt3A_948, %select_n3A_936, %shift_right_arithmetic3A_944 : vector<16xi1>, vector<16xi32>
    %add3A_959 = arith.addi %select_n3A_952, %select_n3A_953 : vector<16xi32>
    %shift_right_arithmetic3A_960 = arith.constant 1 : i32
    %shift_right_arithmetic3A_961 = vector.broadcast %shift_right_arithmetic3A_960 : i32 to vector<16xi32>
    %shift_right_arithmetic3A_962 = arith.shrsi %add3A_959, %shift_right_arithmetic3A_961 : vector<16xi32>
    %add3A_963 = arith.addi %select_n3A_957, %select_n3A_958 : vector<16xi32>
    %shift_right_arithmetic3A_964 = arith.constant 1 : i32
    %shift_right_arithmetic3A_965 = vector.broadcast %shift_right_arithmetic3A_964 : i32 to vector<16xi32>
    %shift_right_arithmetic3A_966 = arith.shrsi %add3A_963, %shift_right_arithmetic3A_965 : vector<16xi32>
    %gather3A_967 = tpu.vector_load_idx %arg11[%shift_right_arithmetic3A_962] : memref<4112xi32, #tpu.memory_space<vmem>>[vector<16xi32>], vector<16xi32>,
    %gather3A_968 = tpu.vector_load_idx %arg11[%shift_right_arithmetic3A_966] : memref<4112xi32, #tpu.memory_space<vmem>>[vector<16xi32>], vector<16xi32>,
    %lt3A_969 = arith.cmpi slt, %gather3A_967, %get3A_859 : vector<16xi32>
    %lt3A_970 = arith.cmpi slt, %gather3A_968, %add3A_862 : vector<16xi32>
    %add3A_971 = arith.constant 1 : i32
    %add3A_972 = vector.broadcast %add3A_971 : i32 to vector<16xi32>
    %add3A_973 = arith.addi %shift_right_arithmetic3A_962, %add3A_972 : vector<16xi32>
    %select_n3A_974 = arith.select %lt3A_969, %add3A_973, %select_n3A_952 : vector<16xi1>, vector<16xi32>
    %select_n3A_975 = arith.select %lt3A_969, %select_n3A_953, %shift_right_arithmetic3A_962 : vector<16xi1>, vector<16xi32>
    %add3A_976 = arith.constant 1 : i32
    %add3A_977 = vector.broadcast %add3A_976 : i32 to vector<16xi32>
    %add3A_978 = arith.addi %shift_right_arithmetic3A_966, %add3A_977 : vector<16xi32>
    %select_n3A_979 = arith.select %lt3A_970, %add3A_978, %select_n3A_957 : vector<16xi1>, vector<16xi32>
    %select_n3A_980 = arith.select %lt3A_970, %select_n3A_958, %shift_right_arithmetic3A_966 : vector<16xi1>, vector<16xi32>
    %add3A_981 = arith.addi %select_n3A_974, %select_n3A_975 : vector<16xi32>
    %shift_right_arithmetic3A_982 = arith.constant 1 : i32
    %shift_right_arithmetic3A_983 = vector.broadcast %shift_right_arithmetic3A_982 : i32 to vector<16xi32>
    %shift_right_arithmetic3A_984 = arith.shrsi %add3A_981, %shift_right_arithmetic3A_983 : vector<16xi32>
    %add3A_985 = arith.addi %select_n3A_979, %select_n3A_980 : vector<16xi32>
    %shift_right_arithmetic3A_986 = arith.constant 1 : i32
    %shift_right_arithmetic3A_987 = vector.broadcast %shift_right_arithmetic3A_986 : i32 to vector<16xi32>
    %shift_right_arithmetic3A_988 = arith.shrsi %add3A_985, %shift_right_arithmetic3A_987 : vector<16xi32>
    %gather3A_989 = tpu.vector_load_idx %arg11[%shift_right_arithmetic3A_984] : memref<4112xi32, #tpu.memory_space<vmem>>[vector<16xi32>], vector<16xi32>,
    %gather3A_990 = tpu.vector_load_idx %arg11[%shift_right_arithmetic3A_988] : memref<4112xi32, #tpu.memory_space<vmem>>[vector<16xi32>], vector<16xi32>,
    %lt3A_991 = arith.cmpi slt, %gather3A_989, %get3A_859 : vector<16xi32>
    %lt3A_992 = arith.cmpi slt, %gather3A_990, %add3A_862 : vector<16xi32>
    %add3A_993 = arith.constant 1 : i32
    %add3A_994 = vector.broadcast %add3A_993 : i32 to vector<16xi32>
    %add3A_995 = arith.addi %shift_right_arithmetic3A_984, %add3A_994 : vector<16xi32>
    %select_n3A_996 = arith.select %lt3A_991, %add3A_995, %select_n3A_974 : vector<16xi1>, vector<16xi32>
    %select_n3A_997 = arith.select %lt3A_991, %select_n3A_975, %shift_right_arithmetic3A_984 : vector<16xi1>, vector<16xi32>
    %add3A_998 = arith.constant 1 : i32
    %add3A_999 = vector.broadcast %add3A_998 : i32 to vector<16xi32>
    %add3A_1000 = arith.addi %shift_right_arithmetic3A_988, %add3A_999 : vector<16xi32>
    %select_n3A_1001 = arith.select %lt3A_992, %add3A_1000, %select_n3A_979 : vector<16xi1>, vector<16xi32>
    %select_n3A_1002 = arith.select %lt3A_992, %select_n3A_980, %shift_right_arithmetic3A_988 : vector<16xi1>, vector<16xi32>
    %add3A_1003 = arith.addi %select_n3A_996, %select_n3A_997 : vector<16xi32>
    %shift_right_arithmetic3A_1004 = arith.constant 1 : i32
    %shift_right_arithmetic3A_1005 = vector.broadcast %shift_right_arithmetic3A_1004 : i32 to vector<16xi32>
    %shift_right_arithmetic3A_1006 = arith.shrsi %add3A_1003, %shift_right_arithmetic3A_1005 : vector<16xi32>
    %add3A_1007 = arith.addi %select_n3A_1001, %select_n3A_1002 : vector<16xi32>
    %shift_right_arithmetic3A_1008 = arith.constant 1 : i32
    %shift_right_arithmetic3A_1009 = vector.broadcast %shift_right_arithmetic3A_1008 : i32 to vector<16xi32>
    %shift_right_arithmetic3A_1010 = arith.shrsi %add3A_1007, %shift_right_arithmetic3A_1009 : vector<16xi32>
    %gather3A_1011 = tpu.vector_load_idx %arg11[%shift_right_arithmetic3A_1006] : memref<4112xi32, #tpu.memory_space<vmem>>[vector<16xi32>], vector<16xi32>,
    %gather3A_1012 = tpu.vector_load_idx %arg11[%shift_right_arithmetic3A_1010] : memref<4112xi32, #tpu.memory_space<vmem>>[vector<16xi32>], vector<16xi32>,
    %lt3A_1013 = arith.cmpi slt, %gather3A_1011, %get3A_859 : vector<16xi32>
    %lt3A_1014 = arith.cmpi slt, %gather3A_1012, %add3A_862 : vector<16xi32>
    %add3A_1015 = arith.constant 1 : i32
    %add3A_1016 = vector.broadcast %add3A_1015 : i32 to vector<16xi32>
    %add3A_1017 = arith.addi %shift_right_arithmetic3A_1006, %add3A_1016 : vector<16xi32>
    %select_n3A_1018 = arith.select %lt3A_1013, %add3A_1017, %select_n3A_996 : vector<16xi1>, vector<16xi32>
    %select_n3A_1019 = arith.select %lt3A_1013, %select_n3A_997, %shift_right_arithmetic3A_1006 : vector<16xi1>, vector<16xi32>
    %add3A_1020 = arith.constant 1 : i32
    %add3A_1021 = vector.broadcast %add3A_1020 : i32 to vector<16xi32>
    %add3A_1022 = arith.addi %shift_right_arithmetic3A_1010, %add3A_1021 : vector<16xi32>
    %select_n3A_1023 = arith.select %lt3A_1014, %add3A_1022, %select_n3A_1001 : vector<16xi1>, vector<16xi32>
    %select_n3A_1024 = arith.select %lt3A_1014, %select_n3A_1002, %shift_right_arithmetic3A_1010 : vector<16xi1>, vector<16xi32>
    %add3A_1025 = arith.addi %select_n3A_1018, %select_n3A_1019 : vector<16xi32>
    %shift_right_arithmetic3A_1026 = arith.constant 1 : i32
    %shift_right_arithmetic3A_1027 = vector.broadcast %shift_right_arithmetic3A_1026 : i32 to vector<16xi32>
    %shift_right_arithmetic3A_1028 = arith.shrsi %add3A_1025, %shift_right_arithmetic3A_1027 : vector<16xi32>
    %add3A_1029 = arith.addi %select_n3A_1023, %select_n3A_1024 : vector<16xi32>
    %shift_right_arithmetic3A_1030 = arith.constant 1 : i32
    %shift_right_arithmetic3A_1031 = vector.broadcast %shift_right_arithmetic3A_1030 : i32 to vector<16xi32>
    %shift_right_arithmetic3A_1032 = arith.shrsi %add3A_1029, %shift_right_arithmetic3A_1031 : vector<16xi32>
    %gather3A_1033 = tpu.vector_load_idx %arg11[%shift_right_arithmetic3A_1028] : memref<4112xi32, #tpu.memory_space<vmem>>[vector<16xi32>], vector<16xi32>,
    %gather3A_1034 = tpu.vector_load_idx %arg11[%shift_right_arithmetic3A_1032] : memref<4112xi32, #tpu.memory_space<vmem>>[vector<16xi32>], vector<16xi32>,
    %lt3A_1035 = arith.cmpi slt, %gather3A_1033, %get3A_859 : vector<16xi32>
    %lt3A_1036 = arith.cmpi slt, %gather3A_1034, %add3A_862 : vector<16xi32>
    %add3A_1037 = arith.constant 1 : i32
    %add3A_1038 = vector.broadcast %add3A_1037 : i32 to vector<16xi32>
    %add3A_1039 = arith.addi %shift_right_arithmetic3A_1028, %add3A_1038 : vector<16xi32>
    %select_n3A_1040 = arith.select %lt3A_1035, %add3A_1039, %select_n3A_1018 : vector<16xi1>, vector<16xi32>
    %select_n3A_1041 = arith.select %lt3A_1035, %select_n3A_1019, %shift_right_arithmetic3A_1028 : vector<16xi1>, vector<16xi32>
    %add3A_1042 = arith.constant 1 : i32
    %add3A_1043 = vector.broadcast %add3A_1042 : i32 to vector<16xi32>
    %add3A_1044 = arith.addi %shift_right_arithmetic3A_1032, %add3A_1043 : vector<16xi32>
    %select_n3A_1045 = arith.select %lt3A_1036, %add3A_1044, %select_n3A_1023 : vector<16xi1>, vector<16xi32>
    %select_n3A_1046 = arith.select %lt3A_1036, %select_n3A_1024, %shift_right_arithmetic3A_1032 : vector<16xi1>, vector<16xi32>
    %add3A_1047 = arith.addi %select_n3A_1040, %select_n3A_1041 : vector<16xi32>
    %shift_right_arithmetic3A_1048 = arith.constant 1 : i32
    %shift_right_arithmetic3A_1049 = vector.broadcast %shift_right_arithmetic3A_1048 : i32 to vector<16xi32>
    %shift_right_arithmetic3A_1050 = arith.shrsi %add3A_1047, %shift_right_arithmetic3A_1049 : vector<16xi32>
    %add3A_1051 = arith.addi %select_n3A_1045, %select_n3A_1046 : vector<16xi32>
    %shift_right_arithmetic3A_1052 = arith.constant 1 : i32
    %shift_right_arithmetic3A_1053 = vector.broadcast %shift_right_arithmetic3A_1052 : i32 to vector<16xi32>
    %shift_right_arithmetic3A_1054 = arith.shrsi %add3A_1051, %shift_right_arithmetic3A_1053 : vector<16xi32>
    %gather3A_1055 = tpu.vector_load_idx %arg11[%shift_right_arithmetic3A_1050] : memref<4112xi32, #tpu.memory_space<vmem>>[vector<16xi32>], vector<16xi32>,
    %gather3A_1056 = tpu.vector_load_idx %arg11[%shift_right_arithmetic3A_1054] : memref<4112xi32, #tpu.memory_space<vmem>>[vector<16xi32>], vector<16xi32>,
    %lt3A_1057 = arith.cmpi slt, %gather3A_1055, %get3A_859 : vector<16xi32>
    %lt3A_1058 = arith.cmpi slt, %gather3A_1056, %add3A_862 : vector<16xi32>
    %add3A_1059 = arith.constant 1 : i32
    %add3A_1060 = vector.broadcast %add3A_1059 : i32 to vector<16xi32>
    %add3A_1061 = arith.addi %shift_right_arithmetic3A_1050, %add3A_1060 : vector<16xi32>
    %select_n3A_1062 = arith.select %lt3A_1057, %add3A_1061, %select_n3A_1040 : vector<16xi1>, vector<16xi32>
    %select_n3A_1063 = arith.select %lt3A_1057, %select_n3A_1041, %shift_right_arithmetic3A_1050 : vector<16xi1>, vector<16xi32>
    %add3A_1064 = arith.constant 1 : i32
    %add3A_1065 = vector.broadcast %add3A_1064 : i32 to vector<16xi32>
    %add3A_1066 = arith.addi %shift_right_arithmetic3A_1054, %add3A_1065 : vector<16xi32>
    %select_n3A_1067 = arith.select %lt3A_1058, %add3A_1066, %select_n3A_1045 : vector<16xi1>, vector<16xi32>
    %select_n3A_1068 = arith.select %lt3A_1058, %select_n3A_1046, %shift_right_arithmetic3A_1054 : vector<16xi1>, vector<16xi32>
    %add3A_1069 = arith.addi %select_n3A_1062, %select_n3A_1063 : vector<16xi32>
    %shift_right_arithmetic3A_1070 = arith.constant 1 : i32
    %shift_right_arithmetic3A_1071 = vector.broadcast %shift_right_arithmetic3A_1070 : i32 to vector<16xi32>
    %shift_right_arithmetic3A_1072 = arith.shrsi %add3A_1069, %shift_right_arithmetic3A_1071 : vector<16xi32>
    %add3A_1073 = arith.addi %select_n3A_1067, %select_n3A_1068 : vector<16xi32>
    %shift_right_arithmetic3A_1074 = arith.constant 1 : i32
    %shift_right_arithmetic3A_1075 = vector.broadcast %shift_right_arithmetic3A_1074 : i32 to vector<16xi32>
    %shift_right_arithmetic3A_1076 = arith.shrsi %add3A_1073, %shift_right_arithmetic3A_1075 : vector<16xi32>
    %gather3A_1077 = tpu.vector_load_idx %arg11[%shift_right_arithmetic3A_1072] : memref<4112xi32, #tpu.memory_space<vmem>>[vector<16xi32>], vector<16xi32>,
    %gather3A_1078 = tpu.vector_load_idx %arg11[%shift_right_arithmetic3A_1076] : memref<4112xi32, #tpu.memory_space<vmem>>[vector<16xi32>], vector<16xi32>,
    %lt3A_1079 = arith.cmpi slt, %gather3A_1077, %get3A_859 : vector<16xi32>
    %lt3A_1080 = arith.cmpi slt, %gather3A_1078, %add3A_862 : vector<16xi32>
    %add3A_1081 = arith.constant 1 : i32
    %add3A_1082 = vector.broadcast %add3A_1081 : i32 to vector<16xi32>
    %add3A_1083 = arith.addi %shift_right_arithmetic3A_1072, %add3A_1082 : vector<16xi32>
    %select_n3A_1084 = arith.select %lt3A_1079, %add3A_1083, %select_n3A_1062 : vector<16xi1>, vector<16xi32>
    %select_n3A_1085 = arith.select %lt3A_1079, %select_n3A_1063, %shift_right_arithmetic3A_1072 : vector<16xi1>, vector<16xi32>
    %add3A_1086 = arith.constant 1 : i32
    %add3A_1087 = vector.broadcast %add3A_1086 : i32 to vector<16xi32>
    %add3A_1088 = arith.addi %shift_right_arithmetic3A_1076, %add3A_1087 : vector<16xi32>
    %select_n3A_1089 = arith.select %lt3A_1080, %add3A_1088, %select_n3A_1067 : vector<16xi1>, vector<16xi32>
    %select_n3A_1090 = arith.select %lt3A_1080, %select_n3A_1068, %shift_right_arithmetic3A_1076 : vector<16xi1>, vector<16xi32>
    %add3A_1091 = arith.addi %select_n3A_1084, %select_n3A_1085 : vector<16xi32>
    %shift_right_arithmetic3A_1092 = arith.constant 1 : i32
    %shift_right_arithmetic3A_1093 = vector.broadcast %shift_right_arithmetic3A_1092 : i32 to vector<16xi32>
    %shift_right_arithmetic3A_1094 = arith.shrsi %add3A_1091, %shift_right_arithmetic3A_1093 : vector<16xi32>
    %add3A_1095 = arith.addi %select_n3A_1089, %select_n3A_1090 : vector<16xi32>
    %shift_right_arithmetic3A_1096 = arith.constant 1 : i32
    %shift_right_arithmetic3A_1097 = vector.broadcast %shift_right_arithmetic3A_1096 : i32 to vector<16xi32>
    %shift_right_arithmetic3A_1098 = arith.shrsi %add3A_1095, %shift_right_arithmetic3A_1097 : vector<16xi32>
    %gather3A_1099 = tpu.vector_load_idx %arg11[%shift_right_arithmetic3A_1094] : memref<4112xi32, #tpu.memory_space<vmem>>[vector<16xi32>], vector<16xi32>,
    %gather3A_1100 = tpu.vector_load_idx %arg11[%shift_right_arithmetic3A_1098] : memref<4112xi32, #tpu.memory_space<vmem>>[vector<16xi32>], vector<16xi32>,
    %lt3A_1101 = arith.cmpi slt, %gather3A_1099, %get3A_859 : vector<16xi32>
    %lt3A_1102 = arith.cmpi slt, %gather3A_1100, %add3A_862 : vector<16xi32>
    %add3A_1103 = arith.constant 1 : i32
    %add3A_1104 = vector.broadcast %add3A_1103 : i32 to vector<16xi32>
    %add3A_1105 = arith.addi %shift_right_arithmetic3A_1094, %add3A_1104 : vector<16xi32>
    %select_n3A_1106 = arith.select %lt3A_1101, %add3A_1105, %select_n3A_1084 : vector<16xi1>, vector<16xi32>
    %select_n3A_1107 = arith.select %lt3A_1101, %select_n3A_1085, %shift_right_arithmetic3A_1094 : vector<16xi1>, vector<16xi32>
    %add3A_1108 = arith.constant 1 : i32
    %add3A_1109 = vector.broadcast %add3A_1108 : i32 to vector<16xi32>
    %add3A_1110 = arith.addi %shift_right_arithmetic3A_1098, %add3A_1109 : vector<16xi32>
    %select_n3A_1111 = arith.select %lt3A_1102, %add3A_1110, %select_n3A_1089 : vector<16xi1>, vector<16xi32>
    %select_n3A_1112 = arith.select %lt3A_1102, %select_n3A_1090, %shift_right_arithmetic3A_1098 : vector<16xi1>, vector<16xi32>
    %add3A_1113 = arith.addi %select_n3A_1106, %select_n3A_1107 : vector<16xi32>
    %shift_right_arithmetic3A_1114 = arith.constant 1 : i32
    %shift_right_arithmetic3A_1115 = vector.broadcast %shift_right_arithmetic3A_1114 : i32 to vector<16xi32>
    %shift_right_arithmetic3A_1116 = arith.shrsi %add3A_1113, %shift_right_arithmetic3A_1115 : vector<16xi32>
    %add3A_1117 = arith.addi %select_n3A_1111, %select_n3A_1112 : vector<16xi32>
    %shift_right_arithmetic3A_1118 = arith.constant 1 : i32
    %shift_right_arithmetic3A_1119 = vector.broadcast %shift_right_arithmetic3A_1118 : i32 to vector<16xi32>
    %shift_right_arithmetic3A_1120 = arith.shrsi %add3A_1117, %shift_right_arithmetic3A_1119 : vector<16xi32>
    %gather3A_1121 = tpu.vector_load_idx %arg11[%shift_right_arithmetic3A_1116] : memref<4112xi32, #tpu.memory_space<vmem>>[vector<16xi32>], vector<16xi32>,
    %gather3A_1122 = tpu.vector_load_idx %arg11[%shift_right_arithmetic3A_1120] : memref<4112xi32, #tpu.memory_space<vmem>>[vector<16xi32>], vector<16xi32>,
    %lt3A_1123 = arith.cmpi slt, %gather3A_1121, %get3A_859 : vector<16xi32>
    %lt3A_1124 = arith.cmpi slt, %gather3A_1122, %add3A_862 : vector<16xi32>
    %add3A_1125 = arith.constant 1 : i32
    %add3A_1126 = vector.broadcast %add3A_1125 : i32 to vector<16xi32>
    %add3A_1127 = arith.addi %shift_right_arithmetic3A_1116, %add3A_1126 : vector<16xi32>
    %select_n3A_1128 = arith.select %lt3A_1123, %add3A_1127, %select_n3A_1106 : vector<16xi1>, vector<16xi32>
    %select_n3A_1129 = arith.select %lt3A_1123, %select_n3A_1107, %shift_right_arithmetic3A_1116 : vector<16xi1>, vector<16xi32>
    %add3A_1130 = arith.constant 1 : i32
    %add3A_1131 = vector.broadcast %add3A_1130 : i32 to vector<16xi32>
    %add3A_1132 = arith.addi %shift_right_arithmetic3A_1120, %add3A_1131 : vector<16xi32>
    %select_n3A_1133 = arith.select %lt3A_1124, %add3A_1132, %select_n3A_1111 : vector<16xi1>, vector<16xi32>
    %select_n3A_1134 = arith.select %lt3A_1124, %select_n3A_1112, %shift_right_arithmetic3A_1120 : vector<16xi1>, vector<16xi32>
    %swap3A_1135 = arith.constant 48 : index
    %swap3A_1136 = tpu.vector_load %arg12[%swap3A_1135] {strides = array<i32>} : memref<144xi32, #tpu.memory_space<vmem>>, vector<16xi32>,
    tpu.vector_store %arg12[%swap3A_1135], %select_n3A_1128 {strides = array<i32>} : memref<144xi32, #tpu.memory_space<vmem>>, vector<16xi32>,
    %swap3A_1137 = arith.constant 48 : index
    %swap3A_1138 = tpu.vector_load %arg13[%swap3A_1137] {strides = array<i32>} : memref<144xi32, #tpu.memory_space<vmem>>, vector<16xi32>,
    tpu.vector_store %arg13[%swap3A_1137], %select_n3A_1133 {strides = array<i32>} : memref<144xi32, #tpu.memory_space<vmem>>, vector<16xi32>,
    %add3A_1139 = arith.constant 64 : i32
    %add3A_1140 = arith.addi %mul3A_2, %add3A_1139 : i32
    %get3A_1141 = arith.index_cast %add3A_1140 : i32 to index
    %get3A_1142 = tpu.vector_load %arg11[%get3A_1141] {strides = array<i32>} : memref<4112xi32, #tpu.memory_space<vmem>>, vector<16xi32>,
    %add3A_1143 = arith.constant 1 : i32
    %add3A_1144 = vector.broadcast %add3A_1143 : i32 to vector<16xi32>
    %add3A_1145 = arith.addi %get3A_1142, %add3A_1144 : vector<16xi32>
    %broadcast_in_dim3A_1146 = arith.constant 0 : i32
    %broadcast_in_dim3A_1147 = vector.broadcast %broadcast_in_dim3A_1146 : i32 to vector<16xi32>
    %broadcast_in_dim3A_1148 = arith.constant 4096 : i32
    %broadcast_in_dim3A_1149 = vector.broadcast %broadcast_in_dim3A_1148 : i32 to vector<16xi32>
    %broadcast_in_dim3A_1150 = arith.constant 0 : i32
    %broadcast_in_dim3A_1151 = vector.broadcast %broadcast_in_dim3A_1150 : i32 to vector<16xi32>
    %broadcast_in_dim3A_1152 = arith.constant 4096 : i32
    %broadcast_in_dim3A_1153 = vector.broadcast %broadcast_in_dim3A_1152 : i32 to vector<16xi32>
    %add3A_1154 = arith.addi %broadcast_in_dim3A_1147, %broadcast_in_dim3A_1149 : vector<16xi32>
    %shift_right_arithmetic3A_1155 = arith.constant 1 : i32
    %shift_right_arithmetic3A_1156 = vector.broadcast %shift_right_arithmetic3A_1155 : i32 to vector<16xi32>
    %shift_right_arithmetic3A_1157 = arith.shrsi %add3A_1154, %shift_right_arithmetic3A_1156 : vector<16xi32>
    %add3A_1158 = arith.addi %broadcast_in_dim3A_1151, %broadcast_in_dim3A_1153 : vector<16xi32>
    %shift_right_arithmetic3A_1159 = arith.constant 1 : i32
    %shift_right_arithmetic3A_1160 = vector.broadcast %shift_right_arithmetic3A_1159 : i32 to vector<16xi32>
    %shift_right_arithmetic3A_1161 = arith.shrsi %add3A_1158, %shift_right_arithmetic3A_1160 : vector<16xi32>
    %gather3A_1162 = tpu.vector_load_idx %arg11[%shift_right_arithmetic3A_1157] : memref<4112xi32, #tpu.memory_space<vmem>>[vector<16xi32>], vector<16xi32>,
    %gather3A_1163 = tpu.vector_load_idx %arg11[%shift_right_arithmetic3A_1161] : memref<4112xi32, #tpu.memory_space<vmem>>[vector<16xi32>], vector<16xi32>,
    %lt3A_1164 = arith.cmpi slt, %gather3A_1162, %get3A_1142 : vector<16xi32>
    %lt3A_1165 = arith.cmpi slt, %gather3A_1163, %add3A_1145 : vector<16xi32>
    %add3A_1166 = arith.constant 1 : i32
    %add3A_1167 = vector.broadcast %add3A_1166 : i32 to vector<16xi32>
    %add3A_1168 = arith.addi %shift_right_arithmetic3A_1157, %add3A_1167 : vector<16xi32>
    %select_n3A_1169 = arith.select %lt3A_1164, %add3A_1168, %broadcast_in_dim3A_1147 : vector<16xi1>, vector<16xi32>
    %select_n3A_1170 = arith.select %lt3A_1164, %broadcast_in_dim3A_1149, %shift_right_arithmetic3A_1157 : vector<16xi1>, vector<16xi32>
    %add3A_1171 = arith.constant 1 : i32
    %add3A_1172 = vector.broadcast %add3A_1171 : i32 to vector<16xi32>
    %add3A_1173 = arith.addi %shift_right_arithmetic3A_1161, %add3A_1172 : vector<16xi32>
    %select_n3A_1174 = arith.select %lt3A_1165, %add3A_1173, %broadcast_in_dim3A_1151 : vector<16xi1>, vector<16xi32>
    %select_n3A_1175 = arith.select %lt3A_1165, %broadcast_in_dim3A_1153, %shift_right_arithmetic3A_1161 : vector<16xi1>, vector<16xi32>
    %add3A_1176 = arith.addi %select_n3A_1169, %select_n3A_1170 : vector<16xi32>
    %shift_right_arithmetic3A_1177 = arith.constant 1 : i32
    %shift_right_arithmetic3A_1178 = vector.broadcast %shift_right_arithmetic3A_1177 : i32 to vector<16xi32>
    %shift_right_arithmetic3A_1179 = arith.shrsi %add3A_1176, %shift_right_arithmetic3A_1178 : vector<16xi32>
    %add3A_1180 = arith.addi %select_n3A_1174, %select_n3A_1175 : vector<16xi32>
    %shift_right_arithmetic3A_1181 = arith.constant 1 : i32
    %shift_right_arithmetic3A_1182 = vector.broadcast %shift_right_arithmetic3A_1181 : i32 to vector<16xi32>
    %shift_right_arithmetic3A_1183 = arith.shrsi %add3A_1180, %shift_right_arithmetic3A_1182 : vector<16xi32>
    %gather3A_1184 = tpu.vector_load_idx %arg11[%shift_right_arithmetic3A_1179] : memref<4112xi32, #tpu.memory_space<vmem>>[vector<16xi32>], vector<16xi32>,
    %gather3A_1185 = tpu.vector_load_idx %arg11[%shift_right_arithmetic3A_1183] : memref<4112xi32, #tpu.memory_space<vmem>>[vector<16xi32>], vector<16xi32>,
    %lt3A_1186 = arith.cmpi slt, %gather3A_1184, %get3A_1142 : vector<16xi32>
    %lt3A_1187 = arith.cmpi slt, %gather3A_1185, %add3A_1145 : vector<16xi32>
    %add3A_1188 = arith.constant 1 : i32
    %add3A_1189 = vector.broadcast %add3A_1188 : i32 to vector<16xi32>
    %add3A_1190 = arith.addi %shift_right_arithmetic3A_1179, %add3A_1189 : vector<16xi32>
    %select_n3A_1191 = arith.select %lt3A_1186, %add3A_1190, %select_n3A_1169 : vector<16xi1>, vector<16xi32>
    %select_n3A_1192 = arith.select %lt3A_1186, %select_n3A_1170, %shift_right_arithmetic3A_1179 : vector<16xi1>, vector<16xi32>
    %add3A_1193 = arith.constant 1 : i32
    %add3A_1194 = vector.broadcast %add3A_1193 : i32 to vector<16xi32>
    %add3A_1195 = arith.addi %shift_right_arithmetic3A_1183, %add3A_1194 : vector<16xi32>
    %select_n3A_1196 = arith.select %lt3A_1187, %add3A_1195, %select_n3A_1174 : vector<16xi1>, vector<16xi32>
    %select_n3A_1197 = arith.select %lt3A_1187, %select_n3A_1175, %shift_right_arithmetic3A_1183 : vector<16xi1>, vector<16xi32>
    %add3A_1198 = arith.addi %select_n3A_1191, %select_n3A_1192 : vector<16xi32>
    %shift_right_arithmetic3A_1199 = arith.constant 1 : i32
    %shift_right_arithmetic3A_1200 = vector.broadcast %shift_right_arithmetic3A_1199 : i32 to vector<16xi32>
    %shift_right_arithmetic3A_1201 = arith.shrsi %add3A_1198, %shift_right_arithmetic3A_1200 : vector<16xi32>
    %add3A_1202 = arith.addi %select_n3A_1196, %select_n3A_1197 : vector<16xi32>
    %shift_right_arithmetic3A_1203 = arith.constant 1 : i32
    %shift_right_arithmetic3A_1204 = vector.broadcast %shift_right_arithmetic3A_1203 : i32 to vector<16xi32>
    %shift_right_arithmetic3A_1205 = arith.shrsi %add3A_1202, %shift_right_arithmetic3A_1204 : vector<16xi32>
    %gather3A_1206 = tpu.vector_load_idx %arg11[%shift_right_arithmetic3A_1201] : memref<4112xi32, #tpu.memory_space<vmem>>[vector<16xi32>], vector<16xi32>,
    %gather3A_1207 = tpu.vector_load_idx %arg11[%shift_right_arithmetic3A_1205] : memref<4112xi32, #tpu.memory_space<vmem>>[vector<16xi32>], vector<16xi32>,
    %lt3A_1208 = arith.cmpi slt, %gather3A_1206, %get3A_1142 : vector<16xi32>
    %lt3A_1209 = arith.cmpi slt, %gather3A_1207, %add3A_1145 : vector<16xi32>
    %add3A_1210 = arith.constant 1 : i32
    %add3A_1211 = vector.broadcast %add3A_1210 : i32 to vector<16xi32>
    %add3A_1212 = arith.addi %shift_right_arithmetic3A_1201, %add3A_1211 : vector<16xi32>
    %select_n3A_1213 = arith.select %lt3A_1208, %add3A_1212, %select_n3A_1191 : vector<16xi1>, vector<16xi32>
    %select_n3A_1214 = arith.select %lt3A_1208, %select_n3A_1192, %shift_right_arithmetic3A_1201 : vector<16xi1>, vector<16xi32>
    %add3A_1215 = arith.constant 1 : i32
    %add3A_1216 = vector.broadcast %add3A_1215 : i32 to vector<16xi32>
    %add3A_1217 = arith.addi %shift_right_arithmetic3A_1205, %add3A_1216 : vector<16xi32>
    %select_n3A_1218 = arith.select %lt3A_1209, %add3A_1217, %select_n3A_1196 : vector<16xi1>, vector<16xi32>
    %select_n3A_1219 = arith.select %lt3A_1209, %select_n3A_1197, %shift_right_arithmetic3A_1205 : vector<16xi1>, vector<16xi32>
    %add3A_1220 = arith.addi %select_n3A_1213, %select_n3A_1214 : vector<16xi32>
    %shift_right_arithmetic3A_1221 = arith.constant 1 : i32
    %shift_right_arithmetic3A_1222 = vector.broadcast %shift_right_arithmetic3A_1221 : i32 to vector<16xi32>
    %shift_right_arithmetic3A_1223 = arith.shrsi %add3A_1220, %shift_right_arithmetic3A_1222 : vector<16xi32>
    %add3A_1224 = arith.addi %select_n3A_1218, %select_n3A_1219 : vector<16xi32>
    %shift_right_arithmetic3A_1225 = arith.constant 1 : i32
    %shift_right_arithmetic3A_1226 = vector.broadcast %shift_right_arithmetic3A_1225 : i32 to vector<16xi32>
    %shift_right_arithmetic3A_1227 = arith.shrsi %add3A_1224, %shift_right_arithmetic3A_1226 : vector<16xi32>
    %gather3A_1228 = tpu.vector_load_idx %arg11[%shift_right_arithmetic3A_1223] : memref<4112xi32, #tpu.memory_space<vmem>>[vector<16xi32>], vector<16xi32>,
    %gather3A_1229 = tpu.vector_load_idx %arg11[%shift_right_arithmetic3A_1227] : memref<4112xi32, #tpu.memory_space<vmem>>[vector<16xi32>], vector<16xi32>,
    %lt3A_1230 = arith.cmpi slt, %gather3A_1228, %get3A_1142 : vector<16xi32>
    %lt3A_1231 = arith.cmpi slt, %gather3A_1229, %add3A_1145 : vector<16xi32>
    %add3A_1232 = arith.constant 1 : i32
    %add3A_1233 = vector.broadcast %add3A_1232 : i32 to vector<16xi32>
    %add3A_1234 = arith.addi %shift_right_arithmetic3A_1223, %add3A_1233 : vector<16xi32>
    %select_n3A_1235 = arith.select %lt3A_1230, %add3A_1234, %select_n3A_1213 : vector<16xi1>, vector<16xi32>
    %select_n3A_1236 = arith.select %lt3A_1230, %select_n3A_1214, %shift_right_arithmetic3A_1223 : vector<16xi1>, vector<16xi32>
    %add3A_1237 = arith.constant 1 : i32
    %add3A_1238 = vector.broadcast %add3A_1237 : i32 to vector<16xi32>
    %add3A_1239 = arith.addi %shift_right_arithmetic3A_1227, %add3A_1238 : vector<16xi32>
    %select_n3A_1240 = arith.select %lt3A_1231, %add3A_1239, %select_n3A_1218 : vector<16xi1>, vector<16xi32>
    %select_n3A_1241 = arith.select %lt3A_1231, %select_n3A_1219, %shift_right_arithmetic3A_1227 : vector<16xi1>, vector<16xi32>
    %add3A_1242 = arith.addi %select_n3A_1235, %select_n3A_1236 : vector<16xi32>
    %shift_right_arithmetic3A_1243 = arith.constant 1 : i32
    %shift_right_arithmetic3A_1244 = vector.broadcast %shift_right_arithmetic3A_1243 : i32 to vector<16xi32>
    %shift_right_arithmetic3A_1245 = arith.shrsi %add3A_1242, %shift_right_arithmetic3A_1244 : vector<16xi32>
    %add3A_1246 = arith.addi %select_n3A_1240, %select_n3A_1241 : vector<16xi32>
    %shift_right_arithmetic3A_1247 = arith.constant 1 : i32
    %shift_right_arithmetic3A_1248 = vector.broadcast %shift_right_arithmetic3A_1247 : i32 to vector<16xi32>
    %shift_right_arithmetic3A_1249 = arith.shrsi %add3A_1246, %shift_right_arithmetic3A_1248 : vector<16xi32>
    %gather3A_1250 = tpu.vector_load_idx %arg11[%shift_right_arithmetic3A_1245] : memref<4112xi32, #tpu.memory_space<vmem>>[vector<16xi32>], vector<16xi32>,
    %gather3A_1251 = tpu.vector_load_idx %arg11[%shift_right_arithmetic3A_1249] : memref<4112xi32, #tpu.memory_space<vmem>>[vector<16xi32>], vector<16xi32>,
    %lt3A_1252 = arith.cmpi slt, %gather3A_1250, %get3A_1142 : vector<16xi32>
    %lt3A_1253 = arith.cmpi slt, %gather3A_1251, %add3A_1145 : vector<16xi32>
    %add3A_1254 = arith.constant 1 : i32
    %add3A_1255 = vector.broadcast %add3A_1254 : i32 to vector<16xi32>
    %add3A_1256 = arith.addi %shift_right_arithmetic3A_1245, %add3A_1255 : vector<16xi32>
    %select_n3A_1257 = arith.select %lt3A_1252, %add3A_1256, %select_n3A_1235 : vector<16xi1>, vector<16xi32>
    %select_n3A_1258 = arith.select %lt3A_1252, %select_n3A_1236, %shift_right_arithmetic3A_1245 : vector<16xi1>, vector<16xi32>
    %add3A_1259 = arith.constant 1 : i32
    %add3A_1260 = vector.broadcast %add3A_1259 : i32 to vector<16xi32>
    %add3A_1261 = arith.addi %shift_right_arithmetic3A_1249, %add3A_1260 : vector<16xi32>
    %select_n3A_1262 = arith.select %lt3A_1253, %add3A_1261, %select_n3A_1240 : vector<16xi1>, vector<16xi32>
    %select_n3A_1263 = arith.select %lt3A_1253, %select_n3A_1241, %shift_right_arithmetic3A_1249 : vector<16xi1>, vector<16xi32>
    %add3A_1264 = arith.addi %select_n3A_1257, %select_n3A_1258 : vector<16xi32>
    %shift_right_arithmetic3A_1265 = arith.constant 1 : i32
    %shift_right_arithmetic3A_1266 = vector.broadcast %shift_right_arithmetic3A_1265 : i32 to vector<16xi32>
    %shift_right_arithmetic3A_1267 = arith.shrsi %add3A_1264, %shift_right_arithmetic3A_1266 : vector<16xi32>
    %add3A_1268 = arith.addi %select_n3A_1262, %select_n3A_1263 : vector<16xi32>
    %shift_right_arithmetic3A_1269 = arith.constant 1 : i32
    %shift_right_arithmetic3A_1270 = vector.broadcast %shift_right_arithmetic3A_1269 : i32 to vector<16xi32>
    %shift_right_arithmetic3A_1271 = arith.shrsi %add3A_1268, %shift_right_arithmetic3A_1270 : vector<16xi32>
    %gather3A_1272 = tpu.vector_load_idx %arg11[%shift_right_arithmetic3A_1267] : memref<4112xi32, #tpu.memory_space<vmem>>[vector<16xi32>], vector<16xi32>,
    %gather3A_1273 = tpu.vector_load_idx %arg11[%shift_right_arithmetic3A_1271] : memref<4112xi32, #tpu.memory_space<vmem>>[vector<16xi32>], vector<16xi32>,
    %lt3A_1274 = arith.cmpi slt, %gather3A_1272, %get3A_1142 : vector<16xi32>
    %lt3A_1275 = arith.cmpi slt, %gather3A_1273, %add3A_1145 : vector<16xi32>
    %add3A_1276 = arith.constant 1 : i32
    %add3A_1277 = vector.broadcast %add3A_1276 : i32 to vector<16xi32>
    %add3A_1278 = arith.addi %shift_right_arithmetic3A_1267, %add3A_1277 : vector<16xi32>
    %select_n3A_1279 = arith.select %lt3A_1274, %add3A_1278, %select_n3A_1257 : vector<16xi1>, vector<16xi32>
    %select_n3A_1280 = arith.select %lt3A_1274, %select_n3A_1258, %shift_right_arithmetic3A_1267 : vector<16xi1>, vector<16xi32>
    %add3A_1281 = arith.constant 1 : i32
    %add3A_1282 = vector.broadcast %add3A_1281 : i32 to vector<16xi32>
    %add3A_1283 = arith.addi %shift_right_arithmetic3A_1271, %add3A_1282 : vector<16xi32>
    %select_n3A_1284 = arith.select %lt3A_1275, %add3A_1283, %select_n3A_1262 : vector<16xi1>, vector<16xi32>
    %select_n3A_1285 = arith.select %lt3A_1275, %select_n3A_1263, %shift_right_arithmetic3A_1271 : vector<16xi1>, vector<16xi32>
    %add3A_1286 = arith.addi %select_n3A_1279, %select_n3A_1280 : vector<16xi32>
    %shift_right_arithmetic3A_1287 = arith.constant 1 : i32
    %shift_right_arithmetic3A_1288 = vector.broadcast %shift_right_arithmetic3A_1287 : i32 to vector<16xi32>
    %shift_right_arithmetic3A_1289 = arith.shrsi %add3A_1286, %shift_right_arithmetic3A_1288 : vector<16xi32>
    %add3A_1290 = arith.addi %select_n3A_1284, %select_n3A_1285 : vector<16xi32>
    %shift_right_arithmetic3A_1291 = arith.constant 1 : i32
    %shift_right_arithmetic3A_1292 = vector.broadcast %shift_right_arithmetic3A_1291 : i32 to vector<16xi32>
    %shift_right_arithmetic3A_1293 = arith.shrsi %add3A_1290, %shift_right_arithmetic3A_1292 : vector<16xi32>
    %gather3A_1294 = tpu.vector_load_idx %arg11[%shift_right_arithmetic3A_1289] : memref<4112xi32, #tpu.memory_space<vmem>>[vector<16xi32>], vector<16xi32>,
    %gather3A_1295 = tpu.vector_load_idx %arg11[%shift_right_arithmetic3A_1293] : memref<4112xi32, #tpu.memory_space<vmem>>[vector<16xi32>], vector<16xi32>,
    %lt3A_1296 = arith.cmpi slt, %gather3A_1294, %get3A_1142 : vector<16xi32>
    %lt3A_1297 = arith.cmpi slt, %gather3A_1295, %add3A_1145 : vector<16xi32>
    %add3A_1298 = arith.constant 1 : i32
    %add3A_1299 = vector.broadcast %add3A_1298 : i32 to vector<16xi32>
    %add3A_1300 = arith.addi %shift_right_arithmetic3A_1289, %add3A_1299 : vector<16xi32>
    %select_n3A_1301 = arith.select %lt3A_1296, %add3A_1300, %select_n3A_1279 : vector<16xi1>, vector<16xi32>
    %select_n3A_1302 = arith.select %lt3A_1296, %select_n3A_1280, %shift_right_arithmetic3A_1289 : vector<16xi1>, vector<16xi32>
    %add3A_1303 = arith.constant 1 : i32
    %add3A_1304 = vector.broadcast %add3A_1303 : i32 to vector<16xi32>
    %add3A_1305 = arith.addi %shift_right_arithmetic3A_1293, %add3A_1304 : vector<16xi32>
    %select_n3A_1306 = arith.select %lt3A_1297, %add3A_1305, %select_n3A_1284 : vector<16xi1>, vector<16xi32>
    %select_n3A_1307 = arith.select %lt3A_1297, %select_n3A_1285, %shift_right_arithmetic3A_1293 : vector<16xi1>, vector<16xi32>
    %add3A_1308 = arith.addi %select_n3A_1301, %select_n3A_1302 : vector<16xi32>
    %shift_right_arithmetic3A_1309 = arith.constant 1 : i32
    %shift_right_arithmetic3A_1310 = vector.broadcast %shift_right_arithmetic3A_1309 : i32 to vector<16xi32>
    %shift_right_arithmetic3A_1311 = arith.shrsi %add3A_1308, %shift_right_arithmetic3A_1310 : vector<16xi32>
    %add3A_1312 = arith.addi %select_n3A_1306, %select_n3A_1307 : vector<16xi32>
    %shift_right_arithmetic3A_1313 = arith.constant 1 : i32
    %shift_right_arithmetic3A_1314 = vector.broadcast %shift_right_arithmetic3A_1313 : i32 to vector<16xi32>
    %shift_right_arithmetic3A_1315 = arith.shrsi %add3A_1312, %shift_right_arithmetic3A_1314 : vector<16xi32>
    %gather3A_1316 = tpu.vector_load_idx %arg11[%shift_right_arithmetic3A_1311] : memref<4112xi32, #tpu.memory_space<vmem>>[vector<16xi32>], vector<16xi32>,
    %gather3A_1317 = tpu.vector_load_idx %arg11[%shift_right_arithmetic3A_1315] : memref<4112xi32, #tpu.memory_space<vmem>>[vector<16xi32>], vector<16xi32>,
    %lt3A_1318 = arith.cmpi slt, %gather3A_1316, %get3A_1142 : vector<16xi32>
    %lt3A_1319 = arith.cmpi slt, %gather3A_1317, %add3A_1145 : vector<16xi32>
    %add3A_1320 = arith.constant 1 : i32
    %add3A_1321 = vector.broadcast %add3A_1320 : i32 to vector<16xi32>
    %add3A_1322 = arith.addi %shift_right_arithmetic3A_1311, %add3A_1321 : vector<16xi32>
    %select_n3A_1323 = arith.select %lt3A_1318, %add3A_1322, %select_n3A_1301 : vector<16xi1>, vector<16xi32>
    %select_n3A_1324 = arith.select %lt3A_1318, %select_n3A_1302, %shift_right_arithmetic3A_1311 : vector<16xi1>, vector<16xi32>
    %add3A_1325 = arith.constant 1 : i32
    %add3A_1326 = vector.broadcast %add3A_1325 : i32 to vector<16xi32>
    %add3A_1327 = arith.addi %shift_right_arithmetic3A_1315, %add3A_1326 : vector<16xi32>
    %select_n3A_1328 = arith.select %lt3A_1319, %add3A_1327, %select_n3A_1306 : vector<16xi1>, vector<16xi32>
    %select_n3A_1329 = arith.select %lt3A_1319, %select_n3A_1307, %shift_right_arithmetic3A_1315 : vector<16xi1>, vector<16xi32>
    %add3A_1330 = arith.addi %select_n3A_1323, %select_n3A_1324 : vector<16xi32>
    %shift_right_arithmetic3A_1331 = arith.constant 1 : i32
    %shift_right_arithmetic3A_1332 = vector.broadcast %shift_right_arithmetic3A_1331 : i32 to vector<16xi32>
    %shift_right_arithmetic3A_1333 = arith.shrsi %add3A_1330, %shift_right_arithmetic3A_1332 : vector<16xi32>
    %add3A_1334 = arith.addi %select_n3A_1328, %select_n3A_1329 : vector<16xi32>
    %shift_right_arithmetic3A_1335 = arith.constant 1 : i32
    %shift_right_arithmetic3A_1336 = vector.broadcast %shift_right_arithmetic3A_1335 : i32 to vector<16xi32>
    %shift_right_arithmetic3A_1337 = arith.shrsi %add3A_1334, %shift_right_arithmetic3A_1336 : vector<16xi32>
    %gather3A_1338 = tpu.vector_load_idx %arg11[%shift_right_arithmetic3A_1333] : memref<4112xi32, #tpu.memory_space<vmem>>[vector<16xi32>], vector<16xi32>,
    %gather3A_1339 = tpu.vector_load_idx %arg11[%shift_right_arithmetic3A_1337] : memref<4112xi32, #tpu.memory_space<vmem>>[vector<16xi32>], vector<16xi32>,
    %lt3A_1340 = arith.cmpi slt, %gather3A_1338, %get3A_1142 : vector<16xi32>
    %lt3A_1341 = arith.cmpi slt, %gather3A_1339, %add3A_1145 : vector<16xi32>
    %add3A_1342 = arith.constant 1 : i32
    %add3A_1343 = vector.broadcast %add3A_1342 : i32 to vector<16xi32>
    %add3A_1344 = arith.addi %shift_right_arithmetic3A_1333, %add3A_1343 : vector<16xi32>
    %select_n3A_1345 = arith.select %lt3A_1340, %add3A_1344, %select_n3A_1323 : vector<16xi1>, vector<16xi32>
    %select_n3A_1346 = arith.select %lt3A_1340, %select_n3A_1324, %shift_right_arithmetic3A_1333 : vector<16xi1>, vector<16xi32>
    %add3A_1347 = arith.constant 1 : i32
    %add3A_1348 = vector.broadcast %add3A_1347 : i32 to vector<16xi32>
    %add3A_1349 = arith.addi %shift_right_arithmetic3A_1337, %add3A_1348 : vector<16xi32>
    %select_n3A_1350 = arith.select %lt3A_1341, %add3A_1349, %select_n3A_1328 : vector<16xi1>, vector<16xi32>
    %select_n3A_1351 = arith.select %lt3A_1341, %select_n3A_1329, %shift_right_arithmetic3A_1337 : vector<16xi1>, vector<16xi32>
    %add3A_1352 = arith.addi %select_n3A_1345, %select_n3A_1346 : vector<16xi32>
    %shift_right_arithmetic3A_1353 = arith.constant 1 : i32
    %shift_right_arithmetic3A_1354 = vector.broadcast %shift_right_arithmetic3A_1353 : i32 to vector<16xi32>
    %shift_right_arithmetic3A_1355 = arith.shrsi %add3A_1352, %shift_right_arithmetic3A_1354 : vector<16xi32>
    %add3A_1356 = arith.addi %select_n3A_1350, %select_n3A_1351 : vector<16xi32>
    %shift_right_arithmetic3A_1357 = arith.constant 1 : i32
    %shift_right_arithmetic3A_1358 = vector.broadcast %shift_right_arithmetic3A_1357 : i32 to vector<16xi32>
    %shift_right_arithmetic3A_1359 = arith.shrsi %add3A_1356, %shift_right_arithmetic3A_1358 : vector<16xi32>
    %gather3A_1360 = tpu.vector_load_idx %arg11[%shift_right_arithmetic3A_1355] : memref<4112xi32, #tpu.memory_space<vmem>>[vector<16xi32>], vector<16xi32>,
    %gather3A_1361 = tpu.vector_load_idx %arg11[%shift_right_arithmetic3A_1359] : memref<4112xi32, #tpu.memory_space<vmem>>[vector<16xi32>], vector<16xi32>,
    %lt3A_1362 = arith.cmpi slt, %gather3A_1360, %get3A_1142 : vector<16xi32>
    %lt3A_1363 = arith.cmpi slt, %gather3A_1361, %add3A_1145 : vector<16xi32>
    %add3A_1364 = arith.constant 1 : i32
    %add3A_1365 = vector.broadcast %add3A_1364 : i32 to vector<16xi32>
    %add3A_1366 = arith.addi %shift_right_arithmetic3A_1355, %add3A_1365 : vector<16xi32>
    %select_n3A_1367 = arith.select %lt3A_1362, %add3A_1366, %select_n3A_1345 : vector<16xi1>, vector<16xi32>
    %select_n3A_1368 = arith.select %lt3A_1362, %select_n3A_1346, %shift_right_arithmetic3A_1355 : vector<16xi1>, vector<16xi32>
    %add3A_1369 = arith.constant 1 : i32
    %add3A_1370 = vector.broadcast %add3A_1369 : i32 to vector<16xi32>
    %add3A_1371 = arith.addi %shift_right_arithmetic3A_1359, %add3A_1370 : vector<16xi32>
    %select_n3A_1372 = arith.select %lt3A_1363, %add3A_1371, %select_n3A_1350 : vector<16xi1>, vector<16xi32>
    %select_n3A_1373 = arith.select %lt3A_1363, %select_n3A_1351, %shift_right_arithmetic3A_1359 : vector<16xi1>, vector<16xi32>
    %add3A_1374 = arith.addi %select_n3A_1367, %select_n3A_1368 : vector<16xi32>
    %shift_right_arithmetic3A_1375 = arith.constant 1 : i32
    %shift_right_arithmetic3A_1376 = vector.broadcast %shift_right_arithmetic3A_1375 : i32 to vector<16xi32>
    %shift_right_arithmetic3A_1377 = arith.shrsi %add3A_1374, %shift_right_arithmetic3A_1376 : vector<16xi32>
    %add3A_1378 = arith.addi %select_n3A_1372, %select_n3A_1373 : vector<16xi32>
    %shift_right_arithmetic3A_1379 = arith.constant 1 : i32
    %shift_right_arithmetic3A_1380 = vector.broadcast %shift_right_arithmetic3A_1379 : i32 to vector<16xi32>
    %shift_right_arithmetic3A_1381 = arith.shrsi %add3A_1378, %shift_right_arithmetic3A_1380 : vector<16xi32>
    %gather3A_1382 = tpu.vector_load_idx %arg11[%shift_right_arithmetic3A_1377] : memref<4112xi32, #tpu.memory_space<vmem>>[vector<16xi32>], vector<16xi32>,
    %gather3A_1383 = tpu.vector_load_idx %arg11[%shift_right_arithmetic3A_1381] : memref<4112xi32, #tpu.memory_space<vmem>>[vector<16xi32>], vector<16xi32>,
    %lt3A_1384 = arith.cmpi slt, %gather3A_1382, %get3A_1142 : vector<16xi32>
    %lt3A_1385 = arith.cmpi slt, %gather3A_1383, %add3A_1145 : vector<16xi32>
    %add3A_1386 = arith.constant 1 : i32
    %add3A_1387 = vector.broadcast %add3A_1386 : i32 to vector<16xi32>
    %add3A_1388 = arith.addi %shift_right_arithmetic3A_1377, %add3A_1387 : vector<16xi32>
    %select_n3A_1389 = arith.select %lt3A_1384, %add3A_1388, %select_n3A_1367 : vector<16xi1>, vector<16xi32>
    %select_n3A_1390 = arith.select %lt3A_1384, %select_n3A_1368, %shift_right_arithmetic3A_1377 : vector<16xi1>, vector<16xi32>
    %add3A_1391 = arith.constant 1 : i32
    %add3A_1392 = vector.broadcast %add3A_1391 : i32 to vector<16xi32>
    %add3A_1393 = arith.addi %shift_right_arithmetic3A_1381, %add3A_1392 : vector<16xi32>
    %select_n3A_1394 = arith.select %lt3A_1385, %add3A_1393, %select_n3A_1372 : vector<16xi1>, vector<16xi32>
    %select_n3A_1395 = arith.select %lt3A_1385, %select_n3A_1373, %shift_right_arithmetic3A_1381 : vector<16xi1>, vector<16xi32>
    %add3A_1396 = arith.addi %select_n3A_1389, %select_n3A_1390 : vector<16xi32>
    %shift_right_arithmetic3A_1397 = arith.constant 1 : i32
    %shift_right_arithmetic3A_1398 = vector.broadcast %shift_right_arithmetic3A_1397 : i32 to vector<16xi32>
    %shift_right_arithmetic3A_1399 = arith.shrsi %add3A_1396, %shift_right_arithmetic3A_1398 : vector<16xi32>
    %add3A_1400 = arith.addi %select_n3A_1394, %select_n3A_1395 : vector<16xi32>
    %shift_right_arithmetic3A_1401 = arith.constant 1 : i32
    %shift_right_arithmetic3A_1402 = vector.broadcast %shift_right_arithmetic3A_1401 : i32 to vector<16xi32>
    %shift_right_arithmetic3A_1403 = arith.shrsi %add3A_1400, %shift_right_arithmetic3A_1402 : vector<16xi32>
    %gather3A_1404 = tpu.vector_load_idx %arg11[%shift_right_arithmetic3A_1399] : memref<4112xi32, #tpu.memory_space<vmem>>[vector<16xi32>], vector<16xi32>,
    %gather3A_1405 = tpu.vector_load_idx %arg11[%shift_right_arithmetic3A_1403] : memref<4112xi32, #tpu.memory_space<vmem>>[vector<16xi32>], vector<16xi32>,
    %lt3A_1406 = arith.cmpi slt, %gather3A_1404, %get3A_1142 : vector<16xi32>
    %lt3A_1407 = arith.cmpi slt, %gather3A_1405, %add3A_1145 : vector<16xi32>
    %add3A_1408 = arith.constant 1 : i32
    %add3A_1409 = vector.broadcast %add3A_1408 : i32 to vector<16xi32>
    %add3A_1410 = arith.addi %shift_right_arithmetic3A_1399, %add3A_1409 : vector<16xi32>
    %select_n3A_1411 = arith.select %lt3A_1406, %add3A_1410, %select_n3A_1389 : vector<16xi1>, vector<16xi32>
    %select_n3A_1412 = arith.select %lt3A_1406, %select_n3A_1390, %shift_right_arithmetic3A_1399 : vector<16xi1>, vector<16xi32>
    %add3A_1413 = arith.constant 1 : i32
    %add3A_1414 = vector.broadcast %add3A_1413 : i32 to vector<16xi32>
    %add3A_1415 = arith.addi %shift_right_arithmetic3A_1403, %add3A_1414 : vector<16xi32>
    %select_n3A_1416 = arith.select %lt3A_1407, %add3A_1415, %select_n3A_1394 : vector<16xi1>, vector<16xi32>
    %select_n3A_1417 = arith.select %lt3A_1407, %select_n3A_1395, %shift_right_arithmetic3A_1403 : vector<16xi1>, vector<16xi32>
    %swap3A_1418 = arith.constant 64 : index
    %swap3A_1419 = tpu.vector_load %arg12[%swap3A_1418] {strides = array<i32>} : memref<144xi32, #tpu.memory_space<vmem>>, vector<16xi32>,
    tpu.vector_store %arg12[%swap3A_1418], %select_n3A_1411 {strides = array<i32>} : memref<144xi32, #tpu.memory_space<vmem>>, vector<16xi32>,
    %swap3A_1420 = arith.constant 64 : index
    %swap3A_1421 = tpu.vector_load %arg13[%swap3A_1420] {strides = array<i32>} : memref<144xi32, #tpu.memory_space<vmem>>, vector<16xi32>,
    tpu.vector_store %arg13[%swap3A_1420], %select_n3A_1416 {strides = array<i32>} : memref<144xi32, #tpu.memory_space<vmem>>, vector<16xi32>,
    %add3A_1422 = arith.constant 80 : i32
    %add3A_1423 = arith.addi %mul3A_2, %add3A_1422 : i32
    %get3A_1424 = arith.index_cast %add3A_1423 : i32 to index
    %get3A_1425 = tpu.vector_load %arg11[%get3A_1424] {strides = array<i32>} : memref<4112xi32, #tpu.memory_space<vmem>>, vector<16xi32>,
    %add3A_1426 = arith.constant 1 : i32
    %add3A_1427 = vector.broadcast %add3A_1426 : i32 to vector<16xi32>
    %add3A_1428 = arith.addi %get3A_1425, %add3A_1427 : vector<16xi32>
    %broadcast_in_dim3A_1429 = arith.constant 0 : i32
    %broadcast_in_dim3A_1430 = vector.broadcast %broadcast_in_dim3A_1429 : i32 to vector<16xi32>
    %broadcast_in_dim3A_1431 = arith.constant 4096 : i32
    %broadcast_in_dim3A_1432 = vector.broadcast %broadcast_in_dim3A_1431 : i32 to vector<16xi32>
    %broadcast_in_dim3A_1433 = arith.constant 0 : i32
    %broadcast_in_dim3A_1434 = vector.broadcast %broadcast_in_dim3A_1433 : i32 to vector<16xi32>
    %broadcast_in_dim3A_1435 = arith.constant 4096 : i32
    %broadcast_in_dim3A_1436 = vector.broadcast %broadcast_in_dim3A_1435 : i32 to vector<16xi32>
    %add3A_1437 = arith.addi %broadcast_in_dim3A_1430, %broadcast_in_dim3A_1432 : vector<16xi32>
    %shift_right_arithmetic3A_1438 = arith.constant 1 : i32
    %shift_right_arithmetic3A_1439 = vector.broadcast %shift_right_arithmetic3A_1438 : i32 to vector<16xi32>
    %shift_right_arithmetic3A_1440 = arith.shrsi %add3A_1437, %shift_right_arithmetic3A_1439 : vector<16xi32>
    %add3A_1441 = arith.addi %broadcast_in_dim3A_1434, %broadcast_in_dim3A_1436 : vector<16xi32>
    %shift_right_arithmetic3A_1442 = arith.constant 1 : i32
    %shift_right_arithmetic3A_1443 = vector.broadcast %shift_right_arithmetic3A_1442 : i32 to vector<16xi32>
    %shift_right_arithmetic3A_1444 = arith.shrsi %add3A_1441, %shift_right_arithmetic3A_1443 : vector<16xi32>
    %gather3A_1445 = tpu.vector_load_idx %arg11[%shift_right_arithmetic3A_1440] : memref<4112xi32, #tpu.memory_space<vmem>>[vector<16xi32>], vector<16xi32>,
    %gather3A_1446 = tpu.vector_load_idx %arg11[%shift_right_arithmetic3A_1444] : memref<4112xi32, #tpu.memory_space<vmem>>[vector<16xi32>], vector<16xi32>,
    %lt3A_1447 = arith.cmpi slt, %gather3A_1445, %get3A_1425 : vector<16xi32>
    %lt3A_1448 = arith.cmpi slt, %gather3A_1446, %add3A_1428 : vector<16xi32>
    %add3A_1449 = arith.constant 1 : i32
    %add3A_1450 = vector.broadcast %add3A_1449 : i32 to vector<16xi32>
    %add3A_1451 = arith.addi %shift_right_arithmetic3A_1440, %add3A_1450 : vector<16xi32>
    %select_n3A_1452 = arith.select %lt3A_1447, %add3A_1451, %broadcast_in_dim3A_1430 : vector<16xi1>, vector<16xi32>
    %select_n3A_1453 = arith.select %lt3A_1447, %broadcast_in_dim3A_1432, %shift_right_arithmetic3A_1440 : vector<16xi1>, vector<16xi32>
    %add3A_1454 = arith.constant 1 : i32
    %add3A_1455 = vector.broadcast %add3A_1454 : i32 to vector<16xi32>
    %add3A_1456 = arith.addi %shift_right_arithmetic3A_1444, %add3A_1455 : vector<16xi32>
    %select_n3A_1457 = arith.select %lt3A_1448, %add3A_1456, %broadcast_in_dim3A_1434 : vector<16xi1>, vector<16xi32>
    %select_n3A_1458 = arith.select %lt3A_1448, %broadcast_in_dim3A_1436, %shift_right_arithmetic3A_1444 : vector<16xi1>, vector<16xi32>
    %add3A_1459 = arith.addi %select_n3A_1452, %select_n3A_1453 : vector<16xi32>
    %shift_right_arithmetic3A_1460 = arith.constant 1 : i32
    %shift_right_arithmetic3A_1461 = vector.broadcast %shift_right_arithmetic3A_1460 : i32 to vector<16xi32>
    %shift_right_arithmetic3A_1462 = arith.shrsi %add3A_1459, %shift_right_arithmetic3A_1461 : vector<16xi32>
    %add3A_1463 = arith.addi %select_n3A_1457, %select_n3A_1458 : vector<16xi32>
    %shift_right_arithmetic3A_1464 = arith.constant 1 : i32
    %shift_right_arithmetic3A_1465 = vector.broadcast %shift_right_arithmetic3A_1464 : i32 to vector<16xi32>
    %shift_right_arithmetic3A_1466 = arith.shrsi %add3A_1463, %shift_right_arithmetic3A_1465 : vector<16xi32>
    %gather3A_1467 = tpu.vector_load_idx %arg11[%shift_right_arithmetic3A_1462] : memref<4112xi32, #tpu.memory_space<vmem>>[vector<16xi32>], vector<16xi32>,
    %gather3A_1468 = tpu.vector_load_idx %arg11[%shift_right_arithmetic3A_1466] : memref<4112xi32, #tpu.memory_space<vmem>>[vector<16xi32>], vector<16xi32>,
    %lt3A_1469 = arith.cmpi slt, %gather3A_1467, %get3A_1425 : vector<16xi32>
    %lt3A_1470 = arith.cmpi slt, %gather3A_1468, %add3A_1428 : vector<16xi32>
    %add3A_1471 = arith.constant 1 : i32
    %add3A_1472 = vector.broadcast %add3A_1471 : i32 to vector<16xi32>
    %add3A_1473 = arith.addi %shift_right_arithmetic3A_1462, %add3A_1472 : vector<16xi32>
    %select_n3A_1474 = arith.select %lt3A_1469, %add3A_1473, %select_n3A_1452 : vector<16xi1>, vector<16xi32>
    %select_n3A_1475 = arith.select %lt3A_1469, %select_n3A_1453, %shift_right_arithmetic3A_1462 : vector<16xi1>, vector<16xi32>
    %add3A_1476 = arith.constant 1 : i32
    %add3A_1477 = vector.broadcast %add3A_1476 : i32 to vector<16xi32>
    %add3A_1478 = arith.addi %shift_right_arithmetic3A_1466, %add3A_1477 : vector<16xi32>
    %select_n3A_1479 = arith.select %lt3A_1470, %add3A_1478, %select_n3A_1457 : vector<16xi1>, vector<16xi32>
    %select_n3A_1480 = arith.select %lt3A_1470, %select_n3A_1458, %shift_right_arithmetic3A_1466 : vector<16xi1>, vector<16xi32>
    %add3A_1481 = arith.addi %select_n3A_1474, %select_n3A_1475 : vector<16xi32>
    %shift_right_arithmetic3A_1482 = arith.constant 1 : i32
    %shift_right_arithmetic3A_1483 = vector.broadcast %shift_right_arithmetic3A_1482 : i32 to vector<16xi32>
    %shift_right_arithmetic3A_1484 = arith.shrsi %add3A_1481, %shift_right_arithmetic3A_1483 : vector<16xi32>
    %add3A_1485 = arith.addi %select_n3A_1479, %select_n3A_1480 : vector<16xi32>
    %shift_right_arithmetic3A_1486 = arith.constant 1 : i32
    %shift_right_arithmetic3A_1487 = vector.broadcast %shift_right_arithmetic3A_1486 : i32 to vector<16xi32>
    %shift_right_arithmetic3A_1488 = arith.shrsi %add3A_1485, %shift_right_arithmetic3A_1487 : vector<16xi32>
    %gather3A_1489 = tpu.vector_load_idx %arg11[%shift_right_arithmetic3A_1484] : memref<4112xi32, #tpu.memory_space<vmem>>[vector<16xi32>], vector<16xi32>,
    %gather3A_1490 = tpu.vector_load_idx %arg11[%shift_right_arithmetic3A_1488] : memref<4112xi32, #tpu.memory_space<vmem>>[vector<16xi32>], vector<16xi32>,
    %lt3A_1491 = arith.cmpi slt, %gather3A_1489, %get3A_1425 : vector<16xi32>
    %lt3A_1492 = arith.cmpi slt, %gather3A_1490, %add3A_1428 : vector<16xi32>
    %add3A_1493 = arith.constant 1 : i32
    %add3A_1494 = vector.broadcast %add3A_1493 : i32 to vector<16xi32>
    %add3A_1495 = arith.addi %shift_right_arithmetic3A_1484, %add3A_1494 : vector<16xi32>
    %select_n3A_1496 = arith.select %lt3A_1491, %add3A_1495, %select_n3A_1474 : vector<16xi1>, vector<16xi32>
    %select_n3A_1497 = arith.select %lt3A_1491, %select_n3A_1475, %shift_right_arithmetic3A_1484 : vector<16xi1>, vector<16xi32>
    %add3A_1498 = arith.constant 1 : i32
    %add3A_1499 = vector.broadcast %add3A_1498 : i32 to vector<16xi32>
    %add3A_1500 = arith.addi %shift_right_arithmetic3A_1488, %add3A_1499 : vector<16xi32>
    %select_n3A_1501 = arith.select %lt3A_1492, %add3A_1500, %select_n3A_1479 : vector<16xi1>, vector<16xi32>
    %select_n3A_1502 = arith.select %lt3A_1492, %select_n3A_1480, %shift_right_arithmetic3A_1488 : vector<16xi1>, vector<16xi32>
    %add3A_1503 = arith.addi %select_n3A_1496, %select_n3A_1497 : vector<16xi32>
    %shift_right_arithmetic3A_1504 = arith.constant 1 : i32
    %shift_right_arithmetic3A_1505 = vector.broadcast %shift_right_arithmetic3A_1504 : i32 to vector<16xi32>
    %shift_right_arithmetic3A_1506 = arith.shrsi %add3A_1503, %shift_right_arithmetic3A_1505 : vector<16xi32>
    %add3A_1507 = arith.addi %select_n3A_1501, %select_n3A_1502 : vector<16xi32>
    %shift_right_arithmetic3A_1508 = arith.constant 1 : i32
    %shift_right_arithmetic3A_1509 = vector.broadcast %shift_right_arithmetic3A_1508 : i32 to vector<16xi32>
    %shift_right_arithmetic3A_1510 = arith.shrsi %add3A_1507, %shift_right_arithmetic3A_1509 : vector<16xi32>
    %gather3A_1511 = tpu.vector_load_idx %arg11[%shift_right_arithmetic3A_1506] : memref<4112xi32, #tpu.memory_space<vmem>>[vector<16xi32>], vector<16xi32>,
    %gather3A_1512 = tpu.vector_load_idx %arg11[%shift_right_arithmetic3A_1510] : memref<4112xi32, #tpu.memory_space<vmem>>[vector<16xi32>], vector<16xi32>,
    %lt3A_1513 = arith.cmpi slt, %gather3A_1511, %get3A_1425 : vector<16xi32>
    %lt3A_1514 = arith.cmpi slt, %gather3A_1512, %add3A_1428 : vector<16xi32>
    %add3A_1515 = arith.constant 1 : i32
    %add3A_1516 = vector.broadcast %add3A_1515 : i32 to vector<16xi32>
    %add3A_1517 = arith.addi %shift_right_arithmetic3A_1506, %add3A_1516 : vector<16xi32>
    %select_n3A_1518 = arith.select %lt3A_1513, %add3A_1517, %select_n3A_1496 : vector<16xi1>, vector<16xi32>
    %select_n3A_1519 = arith.select %lt3A_1513, %select_n3A_1497, %shift_right_arithmetic3A_1506 : vector<16xi1>, vector<16xi32>
    %add3A_1520 = arith.constant 1 : i32
    %add3A_1521 = vector.broadcast %add3A_1520 : i32 to vector<16xi32>
    %add3A_1522 = arith.addi %shift_right_arithmetic3A_1510, %add3A_1521 : vector<16xi32>
    %select_n3A_1523 = arith.select %lt3A_1514, %add3A_1522, %select_n3A_1501 : vector<16xi1>, vector<16xi32>
    %select_n3A_1524 = arith.select %lt3A_1514, %select_n3A_1502, %shift_right_arithmetic3A_1510 : vector<16xi1>, vector<16xi32>
    %add3A_1525 = arith.addi %select_n3A_1518, %select_n3A_1519 : vector<16xi32>
    %shift_right_arithmetic3A_1526 = arith.constant 1 : i32
    %shift_right_arithmetic3A_1527 = vector.broadcast %shift_right_arithmetic3A_1526 : i32 to vector<16xi32>
    %shift_right_arithmetic3A_1528 = arith.shrsi %add3A_1525, %shift_right_arithmetic3A_1527 : vector<16xi32>
    %add3A_1529 = arith.addi %select_n3A_1523, %select_n3A_1524 : vector<16xi32>
    %shift_right_arithmetic3A_1530 = arith.constant 1 : i32
    %shift_right_arithmetic3A_1531 = vector.broadcast %shift_right_arithmetic3A_1530 : i32 to vector<16xi32>
    %shift_right_arithmetic3A_1532 = arith.shrsi %add3A_1529, %shift_right_arithmetic3A_1531 : vector<16xi32>
    %gather3A_1533 = tpu.vector_load_idx %arg11[%shift_right_arithmetic3A_1528] : memref<4112xi32, #tpu.memory_space<vmem>>[vector<16xi32>], vector<16xi32>,
    %gather3A_1534 = tpu.vector_load_idx %arg11[%shift_right_arithmetic3A_1532] : memref<4112xi32, #tpu.memory_space<vmem>>[vector<16xi32>], vector<16xi32>,
    %lt3A_1535 = arith.cmpi slt, %gather3A_1533, %get3A_1425 : vector<16xi32>
    %lt3A_1536 = arith.cmpi slt, %gather3A_1534, %add3A_1428 : vector<16xi32>
    %add3A_1537 = arith.constant 1 : i32
    %add3A_1538 = vector.broadcast %add3A_1537 : i32 to vector<16xi32>
    %add3A_1539 = arith.addi %shift_right_arithmetic3A_1528, %add3A_1538 : vector<16xi32>
    %select_n3A_1540 = arith.select %lt3A_1535, %add3A_1539, %select_n3A_1518 : vector<16xi1>, vector<16xi32>
    %select_n3A_1541 = arith.select %lt3A_1535, %select_n3A_1519, %shift_right_arithmetic3A_1528 : vector<16xi1>, vector<16xi32>
    %add3A_1542 = arith.constant 1 : i32
    %add3A_1543 = vector.broadcast %add3A_1542 : i32 to vector<16xi32>
    %add3A_1544 = arith.addi %shift_right_arithmetic3A_1532, %add3A_1543 : vector<16xi32>
    %select_n3A_1545 = arith.select %lt3A_1536, %add3A_1544, %select_n3A_1523 : vector<16xi1>, vector<16xi32>
    %select_n3A_1546 = arith.select %lt3A_1536, %select_n3A_1524, %shift_right_arithmetic3A_1532 : vector<16xi1>, vector<16xi32>
    %add3A_1547 = arith.addi %select_n3A_1540, %select_n3A_1541 : vector<16xi32>
    %shift_right_arithmetic3A_1548 = arith.constant 1 : i32
    %shift_right_arithmetic3A_1549 = vector.broadcast %shift_right_arithmetic3A_1548 : i32 to vector<16xi32>
    %shift_right_arithmetic3A_1550 = arith.shrsi %add3A_1547, %shift_right_arithmetic3A_1549 : vector<16xi32>
    %add3A_1551 = arith.addi %select_n3A_1545, %select_n3A_1546 : vector<16xi32>
    %shift_right_arithmetic3A_1552 = arith.constant 1 : i32
    %shift_right_arithmetic3A_1553 = vector.broadcast %shift_right_arithmetic3A_1552 : i32 to vector<16xi32>
    %shift_right_arithmetic3A_1554 = arith.shrsi %add3A_1551, %shift_right_arithmetic3A_1553 : vector<16xi32>
    %gather3A_1555 = tpu.vector_load_idx %arg11[%shift_right_arithmetic3A_1550] : memref<4112xi32, #tpu.memory_space<vmem>>[vector<16xi32>], vector<16xi32>,
    %gather3A_1556 = tpu.vector_load_idx %arg11[%shift_right_arithmetic3A_1554] : memref<4112xi32, #tpu.memory_space<vmem>>[vector<16xi32>], vector<16xi32>,
    %lt3A_1557 = arith.cmpi slt, %gather3A_1555, %get3A_1425 : vector<16xi32>
    %lt3A_1558 = arith.cmpi slt, %gather3A_1556, %add3A_1428 : vector<16xi32>
    %add3A_1559 = arith.constant 1 : i32
    %add3A_1560 = vector.broadcast %add3A_1559 : i32 to vector<16xi32>
    %add3A_1561 = arith.addi %shift_right_arithmetic3A_1550, %add3A_1560 : vector<16xi32>
    %select_n3A_1562 = arith.select %lt3A_1557, %add3A_1561, %select_n3A_1540 : vector<16xi1>, vector<16xi32>
    %select_n3A_1563 = arith.select %lt3A_1557, %select_n3A_1541, %shift_right_arithmetic3A_1550 : vector<16xi1>, vector<16xi32>
    %add3A_1564 = arith.constant 1 : i32
    %add3A_1565 = vector.broadcast %add3A_1564 : i32 to vector<16xi32>
    %add3A_1566 = arith.addi %shift_right_arithmetic3A_1554, %add3A_1565 : vector<16xi32>
    %select_n3A_1567 = arith.select %lt3A_1558, %add3A_1566, %select_n3A_1545 : vector<16xi1>, vector<16xi32>
    %select_n3A_1568 = arith.select %lt3A_1558, %select_n3A_1546, %shift_right_arithmetic3A_1554 : vector<16xi1>, vector<16xi32>
    %add3A_1569 = arith.addi %select_n3A_1562, %select_n3A_1563 : vector<16xi32>
    %shift_right_arithmetic3A_1570 = arith.constant 1 : i32
    %shift_right_arithmetic3A_1571 = vector.broadcast %shift_right_arithmetic3A_1570 : i32 to vector<16xi32>
    %shift_right_arithmetic3A_1572 = arith.shrsi %add3A_1569, %shift_right_arithmetic3A_1571 : vector<16xi32>
    %add3A_1573 = arith.addi %select_n3A_1567, %select_n3A_1568 : vector<16xi32>
    %shift_right_arithmetic3A_1574 = arith.constant 1 : i32
    %shift_right_arithmetic3A_1575 = vector.broadcast %shift_right_arithmetic3A_1574 : i32 to vector<16xi32>
    %shift_right_arithmetic3A_1576 = arith.shrsi %add3A_1573, %shift_right_arithmetic3A_1575 : vector<16xi32>
    %gather3A_1577 = tpu.vector_load_idx %arg11[%shift_right_arithmetic3A_1572] : memref<4112xi32, #tpu.memory_space<vmem>>[vector<16xi32>], vector<16xi32>,
    %gather3A_1578 = tpu.vector_load_idx %arg11[%shift_right_arithmetic3A_1576] : memref<4112xi32, #tpu.memory_space<vmem>>[vector<16xi32>], vector<16xi32>,
    %lt3A_1579 = arith.cmpi slt, %gather3A_1577, %get3A_1425 : vector<16xi32>
    %lt3A_1580 = arith.cmpi slt, %gather3A_1578, %add3A_1428 : vector<16xi32>
    %add3A_1581 = arith.constant 1 : i32
    %add3A_1582 = vector.broadcast %add3A_1581 : i32 to vector<16xi32>
    %add3A_1583 = arith.addi %shift_right_arithmetic3A_1572, %add3A_1582 : vector<16xi32>
    %select_n3A_1584 = arith.select %lt3A_1579, %add3A_1583, %select_n3A_1562 : vector<16xi1>, vector<16xi32>
    %select_n3A_1585 = arith.select %lt3A_1579, %select_n3A_1563, %shift_right_arithmetic3A_1572 : vector<16xi1>, vector<16xi32>
    %add3A_1586 = arith.constant 1 : i32
    %add3A_1587 = vector.broadcast %add3A_1586 : i32 to vector<16xi32>
    %add3A_1588 = arith.addi %shift_right_arithmetic3A_1576, %add3A_1587 : vector<16xi32>
    %select_n3A_1589 = arith.select %lt3A_1580, %add3A_1588, %select_n3A_1567 : vector<16xi1>, vector<16xi32>
    %select_n3A_1590 = arith.select %lt3A_1580, %select_n3A_1568, %shift_right_arithmetic3A_1576 : vector<16xi1>, vector<16xi32>
    %add3A_1591 = arith.addi %select_n3A_1584, %select_n3A_1585 : vector<16xi32>
    %shift_right_arithmetic3A_1592 = arith.constant 1 : i32
    %shift_right_arithmetic3A_1593 = vector.broadcast %shift_right_arithmetic3A_1592 : i32 to vector<16xi32>
    %shift_right_arithmetic3A_1594 = arith.shrsi %add3A_1591, %shift_right_arithmetic3A_1593 : vector<16xi32>
    %add3A_1595 = arith.addi %select_n3A_1589, %select_n3A_1590 : vector<16xi32>
    %shift_right_arithmetic3A_1596 = arith.constant 1 : i32
    %shift_right_arithmetic3A_1597 = vector.broadcast %shift_right_arithmetic3A_1596 : i32 to vector<16xi32>
    %shift_right_arithmetic3A_1598 = arith.shrsi %add3A_1595, %shift_right_arithmetic3A_1597 : vector<16xi32>
    %gather3A_1599 = tpu.vector_load_idx %arg11[%shift_right_arithmetic3A_1594] : memref<4112xi32, #tpu.memory_space<vmem>>[vector<16xi32>], vector<16xi32>,
    %gather3A_1600 = tpu.vector_load_idx %arg11[%shift_right_arithmetic3A_1598] : memref<4112xi32, #tpu.memory_space<vmem>>[vector<16xi32>], vector<16xi32>,
    %lt3A_1601 = arith.cmpi slt, %gather3A_1599, %get3A_1425 : vector<16xi32>
    %lt3A_1602 = arith.cmpi slt, %gather3A_1600, %add3A_1428 : vector<16xi32>
    %add3A_1603 = arith.constant 1 : i32
    %add3A_1604 = vector.broadcast %add3A_1603 : i32 to vector<16xi32>
    %add3A_1605 = arith.addi %shift_right_arithmetic3A_1594, %add3A_1604 : vector<16xi32>
    %select_n3A_1606 = arith.select %lt3A_1601, %add3A_1605, %select_n3A_1584 : vector<16xi1>, vector<16xi32>
    %select_n3A_1607 = arith.select %lt3A_1601, %select_n3A_1585, %shift_right_arithmetic3A_1594 : vector<16xi1>, vector<16xi32>
    %add3A_1608 = arith.constant 1 : i32
    %add3A_1609 = vector.broadcast %add3A_1608 : i32 to vector<16xi32>
    %add3A_1610 = arith.addi %shift_right_arithmetic3A_1598, %add3A_1609 : vector<16xi32>
    %select_n3A_1611 = arith.select %lt3A_1602, %add3A_1610, %select_n3A_1589 : vector<16xi1>, vector<16xi32>
    %select_n3A_1612 = arith.select %lt3A_1602, %select_n3A_1590, %shift_right_arithmetic3A_1598 : vector<16xi1>, vector<16xi32>
    %add3A_1613 = arith.addi %select_n3A_1606, %select_n3A_1607 : vector<16xi32>
    %shift_right_arithmetic3A_1614 = arith.constant 1 : i32
    %shift_right_arithmetic3A_1615 = vector.broadcast %shift_right_arithmetic3A_1614 : i32 to vector<16xi32>
    %shift_right_arithmetic3A_1616 = arith.shrsi %add3A_1613, %shift_right_arithmetic3A_1615 : vector<16xi32>
    %add3A_1617 = arith.addi %select_n3A_1611, %select_n3A_1612 : vector<16xi32>
    %shift_right_arithmetic3A_1618 = arith.constant 1 : i32
    %shift_right_arithmetic3A_1619 = vector.broadcast %shift_right_arithmetic3A_1618 : i32 to vector<16xi32>
    %shift_right_arithmetic3A_1620 = arith.shrsi %add3A_1617, %shift_right_arithmetic3A_1619 : vector<16xi32>
    %gather3A_1621 = tpu.vector_load_idx %arg11[%shift_right_arithmetic3A_1616] : memref<4112xi32, #tpu.memory_space<vmem>>[vector<16xi32>], vector<16xi32>,
    %gather3A_1622 = tpu.vector_load_idx %arg11[%shift_right_arithmetic3A_1620] : memref<4112xi32, #tpu.memory_space<vmem>>[vector<16xi32>], vector<16xi32>,
    %lt3A_1623 = arith.cmpi slt, %gather3A_1621, %get3A_1425 : vector<16xi32>
    %lt3A_1624 = arith.cmpi slt, %gather3A_1622, %add3A_1428 : vector<16xi32>
    %add3A_1625 = arith.constant 1 : i32
    %add3A_1626 = vector.broadcast %add3A_1625 : i32 to vector<16xi32>
    %add3A_1627 = arith.addi %shift_right_arithmetic3A_1616, %add3A_1626 : vector<16xi32>
    %select_n3A_1628 = arith.select %lt3A_1623, %add3A_1627, %select_n3A_1606 : vector<16xi1>, vector<16xi32>
    %select_n3A_1629 = arith.select %lt3A_1623, %select_n3A_1607, %shift_right_arithmetic3A_1616 : vector<16xi1>, vector<16xi32>
    %add3A_1630 = arith.constant 1 : i32
    %add3A_1631 = vector.broadcast %add3A_1630 : i32 to vector<16xi32>
    %add3A_1632 = arith.addi %shift_right_arithmetic3A_1620, %add3A_1631 : vector<16xi32>
    %select_n3A_1633 = arith.select %lt3A_1624, %add3A_1632, %select_n3A_1611 : vector<16xi1>, vector<16xi32>
    %select_n3A_1634 = arith.select %lt3A_1624, %select_n3A_1612, %shift_right_arithmetic3A_1620 : vector<16xi1>, vector<16xi32>
    %add3A_1635 = arith.addi %select_n3A_1628, %select_n3A_1629 : vector<16xi32>
    %shift_right_arithmetic3A_1636 = arith.constant 1 : i32
    %shift_right_arithmetic3A_1637 = vector.broadcast %shift_right_arithmetic3A_1636 : i32 to vector<16xi32>
    %shift_right_arithmetic3A_1638 = arith.shrsi %add3A_1635, %shift_right_arithmetic3A_1637 : vector<16xi32>
    %add3A_1639 = arith.addi %select_n3A_1633, %select_n3A_1634 : vector<16xi32>
    %shift_right_arithmetic3A_1640 = arith.constant 1 : i32
    %shift_right_arithmetic3A_1641 = vector.broadcast %shift_right_arithmetic3A_1640 : i32 to vector<16xi32>
    %shift_right_arithmetic3A_1642 = arith.shrsi %add3A_1639, %shift_right_arithmetic3A_1641 : vector<16xi32>
    %gather3A_1643 = tpu.vector_load_idx %arg11[%shift_right_arithmetic3A_1638] : memref<4112xi32, #tpu.memory_space<vmem>>[vector<16xi32>], vector<16xi32>,
    %gather3A_1644 = tpu.vector_load_idx %arg11[%shift_right_arithmetic3A_1642] : memref<4112xi32, #tpu.memory_space<vmem>>[vector<16xi32>], vector<16xi32>,
    %lt3A_1645 = arith.cmpi slt, %gather3A_1643, %get3A_1425 : vector<16xi32>
    %lt3A_1646 = arith.cmpi slt, %gather3A_1644, %add3A_1428 : vector<16xi32>
    %add3A_1647 = arith.constant 1 : i32
    %add3A_1648 = vector.broadcast %add3A_1647 : i32 to vector<16xi32>
    %add3A_1649 = arith.addi %shift_right_arithmetic3A_1638, %add3A_1648 : vector<16xi32>
    %select_n3A_1650 = arith.select %lt3A_1645, %add3A_1649, %select_n3A_1628 : vector<16xi1>, vector<16xi32>
    %select_n3A_1651 = arith.select %lt3A_1645, %select_n3A_1629, %shift_right_arithmetic3A_1638 : vector<16xi1>, vector<16xi32>
    %add3A_1652 = arith.constant 1 : i32
    %add3A_1653 = vector.broadcast %add3A_1652 : i32 to vector<16xi32>
    %add3A_1654 = arith.addi %shift_right_arithmetic3A_1642, %add3A_1653 : vector<16xi32>
    %select_n3A_1655 = arith.select %lt3A_1646, %add3A_1654, %select_n3A_1633 : vector<16xi1>, vector<16xi32>
    %select_n3A_1656 = arith.select %lt3A_1646, %select_n3A_1634, %shift_right_arithmetic3A_1642 : vector<16xi1>, vector<16xi32>
    %add3A_1657 = arith.addi %select_n3A_1650, %select_n3A_1651 : vector<16xi32>
    %shift_right_arithmetic3A_1658 = arith.constant 1 : i32
    %shift_right_arithmetic3A_1659 = vector.broadcast %shift_right_arithmetic3A_1658 : i32 to vector<16xi32>
    %shift_right_arithmetic3A_1660 = arith.shrsi %add3A_1657, %shift_right_arithmetic3A_1659 : vector<16xi32>
    %add3A_1661 = arith.addi %select_n3A_1655, %select_n3A_1656 : vector<16xi32>
    %shift_right_arithmetic3A_1662 = arith.constant 1 : i32
    %shift_right_arithmetic3A_1663 = vector.broadcast %shift_right_arithmetic3A_1662 : i32 to vector<16xi32>
    %shift_right_arithmetic3A_1664 = arith.shrsi %add3A_1661, %shift_right_arithmetic3A_1663 : vector<16xi32>
    %gather3A_1665 = tpu.vector_load_idx %arg11[%shift_right_arithmetic3A_1660] : memref<4112xi32, #tpu.memory_space<vmem>>[vector<16xi32>], vector<16xi32>,
    %gather3A_1666 = tpu.vector_load_idx %arg11[%shift_right_arithmetic3A_1664] : memref<4112xi32, #tpu.memory_space<vmem>>[vector<16xi32>], vector<16xi32>,
    %lt3A_1667 = arith.cmpi slt, %gather3A_1665, %get3A_1425 : vector<16xi32>
    %lt3A_1668 = arith.cmpi slt, %gather3A_1666, %add3A_1428 : vector<16xi32>
    %add3A_1669 = arith.constant 1 : i32
    %add3A_1670 = vector.broadcast %add3A_1669 : i32 to vector<16xi32>
    %add3A_1671 = arith.addi %shift_right_arithmetic3A_1660, %add3A_1670 : vector<16xi32>
    %select_n3A_1672 = arith.select %lt3A_1667, %add3A_1671, %select_n3A_1650 : vector<16xi1>, vector<16xi32>
    %select_n3A_1673 = arith.select %lt3A_1667, %select_n3A_1651, %shift_right_arithmetic3A_1660 : vector<16xi1>, vector<16xi32>
    %add3A_1674 = arith.constant 1 : i32
    %add3A_1675 = vector.broadcast %add3A_1674 : i32 to vector<16xi32>
    %add3A_1676 = arith.addi %shift_right_arithmetic3A_1664, %add3A_1675 : vector<16xi32>
    %select_n3A_1677 = arith.select %lt3A_1668, %add3A_1676, %select_n3A_1655 : vector<16xi1>, vector<16xi32>
    %select_n3A_1678 = arith.select %lt3A_1668, %select_n3A_1656, %shift_right_arithmetic3A_1664 : vector<16xi1>, vector<16xi32>
    %add3A_1679 = arith.addi %select_n3A_1672, %select_n3A_1673 : vector<16xi32>
    %shift_right_arithmetic3A_1680 = arith.constant 1 : i32
    %shift_right_arithmetic3A_1681 = vector.broadcast %shift_right_arithmetic3A_1680 : i32 to vector<16xi32>
    %shift_right_arithmetic3A_1682 = arith.shrsi %add3A_1679, %shift_right_arithmetic3A_1681 : vector<16xi32>
    %add3A_1683 = arith.addi %select_n3A_1677, %select_n3A_1678 : vector<16xi32>
    %shift_right_arithmetic3A_1684 = arith.constant 1 : i32
    %shift_right_arithmetic3A_1685 = vector.broadcast %shift_right_arithmetic3A_1684 : i32 to vector<16xi32>
    %shift_right_arithmetic3A_1686 = arith.shrsi %add3A_1683, %shift_right_arithmetic3A_1685 : vector<16xi32>
    %gather3A_1687 = tpu.vector_load_idx %arg11[%shift_right_arithmetic3A_1682] : memref<4112xi32, #tpu.memory_space<vmem>>[vector<16xi32>], vector<16xi32>,
    %gather3A_1688 = tpu.vector_load_idx %arg11[%shift_right_arithmetic3A_1686] : memref<4112xi32, #tpu.memory_space<vmem>>[vector<16xi32>], vector<16xi32>,
    %lt3A_1689 = arith.cmpi slt, %gather3A_1687, %get3A_1425 : vector<16xi32>
    %lt3A_1690 = arith.cmpi slt, %gather3A_1688, %add3A_1428 : vector<16xi32>
    %add3A_1691 = arith.constant 1 : i32
    %add3A_1692 = vector.broadcast %add3A_1691 : i32 to vector<16xi32>
    %add3A_1693 = arith.addi %shift_right_arithmetic3A_1682, %add3A_1692 : vector<16xi32>
    %select_n3A_1694 = arith.select %lt3A_1689, %add3A_1693, %select_n3A_1672 : vector<16xi1>, vector<16xi32>
    %select_n3A_1695 = arith.select %lt3A_1689, %select_n3A_1673, %shift_right_arithmetic3A_1682 : vector<16xi1>, vector<16xi32>
    %add3A_1696 = arith.constant 1 : i32
    %add3A_1697 = vector.broadcast %add3A_1696 : i32 to vector<16xi32>
    %add3A_1698 = arith.addi %shift_right_arithmetic3A_1686, %add3A_1697 : vector<16xi32>
    %select_n3A_1699 = arith.select %lt3A_1690, %add3A_1698, %select_n3A_1677 : vector<16xi1>, vector<16xi32>
    %select_n3A_1700 = arith.select %lt3A_1690, %select_n3A_1678, %shift_right_arithmetic3A_1686 : vector<16xi1>, vector<16xi32>
    %swap3A_1701 = arith.constant 80 : index
    %swap3A_1702 = tpu.vector_load %arg12[%swap3A_1701] {strides = array<i32>} : memref<144xi32, #tpu.memory_space<vmem>>, vector<16xi32>,
    tpu.vector_store %arg12[%swap3A_1701], %select_n3A_1694 {strides = array<i32>} : memref<144xi32, #tpu.memory_space<vmem>>, vector<16xi32>,
    %swap3A_1703 = arith.constant 80 : index
    %swap3A_1704 = tpu.vector_load %arg13[%swap3A_1703] {strides = array<i32>} : memref<144xi32, #tpu.memory_space<vmem>>, vector<16xi32>,
    tpu.vector_store %arg13[%swap3A_1703], %select_n3A_1699 {strides = array<i32>} : memref<144xi32, #tpu.memory_space<vmem>>, vector<16xi32>,
    %add3A_1705 = arith.constant 96 : i32
    %add3A_1706 = arith.addi %mul3A_2, %add3A_1705 : i32
    %get3A_1707 = arith.index_cast %add3A_1706 : i32 to index
    %get3A_1708 = tpu.vector_load %arg11[%get3A_1707] {strides = array<i32>} : memref<4112xi32, #tpu.memory_space<vmem>>, vector<16xi32>,
    %add3A_1709 = arith.constant 1 : i32
    %add3A_1710 = vector.broadcast %add3A_1709 : i32 to vector<16xi32>
    %add3A_1711 = arith.addi %get3A_1708, %add3A_1710 : vector<16xi32>
    %broadcast_in_dim3A_1712 = arith.constant 0 : i32
    %broadcast_in_dim3A_1713 = vector.broadcast %broadcast_in_dim3A_1712 : i32 to vector<16xi32>
    %broadcast_in_dim3A_1714 = arith.constant 4096 : i32
    %broadcast_in_dim3A_1715 = vector.broadcast %broadcast_in_dim3A_1714 : i32 to vector<16xi32>
    %broadcast_in_dim3A_1716 = arith.constant 0 : i32
    %broadcast_in_dim3A_1717 = vector.broadcast %broadcast_in_dim3A_1716 : i32 to vector<16xi32>
    %broadcast_in_dim3A_1718 = arith.constant 4096 : i32
    %broadcast_in_dim3A_1719 = vector.broadcast %broadcast_in_dim3A_1718 : i32 to vector<16xi32>
    %add3A_1720 = arith.addi %broadcast_in_dim3A_1713, %broadcast_in_dim3A_1715 : vector<16xi32>
    %shift_right_arithmetic3A_1721 = arith.constant 1 : i32
    %shift_right_arithmetic3A_1722 = vector.broadcast %shift_right_arithmetic3A_1721 : i32 to vector<16xi32>
    %shift_right_arithmetic3A_1723 = arith.shrsi %add3A_1720, %shift_right_arithmetic3A_1722 : vector<16xi32>
    %add3A_1724 = arith.addi %broadcast_in_dim3A_1717, %broadcast_in_dim3A_1719 : vector<16xi32>
    %shift_right_arithmetic3A_1725 = arith.constant 1 : i32
    %shift_right_arithmetic3A_1726 = vector.broadcast %shift_right_arithmetic3A_1725 : i32 to vector<16xi32>
    %shift_right_arithmetic3A_1727 = arith.shrsi %add3A_1724, %shift_right_arithmetic3A_1726 : vector<16xi32>
    %gather3A_1728 = tpu.vector_load_idx %arg11[%shift_right_arithmetic3A_1723] : memref<4112xi32, #tpu.memory_space<vmem>>[vector<16xi32>], vector<16xi32>,
    %gather3A_1729 = tpu.vector_load_idx %arg11[%shift_right_arithmetic3A_1727] : memref<4112xi32, #tpu.memory_space<vmem>>[vector<16xi32>], vector<16xi32>,
    %lt3A_1730 = arith.cmpi slt, %gather3A_1728, %get3A_1708 : vector<16xi32>
    %lt3A_1731 = arith.cmpi slt, %gather3A_1729, %add3A_1711 : vector<16xi32>
    %add3A_1732 = arith.constant 1 : i32
    %add3A_1733 = vector.broadcast %add3A_1732 : i32 to vector<16xi32>
    %add3A_1734 = arith.addi %shift_right_arithmetic3A_1723, %add3A_1733 : vector<16xi32>
    %select_n3A_1735 = arith.select %lt3A_1730, %add3A_1734, %broadcast_in_dim3A_1713 : vector<16xi1>, vector<16xi32>
    %select_n3A_1736 = arith.select %lt3A_1730, %broadcast_in_dim3A_1715, %shift_right_arithmetic3A_1723 : vector<16xi1>, vector<16xi32>
    %add3A_1737 = arith.constant 1 : i32
    %add3A_1738 = vector.broadcast %add3A_1737 : i32 to vector<16xi32>
    %add3A_1739 = arith.addi %shift_right_arithmetic3A_1727, %add3A_1738 : vector<16xi32>
    %select_n3A_1740 = arith.select %lt3A_1731, %add3A_1739, %broadcast_in_dim3A_1717 : vector<16xi1>, vector<16xi32>
    %select_n3A_1741 = arith.select %lt3A_1731, %broadcast_in_dim3A_1719, %shift_right_arithmetic3A_1727 : vector<16xi1>, vector<16xi32>
    %add3A_1742 = arith.addi %select_n3A_1735, %select_n3A_1736 : vector<16xi32>
    %shift_right_arithmetic3A_1743 = arith.constant 1 : i32
    %shift_right_arithmetic3A_1744 = vector.broadcast %shift_right_arithmetic3A_1743 : i32 to vector<16xi32>
    %shift_right_arithmetic3A_1745 = arith.shrsi %add3A_1742, %shift_right_arithmetic3A_1744 : vector<16xi32>
    %add3A_1746 = arith.addi %select_n3A_1740, %select_n3A_1741 : vector<16xi32>
    %shift_right_arithmetic3A_1747 = arith.constant 1 : i32
    %shift_right_arithmetic3A_1748 = vector.broadcast %shift_right_arithmetic3A_1747 : i32 to vector<16xi32>
    %shift_right_arithmetic3A_1749 = arith.shrsi %add3A_1746, %shift_right_arithmetic3A_1748 : vector<16xi32>
    %gather3A_1750 = tpu.vector_load_idx %arg11[%shift_right_arithmetic3A_1745] : memref<4112xi32, #tpu.memory_space<vmem>>[vector<16xi32>], vector<16xi32>,
    %gather3A_1751 = tpu.vector_load_idx %arg11[%shift_right_arithmetic3A_1749] : memref<4112xi32, #tpu.memory_space<vmem>>[vector<16xi32>], vector<16xi32>,
    %lt3A_1752 = arith.cmpi slt, %gather3A_1750, %get3A_1708 : vector<16xi32>
    %lt3A_1753 = arith.cmpi slt, %gather3A_1751, %add3A_1711 : vector<16xi32>
    %add3A_1754 = arith.constant 1 : i32
    %add3A_1755 = vector.broadcast %add3A_1754 : i32 to vector<16xi32>
    %add3A_1756 = arith.addi %shift_right_arithmetic3A_1745, %add3A_1755 : vector<16xi32>
    %select_n3A_1757 = arith.select %lt3A_1752, %add3A_1756, %select_n3A_1735 : vector<16xi1>, vector<16xi32>
    %select_n3A_1758 = arith.select %lt3A_1752, %select_n3A_1736, %shift_right_arithmetic3A_1745 : vector<16xi1>, vector<16xi32>
    %add3A_1759 = arith.constant 1 : i32
    %add3A_1760 = vector.broadcast %add3A_1759 : i32 to vector<16xi32>
    %add3A_1761 = arith.addi %shift_right_arithmetic3A_1749, %add3A_1760 : vector<16xi32>
    %select_n3A_1762 = arith.select %lt3A_1753, %add3A_1761, %select_n3A_1740 : vector<16xi1>, vector<16xi32>
    %select_n3A_1763 = arith.select %lt3A_1753, %select_n3A_1741, %shift_right_arithmetic3A_1749 : vector<16xi1>, vector<16xi32>
    %add3A_1764 = arith.addi %select_n3A_1757, %select_n3A_1758 : vector<16xi32>
    %shift_right_arithmetic3A_1765 = arith.constant 1 : i32
    %shift_right_arithmetic3A_1766 = vector.broadcast %shift_right_arithmetic3A_1765 : i32 to vector<16xi32>
    %shift_right_arithmetic3A_1767 = arith.shrsi %add3A_1764, %shift_right_arithmetic3A_1766 : vector<16xi32>
    %add3A_1768 = arith.addi %select_n3A_1762, %select_n3A_1763 : vector<16xi32>
    %shift_right_arithmetic3A_1769 = arith.constant 1 : i32
    %shift_right_arithmetic3A_1770 = vector.broadcast %shift_right_arithmetic3A_1769 : i32 to vector<16xi32>
    %shift_right_arithmetic3A_1771 = arith.shrsi %add3A_1768, %shift_right_arithmetic3A_1770 : vector<16xi32>
    %gather3A_1772 = tpu.vector_load_idx %arg11[%shift_right_arithmetic3A_1767] : memref<4112xi32, #tpu.memory_space<vmem>>[vector<16xi32>], vector<16xi32>,
    %gather3A_1773 = tpu.vector_load_idx %arg11[%shift_right_arithmetic3A_1771] : memref<4112xi32, #tpu.memory_space<vmem>>[vector<16xi32>], vector<16xi32>,
    %lt3A_1774 = arith.cmpi slt, %gather3A_1772, %get3A_1708 : vector<16xi32>
    %lt3A_1775 = arith.cmpi slt, %gather3A_1773, %add3A_1711 : vector<16xi32>
    %add3A_1776 = arith.constant 1 : i32
    %add3A_1777 = vector.broadcast %add3A_1776 : i32 to vector<16xi32>
    %add3A_1778 = arith.addi %shift_right_arithmetic3A_1767, %add3A_1777 : vector<16xi32>
    %select_n3A_1779 = arith.select %lt3A_1774, %add3A_1778, %select_n3A_1757 : vector<16xi1>, vector<16xi32>
    %select_n3A_1780 = arith.select %lt3A_1774, %select_n3A_1758, %shift_right_arithmetic3A_1767 : vector<16xi1>, vector<16xi32>
    %add3A_1781 = arith.constant 1 : i32
    %add3A_1782 = vector.broadcast %add3A_1781 : i32 to vector<16xi32>
    %add3A_1783 = arith.addi %shift_right_arithmetic3A_1771, %add3A_1782 : vector<16xi32>
    %select_n3A_1784 = arith.select %lt3A_1775, %add3A_1783, %select_n3A_1762 : vector<16xi1>, vector<16xi32>
    %select_n3A_1785 = arith.select %lt3A_1775, %select_n3A_1763, %shift_right_arithmetic3A_1771 : vector<16xi1>, vector<16xi32>
    %add3A_1786 = arith.addi %select_n3A_1779, %select_n3A_1780 : vector<16xi32>
    %shift_right_arithmetic3A_1787 = arith.constant 1 : i32
    %shift_right_arithmetic3A_1788 = vector.broadcast %shift_right_arithmetic3A_1787 : i32 to vector<16xi32>
    %shift_right_arithmetic3A_1789 = arith.shrsi %add3A_1786, %shift_right_arithmetic3A_1788 : vector<16xi32>
    %add3A_1790 = arith.addi %select_n3A_1784, %select_n3A_1785 : vector<16xi32>
    %shift_right_arithmetic3A_1791 = arith.constant 1 : i32
    %shift_right_arithmetic3A_1792 = vector.broadcast %shift_right_arithmetic3A_1791 : i32 to vector<16xi32>
    %shift_right_arithmetic3A_1793 = arith.shrsi %add3A_1790, %shift_right_arithmetic3A_1792 : vector<16xi32>
    %gather3A_1794 = tpu.vector_load_idx %arg11[%shift_right_arithmetic3A_1789] : memref<4112xi32, #tpu.memory_space<vmem>>[vector<16xi32>], vector<16xi32>,
    %gather3A_1795 = tpu.vector_load_idx %arg11[%shift_right_arithmetic3A_1793] : memref<4112xi32, #tpu.memory_space<vmem>>[vector<16xi32>], vector<16xi32>,
    %lt3A_1796 = arith.cmpi slt, %gather3A_1794, %get3A_1708 : vector<16xi32>
    %lt3A_1797 = arith.cmpi slt, %gather3A_1795, %add3A_1711 : vector<16xi32>
    %add3A_1798 = arith.constant 1 : i32
    %add3A_1799 = vector.broadcast %add3A_1798 : i32 to vector<16xi32>
    %add3A_1800 = arith.addi %shift_right_arithmetic3A_1789, %add3A_1799 : vector<16xi32>
    %select_n3A_1801 = arith.select %lt3A_1796, %add3A_1800, %select_n3A_1779 : vector<16xi1>, vector<16xi32>
    %select_n3A_1802 = arith.select %lt3A_1796, %select_n3A_1780, %shift_right_arithmetic3A_1789 : vector<16xi1>, vector<16xi32>
    %add3A_1803 = arith.constant 1 : i32
    %add3A_1804 = vector.broadcast %add3A_1803 : i32 to vector<16xi32>
    %add3A_1805 = arith.addi %shift_right_arithmetic3A_1793, %add3A_1804 : vector<16xi32>
    %select_n3A_1806 = arith.select %lt3A_1797, %add3A_1805, %select_n3A_1784 : vector<16xi1>, vector<16xi32>
    %select_n3A_1807 = arith.select %lt3A_1797, %select_n3A_1785, %shift_right_arithmetic3A_1793 : vector<16xi1>, vector<16xi32>
    %add3A_1808 = arith.addi %select_n3A_1801, %select_n3A_1802 : vector<16xi32>
    %shift_right_arithmetic3A_1809 = arith.constant 1 : i32
    %shift_right_arithmetic3A_1810 = vector.broadcast %shift_right_arithmetic3A_1809 : i32 to vector<16xi32>
    %shift_right_arithmetic3A_1811 = arith.shrsi %add3A_1808, %shift_right_arithmetic3A_1810 : vector<16xi32>
    %add3A_1812 = arith.addi %select_n3A_1806, %select_n3A_1807 : vector<16xi32>
    %shift_right_arithmetic3A_1813 = arith.constant 1 : i32
    %shift_right_arithmetic3A_1814 = vector.broadcast %shift_right_arithmetic3A_1813 : i32 to vector<16xi32>
    %shift_right_arithmetic3A_1815 = arith.shrsi %add3A_1812, %shift_right_arithmetic3A_1814 : vector<16xi32>
    %gather3A_1816 = tpu.vector_load_idx %arg11[%shift_right_arithmetic3A_1811] : memref<4112xi32, #tpu.memory_space<vmem>>[vector<16xi32>], vector<16xi32>,
    %gather3A_1817 = tpu.vector_load_idx %arg11[%shift_right_arithmetic3A_1815] : memref<4112xi32, #tpu.memory_space<vmem>>[vector<16xi32>], vector<16xi32>,
    %lt3A_1818 = arith.cmpi slt, %gather3A_1816, %get3A_1708 : vector<16xi32>
    %lt3A_1819 = arith.cmpi slt, %gather3A_1817, %add3A_1711 : vector<16xi32>
    %add3A_1820 = arith.constant 1 : i32
    %add3A_1821 = vector.broadcast %add3A_1820 : i32 to vector<16xi32>
    %add3A_1822 = arith.addi %shift_right_arithmetic3A_1811, %add3A_1821 : vector<16xi32>
    %select_n3A_1823 = arith.select %lt3A_1818, %add3A_1822, %select_n3A_1801 : vector<16xi1>, vector<16xi32>
    %select_n3A_1824 = arith.select %lt3A_1818, %select_n3A_1802, %shift_right_arithmetic3A_1811 : vector<16xi1>, vector<16xi32>
    %add3A_1825 = arith.constant 1 : i32
    %add3A_1826 = vector.broadcast %add3A_1825 : i32 to vector<16xi32>
    %add3A_1827 = arith.addi %shift_right_arithmetic3A_1815, %add3A_1826 : vector<16xi32>
    %select_n3A_1828 = arith.select %lt3A_1819, %add3A_1827, %select_n3A_1806 : vector<16xi1>, vector<16xi32>
    %select_n3A_1829 = arith.select %lt3A_1819, %select_n3A_1807, %shift_right_arithmetic3A_1815 : vector<16xi1>, vector<16xi32>
    %add3A_1830 = arith.addi %select_n3A_1823, %select_n3A_1824 : vector<16xi32>
    %shift_right_arithmetic3A_1831 = arith.constant 1 : i32
    %shift_right_arithmetic3A_1832 = vector.broadcast %shift_right_arithmetic3A_1831 : i32 to vector<16xi32>
    %shift_right_arithmetic3A_1833 = arith.shrsi %add3A_1830, %shift_right_arithmetic3A_1832 : vector<16xi32>
    %add3A_1834 = arith.addi %select_n3A_1828, %select_n3A_1829 : vector<16xi32>
    %shift_right_arithmetic3A_1835 = arith.constant 1 : i32
    %shift_right_arithmetic3A_1836 = vector.broadcast %shift_right_arithmetic3A_1835 : i32 to vector<16xi32>
    %shift_right_arithmetic3A_1837 = arith.shrsi %add3A_1834, %shift_right_arithmetic3A_1836 : vector<16xi32>
    %gather3A_1838 = tpu.vector_load_idx %arg11[%shift_right_arithmetic3A_1833] : memref<4112xi32, #tpu.memory_space<vmem>>[vector<16xi32>], vector<16xi32>,
    %gather3A_1839 = tpu.vector_load_idx %arg11[%shift_right_arithmetic3A_1837] : memref<4112xi32, #tpu.memory_space<vmem>>[vector<16xi32>], vector<16xi32>,
    %lt3A_1840 = arith.cmpi slt, %gather3A_1838, %get3A_1708 : vector<16xi32>
    %lt3A_1841 = arith.cmpi slt, %gather3A_1839, %add3A_1711 : vector<16xi32>
    %add3A_1842 = arith.constant 1 : i32
    %add3A_1843 = vector.broadcast %add3A_1842 : i32 to vector<16xi32>
    %add3A_1844 = arith.addi %shift_right_arithmetic3A_1833, %add3A_1843 : vector<16xi32>
    %select_n3A_1845 = arith.select %lt3A_1840, %add3A_1844, %select_n3A_1823 : vector<16xi1>, vector<16xi32>
    %select_n3A_1846 = arith.select %lt3A_1840, %select_n3A_1824, %shift_right_arithmetic3A_1833 : vector<16xi1>, vector<16xi32>
    %add3A_1847 = arith.constant 1 : i32
    %add3A_1848 = vector.broadcast %add3A_1847 : i32 to vector<16xi32>
    %add3A_1849 = arith.addi %shift_right_arithmetic3A_1837, %add3A_1848 : vector<16xi32>
    %select_n3A_1850 = arith.select %lt3A_1841, %add3A_1849, %select_n3A_1828 : vector<16xi1>, vector<16xi32>
    %select_n3A_1851 = arith.select %lt3A_1841, %select_n3A_1829, %shift_right_arithmetic3A_1837 : vector<16xi1>, vector<16xi32>
    %add3A_1852 = arith.addi %select_n3A_1845, %select_n3A_1846 : vector<16xi32>
    %shift_right_arithmetic3A_1853 = arith.constant 1 : i32
    %shift_right_arithmetic3A_1854 = vector.broadcast %shift_right_arithmetic3A_1853 : i32 to vector<16xi32>
    %shift_right_arithmetic3A_1855 = arith.shrsi %add3A_1852, %shift_right_arithmetic3A_1854 : vector<16xi32>
    %add3A_1856 = arith.addi %select_n3A_1850, %select_n3A_1851 : vector<16xi32>
    %shift_right_arithmetic3A_1857 = arith.constant 1 : i32
    %shift_right_arithmetic3A_1858 = vector.broadcast %shift_right_arithmetic3A_1857 : i32 to vector<16xi32>
    %shift_right_arithmetic3A_1859 = arith.shrsi %add3A_1856, %shift_right_arithmetic3A_1858 : vector<16xi32>
    %gather3A_1860 = tpu.vector_load_idx %arg11[%shift_right_arithmetic3A_1855] : memref<4112xi32, #tpu.memory_space<vmem>>[vector<16xi32>], vector<16xi32>,
    %gather3A_1861 = tpu.vector_load_idx %arg11[%shift_right_arithmetic3A_1859] : memref<4112xi32, #tpu.memory_space<vmem>>[vector<16xi32>], vector<16xi32>,
    %lt3A_1862 = arith.cmpi slt, %gather3A_1860, %get3A_1708 : vector<16xi32>
    %lt3A_1863 = arith.cmpi slt, %gather3A_1861, %add3A_1711 : vector<16xi32>
    %add3A_1864 = arith.constant 1 : i32
    %add3A_1865 = vector.broadcast %add3A_1864 : i32 to vector<16xi32>
    %add3A_1866 = arith.addi %shift_right_arithmetic3A_1855, %add3A_1865 : vector<16xi32>
    %select_n3A_1867 = arith.select %lt3A_1862, %add3A_1866, %select_n3A_1845 : vector<16xi1>, vector<16xi32>
    %select_n3A_1868 = arith.select %lt3A_1862, %select_n3A_1846, %shift_right_arithmetic3A_1855 : vector<16xi1>, vector<16xi32>
    %add3A_1869 = arith.constant 1 : i32
    %add3A_1870 = vector.broadcast %add3A_1869 : i32 to vector<16xi32>
    %add3A_1871 = arith.addi %shift_right_arithmetic3A_1859, %add3A_1870 : vector<16xi32>
    %select_n3A_1872 = arith.select %lt3A_1863, %add3A_1871, %select_n3A_1850 : vector<16xi1>, vector<16xi32>
    %select_n3A_1873 = arith.select %lt3A_1863, %select_n3A_1851, %shift_right_arithmetic3A_1859 : vector<16xi1>, vector<16xi32>
    %add3A_1874 = arith.addi %select_n3A_1867, %select_n3A_1868 : vector<16xi32>
    %shift_right_arithmetic3A_1875 = arith.constant 1 : i32
    %shift_right_arithmetic3A_1876 = vector.broadcast %shift_right_arithmetic3A_1875 : i32 to vector<16xi32>
    %shift_right_arithmetic3A_1877 = arith.shrsi %add3A_1874, %shift_right_arithmetic3A_1876 : vector<16xi32>
    %add3A_1878 = arith.addi %select_n3A_1872, %select_n3A_1873 : vector<16xi32>
    %shift_right_arithmetic3A_1879 = arith.constant 1 : i32
    %shift_right_arithmetic3A_1880 = vector.broadcast %shift_right_arithmetic3A_1879 : i32 to vector<16xi32>
    %shift_right_arithmetic3A_1881 = arith.shrsi %add3A_1878, %shift_right_arithmetic3A_1880 : vector<16xi32>
    %gather3A_1882 = tpu.vector_load_idx %arg11[%shift_right_arithmetic3A_1877] : memref<4112xi32, #tpu.memory_space<vmem>>[vector<16xi32>], vector<16xi32>,
    %gather3A_1883 = tpu.vector_load_idx %arg11[%shift_right_arithmetic3A_1881] : memref<4112xi32, #tpu.memory_space<vmem>>[vector<16xi32>], vector<16xi32>,
    %lt3A_1884 = arith.cmpi slt, %gather3A_1882, %get3A_1708 : vector<16xi32>
    %lt3A_1885 = arith.cmpi slt, %gather3A_1883, %add3A_1711 : vector<16xi32>
    %add3A_1886 = arith.constant 1 : i32
    %add3A_1887 = vector.broadcast %add3A_1886 : i32 to vector<16xi32>
    %add3A_1888 = arith.addi %shift_right_arithmetic3A_1877, %add3A_1887 : vector<16xi32>
    %select_n3A_1889 = arith.select %lt3A_1884, %add3A_1888, %select_n3A_1867 : vector<16xi1>, vector<16xi32>
    %select_n3A_1890 = arith.select %lt3A_1884, %select_n3A_1868, %shift_right_arithmetic3A_1877 : vector<16xi1>, vector<16xi32>
    %add3A_1891 = arith.constant 1 : i32
    %add3A_1892 = vector.broadcast %add3A_1891 : i32 to vector<16xi32>
    %add3A_1893 = arith.addi %shift_right_arithmetic3A_1881, %add3A_1892 : vector<16xi32>
    %select_n3A_1894 = arith.select %lt3A_1885, %add3A_1893, %select_n3A_1872 : vector<16xi1>, vector<16xi32>
    %select_n3A_1895 = arith.select %lt3A_1885, %select_n3A_1873, %shift_right_arithmetic3A_1881 : vector<16xi1>, vector<16xi32>
    %add3A_1896 = arith.addi %select_n3A_1889, %select_n3A_1890 : vector<16xi32>
    %shift_right_arithmetic3A_1897 = arith.constant 1 : i32
    %shift_right_arithmetic3A_1898 = vector.broadcast %shift_right_arithmetic3A_1897 : i32 to vector<16xi32>
    %shift_right_arithmetic3A_1899 = arith.shrsi %add3A_1896, %shift_right_arithmetic3A_1898 : vector<16xi32>
    %add3A_1900 = arith.addi %select_n3A_1894, %select_n3A_1895 : vector<16xi32>
    %shift_right_arithmetic3A_1901 = arith.constant 1 : i32
    %shift_right_arithmetic3A_1902 = vector.broadcast %shift_right_arithmetic3A_1901 : i32 to vector<16xi32>
    %shift_right_arithmetic3A_1903 = arith.shrsi %add3A_1900, %shift_right_arithmetic3A_1902 : vector<16xi32>
    %gather3A_1904 = tpu.vector_load_idx %arg11[%shift_right_arithmetic3A_1899] : memref<4112xi32, #tpu.memory_space<vmem>>[vector<16xi32>], vector<16xi32>,
    %gather3A_1905 = tpu.vector_load_idx %arg11[%shift_right_arithmetic3A_1903] : memref<4112xi32, #tpu.memory_space<vmem>>[vector<16xi32>], vector<16xi32>,
    %lt3A_1906 = arith.cmpi slt, %gather3A_1904, %get3A_1708 : vector<16xi32>
    %lt3A_1907 = arith.cmpi slt, %gather3A_1905, %add3A_1711 : vector<16xi32>
    %add3A_1908 = arith.constant 1 : i32
    %add3A_1909 = vector.broadcast %add3A_1908 : i32 to vector<16xi32>
    %add3A_1910 = arith.addi %shift_right_arithmetic3A_1899, %add3A_1909 : vector<16xi32>
    %select_n3A_1911 = arith.select %lt3A_1906, %add3A_1910, %select_n3A_1889 : vector<16xi1>, vector<16xi32>
    %select_n3A_1912 = arith.select %lt3A_1906, %select_n3A_1890, %shift_right_arithmetic3A_1899 : vector<16xi1>, vector<16xi32>
    %add3A_1913 = arith.constant 1 : i32
    %add3A_1914 = vector.broadcast %add3A_1913 : i32 to vector<16xi32>
    %add3A_1915 = arith.addi %shift_right_arithmetic3A_1903, %add3A_1914 : vector<16xi32>
    %select_n3A_1916 = arith.select %lt3A_1907, %add3A_1915, %select_n3A_1894 : vector<16xi1>, vector<16xi32>
    %select_n3A_1917 = arith.select %lt3A_1907, %select_n3A_1895, %shift_right_arithmetic3A_1903 : vector<16xi1>, vector<16xi32>
    %add3A_1918 = arith.addi %select_n3A_1911, %select_n3A_1912 : vector<16xi32>
    %shift_right_arithmetic3A_1919 = arith.constant 1 : i32
    %shift_right_arithmetic3A_1920 = vector.broadcast %shift_right_arithmetic3A_1919 : i32 to vector<16xi32>
    %shift_right_arithmetic3A_1921 = arith.shrsi %add3A_1918, %shift_right_arithmetic3A_1920 : vector<16xi32>
    %add3A_1922 = arith.addi %select_n3A_1916, %select_n3A_1917 : vector<16xi32>
    %shift_right_arithmetic3A_1923 = arith.constant 1 : i32
    %shift_right_arithmetic3A_1924 = vector.broadcast %shift_right_arithmetic3A_1923 : i32 to vector<16xi32>
    %shift_right_arithmetic3A_1925 = arith.shrsi %add3A_1922, %shift_right_arithmetic3A_1924 : vector<16xi32>
    %gather3A_1926 = tpu.vector_load_idx %arg11[%shift_right_arithmetic3A_1921] : memref<4112xi32, #tpu.memory_space<vmem>>[vector<16xi32>], vector<16xi32>,
    %gather3A_1927 = tpu.vector_load_idx %arg11[%shift_right_arithmetic3A_1925] : memref<4112xi32, #tpu.memory_space<vmem>>[vector<16xi32>], vector<16xi32>,
    %lt3A_1928 = arith.cmpi slt, %gather3A_1926, %get3A_1708 : vector<16xi32>
    %lt3A_1929 = arith.cmpi slt, %gather3A_1927, %add3A_1711 : vector<16xi32>
    %add3A_1930 = arith.constant 1 : i32
    %add3A_1931 = vector.broadcast %add3A_1930 : i32 to vector<16xi32>
    %add3A_1932 = arith.addi %shift_right_arithmetic3A_1921, %add3A_1931 : vector<16xi32>
    %select_n3A_1933 = arith.select %lt3A_1928, %add3A_1932, %select_n3A_1911 : vector<16xi1>, vector<16xi32>
    %select_n3A_1934 = arith.select %lt3A_1928, %select_n3A_1912, %shift_right_arithmetic3A_1921 : vector<16xi1>, vector<16xi32>
    %add3A_1935 = arith.constant 1 : i32
    %add3A_1936 = vector.broadcast %add3A_1935 : i32 to vector<16xi32>
    %add3A_1937 = arith.addi %shift_right_arithmetic3A_1925, %add3A_1936 : vector<16xi32>
    %select_n3A_1938 = arith.select %lt3A_1929, %add3A_1937, %select_n3A_1916 : vector<16xi1>, vector<16xi32>
    %select_n3A_1939 = arith.select %lt3A_1929, %select_n3A_1917, %shift_right_arithmetic3A_1925 : vector<16xi1>, vector<16xi32>
    %add3A_1940 = arith.addi %select_n3A_1933, %select_n3A_1934 : vector<16xi32>
    %shift_right_arithmetic3A_1941 = arith.constant 1 : i32
    %shift_right_arithmetic3A_1942 = vector.broadcast %shift_right_arithmetic3A_1941 : i32 to vector<16xi32>
    %shift_right_arithmetic3A_1943 = arith.shrsi %add3A_1940, %shift_right_arithmetic3A_1942 : vector<16xi32>
    %add3A_1944 = arith.addi %select_n3A_1938, %select_n3A_1939 : vector<16xi32>
    %shift_right_arithmetic3A_1945 = arith.constant 1 : i32
    %shift_right_arithmetic3A_1946 = vector.broadcast %shift_right_arithmetic3A_1945 : i32 to vector<16xi32>
    %shift_right_arithmetic3A_1947 = arith.shrsi %add3A_1944, %shift_right_arithmetic3A_1946 : vector<16xi32>
    %gather3A_1948 = tpu.vector_load_idx %arg11[%shift_right_arithmetic3A_1943] : memref<4112xi32, #tpu.memory_space<vmem>>[vector<16xi32>], vector<16xi32>,
    %gather3A_1949 = tpu.vector_load_idx %arg11[%shift_right_arithmetic3A_1947] : memref<4112xi32, #tpu.memory_space<vmem>>[vector<16xi32>], vector<16xi32>,
    %lt3A_1950 = arith.cmpi slt, %gather3A_1948, %get3A_1708 : vector<16xi32>
    %lt3A_1951 = arith.cmpi slt, %gather3A_1949, %add3A_1711 : vector<16xi32>
    %add3A_1952 = arith.constant 1 : i32
    %add3A_1953 = vector.broadcast %add3A_1952 : i32 to vector<16xi32>
    %add3A_1954 = arith.addi %shift_right_arithmetic3A_1943, %add3A_1953 : vector<16xi32>
    %select_n3A_1955 = arith.select %lt3A_1950, %add3A_1954, %select_n3A_1933 : vector<16xi1>, vector<16xi32>
    %select_n3A_1956 = arith.select %lt3A_1950, %select_n3A_1934, %shift_right_arithmetic3A_1943 : vector<16xi1>, vector<16xi32>
    %add3A_1957 = arith.constant 1 : i32
    %add3A_1958 = vector.broadcast %add3A_1957 : i32 to vector<16xi32>
    %add3A_1959 = arith.addi %shift_right_arithmetic3A_1947, %add3A_1958 : vector<16xi32>
    %select_n3A_1960 = arith.select %lt3A_1951, %add3A_1959, %select_n3A_1938 : vector<16xi1>, vector<16xi32>
    %select_n3A_1961 = arith.select %lt3A_1951, %select_n3A_1939, %shift_right_arithmetic3A_1947 : vector<16xi1>, vector<16xi32>
    %add3A_1962 = arith.addi %select_n3A_1955, %select_n3A_1956 : vector<16xi32>
    %shift_right_arithmetic3A_1963 = arith.constant 1 : i32
    %shift_right_arithmetic3A_1964 = vector.broadcast %shift_right_arithmetic3A_1963 : i32 to vector<16xi32>
    %shift_right_arithmetic3A_1965 = arith.shrsi %add3A_1962, %shift_right_arithmetic3A_1964 : vector<16xi32>
    %add3A_1966 = arith.addi %select_n3A_1960, %select_n3A_1961 : vector<16xi32>
    %shift_right_arithmetic3A_1967 = arith.constant 1 : i32
    %shift_right_arithmetic3A_1968 = vector.broadcast %shift_right_arithmetic3A_1967 : i32 to vector<16xi32>
    %shift_right_arithmetic3A_1969 = arith.shrsi %add3A_1966, %shift_right_arithmetic3A_1968 : vector<16xi32>
    %gather3A_1970 = tpu.vector_load_idx %arg11[%shift_right_arithmetic3A_1965] : memref<4112xi32, #tpu.memory_space<vmem>>[vector<16xi32>], vector<16xi32>,
    %gather3A_1971 = tpu.vector_load_idx %arg11[%shift_right_arithmetic3A_1969] : memref<4112xi32, #tpu.memory_space<vmem>>[vector<16xi32>], vector<16xi32>,
    %lt3A_1972 = arith.cmpi slt, %gather3A_1970, %get3A_1708 : vector<16xi32>
    %lt3A_1973 = arith.cmpi slt, %gather3A_1971, %add3A_1711 : vector<16xi32>
    %add3A_1974 = arith.constant 1 : i32
    %add3A_1975 = vector.broadcast %add3A_1974 : i32 to vector<16xi32>
    %add3A_1976 = arith.addi %shift_right_arithmetic3A_1965, %add3A_1975 : vector<16xi32>
    %select_n3A_1977 = arith.select %lt3A_1972, %add3A_1976, %select_n3A_1955 : vector<16xi1>, vector<16xi32>
    %select_n3A_1978 = arith.select %lt3A_1972, %select_n3A_1956, %shift_right_arithmetic3A_1965 : vector<16xi1>, vector<16xi32>
    %add3A_1979 = arith.constant 1 : i32
    %add3A_1980 = vector.broadcast %add3A_1979 : i32 to vector<16xi32>
    %add3A_1981 = arith.addi %shift_right_arithmetic3A_1969, %add3A_1980 : vector<16xi32>
    %select_n3A_1982 = arith.select %lt3A_1973, %add3A_1981, %select_n3A_1960 : vector<16xi1>, vector<16xi32>
    %select_n3A_1983 = arith.select %lt3A_1973, %select_n3A_1961, %shift_right_arithmetic3A_1969 : vector<16xi1>, vector<16xi32>
    %swap3A_1984 = arith.constant 96 : index
    %swap3A_1985 = tpu.vector_load %arg12[%swap3A_1984] {strides = array<i32>} : memref<144xi32, #tpu.memory_space<vmem>>, vector<16xi32>,
    tpu.vector_store %arg12[%swap3A_1984], %select_n3A_1977 {strides = array<i32>} : memref<144xi32, #tpu.memory_space<vmem>>, vector<16xi32>,
    %swap3A_1986 = arith.constant 96 : index
    %swap3A_1987 = tpu.vector_load %arg13[%swap3A_1986] {strides = array<i32>} : memref<144xi32, #tpu.memory_space<vmem>>, vector<16xi32>,
    tpu.vector_store %arg13[%swap3A_1986], %select_n3A_1982 {strides = array<i32>} : memref<144xi32, #tpu.memory_space<vmem>>, vector<16xi32>,
    %add3A_1988 = arith.constant 112 : i32
    %add3A_1989 = arith.addi %mul3A_2, %add3A_1988 : i32
    %get3A_1990 = arith.index_cast %add3A_1989 : i32 to index
    %get3A_1991 = tpu.vector_load %arg11[%get3A_1990] {strides = array<i32>} : memref<4112xi32, #tpu.memory_space<vmem>>, vector<16xi32>,
    %add3A_1992 = arith.constant 1 : i32
    %add3A_1993 = vector.broadcast %add3A_1992 : i32 to vector<16xi32>
    %add3A_1994 = arith.addi %get3A_1991, %add3A_1993 : vector<16xi32>
    %broadcast_in_dim3A_1995 = arith.constant 0 : i32
    %broadcast_in_dim3A_1996 = vector.broadcast %broadcast_in_dim3A_1995 : i32 to vector<16xi32>
    %broadcast_in_dim3A_1997 = arith.constant 4096 : i32
    %broadcast_in_dim3A_1998 = vector.broadcast %broadcast_in_dim3A_1997 : i32 to vector<16xi32>
    %broadcast_in_dim3A_1999 = arith.constant 0 : i32
    %broadcast_in_dim3A_2000 = vector.broadcast %broadcast_in_dim3A_1999 : i32 to vector<16xi32>
    %broadcast_in_dim3A_2001 = arith.constant 4096 : i32
    %broadcast_in_dim3A_2002 = vector.broadcast %broadcast_in_dim3A_2001 : i32 to vector<16xi32>
    %add3A_2003 = arith.addi %broadcast_in_dim3A_1996, %broadcast_in_dim3A_1998 : vector<16xi32>
    %shift_right_arithmetic3A_2004 = arith.constant 1 : i32
    %shift_right_arithmetic3A_2005 = vector.broadcast %shift_right_arithmetic3A_2004 : i32 to vector<16xi32>
    %shift_right_arithmetic3A_2006 = arith.shrsi %add3A_2003, %shift_right_arithmetic3A_2005 : vector<16xi32>
    %add3A_2007 = arith.addi %broadcast_in_dim3A_2000, %broadcast_in_dim3A_2002 : vector<16xi32>
    %shift_right_arithmetic3A_2008 = arith.constant 1 : i32
    %shift_right_arithmetic3A_2009 = vector.broadcast %shift_right_arithmetic3A_2008 : i32 to vector<16xi32>
    %shift_right_arithmetic3A_2010 = arith.shrsi %add3A_2007, %shift_right_arithmetic3A_2009 : vector<16xi32>
    %gather3A_2011 = tpu.vector_load_idx %arg11[%shift_right_arithmetic3A_2006] : memref<4112xi32, #tpu.memory_space<vmem>>[vector<16xi32>], vector<16xi32>,
    %gather3A_2012 = tpu.vector_load_idx %arg11[%shift_right_arithmetic3A_2010] : memref<4112xi32, #tpu.memory_space<vmem>>[vector<16xi32>], vector<16xi32>,
    %lt3A_2013 = arith.cmpi slt, %gather3A_2011, %get3A_1991 : vector<16xi32>
    %lt3A_2014 = arith.cmpi slt, %gather3A_2012, %add3A_1994 : vector<16xi32>
    %add3A_2015 = arith.constant 1 : i32
    %add3A_2016 = vector.broadcast %add3A_2015 : i32 to vector<16xi32>
    %add3A_2017 = arith.addi %shift_right_arithmetic3A_2006, %add3A_2016 : vector<16xi32>
    %select_n3A_2018 = arith.select %lt3A_2013, %add3A_2017, %broadcast_in_dim3A_1996 : vector<16xi1>, vector<16xi32>
    %select_n3A_2019 = arith.select %lt3A_2013, %broadcast_in_dim3A_1998, %shift_right_arithmetic3A_2006 : vector<16xi1>, vector<16xi32>
    %add3A_2020 = arith.constant 1 : i32
    %add3A_2021 = vector.broadcast %add3A_2020 : i32 to vector<16xi32>
    %add3A_2022 = arith.addi %shift_right_arithmetic3A_2010, %add3A_2021 : vector<16xi32>
    %select_n3A_2023 = arith.select %lt3A_2014, %add3A_2022, %broadcast_in_dim3A_2000 : vector<16xi1>, vector<16xi32>
    %select_n3A_2024 = arith.select %lt3A_2014, %broadcast_in_dim3A_2002, %shift_right_arithmetic3A_2010 : vector<16xi1>, vector<16xi32>
    %add3A_2025 = arith.addi %select_n3A_2018, %select_n3A_2019 : vector<16xi32>
    %shift_right_arithmetic3A_2026 = arith.constant 1 : i32
    %shift_right_arithmetic3A_2027 = vector.broadcast %shift_right_arithmetic3A_2026 : i32 to vector<16xi32>
    %shift_right_arithmetic3A_2028 = arith.shrsi %add3A_2025, %shift_right_arithmetic3A_2027 : vector<16xi32>
    %add3A_2029 = arith.addi %select_n3A_2023, %select_n3A_2024 : vector<16xi32>
    %shift_right_arithmetic3A_2030 = arith.constant 1 : i32
    %shift_right_arithmetic3A_2031 = vector.broadcast %shift_right_arithmetic3A_2030 : i32 to vector<16xi32>
    %shift_right_arithmetic3A_2032 = arith.shrsi %add3A_2029, %shift_right_arithmetic3A_2031 : vector<16xi32>
    %gather3A_2033 = tpu.vector_load_idx %arg11[%shift_right_arithmetic3A_2028] : memref<4112xi32, #tpu.memory_space<vmem>>[vector<16xi32>], vector<16xi32>,
    %gather3A_2034 = tpu.vector_load_idx %arg11[%shift_right_arithmetic3A_2032] : memref<4112xi32, #tpu.memory_space<vmem>>[vector<16xi32>], vector<16xi32>,
    %lt3A_2035 = arith.cmpi slt, %gather3A_2033, %get3A_1991 : vector<16xi32>
    %lt3A_2036 = arith.cmpi slt, %gather3A_2034, %add3A_1994 : vector<16xi32>
    %add3A_2037 = arith.constant 1 : i32
    %add3A_2038 = vector.broadcast %add3A_2037 : i32 to vector<16xi32>
    %add3A_2039 = arith.addi %shift_right_arithmetic3A_2028, %add3A_2038 : vector<16xi32>
    %select_n3A_2040 = arith.select %lt3A_2035, %add3A_2039, %select_n3A_2018 : vector<16xi1>, vector<16xi32>
    %select_n3A_2041 = arith.select %lt3A_2035, %select_n3A_2019, %shift_right_arithmetic3A_2028 : vector<16xi1>, vector<16xi32>
    %add3A_2042 = arith.constant 1 : i32
    %add3A_2043 = vector.broadcast %add3A_2042 : i32 to vector<16xi32>
    %add3A_2044 = arith.addi %shift_right_arithmetic3A_2032, %add3A_2043 : vector<16xi32>
    %select_n3A_2045 = arith.select %lt3A_2036, %add3A_2044, %select_n3A_2023 : vector<16xi1>, vector<16xi32>
    %select_n3A_2046 = arith.select %lt3A_2036, %select_n3A_2024, %shift_right_arithmetic3A_2032 : vector<16xi1>, vector<16xi32>
    %add3A_2047 = arith.addi %select_n3A_2040, %select_n3A_2041 : vector<16xi32>
    %shift_right_arithmetic3A_2048 = arith.constant 1 : i32
    %shift_right_arithmetic3A_2049 = vector.broadcast %shift_right_arithmetic3A_2048 : i32 to vector<16xi32>
    %shift_right_arithmetic3A_2050 = arith.shrsi %add3A_2047, %shift_right_arithmetic3A_2049 : vector<16xi32>
    %add3A_2051 = arith.addi %select_n3A_2045, %select_n3A_2046 : vector<16xi32>
    %shift_right_arithmetic3A_2052 = arith.constant 1 : i32
    %shift_right_arithmetic3A_2053 = vector.broadcast %shift_right_arithmetic3A_2052 : i32 to vector<16xi32>
    %shift_right_arithmetic3A_2054 = arith.shrsi %add3A_2051, %shift_right_arithmetic3A_2053 : vector<16xi32>
    %gather3A_2055 = tpu.vector_load_idx %arg11[%shift_right_arithmetic3A_2050] : memref<4112xi32, #tpu.memory_space<vmem>>[vector<16xi32>], vector<16xi32>,
    %gather3A_2056 = tpu.vector_load_idx %arg11[%shift_right_arithmetic3A_2054] : memref<4112xi32, #tpu.memory_space<vmem>>[vector<16xi32>], vector<16xi32>,
    %lt3A_2057 = arith.cmpi slt, %gather3A_2055, %get3A_1991 : vector<16xi32>
    %lt3A_2058 = arith.cmpi slt, %gather3A_2056, %add3A_1994 : vector<16xi32>
    %add3A_2059 = arith.constant 1 : i32
    %add3A_2060 = vector.broadcast %add3A_2059 : i32 to vector<16xi32>
    %add3A_2061 = arith.addi %shift_right_arithmetic3A_2050, %add3A_2060 : vector<16xi32>
    %select_n3A_2062 = arith.select %lt3A_2057, %add3A_2061, %select_n3A_2040 : vector<16xi1>, vector<16xi32>
    %select_n3A_2063 = arith.select %lt3A_2057, %select_n3A_2041, %shift_right_arithmetic3A_2050 : vector<16xi1>, vector<16xi32>
    %add3A_2064 = arith.constant 1 : i32
    %add3A_2065 = vector.broadcast %add3A_2064 : i32 to vector<16xi32>
    %add3A_2066 = arith.addi %shift_right_arithmetic3A_2054, %add3A_2065 : vector<16xi32>
    %select_n3A_2067 = arith.select %lt3A_2058, %add3A_2066, %select_n3A_2045 : vector<16xi1>, vector<16xi32>
    %select_n3A_2068 = arith.select %lt3A_2058, %select_n3A_2046, %shift_right_arithmetic3A_2054 : vector<16xi1>, vector<16xi32>
    %add3A_2069 = arith.addi %select_n3A_2062, %select_n3A_2063 : vector<16xi32>
    %shift_right_arithmetic3A_2070 = arith.constant 1 : i32
    %shift_right_arithmetic3A_2071 = vector.broadcast %shift_right_arithmetic3A_2070 : i32 to vector<16xi32>
    %shift_right_arithmetic3A_2072 = arith.shrsi %add3A_2069, %shift_right_arithmetic3A_2071 : vector<16xi32>
    %add3A_2073 = arith.addi %select_n3A_2067, %select_n3A_2068 : vector<16xi32>
    %shift_right_arithmetic3A_2074 = arith.constant 1 : i32
    %shift_right_arithmetic3A_2075 = vector.broadcast %shift_right_arithmetic3A_2074 : i32 to vector<16xi32>
    %shift_right_arithmetic3A_2076 = arith.shrsi %add3A_2073, %shift_right_arithmetic3A_2075 : vector<16xi32>
    %gather3A_2077 = tpu.vector_load_idx %arg11[%shift_right_arithmetic3A_2072] : memref<4112xi32, #tpu.memory_space<vmem>>[vector<16xi32>], vector<16xi32>,
    %gather3A_2078 = tpu.vector_load_idx %arg11[%shift_right_arithmetic3A_2076] : memref<4112xi32, #tpu.memory_space<vmem>>[vector<16xi32>], vector<16xi32>,
    %lt3A_2079 = arith.cmpi slt, %gather3A_2077, %get3A_1991 : vector<16xi32>
    %lt3A_2080 = arith.cmpi slt, %gather3A_2078, %add3A_1994 : vector<16xi32>
    %add3A_2081 = arith.constant 1 : i32
    %add3A_2082 = vector.broadcast %add3A_2081 : i32 to vector<16xi32>
    %add3A_2083 = arith.addi %shift_right_arithmetic3A_2072, %add3A_2082 : vector<16xi32>
    %select_n3A_2084 = arith.select %lt3A_2079, %add3A_2083, %select_n3A_2062 : vector<16xi1>, vector<16xi32>
    %select_n3A_2085 = arith.select %lt3A_2079, %select_n3A_2063, %shift_right_arithmetic3A_2072 : vector<16xi1>, vector<16xi32>
    %add3A_2086 = arith.constant 1 : i32
    %add3A_2087 = vector.broadcast %add3A_2086 : i32 to vector<16xi32>
    %add3A_2088 = arith.addi %shift_right_arithmetic3A_2076, %add3A_2087 : vector<16xi32>
    %select_n3A_2089 = arith.select %lt3A_2080, %add3A_2088, %select_n3A_2067 : vector<16xi1>, vector<16xi32>
    %select_n3A_2090 = arith.select %lt3A_2080, %select_n3A_2068, %shift_right_arithmetic3A_2076 : vector<16xi1>, vector<16xi32>
    %add3A_2091 = arith.addi %select_n3A_2084, %select_n3A_2085 : vector<16xi32>
    %shift_right_arithmetic3A_2092 = arith.constant 1 : i32
    %shift_right_arithmetic3A_2093 = vector.broadcast %shift_right_arithmetic3A_2092 : i32 to vector<16xi32>
    %shift_right_arithmetic3A_2094 = arith.shrsi %add3A_2091, %shift_right_arithmetic3A_2093 : vector<16xi32>
    %add3A_2095 = arith.addi %select_n3A_2089, %select_n3A_2090 : vector<16xi32>
    %shift_right_arithmetic3A_2096 = arith.constant 1 : i32
    %shift_right_arithmetic3A_2097 = vector.broadcast %shift_right_arithmetic3A_2096 : i32 to vector<16xi32>
    %shift_right_arithmetic3A_2098 = arith.shrsi %add3A_2095, %shift_right_arithmetic3A_2097 : vector<16xi32>
    %gather3A_2099 = tpu.vector_load_idx %arg11[%shift_right_arithmetic3A_2094] : memref<4112xi32, #tpu.memory_space<vmem>>[vector<16xi32>], vector<16xi32>,
    %gather3A_2100 = tpu.vector_load_idx %arg11[%shift_right_arithmetic3A_2098] : memref<4112xi32, #tpu.memory_space<vmem>>[vector<16xi32>], vector<16xi32>,
    %lt3A_2101 = arith.cmpi slt, %gather3A_2099, %get3A_1991 : vector<16xi32>
    %lt3A_2102 = arith.cmpi slt, %gather3A_2100, %add3A_1994 : vector<16xi32>
    %add3A_2103 = arith.constant 1 : i32
    %add3A_2104 = vector.broadcast %add3A_2103 : i32 to vector<16xi32>
    %add3A_2105 = arith.addi %shift_right_arithmetic3A_2094, %add3A_2104 : vector<16xi32>
    %select_n3A_2106 = arith.select %lt3A_2101, %add3A_2105, %select_n3A_2084 : vector<16xi1>, vector<16xi32>
    %select_n3A_2107 = arith.select %lt3A_2101, %select_n3A_2085, %shift_right_arithmetic3A_2094 : vector<16xi1>, vector<16xi32>
    %add3A_2108 = arith.constant 1 : i32
    %add3A_2109 = vector.broadcast %add3A_2108 : i32 to vector<16xi32>
    %add3A_2110 = arith.addi %shift_right_arithmetic3A_2098, %add3A_2109 : vector<16xi32>
    %select_n3A_2111 = arith.select %lt3A_2102, %add3A_2110, %select_n3A_2089 : vector<16xi1>, vector<16xi32>
    %select_n3A_2112 = arith.select %lt3A_2102, %select_n3A_2090, %shift_right_arithmetic3A_2098 : vector<16xi1>, vector<16xi32>
    %add3A_2113 = arith.addi %select_n3A_2106, %select_n3A_2107 : vector<16xi32>
    %shift_right_arithmetic3A_2114 = arith.constant 1 : i32
    %shift_right_arithmetic3A_2115 = vector.broadcast %shift_right_arithmetic3A_2114 : i32 to vector<16xi32>
    %shift_right_arithmetic3A_2116 = arith.shrsi %add3A_2113, %shift_right_arithmetic3A_2115 : vector<16xi32>
    %add3A_2117 = arith.addi %select_n3A_2111, %select_n3A_2112 : vector<16xi32>
    %shift_right_arithmetic3A_2118 = arith.constant 1 : i32
    %shift_right_arithmetic3A_2119 = vector.broadcast %shift_right_arithmetic3A_2118 : i32 to vector<16xi32>
    %shift_right_arithmetic3A_2120 = arith.shrsi %add3A_2117, %shift_right_arithmetic3A_2119 : vector<16xi32>
    %gather3A_2121 = tpu.vector_load_idx %arg11[%shift_right_arithmetic3A_2116] : memref<4112xi32, #tpu.memory_space<vmem>>[vector<16xi32>], vector<16xi32>,
    %gather3A_2122 = tpu.vector_load_idx %arg11[%shift_right_arithmetic3A_2120] : memref<4112xi32, #tpu.memory_space<vmem>>[vector<16xi32>], vector<16xi32>,
    %lt3A_2123 = arith.cmpi slt, %gather3A_2121, %get3A_1991 : vector<16xi32>
    %lt3A_2124 = arith.cmpi slt, %gather3A_2122, %add3A_1994 : vector<16xi32>
    %add3A_2125 = arith.constant 1 : i32
    %add3A_2126 = vector.broadcast %add3A_2125 : i32 to vector<16xi32>
    %add3A_2127 = arith.addi %shift_right_arithmetic3A_2116, %add3A_2126 : vector<16xi32>
    %select_n3A_2128 = arith.select %lt3A_2123, %add3A_2127, %select_n3A_2106 : vector<16xi1>, vector<16xi32>
    %select_n3A_2129 = arith.select %lt3A_2123, %select_n3A_2107, %shift_right_arithmetic3A_2116 : vector<16xi1>, vector<16xi32>
    %add3A_2130 = arith.constant 1 : i32
    %add3A_2131 = vector.broadcast %add3A_2130 : i32 to vector<16xi32>
    %add3A_2132 = arith.addi %shift_right_arithmetic3A_2120, %add3A_2131 : vector<16xi32>
    %select_n3A_2133 = arith.select %lt3A_2124, %add3A_2132, %select_n3A_2111 : vector<16xi1>, vector<16xi32>
    %select_n3A_2134 = arith.select %lt3A_2124, %select_n3A_2112, %shift_right_arithmetic3A_2120 : vector<16xi1>, vector<16xi32>
    %add3A_2135 = arith.addi %select_n3A_2128, %select_n3A_2129 : vector<16xi32>
    %shift_right_arithmetic3A_2136 = arith.constant 1 : i32
    %shift_right_arithmetic3A_2137 = vector.broadcast %shift_right_arithmetic3A_2136 : i32 to vector<16xi32>
    %shift_right_arithmetic3A_2138 = arith.shrsi %add3A_2135, %shift_right_arithmetic3A_2137 : vector<16xi32>
    %add3A_2139 = arith.addi %select_n3A_2133, %select_n3A_2134 : vector<16xi32>
    %shift_right_arithmetic3A_2140 = arith.constant 1 : i32
    %shift_right_arithmetic3A_2141 = vector.broadcast %shift_right_arithmetic3A_2140 : i32 to vector<16xi32>
    %shift_right_arithmetic3A_2142 = arith.shrsi %add3A_2139, %shift_right_arithmetic3A_2141 : vector<16xi32>
    %gather3A_2143 = tpu.vector_load_idx %arg11[%shift_right_arithmetic3A_2138] : memref<4112xi32, #tpu.memory_space<vmem>>[vector<16xi32>], vector<16xi32>,
    %gather3A_2144 = tpu.vector_load_idx %arg11[%shift_right_arithmetic3A_2142] : memref<4112xi32, #tpu.memory_space<vmem>>[vector<16xi32>], vector<16xi32>,
    %lt3A_2145 = arith.cmpi slt, %gather3A_2143, %get3A_1991 : vector<16xi32>
    %lt3A_2146 = arith.cmpi slt, %gather3A_2144, %add3A_1994 : vector<16xi32>
    %add3A_2147 = arith.constant 1 : i32
    %add3A_2148 = vector.broadcast %add3A_2147 : i32 to vector<16xi32>
    %add3A_2149 = arith.addi %shift_right_arithmetic3A_2138, %add3A_2148 : vector<16xi32>
    %select_n3A_2150 = arith.select %lt3A_2145, %add3A_2149, %select_n3A_2128 : vector<16xi1>, vector<16xi32>
    %select_n3A_2151 = arith.select %lt3A_2145, %select_n3A_2129, %shift_right_arithmetic3A_2138 : vector<16xi1>, vector<16xi32>
    %add3A_2152 = arith.constant 1 : i32
    %add3A_2153 = vector.broadcast %add3A_2152 : i32 to vector<16xi32>
    %add3A_2154 = arith.addi %shift_right_arithmetic3A_2142, %add3A_2153 : vector<16xi32>
    %select_n3A_2155 = arith.select %lt3A_2146, %add3A_2154, %select_n3A_2133 : vector<16xi1>, vector<16xi32>
    %select_n3A_2156 = arith.select %lt3A_2146, %select_n3A_2134, %shift_right_arithmetic3A_2142 : vector<16xi1>, vector<16xi32>
    %add3A_2157 = arith.addi %select_n3A_2150, %select_n3A_2151 : vector<16xi32>
    %shift_right_arithmetic3A_2158 = arith.constant 1 : i32
    %shift_right_arithmetic3A_2159 = vector.broadcast %shift_right_arithmetic3A_2158 : i32 to vector<16xi32>
    %shift_right_arithmetic3A_2160 = arith.shrsi %add3A_2157, %shift_right_arithmetic3A_2159 : vector<16xi32>
    %add3A_2161 = arith.addi %select_n3A_2155, %select_n3A_2156 : vector<16xi32>
    %shift_right_arithmetic3A_2162 = arith.constant 1 : i32
    %shift_right_arithmetic3A_2163 = vector.broadcast %shift_right_arithmetic3A_2162 : i32 to vector<16xi32>
    %shift_right_arithmetic3A_2164 = arith.shrsi %add3A_2161, %shift_right_arithmetic3A_2163 : vector<16xi32>
    %gather3A_2165 = tpu.vector_load_idx %arg11[%shift_right_arithmetic3A_2160] : memref<4112xi32, #tpu.memory_space<vmem>>[vector<16xi32>], vector<16xi32>,
    %gather3A_2166 = tpu.vector_load_idx %arg11[%shift_right_arithmetic3A_2164] : memref<4112xi32, #tpu.memory_space<vmem>>[vector<16xi32>], vector<16xi32>,
    %lt3A_2167 = arith.cmpi slt, %gather3A_2165, %get3A_1991 : vector<16xi32>
    %lt3A_2168 = arith.cmpi slt, %gather3A_2166, %add3A_1994 : vector<16xi32>
    %add3A_2169 = arith.constant 1 : i32
    %add3A_2170 = vector.broadcast %add3A_2169 : i32 to vector<16xi32>
    %add3A_2171 = arith.addi %shift_right_arithmetic3A_2160, %add3A_2170 : vector<16xi32>
    %select_n3A_2172 = arith.select %lt3A_2167, %add3A_2171, %select_n3A_2150 : vector<16xi1>, vector<16xi32>
    %select_n3A_2173 = arith.select %lt3A_2167, %select_n3A_2151, %shift_right_arithmetic3A_2160 : vector<16xi1>, vector<16xi32>
    %add3A_2174 = arith.constant 1 : i32
    %add3A_2175 = vector.broadcast %add3A_2174 : i32 to vector<16xi32>
    %add3A_2176 = arith.addi %shift_right_arithmetic3A_2164, %add3A_2175 : vector<16xi32>
    %select_n3A_2177 = arith.select %lt3A_2168, %add3A_2176, %select_n3A_2155 : vector<16xi1>, vector<16xi32>
    %select_n3A_2178 = arith.select %lt3A_2168, %select_n3A_2156, %shift_right_arithmetic3A_2164 : vector<16xi1>, vector<16xi32>
    %add3A_2179 = arith.addi %select_n3A_2172, %select_n3A_2173 : vector<16xi32>
    %shift_right_arithmetic3A_2180 = arith.constant 1 : i32
    %shift_right_arithmetic3A_2181 = vector.broadcast %shift_right_arithmetic3A_2180 : i32 to vector<16xi32>
    %shift_right_arithmetic3A_2182 = arith.shrsi %add3A_2179, %shift_right_arithmetic3A_2181 : vector<16xi32>
    %add3A_2183 = arith.addi %select_n3A_2177, %select_n3A_2178 : vector<16xi32>
    %shift_right_arithmetic3A_2184 = arith.constant 1 : i32
    %shift_right_arithmetic3A_2185 = vector.broadcast %shift_right_arithmetic3A_2184 : i32 to vector<16xi32>
    %shift_right_arithmetic3A_2186 = arith.shrsi %add3A_2183, %shift_right_arithmetic3A_2185 : vector<16xi32>
    %gather3A_2187 = tpu.vector_load_idx %arg11[%shift_right_arithmetic3A_2182] : memref<4112xi32, #tpu.memory_space<vmem>>[vector<16xi32>], vector<16xi32>,
    %gather3A_2188 = tpu.vector_load_idx %arg11[%shift_right_arithmetic3A_2186] : memref<4112xi32, #tpu.memory_space<vmem>>[vector<16xi32>], vector<16xi32>,
    %lt3A_2189 = arith.cmpi slt, %gather3A_2187, %get3A_1991 : vector<16xi32>
    %lt3A_2190 = arith.cmpi slt, %gather3A_2188, %add3A_1994 : vector<16xi32>
    %add3A_2191 = arith.constant 1 : i32
    %add3A_2192 = vector.broadcast %add3A_2191 : i32 to vector<16xi32>
    %add3A_2193 = arith.addi %shift_right_arithmetic3A_2182, %add3A_2192 : vector<16xi32>
    %select_n3A_2194 = arith.select %lt3A_2189, %add3A_2193, %select_n3A_2172 : vector<16xi1>, vector<16xi32>
    %select_n3A_2195 = arith.select %lt3A_2189, %select_n3A_2173, %shift_right_arithmetic3A_2182 : vector<16xi1>, vector<16xi32>
    %add3A_2196 = arith.constant 1 : i32
    %add3A_2197 = vector.broadcast %add3A_2196 : i32 to vector<16xi32>
    %add3A_2198 = arith.addi %shift_right_arithmetic3A_2186, %add3A_2197 : vector<16xi32>
    %select_n3A_2199 = arith.select %lt3A_2190, %add3A_2198, %select_n3A_2177 : vector<16xi1>, vector<16xi32>
    %select_n3A_2200 = arith.select %lt3A_2190, %select_n3A_2178, %shift_right_arithmetic3A_2186 : vector<16xi1>, vector<16xi32>
    %add3A_2201 = arith.addi %select_n3A_2194, %select_n3A_2195 : vector<16xi32>
    %shift_right_arithmetic3A_2202 = arith.constant 1 : i32
    %shift_right_arithmetic3A_2203 = vector.broadcast %shift_right_arithmetic3A_2202 : i32 to vector<16xi32>
    %shift_right_arithmetic3A_2204 = arith.shrsi %add3A_2201, %shift_right_arithmetic3A_2203 : vector<16xi32>
    %add3A_2205 = arith.addi %select_n3A_2199, %select_n3A_2200 : vector<16xi32>
    %shift_right_arithmetic3A_2206 = arith.constant 1 : i32
    %shift_right_arithmetic3A_2207 = vector.broadcast %shift_right_arithmetic3A_2206 : i32 to vector<16xi32>
    %shift_right_arithmetic3A_2208 = arith.shrsi %add3A_2205, %shift_right_arithmetic3A_2207 : vector<16xi32>
    %gather3A_2209 = tpu.vector_load_idx %arg11[%shift_right_arithmetic3A_2204] : memref<4112xi32, #tpu.memory_space<vmem>>[vector<16xi32>], vector<16xi32>,
    %gather3A_2210 = tpu.vector_load_idx %arg11[%shift_right_arithmetic3A_2208] : memref<4112xi32, #tpu.memory_space<vmem>>[vector<16xi32>], vector<16xi32>,
    %lt3A_2211 = arith.cmpi slt, %gather3A_2209, %get3A_1991 : vector<16xi32>
    %lt3A_2212 = arith.cmpi slt, %gather3A_2210, %add3A_1994 : vector<16xi32>
    %add3A_2213 = arith.constant 1 : i32
    %add3A_2214 = vector.broadcast %add3A_2213 : i32 to vector<16xi32>
    %add3A_2215 = arith.addi %shift_right_arithmetic3A_2204, %add3A_2214 : vector<16xi32>
    %select_n3A_2216 = arith.select %lt3A_2211, %add3A_2215, %select_n3A_2194 : vector<16xi1>, vector<16xi32>
    %select_n3A_2217 = arith.select %lt3A_2211, %select_n3A_2195, %shift_right_arithmetic3A_2204 : vector<16xi1>, vector<16xi32>
    %add3A_2218 = arith.constant 1 : i32
    %add3A_2219 = vector.broadcast %add3A_2218 : i32 to vector<16xi32>
    %add3A_2220 = arith.addi %shift_right_arithmetic3A_2208, %add3A_2219 : vector<16xi32>
    %select_n3A_2221 = arith.select %lt3A_2212, %add3A_2220, %select_n3A_2199 : vector<16xi1>, vector<16xi32>
    %select_n3A_2222 = arith.select %lt3A_2212, %select_n3A_2200, %shift_right_arithmetic3A_2208 : vector<16xi1>, vector<16xi32>
    %add3A_2223 = arith.addi %select_n3A_2216, %select_n3A_2217 : vector<16xi32>
    %shift_right_arithmetic3A_2224 = arith.constant 1 : i32
    %shift_right_arithmetic3A_2225 = vector.broadcast %shift_right_arithmetic3A_2224 : i32 to vector<16xi32>
    %shift_right_arithmetic3A_2226 = arith.shrsi %add3A_2223, %shift_right_arithmetic3A_2225 : vector<16xi32>
    %add3A_2227 = arith.addi %select_n3A_2221, %select_n3A_2222 : vector<16xi32>
    %shift_right_arithmetic3A_2228 = arith.constant 1 : i32
    %shift_right_arithmetic3A_2229 = vector.broadcast %shift_right_arithmetic3A_2228 : i32 to vector<16xi32>
    %shift_right_arithmetic3A_2230 = arith.shrsi %add3A_2227, %shift_right_arithmetic3A_2229 : vector<16xi32>
    %gather3A_2231 = tpu.vector_load_idx %arg11[%shift_right_arithmetic3A_2226] : memref<4112xi32, #tpu.memory_space<vmem>>[vector<16xi32>], vector<16xi32>,
    %gather3A_2232 = tpu.vector_load_idx %arg11[%shift_right_arithmetic3A_2230] : memref<4112xi32, #tpu.memory_space<vmem>>[vector<16xi32>], vector<16xi32>,
    %lt3A_2233 = arith.cmpi slt, %gather3A_2231, %get3A_1991 : vector<16xi32>
    %lt3A_2234 = arith.cmpi slt, %gather3A_2232, %add3A_1994 : vector<16xi32>
    %add3A_2235 = arith.constant 1 : i32
    %add3A_2236 = vector.broadcast %add3A_2235 : i32 to vector<16xi32>
    %add3A_2237 = arith.addi %shift_right_arithmetic3A_2226, %add3A_2236 : vector<16xi32>
    %select_n3A_2238 = arith.select %lt3A_2233, %add3A_2237, %select_n3A_2216 : vector<16xi1>, vector<16xi32>
    %select_n3A_2239 = arith.select %lt3A_2233, %select_n3A_2217, %shift_right_arithmetic3A_2226 : vector<16xi1>, vector<16xi32>
    %add3A_2240 = arith.constant 1 : i32
    %add3A_2241 = vector.broadcast %add3A_2240 : i32 to vector<16xi32>
    %add3A_2242 = arith.addi %shift_right_arithmetic3A_2230, %add3A_2241 : vector<16xi32>
    %select_n3A_2243 = arith.select %lt3A_2234, %add3A_2242, %select_n3A_2221 : vector<16xi1>, vector<16xi32>
    %select_n3A_2244 = arith.select %lt3A_2234, %select_n3A_2222, %shift_right_arithmetic3A_2230 : vector<16xi1>, vector<16xi32>
    %add3A_2245 = arith.addi %select_n3A_2238, %select_n3A_2239 : vector<16xi32>
    %shift_right_arithmetic3A_2246 = arith.constant 1 : i32
    %shift_right_arithmetic3A_2247 = vector.broadcast %shift_right_arithmetic3A_2246 : i32 to vector<16xi32>
    %shift_right_arithmetic3A_2248 = arith.shrsi %add3A_2245, %shift_right_arithmetic3A_2247 : vector<16xi32>
    %add3A_2249 = arith.addi %select_n3A_2243, %select_n3A_2244 : vector<16xi32>
    %shift_right_arithmetic3A_2250 = arith.constant 1 : i32
    %shift_right_arithmetic3A_2251 = vector.broadcast %shift_right_arithmetic3A_2250 : i32 to vector<16xi32>
    %shift_right_arithmetic3A_2252 = arith.shrsi %add3A_2249, %shift_right_arithmetic3A_2251 : vector<16xi32>
    %gather3A_2253 = tpu.vector_load_idx %arg11[%shift_right_arithmetic3A_2248] : memref<4112xi32, #tpu.memory_space<vmem>>[vector<16xi32>], vector<16xi32>,
    %gather3A_2254 = tpu.vector_load_idx %arg11[%shift_right_arithmetic3A_2252] : memref<4112xi32, #tpu.memory_space<vmem>>[vector<16xi32>], vector<16xi32>,
    %lt3A_2255 = arith.cmpi slt, %gather3A_2253, %get3A_1991 : vector<16xi32>
    %lt3A_2256 = arith.cmpi slt, %gather3A_2254, %add3A_1994 : vector<16xi32>
    %add3A_2257 = arith.constant 1 : i32
    %add3A_2258 = vector.broadcast %add3A_2257 : i32 to vector<16xi32>
    %add3A_2259 = arith.addi %shift_right_arithmetic3A_2248, %add3A_2258 : vector<16xi32>
    %select_n3A_2260 = arith.select %lt3A_2255, %add3A_2259, %select_n3A_2238 : vector<16xi1>, vector<16xi32>
    %select_n3A_2261 = arith.select %lt3A_2255, %select_n3A_2239, %shift_right_arithmetic3A_2248 : vector<16xi1>, vector<16xi32>
    %add3A_2262 = arith.constant 1 : i32
    %add3A_2263 = vector.broadcast %add3A_2262 : i32 to vector<16xi32>
    %add3A_2264 = arith.addi %shift_right_arithmetic3A_2252, %add3A_2263 : vector<16xi32>
    %select_n3A_2265 = arith.select %lt3A_2256, %add3A_2264, %select_n3A_2243 : vector<16xi1>, vector<16xi32>
    %select_n3A_2266 = arith.select %lt3A_2256, %select_n3A_2244, %shift_right_arithmetic3A_2252 : vector<16xi1>, vector<16xi32>
    %swap3A_2267 = arith.constant 112 : index
    %swap3A_2268 = tpu.vector_load %arg12[%swap3A_2267] {strides = array<i32>} : memref<144xi32, #tpu.memory_space<vmem>>, vector<16xi32>,
    tpu.vector_store %arg12[%swap3A_2267], %select_n3A_2260 {strides = array<i32>} : memref<144xi32, #tpu.memory_space<vmem>>, vector<16xi32>,
    %swap3A_2269 = arith.constant 112 : index
    %swap3A_2270 = tpu.vector_load %arg13[%swap3A_2269] {strides = array<i32>} : memref<144xi32, #tpu.memory_space<vmem>>, vector<16xi32>,
    tpu.vector_store %arg13[%swap3A_2269], %select_n3A_2265 {strides = array<i32>} : memref<144xi32, #tpu.memory_space<vmem>>, vector<16xi32>,
    %dma_wait3A = arith.constant 0 : i32
    %dma_wait3A_2271 = tpu.memref_slice %arg8[%dma_wait3A] : memref<4112xf32, #tpu.memory_space<vmem>> -> memref<4096xf32, #tpu.memory_space<vmem>>
    %dma_wait3A_2272 = arith.constant 0 : i32
    %dma_wait3A_2273 = tpu.memref_slice %arg8[%dma_wait3A_2272] : memref<4112xf32, #tpu.memory_space<vmem>> -> memref<4096xf32, #tpu.memory_space<vmem>>
    tpu.wait_dma2 semaphore(%arg17 : memref<!tpu.dma_semaphore, #tpu.memory_space<semaphore_mem>>) src(%arg2 : memref<4096xf32, #tpu.memory_space<hbm>>) dst(%dma_wait3A_2273 : memref<4096xf32, #tpu.memory_space<vmem>>)
    %dma_wait3A_2274 = arith.constant 0 : i32
    %dma_wait3A_2275 = tpu.memref_slice %arg9[%dma_wait3A_2274] : memref<4112xf32, #tpu.memory_space<vmem>> -> memref<4096xf32, #tpu.memory_space<vmem>>
    %dma_wait3A_2276 = arith.constant 0 : i32
    %dma_wait3A_2277 = tpu.memref_slice %arg9[%dma_wait3A_2276] : memref<4112xf32, #tpu.memory_space<vmem>> -> memref<4096xf32, #tpu.memory_space<vmem>>
    tpu.wait_dma2 semaphore(%arg17 : memref<!tpu.dma_semaphore, #tpu.memory_space<semaphore_mem>>) src(%arg3 : memref<4096xf32, #tpu.memory_space<hbm>>) dst(%dma_wait3A_2277 : memref<4096xf32, #tpu.memory_space<vmem>>)
    %dma_wait3A_2278 = arith.constant 0 : i32
    %dma_wait3A_2279 = tpu.memref_slice %arg10[%dma_wait3A_2278] : memref<4112xf32, #tpu.memory_space<vmem>> -> memref<4096xf32, #tpu.memory_space<vmem>>
    %dma_wait3A_2280 = arith.constant 0 : i32
    %dma_wait3A_2281 = tpu.memref_slice %arg10[%dma_wait3A_2280] : memref<4112xf32, #tpu.memory_space<vmem>> -> memref<4096xf32, #tpu.memory_space<vmem>>
    tpu.wait_dma2 semaphore(%arg17 : memref<!tpu.dma_semaphore, #tpu.memory_space<semaphore_mem>>) src(%arg4 : memref<4096xf32, #tpu.memory_space<hbm>>) dst(%dma_wait3A_2281 : memref<4096xf32, #tpu.memory_space<vmem>>)
    %scan3A = arith.constant 0 : i32
    %scan3A_2282 = arith.constant 0 : i32
    %scan3A_2283 = arith.constant 64 : i32
    %scan3A_2284 = arith.addi %scan3A_2282, %scan3A_2283 : i32
    %scan3A_2285 = arith.constant 1 : i32
    %scan3A_2286 = scf.for %scan3A_2295 = %scan3A_2282 to %scan3A_2284 step %scan3A_2285 iter_args(%scan3A_2296 = %scan3A) -> (i32)  : i32 {
      %mul3A_2297 = arith.constant 2 : i32
      %mul3A_2298 = arith.muli %mul3A_2297, %scan3A_2295 : i32
      %add3A_2299 = arith.addi %mul3A_2, %mul3A_2298 : i32
      %get3A_2300 = arith.index_cast %mul3A_2298 : i32 to index
      %get3A_2301 = tpu.vector_load %arg12[%get3A_2300] {strides = array<i32>} : memref<144xi32, #tpu.memory_space<vmem>>, vector<16xi32>,
      %get3A_2302 = arith.index_cast %mul3A_2298 : i32 to index
      %get3A_2303 = tpu.vector_load %arg13[%get3A_2302] {strides = array<i32>} : memref<144xi32, #tpu.memory_space<vmem>>, vector<16xi32>,
      %get3A_2304 = arith.index_cast %add3A_2299 : i32 to index
      %get3A_2305 = tpu.vector_load %arg8[%get3A_2304] {strides = array<i32>} : memref<4112xf32, #tpu.memory_space<vmem>>, vector<16xf32>,
      %get3A_2306 = arith.index_cast %add3A_2299 : i32 to index
      %get3A_2307 = tpu.vector_load %arg9[%get3A_2306] {strides = array<i32>} : memref<4112xf32, #tpu.memory_space<vmem>>, vector<16xf32>,
      %get3A_2308 = arith.index_cast %add3A_2299 : i32 to index
      %get3A_2309 = tpu.vector_load %arg10[%get3A_2308] {strides = array<i32>} : memref<4112xf32, #tpu.memory_space<vmem>>, vector<16xf32>,
      %add3A_2310 = arith.constant 0 : i32
      %add3A_2311 = arith.addi %add3A_2299, %add3A_2310 : i32
      %slice3A = vector.extract_strided_slice %get3A_2301 {offsets = [0], sizes = [1], strides = [1]} : vector<16xi32> to vector<1xi32>
      %squeeze3A = vector.extract %slice3A[0] : i32 from vector<1xi32>
      %slice3A_2312 = vector.extract_strided_slice %get3A_2303 {offsets = [0], sizes = [1], strides = [1]} : vector<16xi32> to vector<1xi32>
      %squeeze3A_2313 = vector.extract %slice3A_2312[0] : i32 from vector<1xi32>
      %slice3A_2314 = vector.extract_strided_slice %get3A_2305 {offsets = [0], sizes = [1], strides = [1]} : vector<16xf32> to vector<1xf32>
      %squeeze3A_2315 = vector.extract %slice3A_2314[0] : f32 from vector<1xf32>
      %slice3A_2316 = vector.extract_strided_slice %get3A_2307 {offsets = [0], sizes = [1], strides = [1]} : vector<16xf32> to vector<1xf32>
      %squeeze3A_2317 = vector.extract %slice3A_2316[0] : f32 from vector<1xf32>
      %slice3A_2318 = vector.extract_strided_slice %get3A_2309 {offsets = [0], sizes = [1], strides = [1]} : vector<16xf32> to vector<1xf32>
      %squeeze3A_2319 = vector.extract %slice3A_2318[0] : f32 from vector<1xf32>
      %add3A_2320 = arith.constant 1 : i32
      %add3A_2321 = arith.addi %add3A_2299, %add3A_2320 : i32
      %slice3A_2322 = vector.extract_strided_slice %get3A_2301 {offsets = [1], sizes = [1], strides = [1]} : vector<16xi32> to vector<1xi32>
      %squeeze3A_2323 = vector.extract %slice3A_2322[0] : i32 from vector<1xi32>
      %slice3A_2324 = vector.extract_strided_slice %get3A_2303 {offsets = [1], sizes = [1], strides = [1]} : vector<16xi32> to vector<1xi32>
      %squeeze3A_2325 = vector.extract %slice3A_2324[0] : i32 from vector<1xi32>
      %slice3A_2326 = vector.extract_strided_slice %get3A_2305 {offsets = [1], sizes = [1], strides = [1]} : vector<16xf32> to vector<1xf32>
      %squeeze3A_2327 = vector.extract %slice3A_2326[0] : f32 from vector<1xf32>
      %slice3A_2328 = vector.extract_strided_slice %get3A_2307 {offsets = [1], sizes = [1], strides = [1]} : vector<16xf32> to vector<1xf32>
      %squeeze3A_2329 = vector.extract %slice3A_2328[0] : f32 from vector<1xf32>
      %slice3A_2330 = vector.extract_strided_slice %get3A_2309 {offsets = [1], sizes = [1], strides = [1]} : vector<16xf32> to vector<1xf32>
      %squeeze3A_2331 = vector.extract %slice3A_2330[0] : f32 from vector<1xf32>
      %broadcast_in_dim3A_2332 = arith.constant 2130706432 : i32
      %broadcast_in_dim3A_2333 = vector.broadcast %broadcast_in_dim3A_2332 : i32 to vector<16xi32>
      %broadcast_in_dim3A_2334 = arith.constant 0 : i32
      %broadcast_in_dim3A_2335 = vector.broadcast %broadcast_in_dim3A_2334 : i32 to vector<16xi32>
      %broadcast_in_dim3A_2336 = arith.constant 2130706432 : i32
      %broadcast_in_dim3A_2337 = vector.broadcast %broadcast_in_dim3A_2336 : i32 to vector<16xi32>
      %broadcast_in_dim3A_2338 = arith.constant 0 : i32
      %broadcast_in_dim3A_2339 = vector.broadcast %broadcast_in_dim3A_2338 : i32 to vector<16xi32>
      %min3A = arith.minsi %squeeze3A, %squeeze3A_2323 : i32
      %max3A = arith.maxsi %squeeze3A_2313, %squeeze3A_2325 : i32
      %shift_right_arithmetic3A_2340 = arith.constant 5 : i32
      %shift_right_arithmetic3A_2341 = arith.shrsi %min3A, %shift_right_arithmetic3A_2340 : i32
      %max3A_2342 = arith.constant 2 : i32
      %max3A_2343 = arith.maxsi %shift_right_arithmetic3A_2341, %max3A_2342 : i32
      %add3A_2344 = arith.constant 31 : i32
      %add3A_2345 = arith.addi %max3A, %add3A_2344 : i32
      %shift_right_arithmetic3A_2346 = arith.constant 5 : i32
      %shift_right_arithmetic3A_2347 = arith.shrsi %add3A_2345, %shift_right_arithmetic3A_2346 : i32
      %max3A_2348 = arith.constant 2 : i32
      %max3A_2349 = arith.maxsi %shift_right_arithmetic3A_2347, %max3A_2348 : i32
      %while3A = arith.subi %max3A_2349, %max3A_2343 : i32
      %while3A_2350 = arith.addi %max3A_2343, %while3A : i32
      %while3A_2351 = arith.constant 1 : i32
      %while3A_2352 = arith.divsi %while3A, %while3A_2351 : i32
      %while3A_2353 = arith.muli %while3A_2352, %while3A_2351 : i32
      %while3A_2354 = arith.addi %max3A_2343, %while3A_2353 : i32
      %while3A_2355 = arith.constant 1 : i32
      %while3A_2356:8 = scf.for %while3A_2598 = %max3A_2343 to %while3A_2354 step %while3A_2355 iter_args(%while3A_2599 = %broadcast_in_dim3A_2333, %while3A_2600 = %broadcast_in_dim3A_2335, %while3A_2601 = %broadcast_in_dim3A_2337, %while3A_2602 = %broadcast_in_dim3A_2339, %while3A_2603 = %broadcast_in_dim3A_2333, %while3A_2604 = %broadcast_in_dim3A_2335, %while3A_2605 = %broadcast_in_dim3A_2337, %while3A_2606 = %broadcast_in_dim3A_2339) -> (vector<16xi32>, vector<16xi32>, vector<16xi32>, vector<16xi32>, vector<16xi32>, vector<16xi32>, vector<16xi32>, vector<16xi32>)  : i32 {
        %mul3A_2607 = arith.constant 2 : i32
        %mul3A_2608 = arith.muli %while3A_2598, %mul3A_2607 : i32
        %mul3A_2609 = arith.constant 16 : i32
        %mul3A_2610 = arith.muli %mul3A_2608, %mul3A_2609 : i32
        %multiple_of3A_2611 = tpu.assume_multiple %mul3A_2610, 32 : i32
        %add3A_2612 = arith.constant 16 : i32
        %add3A_2613 = arith.addi %multiple_of3A_2611, %add3A_2612 : i32
        %get3A_2614 = arith.index_cast %multiple_of3A_2611 : i32 to index
        %get3A_2615 = tpu.vector_load %arg8[%get3A_2614] {strides = array<i32>} : memref<4112xf32, #tpu.memory_space<vmem>>, vector<16xf32>,
        %get3A_2616 = arith.index_cast %multiple_of3A_2611 : i32 to index
        %get3A_2617 = tpu.vector_load %arg9[%get3A_2616] {strides = array<i32>} : memref<4112xf32, #tpu.memory_space<vmem>>, vector<16xf32>,
        %get3A_2618 = arith.index_cast %multiple_of3A_2611 : i32 to index
        %get3A_2619 = tpu.vector_load %arg10[%get3A_2618] {strides = array<i32>} : memref<4112xf32, #tpu.memory_space<vmem>>, vector<16xf32>,
        %get3A_2620 = arith.index_cast %add3A_2613 : i32 to index
        %get3A_2621 = tpu.vector_load %arg8[%get3A_2620] {strides = array<i32>} : memref<4112xf32, #tpu.memory_space<vmem>>, vector<16xf32>,
        %get3A_2622 = arith.index_cast %add3A_2613 : i32 to index
        %get3A_2623 = tpu.vector_load %arg9[%get3A_2622] {strides = array<i32>} : memref<4112xf32, #tpu.memory_space<vmem>>, vector<16xf32>,
        %get3A_2624 = arith.index_cast %add3A_2613 : i32 to index
        %get3A_2625 = tpu.vector_load %arg10[%get3A_2624] {strides = array<i32>} : memref<4112xf32, #tpu.memory_space<vmem>>, vector<16xf32>,
        %add3A_2626 = vector.broadcast %multiple_of3A_2611 : i32 to vector<16xi32>
        %add3A_2627 = arith.addi %iota3A, %add3A_2626 : vector<16xi32>
        %add3A_2628 = vector.broadcast %add3A_2613 : i32 to vector<16xi32>
        %add3A_2629 = arith.addi %iota3A, %add3A_2628 : vector<16xi32>
        %sub3A_2630 = vector.broadcast %squeeze3A_2315 : f32 to vector<16xf32>
        %sub3A_2631 = arith.subf %sub3A_2630, %get3A_2615 : vector<16xf32>
        %sub3A_2632 = vector.broadcast %squeeze3A_2317 : f32 to vector<16xf32>
        %sub3A_2633 = arith.subf %sub3A_2632, %get3A_2617 : vector<16xf32>
        %sub3A_2634 = vector.broadcast %squeeze3A_2319 : f32 to vector<16xf32>
        %sub3A_2635 = arith.subf %sub3A_2634, %get3A_2619 : vector<16xf32>
        %mul3A_2636 = arith.mulf %sub3A_2631, %sub3A_2631 : vector<16xf32>
        %mul3A_2637 = arith.mulf %sub3A_2633, %sub3A_2633 : vector<16xf32>
        %add3A_2638 = arith.addf %mul3A_2636, %mul3A_2637 : vector<16xf32>
        %mul3A_2639 = arith.mulf %sub3A_2635, %sub3A_2635 : vector<16xf32>
        %add3A_2640 = arith.addf %add3A_2638, %mul3A_2639 : vector<16xf32>
        %bitcast3A_2641 = vector.bitcast %add3A_2640 : vector<16xf32> to vector<16xi32>
        %lt3A_2642 = vector.broadcast %squeeze3A : i32 to vector<16xi32>
        %lt3A_2643 = arith.cmpi slt, %add3A_2627, %lt3A_2642 : vector<16xi32>
        %ge3A_2644 = vector.broadcast %squeeze3A_2313 : i32 to vector<16xi32>
        %ge3A_2645 = arith.cmpi sge, %add3A_2627, %ge3A_2644 : vector<16xi32>
        %or3A_2646 = arith.ori %lt3A_2643, %ge3A_2645 : vector<16xi1>
        %eq3A = vector.broadcast %add3A_2311 : i32 to vector<16xi32>
        %eq3A_2647 = arith.cmpi eq, %add3A_2627, %eq3A : vector<16xi32>
        %or3A_2648 = arith.ori %or3A_2646, %eq3A_2647 : vector<16xi1>
        %ge3A_2649 = arith.constant 1.000000e+02 : f32
        %ge3A_2650 = vector.broadcast %ge3A_2649 : f32 to vector<16xf32>
        %ge3A_2651 = arith.cmpf oge, %add3A_2640, %ge3A_2650 : vector<16xf32>
        %or3A_2652 = arith.ori %or3A_2648, %ge3A_2651 : vector<16xi1>
        %add3A_2653 = arith.constant 1120403456 : i32
        %add3A_2654 = vector.broadcast %add3A_2653 : i32 to vector<16xi32>
        %add3A_2655 = arith.addi %add3A_2654, %add3A_2627 : vector<16xi32>
        %select_n3A_2656 = arith.select %or3A_2652, %add3A_2655, %bitcast3A_2641 : vector<16xi1>, vector<16xi32>
        %sub3A_2657 = vector.broadcast %squeeze3A_2315 : f32 to vector<16xf32>
        %sub3A_2658 = arith.subf %sub3A_2657, %get3A_2621 : vector<16xf32>
        %sub3A_2659 = vector.broadcast %squeeze3A_2317 : f32 to vector<16xf32>
        %sub3A_2660 = arith.subf %sub3A_2659, %get3A_2623 : vector<16xf32>
        %sub3A_2661 = vector.broadcast %squeeze3A_2319 : f32 to vector<16xf32>
        %sub3A_2662 = arith.subf %sub3A_2661, %get3A_2625 : vector<16xf32>
        %mul3A_2663 = arith.mulf %sub3A_2658, %sub3A_2658 : vector<16xf32>
        %mul3A_2664 = arith.mulf %sub3A_2660, %sub3A_2660 : vector<16xf32>
        %add3A_2665 = arith.addf %mul3A_2663, %mul3A_2664 : vector<16xf32>
        %mul3A_2666 = arith.mulf %sub3A_2662, %sub3A_2662 : vector<16xf32>
        %add3A_2667 = arith.addf %add3A_2665, %mul3A_2666 : vector<16xf32>
        %bitcast3A_2668 = vector.bitcast %add3A_2667 : vector<16xf32> to vector<16xi32>
        %lt3A_2669 = vector.broadcast %squeeze3A : i32 to vector<16xi32>
        %lt3A_2670 = arith.cmpi slt, %add3A_2629, %lt3A_2669 : vector<16xi32>
        %ge3A_2671 = vector.broadcast %squeeze3A_2313 : i32 to vector<16xi32>
        %ge3A_2672 = arith.cmpi sge, %add3A_2629, %ge3A_2671 : vector<16xi32>
        %or3A_2673 = arith.ori %lt3A_2670, %ge3A_2672 : vector<16xi1>
        %eq3A_2674 = vector.broadcast %add3A_2311 : i32 to vector<16xi32>
        %eq3A_2675 = arith.cmpi eq, %add3A_2629, %eq3A_2674 : vector<16xi32>
        %or3A_2676 = arith.ori %or3A_2673, %eq3A_2675 : vector<16xi1>
        %ge3A_2677 = arith.constant 1.000000e+02 : f32
        %ge3A_2678 = vector.broadcast %ge3A_2677 : f32 to vector<16xf32>
        %ge3A_2679 = arith.cmpf oge, %add3A_2667, %ge3A_2678 : vector<16xf32>
        %or3A_2680 = arith.ori %or3A_2676, %ge3A_2679 : vector<16xi1>
        %add3A_2681 = arith.constant 1120403456 : i32
        %add3A_2682 = vector.broadcast %add3A_2681 : i32 to vector<16xi32>
        %add3A_2683 = arith.addi %add3A_2682, %add3A_2629 : vector<16xi32>
        %select_n3A_2684 = arith.select %or3A_2680, %add3A_2683, %bitcast3A_2668 : vector<16xi1>, vector<16xi32>
        %masked_sort3A = arith.constant dense<true> : vector<16xi1>
        %masked_sort3A_2685 = arith.constant -2147483648 : i32
        %masked_sort3A_2686 = vector.broadcast %masked_sort3A_2685 : i32 to vector<16xi32>
        %masked_sort3A_2687 = arith.xori %select_n3A_2656, %masked_sort3A_2686 : vector<16xi32>
        %masked_sort3A_2688, %masked_sort3A_2689, %masked_sort3A_2690 = tpu.sort %masked_sort3A_2687, %add3A_2627 masked %masked_sort3A : (vector<16xi32>, vector<16xi32>, vector<16xi1>) -> (vector<16xi1>, vector<16xi32>, vector<16xi32>)
        %masked_sort3A_2691 = arith.xori %masked_sort3A_2689, %masked_sort3A_2686 : vector<16xi32>
        %masked_sort3A_2692 = arith.constant dense<true> : vector<16xi1>
        %masked_sort3A_2693 = arith.constant -2147483648 : i32
        %masked_sort3A_2694 = vector.broadcast %masked_sort3A_2693 : i32 to vector<16xi32>
        %masked_sort3A_2695 = arith.xori %select_n3A_2684, %masked_sort3A_2694 : vector<16xi32>
        %masked_sort3A_2696, %masked_sort3A_2697, %masked_sort3A_2698 = tpu.sort %masked_sort3A_2695, %add3A_2629 masked %masked_sort3A_2692 {descending = true} : (vector<16xi32>, vector<16xi32>, vector<16xi1>) -> (vector<16xi1>, vector<16xi32>, vector<16xi32>)
        %masked_sort3A_2699 = arith.xori %masked_sort3A_2697, %masked_sort3A_2694 : vector<16xi32>
        %lt3A_2700 = arith.cmpi slt, %masked_sort3A_2699, %masked_sort3A_2691 : vector<16xi32>
        %select_n3A_2701 = arith.select %lt3A_2700, %masked_sort3A_2699, %masked_sort3A_2691 : vector<16xi1>, vector<16xi32>
        %select_n3A_2702 = arith.select %lt3A_2700, %masked_sort3A_2698, %masked_sort3A_2690 : vector<16xi1>, vector<16xi32>
        %select_n3A_2703 = arith.select %lt3A_2700, %masked_sort3A_2691, %masked_sort3A_2699 : vector<16xi1>, vector<16xi32>
        %select_n3A_2704 = arith.select %lt3A_2700, %masked_sort3A_2690, %masked_sort3A_2698 : vector<16xi1>, vector<16xi32>
        %masked_sort3A_2705 = arith.constant dense<true> : vector<16xi1>
        %masked_sort3A_2706 = arith.constant -2147483648 : i32
        %masked_sort3A_2707 = vector.broadcast %masked_sort3A_2706 : i32 to vector<16xi32>
        %masked_sort3A_2708 = arith.xori %select_n3A_2701, %masked_sort3A_2707 : vector<16xi32>
        %masked_sort3A_2709, %masked_sort3A_2710, %masked_sort3A_2711 = tpu.sort %masked_sort3A_2708, %select_n3A_2702 masked %masked_sort3A_2705 {descending = true} : (vector<16xi32>, vector<16xi32>, vector<16xi1>) -> (vector<16xi1>, vector<16xi32>, vector<16xi32>)
        %masked_sort3A_2712 = arith.xori %masked_sort3A_2710, %masked_sort3A_2707 : vector<16xi32>
        %masked_sort3A_2713 = arith.constant dense<true> : vector<16xi1>
        %masked_sort3A_2714 = arith.constant -2147483648 : i32
        %masked_sort3A_2715 = vector.broadcast %masked_sort3A_2714 : i32 to vector<16xi32>
        %masked_sort3A_2716 = arith.xori %select_n3A_2703, %masked_sort3A_2715 : vector<16xi32>
        %masked_sort3A_2717, %masked_sort3A_2718, %masked_sort3A_2719 = tpu.sort %masked_sort3A_2716, %select_n3A_2704 masked %masked_sort3A_2713 {descending = true} : (vector<16xi32>, vector<16xi32>, vector<16xi1>) -> (vector<16xi1>, vector<16xi32>, vector<16xi32>)
        %masked_sort3A_2720 = arith.xori %masked_sort3A_2718, %masked_sort3A_2715 : vector<16xi32>
        %lt3A_2721 = arith.cmpi slt, %masked_sort3A_2720, %while3A_2599 : vector<16xi32>
        %select_n3A_2722 = arith.select %lt3A_2721, %masked_sort3A_2720, %while3A_2599 : vector<16xi1>, vector<16xi32>
        %select_n3A_2723 = arith.select %lt3A_2721, %masked_sort3A_2719, %while3A_2600 : vector<16xi1>, vector<16xi32>
        %lt3A_2724 = arith.cmpi slt, %masked_sort3A_2712, %while3A_2601 : vector<16xi32>
        %select_n3A_2725 = arith.select %lt3A_2724, %masked_sort3A_2712, %while3A_2601 : vector<16xi1>, vector<16xi32>
        %select_n3A_2726 = arith.select %lt3A_2724, %masked_sort3A_2711, %while3A_2602 : vector<16xi1>, vector<16xi32>
        %lt3A_2727 = arith.cmpi slt, %select_n3A_2725, %select_n3A_2722 : vector<16xi32>
        %select_n3A_2728 = arith.select %lt3A_2727, %select_n3A_2725, %select_n3A_2722 : vector<16xi1>, vector<16xi32>
        %select_n3A_2729 = arith.select %lt3A_2727, %select_n3A_2726, %select_n3A_2723 : vector<16xi1>, vector<16xi32>
        %select_n3A_2730 = arith.select %lt3A_2727, %select_n3A_2722, %select_n3A_2725 : vector<16xi1>, vector<16xi32>
        %select_n3A_2731 = arith.select %lt3A_2727, %select_n3A_2723, %select_n3A_2726 : vector<16xi1>, vector<16xi32>
        %masked_sort3A_2732 = arith.constant dense<true> : vector<16xi1>
        %masked_sort3A_2733 = arith.constant -2147483648 : i32
        %masked_sort3A_2734 = vector.broadcast %masked_sort3A_2733 : i32 to vector<16xi32>
        %masked_sort3A_2735 = arith.xori %select_n3A_2728, %masked_sort3A_2734 : vector<16xi32>
        %masked_sort3A_2736, %masked_sort3A_2737, %masked_sort3A_2738 = tpu.sort %masked_sort3A_2735, %select_n3A_2729 masked %masked_sort3A_2732 : (vector<16xi32>, vector<16xi32>, vector<16xi1>) -> (vector<16xi1>, vector<16xi32>, vector<16xi32>)
        %masked_sort3A_2739 = arith.xori %masked_sort3A_2737, %masked_sort3A_2734 : vector<16xi32>
        %masked_sort3A_2740 = arith.constant dense<true> : vector<16xi1>
        %masked_sort3A_2741 = arith.constant -2147483648 : i32
        %masked_sort3A_2742 = vector.broadcast %masked_sort3A_2741 : i32 to vector<16xi32>
        %masked_sort3A_2743 = arith.xori %select_n3A_2730, %masked_sort3A_2742 : vector<16xi32>
        %masked_sort3A_2744, %masked_sort3A_2745, %masked_sort3A_2746 = tpu.sort %masked_sort3A_2743, %select_n3A_2731 masked %masked_sort3A_2740 : (vector<16xi32>, vector<16xi32>, vector<16xi1>) -> (vector<16xi1>, vector<16xi32>, vector<16xi32>)
        %masked_sort3A_2747 = arith.xori %masked_sort3A_2745, %masked_sort3A_2742 : vector<16xi32>
        %sub3A_2748 = vector.broadcast %squeeze3A_2327 : f32 to vector<16xf32>
        %sub3A_2749 = arith.subf %sub3A_2748, %get3A_2615 : vector<16xf32>
        %sub3A_2750 = vector.broadcast %squeeze3A_2329 : f32 to vector<16xf32>
        %sub3A_2751 = arith.subf %sub3A_2750, %get3A_2617 : vector<16xf32>
        %sub3A_2752 = vector.broadcast %squeeze3A_2331 : f32 to vector<16xf32>
        %sub3A_2753 = arith.subf %sub3A_2752, %get3A_2619 : vector<16xf32>
        %mul3A_2754 = arith.mulf %sub3A_2749, %sub3A_2749 : vector<16xf32>
        %mul3A_2755 = arith.mulf %sub3A_2751, %sub3A_2751 : vector<16xf32>
        %add3A_2756 = arith.addf %mul3A_2754, %mul3A_2755 : vector<16xf32>
        %mul3A_2757 = arith.mulf %sub3A_2753, %sub3A_2753 : vector<16xf32>
        %add3A_2758 = arith.addf %add3A_2756, %mul3A_2757 : vector<16xf32>
        %bitcast3A_2759 = vector.bitcast %add3A_2758 : vector<16xf32> to vector<16xi32>
        %lt3A_2760 = vector.broadcast %squeeze3A_2323 : i32 to vector<16xi32>
        %lt3A_2761 = arith.cmpi slt, %add3A_2627, %lt3A_2760 : vector<16xi32>
        %ge3A_2762 = vector.broadcast %squeeze3A_2325 : i32 to vector<16xi32>
        %ge3A_2763 = arith.cmpi sge, %add3A_2627, %ge3A_2762 : vector<16xi32>
        %or3A_2764 = arith.ori %lt3A_2761, %ge3A_2763 : vector<16xi1>
        %eq3A_2765 = vector.broadcast %add3A_2321 : i32 to vector<16xi32>
        %eq3A_2766 = arith.cmpi eq, %add3A_2627, %eq3A_2765 : vector<16xi32>
        %or3A_2767 = arith.ori %or3A_2764, %eq3A_2766 : vector<16xi1>
        %ge3A_2768 = arith.constant 1.000000e+02 : f32
        %ge3A_2769 = vector.broadcast %ge3A_2768 : f32 to vector<16xf32>
        %ge3A_2770 = arith.cmpf oge, %add3A_2758, %ge3A_2769 : vector<16xf32>
        %or3A_2771 = arith.ori %or3A_2767, %ge3A_2770 : vector<16xi1>
        %add3A_2772 = arith.constant 1120403456 : i32
        %add3A_2773 = vector.broadcast %add3A_2772 : i32 to vector<16xi32>
        %add3A_2774 = arith.addi %add3A_2773, %add3A_2627 : vector<16xi32>
        %select_n3A_2775 = arith.select %or3A_2771, %add3A_2774, %bitcast3A_2759 : vector<16xi1>, vector<16xi32>
        %sub3A_2776 = vector.broadcast %squeeze3A_2327 : f32 to vector<16xf32>
        %sub3A_2777 = arith.subf %sub3A_2776, %get3A_2621 : vector<16xf32>
        %sub3A_2778 = vector.broadcast %squeeze3A_2329 : f32 to vector<16xf32>
        %sub3A_2779 = arith.subf %sub3A_2778, %get3A_2623 : vector<16xf32>
        %sub3A_2780 = vector.broadcast %squeeze3A_2331 : f32 to vector<16xf32>
        %sub3A_2781 = arith.subf %sub3A_2780, %get3A_2625 : vector<16xf32>
        %mul3A_2782 = arith.mulf %sub3A_2777, %sub3A_2777 : vector<16xf32>
        %mul3A_2783 = arith.mulf %sub3A_2779, %sub3A_2779 : vector<16xf32>
        %add3A_2784 = arith.addf %mul3A_2782, %mul3A_2783 : vector<16xf32>
        %mul3A_2785 = arith.mulf %sub3A_2781, %sub3A_2781 : vector<16xf32>
        %add3A_2786 = arith.addf %add3A_2784, %mul3A_2785 : vector<16xf32>
        %bitcast3A_2787 = vector.bitcast %add3A_2786 : vector<16xf32> to vector<16xi32>
        %lt3A_2788 = vector.broadcast %squeeze3A_2323 : i32 to vector<16xi32>
        %lt3A_2789 = arith.cmpi slt, %add3A_2629, %lt3A_2788 : vector<16xi32>
        %ge3A_2790 = vector.broadcast %squeeze3A_2325 : i32 to vector<16xi32>
        %ge3A_2791 = arith.cmpi sge, %add3A_2629, %ge3A_2790 : vector<16xi32>
        %or3A_2792 = arith.ori %lt3A_2789, %ge3A_2791 : vector<16xi1>
        %eq3A_2793 = vector.broadcast %add3A_2321 : i32 to vector<16xi32>
        %eq3A_2794 = arith.cmpi eq, %add3A_2629, %eq3A_2793 : vector<16xi32>
        %or3A_2795 = arith.ori %or3A_2792, %eq3A_2794 : vector<16xi1>
        %ge3A_2796 = arith.constant 1.000000e+02 : f32
        %ge3A_2797 = vector.broadcast %ge3A_2796 : f32 to vector<16xf32>
        %ge3A_2798 = arith.cmpf oge, %add3A_2786, %ge3A_2797 : vector<16xf32>
        %or3A_2799 = arith.ori %or3A_2795, %ge3A_2798 : vector<16xi1>
        %add3A_2800 = arith.constant 1120403456 : i32
        %add3A_2801 = vector.broadcast %add3A_2800 : i32 to vector<16xi32>
        %add3A_2802 = arith.addi %add3A_2801, %add3A_2629 : vector<16xi32>
        %select_n3A_2803 = arith.select %or3A_2799, %add3A_2802, %bitcast3A_2787 : vector<16xi1>, vector<16xi32>
        %masked_sort3A_2804 = arith.constant dense<true> : vector<16xi1>
        %masked_sort3A_2805 = arith.constant -2147483648 : i32
        %masked_sort3A_2806 = vector.broadcast %masked_sort3A_2805 : i32 to vector<16xi32>
        %masked_sort3A_2807 = arith.xori %select_n3A_2775, %masked_sort3A_2806 : vector<16xi32>
        %masked_sort3A_2808, %masked_sort3A_2809, %masked_sort3A_2810 = tpu.sort %masked_sort3A_2807, %add3A_2627 masked %masked_sort3A_2804 : (vector<16xi32>, vector<16xi32>, vector<16xi1>) -> (vector<16xi1>, vector<16xi32>, vector<16xi32>)
        %masked_sort3A_2811 = arith.xori %masked_sort3A_2809, %masked_sort3A_2806 : vector<16xi32>
        %masked_sort3A_2812 = arith.constant dense<true> : vector<16xi1>
        %masked_sort3A_2813 = arith.constant -2147483648 : i32
        %masked_sort3A_2814 = vector.broadcast %masked_sort3A_2813 : i32 to vector<16xi32>
        %masked_sort3A_2815 = arith.xori %select_n3A_2803, %masked_sort3A_2814 : vector<16xi32>
        %masked_sort3A_2816, %masked_sort3A_2817, %masked_sort3A_2818 = tpu.sort %masked_sort3A_2815, %add3A_2629 masked %masked_sort3A_2812 {descending = true} : (vector<16xi32>, vector<16xi32>, vector<16xi1>) -> (vector<16xi1>, vector<16xi32>, vector<16xi32>)
        %masked_sort3A_2819 = arith.xori %masked_sort3A_2817, %masked_sort3A_2814 : vector<16xi32>
        %lt3A_2820 = arith.cmpi slt, %masked_sort3A_2819, %masked_sort3A_2811 : vector<16xi32>
        %select_n3A_2821 = arith.select %lt3A_2820, %masked_sort3A_2819, %masked_sort3A_2811 : vector<16xi1>, vector<16xi32>
        %select_n3A_2822 = arith.select %lt3A_2820, %masked_sort3A_2818, %masked_sort3A_2810 : vector<16xi1>, vector<16xi32>
        %select_n3A_2823 = arith.select %lt3A_2820, %masked_sort3A_2811, %masked_sort3A_2819 : vector<16xi1>, vector<16xi32>
        %select_n3A_2824 = arith.select %lt3A_2820, %masked_sort3A_2810, %masked_sort3A_2818 : vector<16xi1>, vector<16xi32>
        %masked_sort3A_2825 = arith.constant dense<true> : vector<16xi1>
        %masked_sort3A_2826 = arith.constant -2147483648 : i32
        %masked_sort3A_2827 = vector.broadcast %masked_sort3A_2826 : i32 to vector<16xi32>
        %masked_sort3A_2828 = arith.xori %select_n3A_2821, %masked_sort3A_2827 : vector<16xi32>
        %masked_sort3A_2829, %masked_sort3A_2830, %masked_sort3A_2831 = tpu.sort %masked_sort3A_2828, %select_n3A_2822 masked %masked_sort3A_2825 {descending = true} : (vector<16xi32>, vector<16xi32>, vector<16xi1>) -> (vector<16xi1>, vector<16xi32>, vector<16xi32>)
        %masked_sort3A_2832 = arith.xori %masked_sort3A_2830, %masked_sort3A_2827 : vector<16xi32>
        %masked_sort3A_2833 = arith.constant dense<true> : vector<16xi1>
        %masked_sort3A_2834 = arith.constant -2147483648 : i32
        %masked_sort3A_2835 = vector.broadcast %masked_sort3A_2834 : i32 to vector<16xi32>
        %masked_sort3A_2836 = arith.xori %select_n3A_2823, %masked_sort3A_2835 : vector<16xi32>
        %masked_sort3A_2837, %masked_sort3A_2838, %masked_sort3A_2839 = tpu.sort %masked_sort3A_2836, %select_n3A_2824 masked %masked_sort3A_2833 {descending = true} : (vector<16xi32>, vector<16xi32>, vector<16xi1>) -> (vector<16xi1>, vector<16xi32>, vector<16xi32>)
        %masked_sort3A_2840 = arith.xori %masked_sort3A_2838, %masked_sort3A_2835 : vector<16xi32>
        %lt3A_2841 = arith.cmpi slt, %masked_sort3A_2840, %while3A_2603 : vector<16xi32>
        %select_n3A_2842 = arith.select %lt3A_2841, %masked_sort3A_2840, %while3A_2603 : vector<16xi1>, vector<16xi32>
        %select_n3A_2843 = arith.select %lt3A_2841, %masked_sort3A_2839, %while3A_2604 : vector<16xi1>, vector<16xi32>
        %lt3A_2844 = arith.cmpi slt, %masked_sort3A_2832, %while3A_2605 : vector<16xi32>
        %select_n3A_2845 = arith.select %lt3A_2844, %masked_sort3A_2832, %while3A_2605 : vector<16xi1>, vector<16xi32>
        %select_n3A_2846 = arith.select %lt3A_2844, %masked_sort3A_2831, %while3A_2606 : vector<16xi1>, vector<16xi32>
        %lt3A_2847 = arith.cmpi slt, %select_n3A_2845, %select_n3A_2842 : vector<16xi32>
        %select_n3A_2848 = arith.select %lt3A_2847, %select_n3A_2845, %select_n3A_2842 : vector<16xi1>, vector<16xi32>
        %select_n3A_2849 = arith.select %lt3A_2847, %select_n3A_2846, %select_n3A_2843 : vector<16xi1>, vector<16xi32>
        %select_n3A_2850 = arith.select %lt3A_2847, %select_n3A_2842, %select_n3A_2845 : vector<16xi1>, vector<16xi32>
        %select_n3A_2851 = arith.select %lt3A_2847, %select_n3A_2843, %select_n3A_2846 : vector<16xi1>, vector<16xi32>
        %masked_sort3A_2852 = arith.constant dense<true> : vector<16xi1>
        %masked_sort3A_2853 = arith.constant -2147483648 : i32
        %masked_sort3A_2854 = vector.broadcast %masked_sort3A_2853 : i32 to vector<16xi32>
        %masked_sort3A_2855 = arith.xori %select_n3A_2848, %masked_sort3A_2854 : vector<16xi32>
        %masked_sort3A_2856, %masked_sort3A_2857, %masked_sort3A_2858 = tpu.sort %masked_sort3A_2855, %select_n3A_2849 masked %masked_sort3A_2852 : (vector<16xi32>, vector<16xi32>, vector<16xi1>) -> (vector<16xi1>, vector<16xi32>, vector<16xi32>)
        %masked_sort3A_2859 = arith.xori %masked_sort3A_2857, %masked_sort3A_2854 : vector<16xi32>
        %masked_sort3A_2860 = arith.constant dense<true> : vector<16xi1>
        %masked_sort3A_2861 = arith.constant -2147483648 : i32
        %masked_sort3A_2862 = vector.broadcast %masked_sort3A_2861 : i32 to vector<16xi32>
        %masked_sort3A_2863 = arith.xori %select_n3A_2850, %masked_sort3A_2862 : vector<16xi32>
        %masked_sort3A_2864, %masked_sort3A_2865, %masked_sort3A_2866 = tpu.sort %masked_sort3A_2863, %select_n3A_2851 masked %masked_sort3A_2860 : (vector<16xi32>, vector<16xi32>, vector<16xi1>) -> (vector<16xi1>, vector<16xi32>, vector<16xi32>)
        %masked_sort3A_2867 = arith.xori %masked_sort3A_2865, %masked_sort3A_2862 : vector<16xi32>
        scf.yield %masked_sort3A_2739, %masked_sort3A_2738, %masked_sort3A_2747, %masked_sort3A_2746, %masked_sort3A_2859, %masked_sort3A_2858, %masked_sort3A_2867, %masked_sort3A_2866 : vector<16xi32>, vector<16xi32>, vector<16xi32>, vector<16xi32>, vector<16xi32>, vector<16xi32>, vector<16xi32>, vector<16xi32>
      }
      %while3A_2357 = arith.constant 1 : i32
      %while3A_2358:8 = scf.for %while3A_2598 = %while3A_2354 to %while3A_2350 step %while3A_2357 iter_args(%while3A_2599 = %while3A_2356#0, %while3A_2600 = %while3A_2356#1, %while3A_2601 = %while3A_2356#2, %while3A_2602 = %while3A_2356#3, %while3A_2603 = %while3A_2356#4, %while3A_2604 = %while3A_2356#5, %while3A_2605 = %while3A_2356#6, %while3A_2606 = %while3A_2356#7) -> (vector<16xi32>, vector<16xi32>, vector<16xi32>, vector<16xi32>, vector<16xi32>, vector<16xi32>, vector<16xi32>, vector<16xi32>)  : i32 {
        %mul3A_2607 = arith.constant 2 : i32
        %mul3A_2608 = arith.muli %while3A_2598, %mul3A_2607 : i32
        %mul3A_2609 = arith.constant 16 : i32
        %mul3A_2610 = arith.muli %mul3A_2608, %mul3A_2609 : i32
        %multiple_of3A_2611 = tpu.assume_multiple %mul3A_2610, 32 : i32
        %add3A_2612 = arith.constant 16 : i32
        %add3A_2613 = arith.addi %multiple_of3A_2611, %add3A_2612 : i32
        %get3A_2614 = arith.index_cast %multiple_of3A_2611 : i32 to index
        %get3A_2615 = tpu.vector_load %arg8[%get3A_2614] {strides = array<i32>} : memref<4112xf32, #tpu.memory_space<vmem>>, vector<16xf32>,
        %get3A_2616 = arith.index_cast %multiple_of3A_2611 : i32 to index
        %get3A_2617 = tpu.vector_load %arg9[%get3A_2616] {strides = array<i32>} : memref<4112xf32, #tpu.memory_space<vmem>>, vector<16xf32>,
        %get3A_2618 = arith.index_cast %multiple_of3A_2611 : i32 to index
        %get3A_2619 = tpu.vector_load %arg10[%get3A_2618] {strides = array<i32>} : memref<4112xf32, #tpu.memory_space<vmem>>, vector<16xf32>,
        %get3A_2620 = arith.index_cast %add3A_2613 : i32 to index
        %get3A_2621 = tpu.vector_load %arg8[%get3A_2620] {strides = array<i32>} : memref<4112xf32, #tpu.memory_space<vmem>>, vector<16xf32>,
        %get3A_2622 = arith.index_cast %add3A_2613 : i32 to index
        %get3A_2623 = tpu.vector_load %arg9[%get3A_2622] {strides = array<i32>} : memref<4112xf32, #tpu.memory_space<vmem>>, vector<16xf32>,
        %get3A_2624 = arith.index_cast %add3A_2613 : i32 to index
        %get3A_2625 = tpu.vector_load %arg10[%get3A_2624] {strides = array<i32>} : memref<4112xf32, #tpu.memory_space<vmem>>, vector<16xf32>,
        %add3A_2626 = vector.broadcast %multiple_of3A_2611 : i32 to vector<16xi32>
        %add3A_2627 = arith.addi %iota3A, %add3A_2626 : vector<16xi32>
        %add3A_2628 = vector.broadcast %add3A_2613 : i32 to vector<16xi32>
        %add3A_2629 = arith.addi %iota3A, %add3A_2628 : vector<16xi32>
        %sub3A_2630 = vector.broadcast %squeeze3A_2315 : f32 to vector<16xf32>
        %sub3A_2631 = arith.subf %sub3A_2630, %get3A_2615 : vector<16xf32>
        %sub3A_2632 = vector.broadcast %squeeze3A_2317 : f32 to vector<16xf32>
        %sub3A_2633 = arith.subf %sub3A_2632, %get3A_2617 : vector<16xf32>
        %sub3A_2634 = vector.broadcast %squeeze3A_2319 : f32 to vector<16xf32>
        %sub3A_2635 = arith.subf %sub3A_2634, %get3A_2619 : vector<16xf32>
        %mul3A_2636 = arith.mulf %sub3A_2631, %sub3A_2631 : vector<16xf32>
        %mul3A_2637 = arith.mulf %sub3A_2633, %sub3A_2633 : vector<16xf32>
        %add3A_2638 = arith.addf %mul3A_2636, %mul3A_2637 : vector<16xf32>
        %mul3A_2639 = arith.mulf %sub3A_2635, %sub3A_2635 : vector<16xf32>
        %add3A_2640 = arith.addf %add3A_2638, %mul3A_2639 : vector<16xf32>
        %bitcast3A_2641 = vector.bitcast %add3A_2640 : vector<16xf32> to vector<16xi32>
        %lt3A_2642 = vector.broadcast %squeeze3A : i32 to vector<16xi32>
        %lt3A_2643 = arith.cmpi slt, %add3A_2627, %lt3A_2642 : vector<16xi32>
        %ge3A_2644 = vector.broadcast %squeeze3A_2313 : i32 to vector<16xi32>
        %ge3A_2645 = arith.cmpi sge, %add3A_2627, %ge3A_2644 : vector<16xi32>
        %or3A_2646 = arith.ori %lt3A_2643, %ge3A_2645 : vector<16xi1>
        %eq3A = vector.broadcast %add3A_2311 : i32 to vector<16xi32>
        %eq3A_2647 = arith.cmpi eq, %add3A_2627, %eq3A : vector<16xi32>
        %or3A_2648 = arith.ori %or3A_2646, %eq3A_2647 : vector<16xi1>
        %ge3A_2649 = arith.constant 1.000000e+02 : f32
        %ge3A_2650 = vector.broadcast %ge3A_2649 : f32 to vector<16xf32>
        %ge3A_2651 = arith.cmpf oge, %add3A_2640, %ge3A_2650 : vector<16xf32>
        %or3A_2652 = arith.ori %or3A_2648, %ge3A_2651 : vector<16xi1>
        %add3A_2653 = arith.constant 1120403456 : i32
        %add3A_2654 = vector.broadcast %add3A_2653 : i32 to vector<16xi32>
        %add3A_2655 = arith.addi %add3A_2654, %add3A_2627 : vector<16xi32>
        %select_n3A_2656 = arith.select %or3A_2652, %add3A_2655, %bitcast3A_2641 : vector<16xi1>, vector<16xi32>
        %sub3A_2657 = vector.broadcast %squeeze3A_2315 : f32 to vector<16xf32>
        %sub3A_2658 = arith.subf %sub3A_2657, %get3A_2621 : vector<16xf32>
        %sub3A_2659 = vector.broadcast %squeeze3A_2317 : f32 to vector<16xf32>
        %sub3A_2660 = arith.subf %sub3A_2659, %get3A_2623 : vector<16xf32>
        %sub3A_2661 = vector.broadcast %squeeze3A_2319 : f32 to vector<16xf32>
        %sub3A_2662 = arith.subf %sub3A_2661, %get3A_2625 : vector<16xf32>
        %mul3A_2663 = arith.mulf %sub3A_2658, %sub3A_2658 : vector<16xf32>
        %mul3A_2664 = arith.mulf %sub3A_2660, %sub3A_2660 : vector<16xf32>
        %add3A_2665 = arith.addf %mul3A_2663, %mul3A_2664 : vector<16xf32>
        %mul3A_2666 = arith.mulf %sub3A_2662, %sub3A_2662 : vector<16xf32>
        %add3A_2667 = arith.addf %add3A_2665, %mul3A_2666 : vector<16xf32>
        %bitcast3A_2668 = vector.bitcast %add3A_2667 : vector<16xf32> to vector<16xi32>
        %lt3A_2669 = vector.broadcast %squeeze3A : i32 to vector<16xi32>
        %lt3A_2670 = arith.cmpi slt, %add3A_2629, %lt3A_2669 : vector<16xi32>
        %ge3A_2671 = vector.broadcast %squeeze3A_2313 : i32 to vector<16xi32>
        %ge3A_2672 = arith.cmpi sge, %add3A_2629, %ge3A_2671 : vector<16xi32>
        %or3A_2673 = arith.ori %lt3A_2670, %ge3A_2672 : vector<16xi1>
        %eq3A_2674 = vector.broadcast %add3A_2311 : i32 to vector<16xi32>
        %eq3A_2675 = arith.cmpi eq, %add3A_2629, %eq3A_2674 : vector<16xi32>
        %or3A_2676 = arith.ori %or3A_2673, %eq3A_2675 : vector<16xi1>
        %ge3A_2677 = arith.constant 1.000000e+02 : f32
        %ge3A_2678 = vector.broadcast %ge3A_2677 : f32 to vector<16xf32>
        %ge3A_2679 = arith.cmpf oge, %add3A_2667, %ge3A_2678 : vector<16xf32>
        %or3A_2680 = arith.ori %or3A_2676, %ge3A_2679 : vector<16xi1>
        %add3A_2681 = arith.constant 1120403456 : i32
        %add3A_2682 = vector.broadcast %add3A_2681 : i32 to vector<16xi32>
        %add3A_2683 = arith.addi %add3A_2682, %add3A_2629 : vector<16xi32>
        %select_n3A_2684 = arith.select %or3A_2680, %add3A_2683, %bitcast3A_2668 : vector<16xi1>, vector<16xi32>
        %masked_sort3A = arith.constant dense<true> : vector<16xi1>
        %masked_sort3A_2685 = arith.constant -2147483648 : i32
        %masked_sort3A_2686 = vector.broadcast %masked_sort3A_2685 : i32 to vector<16xi32>
        %masked_sort3A_2687 = arith.xori %select_n3A_2656, %masked_sort3A_2686 : vector<16xi32>
        %masked_sort3A_2688, %masked_sort3A_2689, %masked_sort3A_2690 = tpu.sort %masked_sort3A_2687, %add3A_2627 masked %masked_sort3A : (vector<16xi32>, vector<16xi32>, vector<16xi1>) -> (vector<16xi1>, vector<16xi32>, vector<16xi32>)
        %masked_sort3A_2691 = arith.xori %masked_sort3A_2689, %masked_sort3A_2686 : vector<16xi32>
        %masked_sort3A_2692 = arith.constant dense<true> : vector<16xi1>
        %masked_sort3A_2693 = arith.constant -2147483648 : i32
        %masked_sort3A_2694 = vector.broadcast %masked_sort3A_2693 : i32 to vector<16xi32>
        %masked_sort3A_2695 = arith.xori %select_n3A_2684, %masked_sort3A_2694 : vector<16xi32>
        %masked_sort3A_2696, %masked_sort3A_2697, %masked_sort3A_2698 = tpu.sort %masked_sort3A_2695, %add3A_2629 masked %masked_sort3A_2692 {descending = true} : (vector<16xi32>, vector<16xi32>, vector<16xi1>) -> (vector<16xi1>, vector<16xi32>, vector<16xi32>)
        %masked_sort3A_2699 = arith.xori %masked_sort3A_2697, %masked_sort3A_2694 : vector<16xi32>
        %lt3A_2700 = arith.cmpi slt, %masked_sort3A_2699, %masked_sort3A_2691 : vector<16xi32>
        %select_n3A_2701 = arith.select %lt3A_2700, %masked_sort3A_2699, %masked_sort3A_2691 : vector<16xi1>, vector<16xi32>
        %select_n3A_2702 = arith.select %lt3A_2700, %masked_sort3A_2698, %masked_sort3A_2690 : vector<16xi1>, vector<16xi32>
        %select_n3A_2703 = arith.select %lt3A_2700, %masked_sort3A_2691, %masked_sort3A_2699 : vector<16xi1>, vector<16xi32>
        %select_n3A_2704 = arith.select %lt3A_2700, %masked_sort3A_2690, %masked_sort3A_2698 : vector<16xi1>, vector<16xi32>
        %masked_sort3A_2705 = arith.constant dense<true> : vector<16xi1>
        %masked_sort3A_2706 = arith.constant -2147483648 : i32
        %masked_sort3A_2707 = vector.broadcast %masked_sort3A_2706 : i32 to vector<16xi32>
        %masked_sort3A_2708 = arith.xori %select_n3A_2701, %masked_sort3A_2707 : vector<16xi32>
        %masked_sort3A_2709, %masked_sort3A_2710, %masked_sort3A_2711 = tpu.sort %masked_sort3A_2708, %select_n3A_2702 masked %masked_sort3A_2705 {descending = true} : (vector<16xi32>, vector<16xi32>, vector<16xi1>) -> (vector<16xi1>, vector<16xi32>, vector<16xi32>)
        %masked_sort3A_2712 = arith.xori %masked_sort3A_2710, %masked_sort3A_2707 : vector<16xi32>
        %masked_sort3A_2713 = arith.constant dense<true> : vector<16xi1>
        %masked_sort3A_2714 = arith.constant -2147483648 : i32
        %masked_sort3A_2715 = vector.broadcast %masked_sort3A_2714 : i32 to vector<16xi32>
        %masked_sort3A_2716 = arith.xori %select_n3A_2703, %masked_sort3A_2715 : vector<16xi32>
        %masked_sort3A_2717, %masked_sort3A_2718, %masked_sort3A_2719 = tpu.sort %masked_sort3A_2716, %select_n3A_2704 masked %masked_sort3A_2713 {descending = true} : (vector<16xi32>, vector<16xi32>, vector<16xi1>) -> (vector<16xi1>, vector<16xi32>, vector<16xi32>)
        %masked_sort3A_2720 = arith.xori %masked_sort3A_2718, %masked_sort3A_2715 : vector<16xi32>
        %lt3A_2721 = arith.cmpi slt, %masked_sort3A_2720, %while3A_2599 : vector<16xi32>
        %select_n3A_2722 = arith.select %lt3A_2721, %masked_sort3A_2720, %while3A_2599 : vector<16xi1>, vector<16xi32>
        %select_n3A_2723 = arith.select %lt3A_2721, %masked_sort3A_2719, %while3A_2600 : vector<16xi1>, vector<16xi32>
        %lt3A_2724 = arith.cmpi slt, %masked_sort3A_2712, %while3A_2601 : vector<16xi32>
        %select_n3A_2725 = arith.select %lt3A_2724, %masked_sort3A_2712, %while3A_2601 : vector<16xi1>, vector<16xi32>
        %select_n3A_2726 = arith.select %lt3A_2724, %masked_sort3A_2711, %while3A_2602 : vector<16xi1>, vector<16xi32>
        %lt3A_2727 = arith.cmpi slt, %select_n3A_2725, %select_n3A_2722 : vector<16xi32>
        %select_n3A_2728 = arith.select %lt3A_2727, %select_n3A_2725, %select_n3A_2722 : vector<16xi1>, vector<16xi32>
        %select_n3A_2729 = arith.select %lt3A_2727, %select_n3A_2726, %select_n3A_2723 : vector<16xi1>, vector<16xi32>
        %select_n3A_2730 = arith.select %lt3A_2727, %select_n3A_2722, %select_n3A_2725 : vector<16xi1>, vector<16xi32>
        %select_n3A_2731 = arith.select %lt3A_2727, %select_n3A_2723, %select_n3A_2726 : vector<16xi1>, vector<16xi32>
        %masked_sort3A_2732 = arith.constant dense<true> : vector<16xi1>
        %masked_sort3A_2733 = arith.constant -2147483648 : i32
        %masked_sort3A_2734 = vector.broadcast %masked_sort3A_2733 : i32 to vector<16xi32>
        %masked_sort3A_2735 = arith.xori %select_n3A_2728, %masked_sort3A_2734 : vector<16xi32>
        %masked_sort3A_2736, %masked_sort3A_2737, %masked_sort3A_2738 = tpu.sort %masked_sort3A_2735, %select_n3A_2729 masked %masked_sort3A_2732 : (vector<16xi32>, vector<16xi32>, vector<16xi1>) -> (vector<16xi1>, vector<16xi32>, vector<16xi32>)
        %masked_sort3A_2739 = arith.xori %masked_sort3A_2737, %masked_sort3A_2734 : vector<16xi32>
        %masked_sort3A_2740 = arith.constant dense<true> : vector<16xi1>
        %masked_sort3A_2741 = arith.constant -2147483648 : i32
        %masked_sort3A_2742 = vector.broadcast %masked_sort3A_2741 : i32 to vector<16xi32>
        %masked_sort3A_2743 = arith.xori %select_n3A_2730, %masked_sort3A_2742 : vector<16xi32>
        %masked_sort3A_2744, %masked_sort3A_2745, %masked_sort3A_2746 = tpu.sort %masked_sort3A_2743, %select_n3A_2731 masked %masked_sort3A_2740 : (vector<16xi32>, vector<16xi32>, vector<16xi1>) -> (vector<16xi1>, vector<16xi32>, vector<16xi32>)
        %masked_sort3A_2747 = arith.xori %masked_sort3A_2745, %masked_sort3A_2742 : vector<16xi32>
        %sub3A_2748 = vector.broadcast %squeeze3A_2327 : f32 to vector<16xf32>
        %sub3A_2749 = arith.subf %sub3A_2748, %get3A_2615 : vector<16xf32>
        %sub3A_2750 = vector.broadcast %squeeze3A_2329 : f32 to vector<16xf32>
        %sub3A_2751 = arith.subf %sub3A_2750, %get3A_2617 : vector<16xf32>
        %sub3A_2752 = vector.broadcast %squeeze3A_2331 : f32 to vector<16xf32>
        %sub3A_2753 = arith.subf %sub3A_2752, %get3A_2619 : vector<16xf32>
        %mul3A_2754 = arith.mulf %sub3A_2749, %sub3A_2749 : vector<16xf32>
        %mul3A_2755 = arith.mulf %sub3A_2751, %sub3A_2751 : vector<16xf32>
        %add3A_2756 = arith.addf %mul3A_2754, %mul3A_2755 : vector<16xf32>
        %mul3A_2757 = arith.mulf %sub3A_2753, %sub3A_2753 : vector<16xf32>
        %add3A_2758 = arith.addf %add3A_2756, %mul3A_2757 : vector<16xf32>
        %bitcast3A_2759 = vector.bitcast %add3A_2758 : vector<16xf32> to vector<16xi32>
        %lt3A_2760 = vector.broadcast %squeeze3A_2323 : i32 to vector<16xi32>
        %lt3A_2761 = arith.cmpi slt, %add3A_2627, %lt3A_2760 : vector<16xi32>
        %ge3A_2762 = vector.broadcast %squeeze3A_2325 : i32 to vector<16xi32>
        %ge3A_2763 = arith.cmpi sge, %add3A_2627, %ge3A_2762 : vector<16xi32>
        %or3A_2764 = arith.ori %lt3A_2761, %ge3A_2763 : vector<16xi1>
        %eq3A_2765 = vector.broadcast %add3A_2321 : i32 to vector<16xi32>
        %eq3A_2766 = arith.cmpi eq, %add3A_2627, %eq3A_2765 : vector<16xi32>
        %or3A_2767 = arith.ori %or3A_2764, %eq3A_2766 : vector<16xi1>
        %ge3A_2768 = arith.constant 1.000000e+02 : f32
        %ge3A_2769 = vector.broadcast %ge3A_2768 : f32 to vector<16xf32>
        %ge3A_2770 = arith.cmpf oge, %add3A_2758, %ge3A_2769 : vector<16xf32>
        %or3A_2771 = arith.ori %or3A_2767, %ge3A_2770 : vector<16xi1>
        %add3A_2772 = arith.constant 1120403456 : i32
        %add3A_2773 = vector.broadcast %add3A_2772 : i32 to vector<16xi32>
        %add3A_2774 = arith.addi %add3A_2773, %add3A_2627 : vector<16xi32>
        %select_n3A_2775 = arith.select %or3A_2771, %add3A_2774, %bitcast3A_2759 : vector<16xi1>, vector<16xi32>
        %sub3A_2776 = vector.broadcast %squeeze3A_2327 : f32 to vector<16xf32>
        %sub3A_2777 = arith.subf %sub3A_2776, %get3A_2621 : vector<16xf32>
        %sub3A_2778 = vector.broadcast %squeeze3A_2329 : f32 to vector<16xf32>
        %sub3A_2779 = arith.subf %sub3A_2778, %get3A_2623 : vector<16xf32>
        %sub3A_2780 = vector.broadcast %squeeze3A_2331 : f32 to vector<16xf32>
        %sub3A_2781 = arith.subf %sub3A_2780, %get3A_2625 : vector<16xf32>
        %mul3A_2782 = arith.mulf %sub3A_2777, %sub3A_2777 : vector<16xf32>
        %mul3A_2783 = arith.mulf %sub3A_2779, %sub3A_2779 : vector<16xf32>
        %add3A_2784 = arith.addf %mul3A_2782, %mul3A_2783 : vector<16xf32>
        %mul3A_2785 = arith.mulf %sub3A_2781, %sub3A_2781 : vector<16xf32>
        %add3A_2786 = arith.addf %add3A_2784, %mul3A_2785 : vector<16xf32>
        %bitcast3A_2787 = vector.bitcast %add3A_2786 : vector<16xf32> to vector<16xi32>
        %lt3A_2788 = vector.broadcast %squeeze3A_2323 : i32 to vector<16xi32>
        %lt3A_2789 = arith.cmpi slt, %add3A_2629, %lt3A_2788 : vector<16xi32>
        %ge3A_2790 = vector.broadcast %squeeze3A_2325 : i32 to vector<16xi32>
        %ge3A_2791 = arith.cmpi sge, %add3A_2629, %ge3A_2790 : vector<16xi32>
        %or3A_2792 = arith.ori %lt3A_2789, %ge3A_2791 : vector<16xi1>
        %eq3A_2793 = vector.broadcast %add3A_2321 : i32 to vector<16xi32>
        %eq3A_2794 = arith.cmpi eq, %add3A_2629, %eq3A_2793 : vector<16xi32>
        %or3A_2795 = arith.ori %or3A_2792, %eq3A_2794 : vector<16xi1>
        %ge3A_2796 = arith.constant 1.000000e+02 : f32
        %ge3A_2797 = vector.broadcast %ge3A_2796 : f32 to vector<16xf32>
        %ge3A_2798 = arith.cmpf oge, %add3A_2786, %ge3A_2797 : vector<16xf32>
        %or3A_2799 = arith.ori %or3A_2795, %ge3A_2798 : vector<16xi1>
        %add3A_2800 = arith.constant 1120403456 : i32
        %add3A_2801 = vector.broadcast %add3A_2800 : i32 to vector<16xi32>
        %add3A_2802 = arith.addi %add3A_2801, %add3A_2629 : vector<16xi32>
        %select_n3A_2803 = arith.select %or3A_2799, %add3A_2802, %bitcast3A_2787 : vector<16xi1>, vector<16xi32>
        %masked_sort3A_2804 = arith.constant dense<true> : vector<16xi1>
        %masked_sort3A_2805 = arith.constant -2147483648 : i32
        %masked_sort3A_2806 = vector.broadcast %masked_sort3A_2805 : i32 to vector<16xi32>
        %masked_sort3A_2807 = arith.xori %select_n3A_2775, %masked_sort3A_2806 : vector<16xi32>
        %masked_sort3A_2808, %masked_sort3A_2809, %masked_sort3A_2810 = tpu.sort %masked_sort3A_2807, %add3A_2627 masked %masked_sort3A_2804 : (vector<16xi32>, vector<16xi32>, vector<16xi1>) -> (vector<16xi1>, vector<16xi32>, vector<16xi32>)
        %masked_sort3A_2811 = arith.xori %masked_sort3A_2809, %masked_sort3A_2806 : vector<16xi32>
        %masked_sort3A_2812 = arith.constant dense<true> : vector<16xi1>
        %masked_sort3A_2813 = arith.constant -2147483648 : i32
        %masked_sort3A_2814 = vector.broadcast %masked_sort3A_2813 : i32 to vector<16xi32>
        %masked_sort3A_2815 = arith.xori %select_n3A_2803, %masked_sort3A_2814 : vector<16xi32>
        %masked_sort3A_2816, %masked_sort3A_2817, %masked_sort3A_2818 = tpu.sort %masked_sort3A_2815, %add3A_2629 masked %masked_sort3A_2812 {descending = true} : (vector<16xi32>, vector<16xi32>, vector<16xi1>) -> (vector<16xi1>, vector<16xi32>, vector<16xi32>)
        %masked_sort3A_2819 = arith.xori %masked_sort3A_2817, %masked_sort3A_2814 : vector<16xi32>
        %lt3A_2820 = arith.cmpi slt, %masked_sort3A_2819, %masked_sort3A_2811 : vector<16xi32>
        %select_n3A_2821 = arith.select %lt3A_2820, %masked_sort3A_2819, %masked_sort3A_2811 : vector<16xi1>, vector<16xi32>
        %select_n3A_2822 = arith.select %lt3A_2820, %masked_sort3A_2818, %masked_sort3A_2810 : vector<16xi1>, vector<16xi32>
        %select_n3A_2823 = arith.select %lt3A_2820, %masked_sort3A_2811, %masked_sort3A_2819 : vector<16xi1>, vector<16xi32>
        %select_n3A_2824 = arith.select %lt3A_2820, %masked_sort3A_2810, %masked_sort3A_2818 : vector<16xi1>, vector<16xi32>
        %masked_sort3A_2825 = arith.constant dense<true> : vector<16xi1>
        %masked_sort3A_2826 = arith.constant -2147483648 : i32
        %masked_sort3A_2827 = vector.broadcast %masked_sort3A_2826 : i32 to vector<16xi32>
        %masked_sort3A_2828 = arith.xori %select_n3A_2821, %masked_sort3A_2827 : vector<16xi32>
        %masked_sort3A_2829, %masked_sort3A_2830, %masked_sort3A_2831 = tpu.sort %masked_sort3A_2828, %select_n3A_2822 masked %masked_sort3A_2825 {descending = true} : (vector<16xi32>, vector<16xi32>, vector<16xi1>) -> (vector<16xi1>, vector<16xi32>, vector<16xi32>)
        %masked_sort3A_2832 = arith.xori %masked_sort3A_2830, %masked_sort3A_2827 : vector<16xi32>
        %masked_sort3A_2833 = arith.constant dense<true> : vector<16xi1>
        %masked_sort3A_2834 = arith.constant -2147483648 : i32
        %masked_sort3A_2835 = vector.broadcast %masked_sort3A_2834 : i32 to vector<16xi32>
        %masked_sort3A_2836 = arith.xori %select_n3A_2823, %masked_sort3A_2835 : vector<16xi32>
        %masked_sort3A_2837, %masked_sort3A_2838, %masked_sort3A_2839 = tpu.sort %masked_sort3A_2836, %select_n3A_2824 masked %masked_sort3A_2833 {descending = true} : (vector<16xi32>, vector<16xi32>, vector<16xi1>) -> (vector<16xi1>, vector<16xi32>, vector<16xi32>)
        %masked_sort3A_2840 = arith.xori %masked_sort3A_2838, %masked_sort3A_2835 : vector<16xi32>
        %lt3A_2841 = arith.cmpi slt, %masked_sort3A_2840, %while3A_2603 : vector<16xi32>
        %select_n3A_2842 = arith.select %lt3A_2841, %masked_sort3A_2840, %while3A_2603 : vector<16xi1>, vector<16xi32>
        %select_n3A_2843 = arith.select %lt3A_2841, %masked_sort3A_2839, %while3A_2604 : vector<16xi1>, vector<16xi32>
        %lt3A_2844 = arith.cmpi slt, %masked_sort3A_2832, %while3A_2605 : vector<16xi32>
        %select_n3A_2845 = arith.select %lt3A_2844, %masked_sort3A_2832, %while3A_2605 : vector<16xi1>, vector<16xi32>
        %select_n3A_2846 = arith.select %lt3A_2844, %masked_sort3A_2831, %while3A_2606 : vector<16xi1>, vector<16xi32>
        %lt3A_2847 = arith.cmpi slt, %select_n3A_2845, %select_n3A_2842 : vector<16xi32>
        %select_n3A_2848 = arith.select %lt3A_2847, %select_n3A_2845, %select_n3A_2842 : vector<16xi1>, vector<16xi32>
        %select_n3A_2849 = arith.select %lt3A_2847, %select_n3A_2846, %select_n3A_2843 : vector<16xi1>, vector<16xi32>
        %select_n3A_2850 = arith.select %lt3A_2847, %select_n3A_2842, %select_n3A_2845 : vector<16xi1>, vector<16xi32>
        %select_n3A_2851 = arith.select %lt3A_2847, %select_n3A_2843, %select_n3A_2846 : vector<16xi1>, vector<16xi32>
        %masked_sort3A_2852 = arith.constant dense<true> : vector<16xi1>
        %masked_sort3A_2853 = arith.constant -2147483648 : i32
        %masked_sort3A_2854 = vector.broadcast %masked_sort3A_2853 : i32 to vector<16xi32>
        %masked_sort3A_2855 = arith.xori %select_n3A_2848, %masked_sort3A_2854 : vector<16xi32>
        %masked_sort3A_2856, %masked_sort3A_2857, %masked_sort3A_2858 = tpu.sort %masked_sort3A_2855, %select_n3A_2849 masked %masked_sort3A_2852 : (vector<16xi32>, vector<16xi32>, vector<16xi1>) -> (vector<16xi1>, vector<16xi32>, vector<16xi32>)
        %masked_sort3A_2859 = arith.xori %masked_sort3A_2857, %masked_sort3A_2854 : vector<16xi32>
        %masked_sort3A_2860 = arith.constant dense<true> : vector<16xi1>
        %masked_sort3A_2861 = arith.constant -2147483648 : i32
        %masked_sort3A_2862 = vector.broadcast %masked_sort3A_2861 : i32 to vector<16xi32>
        %masked_sort3A_2863 = arith.xori %select_n3A_2850, %masked_sort3A_2862 : vector<16xi32>
        %masked_sort3A_2864, %masked_sort3A_2865, %masked_sort3A_2866 = tpu.sort %masked_sort3A_2863, %select_n3A_2851 masked %masked_sort3A_2860 : (vector<16xi32>, vector<16xi32>, vector<16xi1>) -> (vector<16xi1>, vector<16xi32>, vector<16xi32>)
        %masked_sort3A_2867 = arith.xori %masked_sort3A_2865, %masked_sort3A_2862 : vector<16xi32>
        scf.yield %masked_sort3A_2739, %masked_sort3A_2738, %masked_sort3A_2747, %masked_sort3A_2746, %masked_sort3A_2859, %masked_sort3A_2858, %masked_sort3A_2867, %masked_sort3A_2866 : vector<16xi32>, vector<16xi32>, vector<16xi32>, vector<16xi32>, vector<16xi32>, vector<16xi32>, vector<16xi32>, vector<16xi32>
      }
      %lt3A_2359 = arith.constant 64 : i32
      %lt3A_2360 = arith.cmpi slt, %min3A, %lt3A_2359 : i32
      %slice3A_2361 = vector.extract_strided_slice %while3A_2358#2 {offsets = [15], sizes = [1], strides = [1]} : vector<16xi32> to vector<1xi32>
      %squeeze3A_2362 = vector.extract %slice3A_2361[0] : i32 from vector<1xi32>
      %ge3A = arith.constant 1120403456 : i32
      %ge3A_2363 = arith.cmpi sge, %squeeze3A_2362, %ge3A : i32
      %or3A = arith.ori %lt3A_2360, %ge3A_2363 : i1
      %slice3A_2364 = vector.extract_strided_slice %while3A_2358#6 {offsets = [15], sizes = [1], strides = [1]} : vector<16xi32> to vector<1xi32>
      %squeeze3A_2365 = vector.extract %slice3A_2364[0] : i32 from vector<1xi32>
      %ge3A_2366 = arith.constant 1120403456 : i32
      %ge3A_2367 = arith.cmpi sge, %squeeze3A_2365, %ge3A_2366 : i32
      %or3A_2368 = arith.ori %or3A, %ge3A_2367 : i1
      %convert_element_type3A = arith.extui %or3A_2368 : i1 to i32
      %cond3A = arith.constant 0 : i32
      %cond3A_2369 = arith.cmpi ne, %convert_element_type3A, %cond3A : i32
      %cond3A_2370:8 = scf.if %cond3A_2369 -> (vector<16xi32>, vector<16xi32>, vector<16xi32>, vector<16xi32>, vector<16xi32>, vector<16xi32>, vector<16xi32>, vector<16xi32>) {
        %get3A_2598 = arith.constant 0 : index
        %get3A_2599 = tpu.vector_load %arg8[%get3A_2598] {strides = array<i32>} : memref<4112xf32, #tpu.memory_space<vmem>>, vector<16xf32>,
        %get3A_2600 = arith.constant 0 : index
        %get3A_2601 = tpu.vector_load %arg9[%get3A_2600] {strides = array<i32>} : memref<4112xf32, #tpu.memory_space<vmem>>, vector<16xf32>,
        %get3A_2602 = arith.constant 0 : index
        %get3A_2603 = tpu.vector_load %arg10[%get3A_2602] {strides = array<i32>} : memref<4112xf32, #tpu.memory_space<vmem>>, vector<16xf32>,
        %get3A_2604 = arith.constant 16 : index
        %get3A_2605 = tpu.vector_load %arg8[%get3A_2604] {strides = array<i32>} : memref<4112xf32, #tpu.memory_space<vmem>>, vector<16xf32>,
        %get3A_2606 = arith.constant 16 : index
        %get3A_2607 = tpu.vector_load %arg9[%get3A_2606] {strides = array<i32>} : memref<4112xf32, #tpu.memory_space<vmem>>, vector<16xf32>,
        %get3A_2608 = arith.constant 16 : index
        %get3A_2609 = tpu.vector_load %arg10[%get3A_2608] {strides = array<i32>} : memref<4112xf32, #tpu.memory_space<vmem>>, vector<16xf32>,
        %add3A_2610 = arith.constant 0 : i32
        %add3A_2611 = vector.broadcast %add3A_2610 : i32 to vector<16xi32>
        %add3A_2612 = arith.addi %iota3A, %add3A_2611 : vector<16xi32>
        %add3A_2613 = arith.constant 16 : i32
        %add3A_2614 = vector.broadcast %add3A_2613 : i32 to vector<16xi32>
        %add3A_2615 = arith.addi %iota3A, %add3A_2614 : vector<16xi32>
        %sub3A_2616 = vector.broadcast %squeeze3A_2315 : f32 to vector<16xf32>
        %sub3A_2617 = arith.subf %sub3A_2616, %get3A_2599 : vector<16xf32>
        %sub3A_2618 = vector.broadcast %squeeze3A_2317 : f32 to vector<16xf32>
        %sub3A_2619 = arith.subf %sub3A_2618, %get3A_2601 : vector<16xf32>
        %sub3A_2620 = vector.broadcast %squeeze3A_2319 : f32 to vector<16xf32>
        %sub3A_2621 = arith.subf %sub3A_2620, %get3A_2603 : vector<16xf32>
        %mul3A_2622 = arith.mulf %sub3A_2617, %sub3A_2617 : vector<16xf32>
        %mul3A_2623 = arith.mulf %sub3A_2619, %sub3A_2619 : vector<16xf32>
        %add3A_2624 = arith.addf %mul3A_2622, %mul3A_2623 : vector<16xf32>
        %mul3A_2625 = arith.mulf %sub3A_2621, %sub3A_2621 : vector<16xf32>
        %add3A_2626 = arith.addf %add3A_2624, %mul3A_2625 : vector<16xf32>
        %bitcast3A_2627 = vector.bitcast %add3A_2626 : vector<16xf32> to vector<16xi32>
        %lt3A_2628 = vector.broadcast %squeeze3A : i32 to vector<16xi32>
        %lt3A_2629 = arith.cmpi slt, %add3A_2612, %lt3A_2628 : vector<16xi32>
        %ge3A_2630 = vector.broadcast %squeeze3A_2313 : i32 to vector<16xi32>
        %ge3A_2631 = arith.cmpi sge, %add3A_2612, %ge3A_2630 : vector<16xi32>
        %or3A_2632 = arith.ori %lt3A_2629, %ge3A_2631 : vector<16xi1>
        %eq3A = vector.broadcast %add3A_2311 : i32 to vector<16xi32>
        %eq3A_2633 = arith.cmpi eq, %add3A_2612, %eq3A : vector<16xi32>
        %or3A_2634 = arith.ori %or3A_2632, %eq3A_2633 : vector<16xi1>
        %ge3A_2635 = arith.constant 1.000000e+02 : f32
        %ge3A_2636 = vector.broadcast %ge3A_2635 : f32 to vector<16xf32>
        %ge3A_2637 = arith.cmpf oge, %add3A_2626, %ge3A_2636 : vector<16xf32>
        %or3A_2638 = arith.ori %or3A_2634, %ge3A_2637 : vector<16xi1>
        %add3A_2639 = arith.constant 1120403456 : i32
        %add3A_2640 = vector.broadcast %add3A_2639 : i32 to vector<16xi32>
        %add3A_2641 = arith.addi %add3A_2640, %add3A_2612 : vector<16xi32>
        %select_n3A_2642 = arith.select %or3A_2638, %add3A_2641, %bitcast3A_2627 : vector<16xi1>, vector<16xi32>
        %sub3A_2643 = vector.broadcast %squeeze3A_2315 : f32 to vector<16xf32>
        %sub3A_2644 = arith.subf %sub3A_2643, %get3A_2605 : vector<16xf32>
        %sub3A_2645 = vector.broadcast %squeeze3A_2317 : f32 to vector<16xf32>
        %sub3A_2646 = arith.subf %sub3A_2645, %get3A_2607 : vector<16xf32>
        %sub3A_2647 = vector.broadcast %squeeze3A_2319 : f32 to vector<16xf32>
        %sub3A_2648 = arith.subf %sub3A_2647, %get3A_2609 : vector<16xf32>
        %mul3A_2649 = arith.mulf %sub3A_2644, %sub3A_2644 : vector<16xf32>
        %mul3A_2650 = arith.mulf %sub3A_2646, %sub3A_2646 : vector<16xf32>
        %add3A_2651 = arith.addf %mul3A_2649, %mul3A_2650 : vector<16xf32>
        %mul3A_2652 = arith.mulf %sub3A_2648, %sub3A_2648 : vector<16xf32>
        %add3A_2653 = arith.addf %add3A_2651, %mul3A_2652 : vector<16xf32>
        %bitcast3A_2654 = vector.bitcast %add3A_2653 : vector<16xf32> to vector<16xi32>
        %lt3A_2655 = vector.broadcast %squeeze3A : i32 to vector<16xi32>
        %lt3A_2656 = arith.cmpi slt, %add3A_2615, %lt3A_2655 : vector<16xi32>
        %ge3A_2657 = vector.broadcast %squeeze3A_2313 : i32 to vector<16xi32>
        %ge3A_2658 = arith.cmpi sge, %add3A_2615, %ge3A_2657 : vector<16xi32>
        %or3A_2659 = arith.ori %lt3A_2656, %ge3A_2658 : vector<16xi1>
        %eq3A_2660 = vector.broadcast %add3A_2311 : i32 to vector<16xi32>
        %eq3A_2661 = arith.cmpi eq, %add3A_2615, %eq3A_2660 : vector<16xi32>
        %or3A_2662 = arith.ori %or3A_2659, %eq3A_2661 : vector<16xi1>
        %ge3A_2663 = arith.constant 1.000000e+02 : f32
        %ge3A_2664 = vector.broadcast %ge3A_2663 : f32 to vector<16xf32>
        %ge3A_2665 = arith.cmpf oge, %add3A_2653, %ge3A_2664 : vector<16xf32>
        %or3A_2666 = arith.ori %or3A_2662, %ge3A_2665 : vector<16xi1>
        %add3A_2667 = arith.constant 1120403456 : i32
        %add3A_2668 = vector.broadcast %add3A_2667 : i32 to vector<16xi32>
        %add3A_2669 = arith.addi %add3A_2668, %add3A_2615 : vector<16xi32>
        %select_n3A_2670 = arith.select %or3A_2666, %add3A_2669, %bitcast3A_2654 : vector<16xi1>, vector<16xi32>
        %masked_sort3A = arith.constant dense<true> : vector<16xi1>
        %masked_sort3A_2671 = arith.constant -2147483648 : i32
        %masked_sort3A_2672 = vector.broadcast %masked_sort3A_2671 : i32 to vector<16xi32>
        %masked_sort3A_2673 = arith.xori %select_n3A_2642, %masked_sort3A_2672 : vector<16xi32>
        %masked_sort3A_2674, %masked_sort3A_2675, %masked_sort3A_2676 = tpu.sort %masked_sort3A_2673, %add3A_2612 masked %masked_sort3A : (vector<16xi32>, vector<16xi32>, vector<16xi1>) -> (vector<16xi1>, vector<16xi32>, vector<16xi32>)
        %masked_sort3A_2677 = arith.xori %masked_sort3A_2675, %masked_sort3A_2672 : vector<16xi32>
        %masked_sort3A_2678 = arith.constant dense<true> : vector<16xi1>
        %masked_sort3A_2679 = arith.constant -2147483648 : i32
        %masked_sort3A_2680 = vector.broadcast %masked_sort3A_2679 : i32 to vector<16xi32>
        %masked_sort3A_2681 = arith.xori %select_n3A_2670, %masked_sort3A_2680 : vector<16xi32>
        %masked_sort3A_2682, %masked_sort3A_2683, %masked_sort3A_2684 = tpu.sort %masked_sort3A_2681, %add3A_2615 masked %masked_sort3A_2678 {descending = true} : (vector<16xi32>, vector<16xi32>, vector<16xi1>) -> (vector<16xi1>, vector<16xi32>, vector<16xi32>)
        %masked_sort3A_2685 = arith.xori %masked_sort3A_2683, %masked_sort3A_2680 : vector<16xi32>
        %lt3A_2686 = arith.cmpi slt, %masked_sort3A_2685, %masked_sort3A_2677 : vector<16xi32>
        %select_n3A_2687 = arith.select %lt3A_2686, %masked_sort3A_2685, %masked_sort3A_2677 : vector<16xi1>, vector<16xi32>
        %select_n3A_2688 = arith.select %lt3A_2686, %masked_sort3A_2684, %masked_sort3A_2676 : vector<16xi1>, vector<16xi32>
        %select_n3A_2689 = arith.select %lt3A_2686, %masked_sort3A_2677, %masked_sort3A_2685 : vector<16xi1>, vector<16xi32>
        %select_n3A_2690 = arith.select %lt3A_2686, %masked_sort3A_2676, %masked_sort3A_2684 : vector<16xi1>, vector<16xi32>
        %masked_sort3A_2691 = arith.constant dense<true> : vector<16xi1>
        %masked_sort3A_2692 = arith.constant -2147483648 : i32
        %masked_sort3A_2693 = vector.broadcast %masked_sort3A_2692 : i32 to vector<16xi32>
        %masked_sort3A_2694 = arith.xori %select_n3A_2687, %masked_sort3A_2693 : vector<16xi32>
        %masked_sort3A_2695, %masked_sort3A_2696, %masked_sort3A_2697 = tpu.sort %masked_sort3A_2694, %select_n3A_2688 masked %masked_sort3A_2691 {descending = true} : (vector<16xi32>, vector<16xi32>, vector<16xi1>) -> (vector<16xi1>, vector<16xi32>, vector<16xi32>)
        %masked_sort3A_2698 = arith.xori %masked_sort3A_2696, %masked_sort3A_2693 : vector<16xi32>
        %masked_sort3A_2699 = arith.constant dense<true> : vector<16xi1>
        %masked_sort3A_2700 = arith.constant -2147483648 : i32
        %masked_sort3A_2701 = vector.broadcast %masked_sort3A_2700 : i32 to vector<16xi32>
        %masked_sort3A_2702 = arith.xori %select_n3A_2689, %masked_sort3A_2701 : vector<16xi32>
        %masked_sort3A_2703, %masked_sort3A_2704, %masked_sort3A_2705 = tpu.sort %masked_sort3A_2702, %select_n3A_2690 masked %masked_sort3A_2699 {descending = true} : (vector<16xi32>, vector<16xi32>, vector<16xi1>) -> (vector<16xi1>, vector<16xi32>, vector<16xi32>)
        %masked_sort3A_2706 = arith.xori %masked_sort3A_2704, %masked_sort3A_2701 : vector<16xi32>
        %lt3A_2707 = arith.cmpi slt, %masked_sort3A_2706, %while3A_2358#0 : vector<16xi32>
        %select_n3A_2708 = arith.select %lt3A_2707, %masked_sort3A_2706, %while3A_2358#0 : vector<16xi1>, vector<16xi32>
        %select_n3A_2709 = arith.select %lt3A_2707, %masked_sort3A_2705, %while3A_2358#1 : vector<16xi1>, vector<16xi32>
        %lt3A_2710 = arith.cmpi slt, %masked_sort3A_2698, %while3A_2358#2 : vector<16xi32>
        %select_n3A_2711 = arith.select %lt3A_2710, %masked_sort3A_2698, %while3A_2358#2 : vector<16xi1>, vector<16xi32>
        %select_n3A_2712 = arith.select %lt3A_2710, %masked_sort3A_2697, %while3A_2358#3 : vector<16xi1>, vector<16xi32>
        %lt3A_2713 = arith.cmpi slt, %select_n3A_2711, %select_n3A_2708 : vector<16xi32>
        %select_n3A_2714 = arith.select %lt3A_2713, %select_n3A_2711, %select_n3A_2708 : vector<16xi1>, vector<16xi32>
        %select_n3A_2715 = arith.select %lt3A_2713, %select_n3A_2712, %select_n3A_2709 : vector<16xi1>, vector<16xi32>
        %select_n3A_2716 = arith.select %lt3A_2713, %select_n3A_2708, %select_n3A_2711 : vector<16xi1>, vector<16xi32>
        %select_n3A_2717 = arith.select %lt3A_2713, %select_n3A_2709, %select_n3A_2712 : vector<16xi1>, vector<16xi32>
        %masked_sort3A_2718 = arith.constant dense<true> : vector<16xi1>
        %masked_sort3A_2719 = arith.constant -2147483648 : i32
        %masked_sort3A_2720 = vector.broadcast %masked_sort3A_2719 : i32 to vector<16xi32>
        %masked_sort3A_2721 = arith.xori %select_n3A_2714, %masked_sort3A_2720 : vector<16xi32>
        %masked_sort3A_2722, %masked_sort3A_2723, %masked_sort3A_2724 = tpu.sort %masked_sort3A_2721, %select_n3A_2715 masked %masked_sort3A_2718 : (vector<16xi32>, vector<16xi32>, vector<16xi1>) -> (vector<16xi1>, vector<16xi32>, vector<16xi32>)
        %masked_sort3A_2725 = arith.xori %masked_sort3A_2723, %masked_sort3A_2720 : vector<16xi32>
        %masked_sort3A_2726 = arith.constant dense<true> : vector<16xi1>
        %masked_sort3A_2727 = arith.constant -2147483648 : i32
        %masked_sort3A_2728 = vector.broadcast %masked_sort3A_2727 : i32 to vector<16xi32>
        %masked_sort3A_2729 = arith.xori %select_n3A_2716, %masked_sort3A_2728 : vector<16xi32>
        %masked_sort3A_2730, %masked_sort3A_2731, %masked_sort3A_2732 = tpu.sort %masked_sort3A_2729, %select_n3A_2717 masked %masked_sort3A_2726 : (vector<16xi32>, vector<16xi32>, vector<16xi1>) -> (vector<16xi1>, vector<16xi32>, vector<16xi32>)
        %masked_sort3A_2733 = arith.xori %masked_sort3A_2731, %masked_sort3A_2728 : vector<16xi32>
        %sub3A_2734 = vector.broadcast %squeeze3A_2327 : f32 to vector<16xf32>
        %sub3A_2735 = arith.subf %sub3A_2734, %get3A_2599 : vector<16xf32>
        %sub3A_2736 = vector.broadcast %squeeze3A_2329 : f32 to vector<16xf32>
        %sub3A_2737 = arith.subf %sub3A_2736, %get3A_2601 : vector<16xf32>
        %sub3A_2738 = vector.broadcast %squeeze3A_2331 : f32 to vector<16xf32>
        %sub3A_2739 = arith.subf %sub3A_2738, %get3A_2603 : vector<16xf32>
        %mul3A_2740 = arith.mulf %sub3A_2735, %sub3A_2735 : vector<16xf32>
        %mul3A_2741 = arith.mulf %sub3A_2737, %sub3A_2737 : vector<16xf32>
        %add3A_2742 = arith.addf %mul3A_2740, %mul3A_2741 : vector<16xf32>
        %mul3A_2743 = arith.mulf %sub3A_2739, %sub3A_2739 : vector<16xf32>
        %add3A_2744 = arith.addf %add3A_2742, %mul3A_2743 : vector<16xf32>
        %bitcast3A_2745 = vector.bitcast %add3A_2744 : vector<16xf32> to vector<16xi32>
        %lt3A_2746 = vector.broadcast %squeeze3A_2323 : i32 to vector<16xi32>
        %lt3A_2747 = arith.cmpi slt, %add3A_2612, %lt3A_2746 : vector<16xi32>
        %ge3A_2748 = vector.broadcast %squeeze3A_2325 : i32 to vector<16xi32>
        %ge3A_2749 = arith.cmpi sge, %add3A_2612, %ge3A_2748 : vector<16xi32>
        %or3A_2750 = arith.ori %lt3A_2747, %ge3A_2749 : vector<16xi1>
        %eq3A_2751 = vector.broadcast %add3A_2321 : i32 to vector<16xi32>
        %eq3A_2752 = arith.cmpi eq, %add3A_2612, %eq3A_2751 : vector<16xi32>
        %or3A_2753 = arith.ori %or3A_2750, %eq3A_2752 : vector<16xi1>
        %ge3A_2754 = arith.constant 1.000000e+02 : f32
        %ge3A_2755 = vector.broadcast %ge3A_2754 : f32 to vector<16xf32>
        %ge3A_2756 = arith.cmpf oge, %add3A_2744, %ge3A_2755 : vector<16xf32>
        %or3A_2757 = arith.ori %or3A_2753, %ge3A_2756 : vector<16xi1>
        %add3A_2758 = arith.constant 1120403456 : i32
        %add3A_2759 = vector.broadcast %add3A_2758 : i32 to vector<16xi32>
        %add3A_2760 = arith.addi %add3A_2759, %add3A_2612 : vector<16xi32>
        %select_n3A_2761 = arith.select %or3A_2757, %add3A_2760, %bitcast3A_2745 : vector<16xi1>, vector<16xi32>
        %sub3A_2762 = vector.broadcast %squeeze3A_2327 : f32 to vector<16xf32>
        %sub3A_2763 = arith.subf %sub3A_2762, %get3A_2605 : vector<16xf32>
        %sub3A_2764 = vector.broadcast %squeeze3A_2329 : f32 to vector<16xf32>
        %sub3A_2765 = arith.subf %sub3A_2764, %get3A_2607 : vector<16xf32>
        %sub3A_2766 = vector.broadcast %squeeze3A_2331 : f32 to vector<16xf32>
        %sub3A_2767 = arith.subf %sub3A_2766, %get3A_2609 : vector<16xf32>
        %mul3A_2768 = arith.mulf %sub3A_2763, %sub3A_2763 : vector<16xf32>
        %mul3A_2769 = arith.mulf %sub3A_2765, %sub3A_2765 : vector<16xf32>
        %add3A_2770 = arith.addf %mul3A_2768, %mul3A_2769 : vector<16xf32>
        %mul3A_2771 = arith.mulf %sub3A_2767, %sub3A_2767 : vector<16xf32>
        %add3A_2772 = arith.addf %add3A_2770, %mul3A_2771 : vector<16xf32>
        %bitcast3A_2773 = vector.bitcast %add3A_2772 : vector<16xf32> to vector<16xi32>
        %lt3A_2774 = vector.broadcast %squeeze3A_2323 : i32 to vector<16xi32>
        %lt3A_2775 = arith.cmpi slt, %add3A_2615, %lt3A_2774 : vector<16xi32>
        %ge3A_2776 = vector.broadcast %squeeze3A_2325 : i32 to vector<16xi32>
        %ge3A_2777 = arith.cmpi sge, %add3A_2615, %ge3A_2776 : vector<16xi32>
        %or3A_2778 = arith.ori %lt3A_2775, %ge3A_2777 : vector<16xi1>
        %eq3A_2779 = vector.broadcast %add3A_2321 : i32 to vector<16xi32>
        %eq3A_2780 = arith.cmpi eq, %add3A_2615, %eq3A_2779 : vector<16xi32>
        %or3A_2781 = arith.ori %or3A_2778, %eq3A_2780 : vector<16xi1>
        %ge3A_2782 = arith.constant 1.000000e+02 : f32
        %ge3A_2783 = vector.broadcast %ge3A_2782 : f32 to vector<16xf32>
        %ge3A_2784 = arith.cmpf oge, %add3A_2772, %ge3A_2783 : vector<16xf32>
        %or3A_2785 = arith.ori %or3A_2781, %ge3A_2784 : vector<16xi1>
        %add3A_2786 = arith.constant 1120403456 : i32
        %add3A_2787 = vector.broadcast %add3A_2786 : i32 to vector<16xi32>
        %add3A_2788 = arith.addi %add3A_2787, %add3A_2615 : vector<16xi32>
        %select_n3A_2789 = arith.select %or3A_2785, %add3A_2788, %bitcast3A_2773 : vector<16xi1>, vector<16xi32>
        %masked_sort3A_2790 = arith.constant dense<true> : vector<16xi1>
        %masked_sort3A_2791 = arith.constant -2147483648 : i32
        %masked_sort3A_2792 = vector.broadcast %masked_sort3A_2791 : i32 to vector<16xi32>
        %masked_sort3A_2793 = arith.xori %select_n3A_2761, %masked_sort3A_2792 : vector<16xi32>
        %masked_sort3A_2794, %masked_sort3A_2795, %masked_sort3A_2796 = tpu.sort %masked_sort3A_2793, %add3A_2612 masked %masked_sort3A_2790 : (vector<16xi32>, vector<16xi32>, vector<16xi1>) -> (vector<16xi1>, vector<16xi32>, vector<16xi32>)
        %masked_sort3A_2797 = arith.xori %masked_sort3A_2795, %masked_sort3A_2792 : vector<16xi32>
        %masked_sort3A_2798 = arith.constant dense<true> : vector<16xi1>
        %masked_sort3A_2799 = arith.constant -2147483648 : i32
        %masked_sort3A_2800 = vector.broadcast %masked_sort3A_2799 : i32 to vector<16xi32>
        %masked_sort3A_2801 = arith.xori %select_n3A_2789, %masked_sort3A_2800 : vector<16xi32>
        %masked_sort3A_2802, %masked_sort3A_2803, %masked_sort3A_2804 = tpu.sort %masked_sort3A_2801, %add3A_2615 masked %masked_sort3A_2798 {descending = true} : (vector<16xi32>, vector<16xi32>, vector<16xi1>) -> (vector<16xi1>, vector<16xi32>, vector<16xi32>)
        %masked_sort3A_2805 = arith.xori %masked_sort3A_2803, %masked_sort3A_2800 : vector<16xi32>
        %lt3A_2806 = arith.cmpi slt, %masked_sort3A_2805, %masked_sort3A_2797 : vector<16xi32>
        %select_n3A_2807 = arith.select %lt3A_2806, %masked_sort3A_2805, %masked_sort3A_2797 : vector<16xi1>, vector<16xi32>
        %select_n3A_2808 = arith.select %lt3A_2806, %masked_sort3A_2804, %masked_sort3A_2796 : vector<16xi1>, vector<16xi32>
        %select_n3A_2809 = arith.select %lt3A_2806, %masked_sort3A_2797, %masked_sort3A_2805 : vector<16xi1>, vector<16xi32>
        %select_n3A_2810 = arith.select %lt3A_2806, %masked_sort3A_2796, %masked_sort3A_2804 : vector<16xi1>, vector<16xi32>
        %masked_sort3A_2811 = arith.constant dense<true> : vector<16xi1>
        %masked_sort3A_2812 = arith.constant -2147483648 : i32
        %masked_sort3A_2813 = vector.broadcast %masked_sort3A_2812 : i32 to vector<16xi32>
        %masked_sort3A_2814 = arith.xori %select_n3A_2807, %masked_sort3A_2813 : vector<16xi32>
        %masked_sort3A_2815, %masked_sort3A_2816, %masked_sort3A_2817 = tpu.sort %masked_sort3A_2814, %select_n3A_2808 masked %masked_sort3A_2811 {descending = true} : (vector<16xi32>, vector<16xi32>, vector<16xi1>) -> (vector<16xi1>, vector<16xi32>, vector<16xi32>)
        %masked_sort3A_2818 = arith.xori %masked_sort3A_2816, %masked_sort3A_2813 : vector<16xi32>
        %masked_sort3A_2819 = arith.constant dense<true> : vector<16xi1>
        %masked_sort3A_2820 = arith.constant -2147483648 : i32
        %masked_sort3A_2821 = vector.broadcast %masked_sort3A_2820 : i32 to vector<16xi32>
        %masked_sort3A_2822 = arith.xori %select_n3A_2809, %masked_sort3A_2821 : vector<16xi32>
        %masked_sort3A_2823, %masked_sort3A_2824, %masked_sort3A_2825 = tpu.sort %masked_sort3A_2822, %select_n3A_2810 masked %masked_sort3A_2819 {descending = true} : (vector<16xi32>, vector<16xi32>, vector<16xi1>) -> (vector<16xi1>, vector<16xi32>, vector<16xi32>)
        %masked_sort3A_2826 = arith.xori %masked_sort3A_2824, %masked_sort3A_2821 : vector<16xi32>
        %lt3A_2827 = arith.cmpi slt, %masked_sort3A_2826, %while3A_2358#4 : vector<16xi32>
        %select_n3A_2828 = arith.select %lt3A_2827, %masked_sort3A_2826, %while3A_2358#4 : vector<16xi1>, vector<16xi32>
        %select_n3A_2829 = arith.select %lt3A_2827, %masked_sort3A_2825, %while3A_2358#5 : vector<16xi1>, vector<16xi32>
        %lt3A_2830 = arith.cmpi slt, %masked_sort3A_2818, %while3A_2358#6 : vector<16xi32>
        %select_n3A_2831 = arith.select %lt3A_2830, %masked_sort3A_2818, %while3A_2358#6 : vector<16xi1>, vector<16xi32>
        %select_n3A_2832 = arith.select %lt3A_2830, %masked_sort3A_2817, %while3A_2358#7 : vector<16xi1>, vector<16xi32>
        %lt3A_2833 = arith.cmpi slt, %select_n3A_2831, %select_n3A_2828 : vector<16xi32>
        %select_n3A_2834 = arith.select %lt3A_2833, %select_n3A_2831, %select_n3A_2828 : vector<16xi1>, vector<16xi32>
        %select_n3A_2835 = arith.select %lt3A_2833, %select_n3A_2832, %select_n3A_2829 : vector<16xi1>, vector<16xi32>
        %select_n3A_2836 = arith.select %lt3A_2833, %select_n3A_2828, %select_n3A_2831 : vector<16xi1>, vector<16xi32>
        %select_n3A_2837 = arith.select %lt3A_2833, %select_n3A_2829, %select_n3A_2832 : vector<16xi1>, vector<16xi32>
        %masked_sort3A_2838 = arith.constant dense<true> : vector<16xi1>
        %masked_sort3A_2839 = arith.constant -2147483648 : i32
        %masked_sort3A_2840 = vector.broadcast %masked_sort3A_2839 : i32 to vector<16xi32>
        %masked_sort3A_2841 = arith.xori %select_n3A_2834, %masked_sort3A_2840 : vector<16xi32>
        %masked_sort3A_2842, %masked_sort3A_2843, %masked_sort3A_2844 = tpu.sort %masked_sort3A_2841, %select_n3A_2835 masked %masked_sort3A_2838 : (vector<16xi32>, vector<16xi32>, vector<16xi1>) -> (vector<16xi1>, vector<16xi32>, vector<16xi32>)
        %masked_sort3A_2845 = arith.xori %masked_sort3A_2843, %masked_sort3A_2840 : vector<16xi32>
        %masked_sort3A_2846 = arith.constant dense<true> : vector<16xi1>
        %masked_sort3A_2847 = arith.constant -2147483648 : i32
        %masked_sort3A_2848 = vector.broadcast %masked_sort3A_2847 : i32 to vector<16xi32>
        %masked_sort3A_2849 = arith.xori %select_n3A_2836, %masked_sort3A_2848 : vector<16xi32>
        %masked_sort3A_2850, %masked_sort3A_2851, %masked_sort3A_2852 = tpu.sort %masked_sort3A_2849, %select_n3A_2837 masked %masked_sort3A_2846 : (vector<16xi32>, vector<16xi32>, vector<16xi1>) -> (vector<16xi1>, vector<16xi32>, vector<16xi32>)
        %masked_sort3A_2853 = arith.xori %masked_sort3A_2851, %masked_sort3A_2848 : vector<16xi32>
        %get3A_2854 = arith.constant 32 : index
        %get3A_2855 = tpu.vector_load %arg8[%get3A_2854] {strides = array<i32>} : memref<4112xf32, #tpu.memory_space<vmem>>, vector<16xf32>,
        %get3A_2856 = arith.constant 32 : index
        %get3A_2857 = tpu.vector_load %arg9[%get3A_2856] {strides = array<i32>} : memref<4112xf32, #tpu.memory_space<vmem>>, vector<16xf32>,
        %get3A_2858 = arith.constant 32 : index
        %get3A_2859 = tpu.vector_load %arg10[%get3A_2858] {strides = array<i32>} : memref<4112xf32, #tpu.memory_space<vmem>>, vector<16xf32>,
        %get3A_2860 = arith.constant 48 : index
        %get3A_2861 = tpu.vector_load %arg8[%get3A_2860] {strides = array<i32>} : memref<4112xf32, #tpu.memory_space<vmem>>, vector<16xf32>,
        %get3A_2862 = arith.constant 48 : index
        %get3A_2863 = tpu.vector_load %arg9[%get3A_2862] {strides = array<i32>} : memref<4112xf32, #tpu.memory_space<vmem>>, vector<16xf32>,
        %get3A_2864 = arith.constant 48 : index
        %get3A_2865 = tpu.vector_load %arg10[%get3A_2864] {strides = array<i32>} : memref<4112xf32, #tpu.memory_space<vmem>>, vector<16xf32>,
        %add3A_2866 = arith.constant 32 : i32
        %add3A_2867 = vector.broadcast %add3A_2866 : i32 to vector<16xi32>
        %add3A_2868 = arith.addi %iota3A, %add3A_2867 : vector<16xi32>
        %add3A_2869 = arith.constant 48 : i32
        %add3A_2870 = vector.broadcast %add3A_2869 : i32 to vector<16xi32>
        %add3A_2871 = arith.addi %iota3A, %add3A_2870 : vector<16xi32>
        %sub3A_2872 = vector.broadcast %squeeze3A_2315 : f32 to vector<16xf32>
        %sub3A_2873 = arith.subf %sub3A_2872, %get3A_2855 : vector<16xf32>
        %sub3A_2874 = vector.broadcast %squeeze3A_2317 : f32 to vector<16xf32>
        %sub3A_2875 = arith.subf %sub3A_2874, %get3A_2857 : vector<16xf32>
        %sub3A_2876 = vector.broadcast %squeeze3A_2319 : f32 to vector<16xf32>
        %sub3A_2877 = arith.subf %sub3A_2876, %get3A_2859 : vector<16xf32>
        %mul3A_2878 = arith.mulf %sub3A_2873, %sub3A_2873 : vector<16xf32>
        %mul3A_2879 = arith.mulf %sub3A_2875, %sub3A_2875 : vector<16xf32>
        %add3A_2880 = arith.addf %mul3A_2878, %mul3A_2879 : vector<16xf32>
        %mul3A_2881 = arith.mulf %sub3A_2877, %sub3A_2877 : vector<16xf32>
        %add3A_2882 = arith.addf %add3A_2880, %mul3A_2881 : vector<16xf32>
        %bitcast3A_2883 = vector.bitcast %add3A_2882 : vector<16xf32> to vector<16xi32>
        %lt3A_2884 = vector.broadcast %squeeze3A : i32 to vector<16xi32>
        %lt3A_2885 = arith.cmpi slt, %add3A_2868, %lt3A_2884 : vector<16xi32>
        %ge3A_2886 = vector.broadcast %squeeze3A_2313 : i32 to vector<16xi32>
        %ge3A_2887 = arith.cmpi sge, %add3A_2868, %ge3A_2886 : vector<16xi32>
        %or3A_2888 = arith.ori %lt3A_2885, %ge3A_2887 : vector<16xi1>
        %eq3A_2889 = vector.broadcast %add3A_2311 : i32 to vector<16xi32>
        %eq3A_2890 = arith.cmpi eq, %add3A_2868, %eq3A_2889 : vector<16xi32>
        %or3A_2891 = arith.ori %or3A_2888, %eq3A_2890 : vector<16xi1>
        %ge3A_2892 = arith.constant 1.000000e+02 : f32
        %ge3A_2893 = vector.broadcast %ge3A_2892 : f32 to vector<16xf32>
        %ge3A_2894 = arith.cmpf oge, %add3A_2882, %ge3A_2893 : vector<16xf32>
        %or3A_2895 = arith.ori %or3A_2891, %ge3A_2894 : vector<16xi1>
        %add3A_2896 = arith.constant 1120403456 : i32
        %add3A_2897 = vector.broadcast %add3A_2896 : i32 to vector<16xi32>
        %add3A_2898 = arith.addi %add3A_2897, %add3A_2868 : vector<16xi32>
        %select_n3A_2899 = arith.select %or3A_2895, %add3A_2898, %bitcast3A_2883 : vector<16xi1>, vector<16xi32>
        %sub3A_2900 = vector.broadcast %squeeze3A_2315 : f32 to vector<16xf32>
        %sub3A_2901 = arith.subf %sub3A_2900, %get3A_2861 : vector<16xf32>
        %sub3A_2902 = vector.broadcast %squeeze3A_2317 : f32 to vector<16xf32>
        %sub3A_2903 = arith.subf %sub3A_2902, %get3A_2863 : vector<16xf32>
        %sub3A_2904 = vector.broadcast %squeeze3A_2319 : f32 to vector<16xf32>
        %sub3A_2905 = arith.subf %sub3A_2904, %get3A_2865 : vector<16xf32>
        %mul3A_2906 = arith.mulf %sub3A_2901, %sub3A_2901 : vector<16xf32>
        %mul3A_2907 = arith.mulf %sub3A_2903, %sub3A_2903 : vector<16xf32>
        %add3A_2908 = arith.addf %mul3A_2906, %mul3A_2907 : vector<16xf32>
        %mul3A_2909 = arith.mulf %sub3A_2905, %sub3A_2905 : vector<16xf32>
        %add3A_2910 = arith.addf %add3A_2908, %mul3A_2909 : vector<16xf32>
        %bitcast3A_2911 = vector.bitcast %add3A_2910 : vector<16xf32> to vector<16xi32>
        %lt3A_2912 = vector.broadcast %squeeze3A : i32 to vector<16xi32>
        %lt3A_2913 = arith.cmpi slt, %add3A_2871, %lt3A_2912 : vector<16xi32>
        %ge3A_2914 = vector.broadcast %squeeze3A_2313 : i32 to vector<16xi32>
        %ge3A_2915 = arith.cmpi sge, %add3A_2871, %ge3A_2914 : vector<16xi32>
        %or3A_2916 = arith.ori %lt3A_2913, %ge3A_2915 : vector<16xi1>
        %eq3A_2917 = vector.broadcast %add3A_2311 : i32 to vector<16xi32>
        %eq3A_2918 = arith.cmpi eq, %add3A_2871, %eq3A_2917 : vector<16xi32>
        %or3A_2919 = arith.ori %or3A_2916, %eq3A_2918 : vector<16xi1>
        %ge3A_2920 = arith.constant 1.000000e+02 : f32
        %ge3A_2921 = vector.broadcast %ge3A_2920 : f32 to vector<16xf32>
        %ge3A_2922 = arith.cmpf oge, %add3A_2910, %ge3A_2921 : vector<16xf32>
        %or3A_2923 = arith.ori %or3A_2919, %ge3A_2922 : vector<16xi1>
        %add3A_2924 = arith.constant 1120403456 : i32
        %add3A_2925 = vector.broadcast %add3A_2924 : i32 to vector<16xi32>
        %add3A_2926 = arith.addi %add3A_2925, %add3A_2871 : vector<16xi32>
        %select_n3A_2927 = arith.select %or3A_2923, %add3A_2926, %bitcast3A_2911 : vector<16xi1>, vector<16xi32>
        %masked_sort3A_2928 = arith.constant dense<true> : vector<16xi1>
        %masked_sort3A_2929 = arith.constant -2147483648 : i32
        %masked_sort3A_2930 = vector.broadcast %masked_sort3A_2929 : i32 to vector<16xi32>
        %masked_sort3A_2931 = arith.xori %select_n3A_2899, %masked_sort3A_2930 : vector<16xi32>
        %masked_sort3A_2932, %masked_sort3A_2933, %masked_sort3A_2934 = tpu.sort %masked_sort3A_2931, %add3A_2868 masked %masked_sort3A_2928 : (vector<16xi32>, vector<16xi32>, vector<16xi1>) -> (vector<16xi1>, vector<16xi32>, vector<16xi32>)
        %masked_sort3A_2935 = arith.xori %masked_sort3A_2933, %masked_sort3A_2930 : vector<16xi32>
        %masked_sort3A_2936 = arith.constant dense<true> : vector<16xi1>
        %masked_sort3A_2937 = arith.constant -2147483648 : i32
        %masked_sort3A_2938 = vector.broadcast %masked_sort3A_2937 : i32 to vector<16xi32>
        %masked_sort3A_2939 = arith.xori %select_n3A_2927, %masked_sort3A_2938 : vector<16xi32>
        %masked_sort3A_2940, %masked_sort3A_2941, %masked_sort3A_2942 = tpu.sort %masked_sort3A_2939, %add3A_2871 masked %masked_sort3A_2936 {descending = true} : (vector<16xi32>, vector<16xi32>, vector<16xi1>) -> (vector<16xi1>, vector<16xi32>, vector<16xi32>)
        %masked_sort3A_2943 = arith.xori %masked_sort3A_2941, %masked_sort3A_2938 : vector<16xi32>
        %lt3A_2944 = arith.cmpi slt, %masked_sort3A_2943, %masked_sort3A_2935 : vector<16xi32>
        %select_n3A_2945 = arith.select %lt3A_2944, %masked_sort3A_2943, %masked_sort3A_2935 : vector<16xi1>, vector<16xi32>
        %select_n3A_2946 = arith.select %lt3A_2944, %masked_sort3A_2942, %masked_sort3A_2934 : vector<16xi1>, vector<16xi32>
        %select_n3A_2947 = arith.select %lt3A_2944, %masked_sort3A_2935, %masked_sort3A_2943 : vector<16xi1>, vector<16xi32>
        %select_n3A_2948 = arith.select %lt3A_2944, %masked_sort3A_2934, %masked_sort3A_2942 : vector<16xi1>, vector<16xi32>
        %masked_sort3A_2949 = arith.constant dense<true> : vector<16xi1>
        %masked_sort3A_2950 = arith.constant -2147483648 : i32
        %masked_sort3A_2951 = vector.broadcast %masked_sort3A_2950 : i32 to vector<16xi32>
        %masked_sort3A_2952 = arith.xori %select_n3A_2945, %masked_sort3A_2951 : vector<16xi32>
        %masked_sort3A_2953, %masked_sort3A_2954, %masked_sort3A_2955 = tpu.sort %masked_sort3A_2952, %select_n3A_2946 masked %masked_sort3A_2949 {descending = true} : (vector<16xi32>, vector<16xi32>, vector<16xi1>) -> (vector<16xi1>, vector<16xi32>, vector<16xi32>)
        %masked_sort3A_2956 = arith.xori %masked_sort3A_2954, %masked_sort3A_2951 : vector<16xi32>
        %masked_sort3A_2957 = arith.constant dense<true> : vector<16xi1>
        %masked_sort3A_2958 = arith.constant -2147483648 : i32
        %masked_sort3A_2959 = vector.broadcast %masked_sort3A_2958 : i32 to vector<16xi32>
        %masked_sort3A_2960 = arith.xori %select_n3A_2947, %masked_sort3A_2959 : vector<16xi32>
        %masked_sort3A_2961, %masked_sort3A_2962, %masked_sort3A_2963 = tpu.sort %masked_sort3A_2960, %select_n3A_2948 masked %masked_sort3A_2957 {descending = true} : (vector<16xi32>, vector<16xi32>, vector<16xi1>) -> (vector<16xi1>, vector<16xi32>, vector<16xi32>)
        %masked_sort3A_2964 = arith.xori %masked_sort3A_2962, %masked_sort3A_2959 : vector<16xi32>
        %lt3A_2965 = arith.cmpi slt, %masked_sort3A_2964, %masked_sort3A_2725 : vector<16xi32>
        %select_n3A_2966 = arith.select %lt3A_2965, %masked_sort3A_2964, %masked_sort3A_2725 : vector<16xi1>, vector<16xi32>
        %select_n3A_2967 = arith.select %lt3A_2965, %masked_sort3A_2963, %masked_sort3A_2724 : vector<16xi1>, vector<16xi32>
        %lt3A_2968 = arith.cmpi slt, %masked_sort3A_2956, %masked_sort3A_2733 : vector<16xi32>
        %select_n3A_2969 = arith.select %lt3A_2968, %masked_sort3A_2956, %masked_sort3A_2733 : vector<16xi1>, vector<16xi32>
        %select_n3A_2970 = arith.select %lt3A_2968, %masked_sort3A_2955, %masked_sort3A_2732 : vector<16xi1>, vector<16xi32>
        %lt3A_2971 = arith.cmpi slt, %select_n3A_2969, %select_n3A_2966 : vector<16xi32>
        %select_n3A_2972 = arith.select %lt3A_2971, %select_n3A_2969, %select_n3A_2966 : vector<16xi1>, vector<16xi32>
        %select_n3A_2973 = arith.select %lt3A_2971, %select_n3A_2970, %select_n3A_2967 : vector<16xi1>, vector<16xi32>
        %select_n3A_2974 = arith.select %lt3A_2971, %select_n3A_2966, %select_n3A_2969 : vector<16xi1>, vector<16xi32>
        %select_n3A_2975 = arith.select %lt3A_2971, %select_n3A_2967, %select_n3A_2970 : vector<16xi1>, vector<16xi32>
        %masked_sort3A_2976 = arith.constant dense<true> : vector<16xi1>
        %masked_sort3A_2977 = arith.constant -2147483648 : i32
        %masked_sort3A_2978 = vector.broadcast %masked_sort3A_2977 : i32 to vector<16xi32>
        %masked_sort3A_2979 = arith.xori %select_n3A_2972, %masked_sort3A_2978 : vector<16xi32>
        %masked_sort3A_2980, %masked_sort3A_2981, %masked_sort3A_2982 = tpu.sort %masked_sort3A_2979, %select_n3A_2973 masked %masked_sort3A_2976 : (vector<16xi32>, vector<16xi32>, vector<16xi1>) -> (vector<16xi1>, vector<16xi32>, vector<16xi32>)
        %masked_sort3A_2983 = arith.xori %masked_sort3A_2981, %masked_sort3A_2978 : vector<16xi32>
        %masked_sort3A_2984 = arith.constant dense<true> : vector<16xi1>
        %masked_sort3A_2985 = arith.constant -2147483648 : i32
        %masked_sort3A_2986 = vector.broadcast %masked_sort3A_2985 : i32 to vector<16xi32>
        %masked_sort3A_2987 = arith.xori %select_n3A_2974, %masked_sort3A_2986 : vector<16xi32>
        %masked_sort3A_2988, %masked_sort3A_2989, %masked_sort3A_2990 = tpu.sort %masked_sort3A_2987, %select_n3A_2975 masked %masked_sort3A_2984 : (vector<16xi32>, vector<16xi32>, vector<16xi1>) -> (vector<16xi1>, vector<16xi32>, vector<16xi32>)
        %masked_sort3A_2991 = arith.xori %masked_sort3A_2989, %masked_sort3A_2986 : vector<16xi32>
        %sub3A_2992 = vector.broadcast %squeeze3A_2327 : f32 to vector<16xf32>
        %sub3A_2993 = arith.subf %sub3A_2992, %get3A_2855 : vector<16xf32>
        %sub3A_2994 = vector.broadcast %squeeze3A_2329 : f32 to vector<16xf32>
        %sub3A_2995 = arith.subf %sub3A_2994, %get3A_2857 : vector<16xf32>
        %sub3A_2996 = vector.broadcast %squeeze3A_2331 : f32 to vector<16xf32>
        %sub3A_2997 = arith.subf %sub3A_2996, %get3A_2859 : vector<16xf32>
        %mul3A_2998 = arith.mulf %sub3A_2993, %sub3A_2993 : vector<16xf32>
        %mul3A_2999 = arith.mulf %sub3A_2995, %sub3A_2995 : vector<16xf32>
        %add3A_3000 = arith.addf %mul3A_2998, %mul3A_2999 : vector<16xf32>
        %mul3A_3001 = arith.mulf %sub3A_2997, %sub3A_2997 : vector<16xf32>
        %add3A_3002 = arith.addf %add3A_3000, %mul3A_3001 : vector<16xf32>
        %bitcast3A_3003 = vector.bitcast %add3A_3002 : vector<16xf32> to vector<16xi32>
        %lt3A_3004 = vector.broadcast %squeeze3A_2323 : i32 to vector<16xi32>
        %lt3A_3005 = arith.cmpi slt, %add3A_2868, %lt3A_3004 : vector<16xi32>
        %ge3A_3006 = vector.broadcast %squeeze3A_2325 : i32 to vector<16xi32>
        %ge3A_3007 = arith.cmpi sge, %add3A_2868, %ge3A_3006 : vector<16xi32>
        %or3A_3008 = arith.ori %lt3A_3005, %ge3A_3007 : vector<16xi1>
        %eq3A_3009 = vector.broadcast %add3A_2321 : i32 to vector<16xi32>
        %eq3A_3010 = arith.cmpi eq, %add3A_2868, %eq3A_3009 : vector<16xi32>
        %or3A_3011 = arith.ori %or3A_3008, %eq3A_3010 : vector<16xi1>
        %ge3A_3012 = arith.constant 1.000000e+02 : f32
        %ge3A_3013 = vector.broadcast %ge3A_3012 : f32 to vector<16xf32>
        %ge3A_3014 = arith.cmpf oge, %add3A_3002, %ge3A_3013 : vector<16xf32>
        %or3A_3015 = arith.ori %or3A_3011, %ge3A_3014 : vector<16xi1>
        %add3A_3016 = arith.constant 1120403456 : i32
        %add3A_3017 = vector.broadcast %add3A_3016 : i32 to vector<16xi32>
        %add3A_3018 = arith.addi %add3A_3017, %add3A_2868 : vector<16xi32>
        %select_n3A_3019 = arith.select %or3A_3015, %add3A_3018, %bitcast3A_3003 : vector<16xi1>, vector<16xi32>
        %sub3A_3020 = vector.broadcast %squeeze3A_2327 : f32 to vector<16xf32>
        %sub3A_3021 = arith.subf %sub3A_3020, %get3A_2861 : vector<16xf32>
        %sub3A_3022 = vector.broadcast %squeeze3A_2329 : f32 to vector<16xf32>
        %sub3A_3023 = arith.subf %sub3A_3022, %get3A_2863 : vector<16xf32>
        %sub3A_3024 = vector.broadcast %squeeze3A_2331 : f32 to vector<16xf32>
        %sub3A_3025 = arith.subf %sub3A_3024, %get3A_2865 : vector<16xf32>
        %mul3A_3026 = arith.mulf %sub3A_3021, %sub3A_3021 : vector<16xf32>
        %mul3A_3027 = arith.mulf %sub3A_3023, %sub3A_3023 : vector<16xf32>
        %add3A_3028 = arith.addf %mul3A_3026, %mul3A_3027 : vector<16xf32>
        %mul3A_3029 = arith.mulf %sub3A_3025, %sub3A_3025 : vector<16xf32>
        %add3A_3030 = arith.addf %add3A_3028, %mul3A_3029 : vector<16xf32>
        %bitcast3A_3031 = vector.bitcast %add3A_3030 : vector<16xf32> to vector<16xi32>
        %lt3A_3032 = vector.broadcast %squeeze3A_2323 : i32 to vector<16xi32>
        %lt3A_3033 = arith.cmpi slt, %add3A_2871, %lt3A_3032 : vector<16xi32>
        %ge3A_3034 = vector.broadcast %squeeze3A_2325 : i32 to vector<16xi32>
        %ge3A_3035 = arith.cmpi sge, %add3A_2871, %ge3A_3034 : vector<16xi32>
        %or3A_3036 = arith.ori %lt3A_3033, %ge3A_3035 : vector<16xi1>
        %eq3A_3037 = vector.broadcast %add3A_2321 : i32 to vector<16xi32>
        %eq3A_3038 = arith.cmpi eq, %add3A_2871, %eq3A_3037 : vector<16xi32>
        %or3A_3039 = arith.ori %or3A_3036, %eq3A_3038 : vector<16xi1>
        %ge3A_3040 = arith.constant 1.000000e+02 : f32
        %ge3A_3041 = vector.broadcast %ge3A_3040 : f32 to vector<16xf32>
        %ge3A_3042 = arith.cmpf oge, %add3A_3030, %ge3A_3041 : vector<16xf32>
        %or3A_3043 = arith.ori %or3A_3039, %ge3A_3042 : vector<16xi1>
        %add3A_3044 = arith.constant 1120403456 : i32
        %add3A_3045 = vector.broadcast %add3A_3044 : i32 to vector<16xi32>
        %add3A_3046 = arith.addi %add3A_3045, %add3A_2871 : vector<16xi32>
        %select_n3A_3047 = arith.select %or3A_3043, %add3A_3046, %bitcast3A_3031 : vector<16xi1>, vector<16xi32>
        %masked_sort3A_3048 = arith.constant dense<true> : vector<16xi1>
        %masked_sort3A_3049 = arith.constant -2147483648 : i32
        %masked_sort3A_3050 = vector.broadcast %masked_sort3A_3049 : i32 to vector<16xi32>
        %masked_sort3A_3051 = arith.xori %select_n3A_3019, %masked_sort3A_3050 : vector<16xi32>
        %masked_sort3A_3052, %masked_sort3A_3053, %masked_sort3A_3054 = tpu.sort %masked_sort3A_3051, %add3A_2868 masked %masked_sort3A_3048 : (vector<16xi32>, vector<16xi32>, vector<16xi1>) -> (vector<16xi1>, vector<16xi32>, vector<16xi32>)
        %masked_sort3A_3055 = arith.xori %masked_sort3A_3053, %masked_sort3A_3050 : vector<16xi32>
        %masked_sort3A_3056 = arith.constant dense<true> : vector<16xi1>
        %masked_sort3A_3057 = arith.constant -2147483648 : i32
        %masked_sort3A_3058 = vector.broadcast %masked_sort3A_3057 : i32 to vector<16xi32>
        %masked_sort3A_3059 = arith.xori %select_n3A_3047, %masked_sort3A_3058 : vector<16xi32>
        %masked_sort3A_3060, %masked_sort3A_3061, %masked_sort3A_3062 = tpu.sort %masked_sort3A_3059, %add3A_2871 masked %masked_sort3A_3056 {descending = true} : (vector<16xi32>, vector<16xi32>, vector<16xi1>) -> (vector<16xi1>, vector<16xi32>, vector<16xi32>)
        %masked_sort3A_3063 = arith.xori %masked_sort3A_3061, %masked_sort3A_3058 : vector<16xi32>
        %lt3A_3064 = arith.cmpi slt, %masked_sort3A_3063, %masked_sort3A_3055 : vector<16xi32>
        %select_n3A_3065 = arith.select %lt3A_3064, %masked_sort3A_3063, %masked_sort3A_3055 : vector<16xi1>, vector<16xi32>
        %select_n3A_3066 = arith.select %lt3A_3064, %masked_sort3A_3062, %masked_sort3A_3054 : vector<16xi1>, vector<16xi32>
        %select_n3A_3067 = arith.select %lt3A_3064, %masked_sort3A_3055, %masked_sort3A_3063 : vector<16xi1>, vector<16xi32>
        %select_n3A_3068 = arith.select %lt3A_3064, %masked_sort3A_3054, %masked_sort3A_3062 : vector<16xi1>, vector<16xi32>
        %masked_sort3A_3069 = arith.constant dense<true> : vector<16xi1>
        %masked_sort3A_3070 = arith.constant -2147483648 : i32
        %masked_sort3A_3071 = vector.broadcast %masked_sort3A_3070 : i32 to vector<16xi32>
        %masked_sort3A_3072 = arith.xori %select_n3A_3065, %masked_sort3A_3071 : vector<16xi32>
        %masked_sort3A_3073, %masked_sort3A_3074, %masked_sort3A_3075 = tpu.sort %masked_sort3A_3072, %select_n3A_3066 masked %masked_sort3A_3069 {descending = true} : (vector<16xi32>, vector<16xi32>, vector<16xi1>) -> (vector<16xi1>, vector<16xi32>, vector<16xi32>)
        %masked_sort3A_3076 = arith.xori %masked_sort3A_3074, %masked_sort3A_3071 : vector<16xi32>
        %masked_sort3A_3077 = arith.constant dense<true> : vector<16xi1>
        %masked_sort3A_3078 = arith.constant -2147483648 : i32
        %masked_sort3A_3079 = vector.broadcast %masked_sort3A_3078 : i32 to vector<16xi32>
        %masked_sort3A_3080 = arith.xori %select_n3A_3067, %masked_sort3A_3079 : vector<16xi32>
        %masked_sort3A_3081, %masked_sort3A_3082, %masked_sort3A_3083 = tpu.sort %masked_sort3A_3080, %select_n3A_3068 masked %masked_sort3A_3077 {descending = true} : (vector<16xi32>, vector<16xi32>, vector<16xi1>) -> (vector<16xi1>, vector<16xi32>, vector<16xi32>)
        %masked_sort3A_3084 = arith.xori %masked_sort3A_3082, %masked_sort3A_3079 : vector<16xi32>
        %lt3A_3085 = arith.cmpi slt, %masked_sort3A_3084, %masked_sort3A_2845 : vector<16xi32>
        %select_n3A_3086 = arith.select %lt3A_3085, %masked_sort3A_3084, %masked_sort3A_2845 : vector<16xi1>, vector<16xi32>
        %select_n3A_3087 = arith.select %lt3A_3085, %masked_sort3A_3083, %masked_sort3A_2844 : vector<16xi1>, vector<16xi32>
        %lt3A_3088 = arith.cmpi slt, %masked_sort3A_3076, %masked_sort3A_2853 : vector<16xi32>
        %select_n3A_3089 = arith.select %lt3A_3088, %masked_sort3A_3076, %masked_sort3A_2853 : vector<16xi1>, vector<16xi32>
        %select_n3A_3090 = arith.select %lt3A_3088, %masked_sort3A_3075, %masked_sort3A_2852 : vector<16xi1>, vector<16xi32>
        %lt3A_3091 = arith.cmpi slt, %select_n3A_3089, %select_n3A_3086 : vector<16xi32>
        %select_n3A_3092 = arith.select %lt3A_3091, %select_n3A_3089, %select_n3A_3086 : vector<16xi1>, vector<16xi32>
        %select_n3A_3093 = arith.select %lt3A_3091, %select_n3A_3090, %select_n3A_3087 : vector<16xi1>, vector<16xi32>
        %select_n3A_3094 = arith.select %lt3A_3091, %select_n3A_3086, %select_n3A_3089 : vector<16xi1>, vector<16xi32>
        %select_n3A_3095 = arith.select %lt3A_3091, %select_n3A_3087, %select_n3A_3090 : vector<16xi1>, vector<16xi32>
        %masked_sort3A_3096 = arith.constant dense<true> : vector<16xi1>
        %masked_sort3A_3097 = arith.constant -2147483648 : i32
        %masked_sort3A_3098 = vector.broadcast %masked_sort3A_3097 : i32 to vector<16xi32>
        %masked_sort3A_3099 = arith.xori %select_n3A_3092, %masked_sort3A_3098 : vector<16xi32>
        %masked_sort3A_3100, %masked_sort3A_3101, %masked_sort3A_3102 = tpu.sort %masked_sort3A_3099, %select_n3A_3093 masked %masked_sort3A_3096 : (vector<16xi32>, vector<16xi32>, vector<16xi1>) -> (vector<16xi1>, vector<16xi32>, vector<16xi32>)
        %masked_sort3A_3103 = arith.xori %masked_sort3A_3101, %masked_sort3A_3098 : vector<16xi32>
        %masked_sort3A_3104 = arith.constant dense<true> : vector<16xi1>
        %masked_sort3A_3105 = arith.constant -2147483648 : i32
        %masked_sort3A_3106 = vector.broadcast %masked_sort3A_3105 : i32 to vector<16xi32>
        %masked_sort3A_3107 = arith.xori %select_n3A_3094, %masked_sort3A_3106 : vector<16xi32>
        %masked_sort3A_3108, %masked_sort3A_3109, %masked_sort3A_3110 = tpu.sort %masked_sort3A_3107, %select_n3A_3095 masked %masked_sort3A_3104 : (vector<16xi32>, vector<16xi32>, vector<16xi1>) -> (vector<16xi1>, vector<16xi32>, vector<16xi32>)
        %masked_sort3A_3111 = arith.xori %masked_sort3A_3109, %masked_sort3A_3106 : vector<16xi32>
        scf.yield %masked_sort3A_2983, %masked_sort3A_2982, %masked_sort3A_2991, %masked_sort3A_2990, %masked_sort3A_3103, %masked_sort3A_3102, %masked_sort3A_3111, %masked_sort3A_3110 : vector<16xi32>, vector<16xi32>, vector<16xi32>, vector<16xi32>, vector<16xi32>, vector<16xi32>, vector<16xi32>, vector<16xi32>
      } else {
        scf.yield %while3A_2358#0, %while3A_2358#1, %while3A_2358#2, %while3A_2358#3, %while3A_2358#4, %while3A_2358#5, %while3A_2358#6, %while3A_2358#7 : vector<16xi32>, vector<16xi32>, vector<16xi32>, vector<16xi32>, vector<16xi32>, vector<16xi32>, vector<16xi32>, vector<16xi32>
      }
      %ge3A_2371 = arith.constant 1120403456 : i32
      %ge3A_2372 = vector.broadcast %ge3A_2371 : i32 to vector<16xi32>
      %ge3A_2373 = arith.cmpi sge, %cond3A_2370#0, %ge3A_2372 : vector<16xi32>
      %bitcast3A = vector.bitcast %cond3A_2370#0 : vector<16xi32> to vector<16xf32>
      %max3A_2374 = arith.constant 1.000000e-30 : f32
      %max3A_2375 = vector.broadcast %max3A_2374 : f32 to vector<16xf32>
      %max3A_2376 = arith.maximumf %bitcast3A, %max3A_2375 : vector<16xf32>
      %bitcast3A_2377 = vector.bitcast %max3A_2376 : vector<16xf32> to vector<16xi32>
      %shift_right_arithmetic3A_2378 = arith.constant 1 : i32
      %shift_right_arithmetic3A_2379 = vector.broadcast %shift_right_arithmetic3A_2378 : i32 to vector<16xi32>
      %shift_right_arithmetic3A_2380 = arith.shrsi %bitcast3A_2377, %shift_right_arithmetic3A_2379 : vector<16xi32>
      %sub3A = arith.constant 1597463007 : i32
      %sub3A_2381 = vector.broadcast %sub3A : i32 to vector<16xi32>
      %sub3A_2382 = arith.subi %sub3A_2381, %shift_right_arithmetic3A_2380 : vector<16xi32>
      %bitcast3A_2383 = vector.bitcast %sub3A_2382 : vector<16xi32> to vector<16xf32>
      %mul3A_2384 = arith.constant 5.000000e-01 : f32
      %mul3A_2385 = vector.broadcast %mul3A_2384 : f32 to vector<16xf32>
      %mul3A_2386 = arith.mulf %mul3A_2385, %max3A_2376 : vector<16xf32>
      %mul3A_2387 = arith.mulf %mul3A_2386, %bitcast3A_2383 : vector<16xf32>
      %mul3A_2388 = arith.mulf %mul3A_2387, %bitcast3A_2383 : vector<16xf32>
      %sub3A_2389 = arith.constant 1.500000e+00 : f32
      %sub3A_2390 = vector.broadcast %sub3A_2389 : f32 to vector<16xf32>
      %sub3A_2391 = arith.subf %sub3A_2390, %mul3A_2388 : vector<16xf32>
      %mul3A_2392 = arith.mulf %bitcast3A_2383, %sub3A_2391 : vector<16xf32>
      %mul3A_2393 = arith.mulf %mul3A_2386, %mul3A_2392 : vector<16xf32>
      %mul3A_2394 = arith.mulf %mul3A_2393, %mul3A_2392 : vector<16xf32>
      %sub3A_2395 = arith.constant 1.500000e+00 : f32
      %sub3A_2396 = vector.broadcast %sub3A_2395 : f32 to vector<16xf32>
      %sub3A_2397 = arith.subf %sub3A_2396, %mul3A_2394 : vector<16xf32>
      %mul3A_2398 = arith.mulf %mul3A_2392, %sub3A_2397 : vector<16xf32>
      %mul3A_2399 = arith.mulf %max3A_2376, %mul3A_2398 : vector<16xf32>
      %div3A = arith.divf %max3A_2376, %mul3A_2399 : vector<16xf32>
      %add3A_2400 = arith.addf %mul3A_2399, %div3A : vector<16xf32>
      %mul3A_2401 = arith.constant 5.000000e-01 : f32
      %mul3A_2402 = vector.broadcast %mul3A_2401 : f32 to vector<16xf32>
      %mul3A_2403 = arith.mulf %mul3A_2402, %add3A_2400 : vector<16xf32>
      %gt3A = arith.constant 0.000000e+00 : f32
      %gt3A_2404 = vector.broadcast %gt3A : f32 to vector<16xf32>
      %gt3A_2405 = arith.cmpf ogt, %bitcast3A, %gt3A_2404 : vector<16xf32>
      %jit3A = arith.constant 0.000000e+00 : f32
      %broadcast_in_dim3A_2406 = vector.broadcast %jit3A : f32 to vector<16xf32>
      %select_n3A_2407 = arith.select %gt3A_2405, %mul3A_2403, %broadcast_in_dim3A_2406 : vector<16xi1>, vector<16xf32>
      %jit3A_2408 = arith.constant 1.000000e+01 : f32
      %broadcast_in_dim3A_2409 = vector.broadcast %jit3A_2408 : f32 to vector<16xf32>
      %select_n3A_2410 = arith.select %ge3A_2373, %broadcast_in_dim3A_2409, %select_n3A_2407 : vector<16xi1>, vector<16xf32>
      %ge3A_2411 = arith.constant 1120403456 : i32
      %ge3A_2412 = vector.broadcast %ge3A_2411 : i32 to vector<16xi32>
      %ge3A_2413 = arith.cmpi sge, %cond3A_2370#2, %ge3A_2412 : vector<16xi32>
      %bitcast3A_2414 = vector.bitcast %cond3A_2370#2 : vector<16xi32> to vector<16xf32>
      %max3A_2415 = arith.constant 1.000000e-30 : f32
      %max3A_2416 = vector.broadcast %max3A_2415 : f32 to vector<16xf32>
      %max3A_2417 = arith.maximumf %bitcast3A_2414, %max3A_2416 : vector<16xf32>
      %bitcast3A_2418 = vector.bitcast %max3A_2417 : vector<16xf32> to vector<16xi32>
      %shift_right_arithmetic3A_2419 = arith.constant 1 : i32
      %shift_right_arithmetic3A_2420 = vector.broadcast %shift_right_arithmetic3A_2419 : i32 to vector<16xi32>
      %shift_right_arithmetic3A_2421 = arith.shrsi %bitcast3A_2418, %shift_right_arithmetic3A_2420 : vector<16xi32>
      %sub3A_2422 = arith.constant 1597463007 : i32
      %sub3A_2423 = vector.broadcast %sub3A_2422 : i32 to vector<16xi32>
      %sub3A_2424 = arith.subi %sub3A_2423, %shift_right_arithmetic3A_2421 : vector<16xi32>
      %bitcast3A_2425 = vector.bitcast %sub3A_2424 : vector<16xi32> to vector<16xf32>
      %mul3A_2426 = arith.constant 5.000000e-01 : f32
      %mul3A_2427 = vector.broadcast %mul3A_2426 : f32 to vector<16xf32>
      %mul3A_2428 = arith.mulf %mul3A_2427, %max3A_2417 : vector<16xf32>
      %mul3A_2429 = arith.mulf %mul3A_2428, %bitcast3A_2425 : vector<16xf32>
      %mul3A_2430 = arith.mulf %mul3A_2429, %bitcast3A_2425 : vector<16xf32>
      %sub3A_2431 = arith.constant 1.500000e+00 : f32
      %sub3A_2432 = vector.broadcast %sub3A_2431 : f32 to vector<16xf32>
      %sub3A_2433 = arith.subf %sub3A_2432, %mul3A_2430 : vector<16xf32>
      %mul3A_2434 = arith.mulf %bitcast3A_2425, %sub3A_2433 : vector<16xf32>
      %mul3A_2435 = arith.mulf %mul3A_2428, %mul3A_2434 : vector<16xf32>
      %mul3A_2436 = arith.mulf %mul3A_2435, %mul3A_2434 : vector<16xf32>
      %sub3A_2437 = arith.constant 1.500000e+00 : f32
      %sub3A_2438 = vector.broadcast %sub3A_2437 : f32 to vector<16xf32>
      %sub3A_2439 = arith.subf %sub3A_2438, %mul3A_2436 : vector<16xf32>
      %mul3A_2440 = arith.mulf %mul3A_2434, %sub3A_2439 : vector<16xf32>
      %mul3A_2441 = arith.mulf %max3A_2417, %mul3A_2440 : vector<16xf32>
      %div3A_2442 = arith.divf %max3A_2417, %mul3A_2441 : vector<16xf32>
      %add3A_2443 = arith.addf %mul3A_2441, %div3A_2442 : vector<16xf32>
      %mul3A_2444 = arith.constant 5.000000e-01 : f32
      %mul3A_2445 = vector.broadcast %mul3A_2444 : f32 to vector<16xf32>
      %mul3A_2446 = arith.mulf %mul3A_2445, %add3A_2443 : vector<16xf32>
      %gt3A_2447 = arith.constant 0.000000e+00 : f32
      %gt3A_2448 = vector.broadcast %gt3A_2447 : f32 to vector<16xf32>
      %gt3A_2449 = arith.cmpf ogt, %bitcast3A_2414, %gt3A_2448 : vector<16xf32>
      %jit3A_2450 = arith.constant 0.000000e+00 : f32
      %broadcast_in_dim3A_2451 = vector.broadcast %jit3A_2450 : f32 to vector<16xf32>
      %select_n3A_2452 = arith.select %gt3A_2449, %mul3A_2446, %broadcast_in_dim3A_2451 : vector<16xi1>, vector<16xf32>
      %jit3A_2453 = arith.constant 1.000000e+01 : f32
      %broadcast_in_dim3A_2454 = vector.broadcast %jit3A_2453 : f32 to vector<16xf32>
      %select_n3A_2455 = arith.select %ge3A_2413, %broadcast_in_dim3A_2454, %select_n3A_2452 : vector<16xi1>, vector<16xf32>
      %add3A_2456 = arith.constant 0 : i32
      %add3A_2457 = arith.addi %mul3A_2298, %add3A_2456 : i32
      %mul3A_2458 = arith.constant 32 : i32
      %mul3A_2459 = arith.muli %add3A_2457, %mul3A_2458 : i32
      %multiple_of3A = tpu.assume_multiple %mul3A_2459, 32 : i32
      %swap3A_2460 = arith.index_cast %multiple_of3A : i32 to index
      %swap3A_2461 = tpu.vector_load %arg14[%swap3A_2460] {strides = array<i32>} : memref<4096xf32, #tpu.memory_space<vmem>>, vector<16xf32>,
      tpu.vector_store %arg14[%swap3A_2460], %select_n3A_2410 {strides = array<i32>} : memref<4096xf32, #tpu.memory_space<vmem>>, vector<16xf32>,
      %add3A_2462 = arith.constant 16 : i32
      %add3A_2463 = arith.addi %multiple_of3A, %add3A_2462 : i32
      %swap3A_2464 = arith.index_cast %add3A_2463 : i32 to index
      %swap3A_2465 = tpu.vector_load %arg14[%swap3A_2464] {strides = array<i32>} : memref<4096xf32, #tpu.memory_space<vmem>>, vector<16xf32>,
      tpu.vector_store %arg14[%swap3A_2464], %select_n3A_2455 {strides = array<i32>} : memref<4096xf32, #tpu.memory_space<vmem>>, vector<16xf32>,
      %swap3A_2466 = arith.index_cast %multiple_of3A : i32 to index
      %swap3A_2467 = tpu.vector_load %arg15[%swap3A_2466] {strides = array<i32>} : memref<4096xi32, #tpu.memory_space<vmem>>, vector<16xi32>,
      tpu.vector_store %arg15[%swap3A_2466], %cond3A_2370#1 {strides = array<i32>} : memref<4096xi32, #tpu.memory_space<vmem>>, vector<16xi32>,
      %add3A_2468 = arith.constant 16 : i32
      %add3A_2469 = arith.addi %multiple_of3A, %add3A_2468 : i32
      %swap3A_2470 = arith.index_cast %add3A_2469 : i32 to index
      %swap3A_2471 = tpu.vector_load %arg15[%swap3A_2470] {strides = array<i32>} : memref<4096xi32, #tpu.memory_space<vmem>>, vector<16xi32>,
      tpu.vector_store %arg15[%swap3A_2470], %cond3A_2370#3 {strides = array<i32>} : memref<4096xi32, #tpu.memory_space<vmem>>, vector<16xi32>,
      %add3A_2472 = arith.constant 0 : i32
      %add3A_2473 = arith.addi %add3A_2299, %add3A_2472 : i32
      %broadcast_in_dim3A_2474 = vector.broadcast %add3A_2473 : i32 to vector<16xi32>
      %swap3A_2475 = arith.index_cast %multiple_of3A : i32 to index
      %swap3A_2476 = tpu.vector_load %arg16[%swap3A_2475] {strides = array<i32>} : memref<4096xi32, #tpu.memory_space<vmem>>, vector<16xi32>,
      tpu.vector_store %arg16[%swap3A_2475], %broadcast_in_dim3A_2474 {strides = array<i32>} : memref<4096xi32, #tpu.memory_space<vmem>>, vector<16xi32>,
      %add3A_2477 = arith.constant 16 : i32
      %add3A_2478 = arith.addi %multiple_of3A, %add3A_2477 : i32
      %swap3A_2479 = arith.index_cast %add3A_2478 : i32 to index
      %swap3A_2480 = tpu.vector_load %arg16[%swap3A_2479] {strides = array<i32>} : memref<4096xi32, #tpu.memory_space<vmem>>, vector<16xi32>,
      tpu.vector_store %arg16[%swap3A_2479], %broadcast_in_dim3A_2474 {strides = array<i32>} : memref<4096xi32, #tpu.memory_space<vmem>>, vector<16xi32>,
      %ge3A_2481 = arith.constant 1120403456 : i32
      %ge3A_2482 = vector.broadcast %ge3A_2481 : i32 to vector<16xi32>
      %ge3A_2483 = arith.cmpi sge, %cond3A_2370#4, %ge3A_2482 : vector<16xi32>
      %bitcast3A_2484 = vector.bitcast %cond3A_2370#4 : vector<16xi32> to vector<16xf32>
      %max3A_2485 = arith.constant 1.000000e-30 : f32
      %max3A_2486 = vector.broadcast %max3A_2485 : f32 to vector<16xf32>
      %max3A_2487 = arith.maximumf %bitcast3A_2484, %max3A_2486 : vector<16xf32>
      %bitcast3A_2488 = vector.bitcast %max3A_2487 : vector<16xf32> to vector<16xi32>
      %shift_right_arithmetic3A_2489 = arith.constant 1 : i32
      %shift_right_arithmetic3A_2490 = vector.broadcast %shift_right_arithmetic3A_2489 : i32 to vector<16xi32>
      %shift_right_arithmetic3A_2491 = arith.shrsi %bitcast3A_2488, %shift_right_arithmetic3A_2490 : vector<16xi32>
      %sub3A_2492 = arith.constant 1597463007 : i32
      %sub3A_2493 = vector.broadcast %sub3A_2492 : i32 to vector<16xi32>
      %sub3A_2494 = arith.subi %sub3A_2493, %shift_right_arithmetic3A_2491 : vector<16xi32>
      %bitcast3A_2495 = vector.bitcast %sub3A_2494 : vector<16xi32> to vector<16xf32>
      %mul3A_2496 = arith.constant 5.000000e-01 : f32
      %mul3A_2497 = vector.broadcast %mul3A_2496 : f32 to vector<16xf32>
      %mul3A_2498 = arith.mulf %mul3A_2497, %max3A_2487 : vector<16xf32>
      %mul3A_2499 = arith.mulf %mul3A_2498, %bitcast3A_2495 : vector<16xf32>
      %mul3A_2500 = arith.mulf %mul3A_2499, %bitcast3A_2495 : vector<16xf32>
      %sub3A_2501 = arith.constant 1.500000e+00 : f32
      %sub3A_2502 = vector.broadcast %sub3A_2501 : f32 to vector<16xf32>
      %sub3A_2503 = arith.subf %sub3A_2502, %mul3A_2500 : vector<16xf32>
      %mul3A_2504 = arith.mulf %bitcast3A_2495, %sub3A_2503 : vector<16xf32>
      %mul3A_2505 = arith.mulf %mul3A_2498, %mul3A_2504 : vector<16xf32>
      %mul3A_2506 = arith.mulf %mul3A_2505, %mul3A_2504 : vector<16xf32>
      %sub3A_2507 = arith.constant 1.500000e+00 : f32
      %sub3A_2508 = vector.broadcast %sub3A_2507 : f32 to vector<16xf32>
      %sub3A_2509 = arith.subf %sub3A_2508, %mul3A_2506 : vector<16xf32>
      %mul3A_2510 = arith.mulf %mul3A_2504, %sub3A_2509 : vector<16xf32>
      %mul3A_2511 = arith.mulf %max3A_2487, %mul3A_2510 : vector<16xf32>
      %div3A_2512 = arith.divf %max3A_2487, %mul3A_2511 : vector<16xf32>
      %add3A_2513 = arith.addf %mul3A_2511, %div3A_2512 : vector<16xf32>
      %mul3A_2514 = arith.constant 5.000000e-01 : f32
      %mul3A_2515 = vector.broadcast %mul3A_2514 : f32 to vector<16xf32>
      %mul3A_2516 = arith.mulf %mul3A_2515, %add3A_2513 : vector<16xf32>
      %gt3A_2517 = arith.constant 0.000000e+00 : f32
      %gt3A_2518 = vector.broadcast %gt3A_2517 : f32 to vector<16xf32>
      %gt3A_2519 = arith.cmpf ogt, %bitcast3A_2484, %gt3A_2518 : vector<16xf32>
      %jit3A_2520 = arith.constant 0.000000e+00 : f32
      %broadcast_in_dim3A_2521 = vector.broadcast %jit3A_2520 : f32 to vector<16xf32>
      %select_n3A_2522 = arith.select %gt3A_2519, %mul3A_2516, %broadcast_in_dim3A_2521 : vector<16xi1>, vector<16xf32>
      %jit3A_2523 = arith.constant 1.000000e+01 : f32
      %broadcast_in_dim3A_2524 = vector.broadcast %jit3A_2523 : f32 to vector<16xf32>
      %select_n3A_2525 = arith.select %ge3A_2483, %broadcast_in_dim3A_2524, %select_n3A_2522 : vector<16xi1>, vector<16xf32>
      %ge3A_2526 = arith.constant 1120403456 : i32
      %ge3A_2527 = vector.broadcast %ge3A_2526 : i32 to vector<16xi32>
      %ge3A_2528 = arith.cmpi sge, %cond3A_2370#6, %ge3A_2527 : vector<16xi32>
      %bitcast3A_2529 = vector.bitcast %cond3A_2370#6 : vector<16xi32> to vector<16xf32>
      %max3A_2530 = arith.constant 1.000000e-30 : f32
      %max3A_2531 = vector.broadcast %max3A_2530 : f32 to vector<16xf32>
      %max3A_2532 = arith.maximumf %bitcast3A_2529, %max3A_2531 : vector<16xf32>
      %bitcast3A_2533 = vector.bitcast %max3A_2532 : vector<16xf32> to vector<16xi32>
      %shift_right_arithmetic3A_2534 = arith.constant 1 : i32
      %shift_right_arithmetic3A_2535 = vector.broadcast %shift_right_arithmetic3A_2534 : i32 to vector<16xi32>
      %shift_right_arithmetic3A_2536 = arith.shrsi %bitcast3A_2533, %shift_right_arithmetic3A_2535 : vector<16xi32>
      %sub3A_2537 = arith.constant 1597463007 : i32
      %sub3A_2538 = vector.broadcast %sub3A_2537 : i32 to vector<16xi32>
      %sub3A_2539 = arith.subi %sub3A_2538, %shift_right_arithmetic3A_2536 : vector<16xi32>
      %bitcast3A_2540 = vector.bitcast %sub3A_2539 : vector<16xi32> to vector<16xf32>
      %mul3A_2541 = arith.constant 5.000000e-01 : f32
      %mul3A_2542 = vector.broadcast %mul3A_2541 : f32 to vector<16xf32>
      %mul3A_2543 = arith.mulf %mul3A_2542, %max3A_2532 : vector<16xf32>
      %mul3A_2544 = arith.mulf %mul3A_2543, %bitcast3A_2540 : vector<16xf32>
      %mul3A_2545 = arith.mulf %mul3A_2544, %bitcast3A_2540 : vector<16xf32>
      %sub3A_2546 = arith.constant 1.500000e+00 : f32
      %sub3A_2547 = vector.broadcast %sub3A_2546 : f32 to vector<16xf32>
      %sub3A_2548 = arith.subf %sub3A_2547, %mul3A_2545 : vector<16xf32>
      %mul3A_2549 = arith.mulf %bitcast3A_2540, %sub3A_2548 : vector<16xf32>
      %mul3A_2550 = arith.mulf %mul3A_2543, %mul3A_2549 : vector<16xf32>
      %mul3A_2551 = arith.mulf %mul3A_2550, %mul3A_2549 : vector<16xf32>
      %sub3A_2552 = arith.constant 1.500000e+00 : f32
      %sub3A_2553 = vector.broadcast %sub3A_2552 : f32 to vector<16xf32>
      %sub3A_2554 = arith.subf %sub3A_2553, %mul3A_2551 : vector<16xf32>
      %mul3A_2555 = arith.mulf %mul3A_2549, %sub3A_2554 : vector<16xf32>
      %mul3A_2556 = arith.mulf %max3A_2532, %mul3A_2555 : vector<16xf32>
      %div3A_2557 = arith.divf %max3A_2532, %mul3A_2556 : vector<16xf32>
      %add3A_2558 = arith.addf %mul3A_2556, %div3A_2557 : vector<16xf32>
      %mul3A_2559 = arith.constant 5.000000e-01 : f32
      %mul3A_2560 = vector.broadcast %mul3A_2559 : f32 to vector<16xf32>
      %mul3A_2561 = arith.mulf %mul3A_2560, %add3A_2558 : vector<16xf32>
      %gt3A_2562 = arith.constant 0.000000e+00 : f32
      %gt3A_2563 = vector.broadcast %gt3A_2562 : f32 to vector<16xf32>
      %gt3A_2564 = arith.cmpf ogt, %bitcast3A_2529, %gt3A_2563 : vector<16xf32>
      %jit3A_2565 = arith.constant 0.000000e+00 : f32
      %broadcast_in_dim3A_2566 = vector.broadcast %jit3A_2565 : f32 to vector<16xf32>
      %select_n3A_2567 = arith.select %gt3A_2564, %mul3A_2561, %broadcast_in_dim3A_2566 : vector<16xi1>, vector<16xf32>
      %jit3A_2568 = arith.constant 1.000000e+01 : f32
      %broadcast_in_dim3A_2569 = vector.broadcast %jit3A_2568 : f32 to vector<16xf32>
      %select_n3A_2570 = arith.select %ge3A_2528, %broadcast_in_dim3A_2569, %select_n3A_2567 : vector<16xi1>, vector<16xf32>
      %add3A_2571 = arith.constant 1 : i32
      %add3A_2572 = arith.addi %mul3A_2298, %add3A_2571 : i32
      %mul3A_2573 = arith.constant 32 : i32
      %mul3A_2574 = arith.muli %add3A_2572, %mul3A_2573 : i32
      %multiple_of3A_2575 = tpu.assume_multiple %mul3A_2574, 32 : i32
      %swap3A_2576 = arith.index_cast %multiple_of3A_2575 : i32 to index
      %swap3A_2577 = tpu.vector_load %arg14[%swap3A_2576] {strides = array<i32>} : memref<4096xf32, #tpu.memory_space<vmem>>, vector<16xf32>,
      tpu.vector_store %arg14[%swap3A_2576], %select_n3A_2525 {strides = array<i32>} : memref<4096xf32, #tpu.memory_space<vmem>>, vector<16xf32>,
      %add3A_2578 = arith.constant 16 : i32
      %add3A_2579 = arith.addi %multiple_of3A_2575, %add3A_2578 : i32
      %swap3A_2580 = arith.index_cast %add3A_2579 : i32 to index
      %swap3A_2581 = tpu.vector_load %arg14[%swap3A_2580] {strides = array<i32>} : memref<4096xf32, #tpu.memory_space<vmem>>, vector<16xf32>,
      tpu.vector_store %arg14[%swap3A_2580], %select_n3A_2570 {strides = array<i32>} : memref<4096xf32, #tpu.memory_space<vmem>>, vector<16xf32>,
      %swap3A_2582 = arith.index_cast %multiple_of3A_2575 : i32 to index
      %swap3A_2583 = tpu.vector_load %arg15[%swap3A_2582] {strides = array<i32>} : memref<4096xi32, #tpu.memory_space<vmem>>, vector<16xi32>,
      tpu.vector_store %arg15[%swap3A_2582], %cond3A_2370#5 {strides = array<i32>} : memref<4096xi32, #tpu.memory_space<vmem>>, vector<16xi32>,
      %add3A_2584 = arith.constant 16 : i32
      %add3A_2585 = arith.addi %multiple_of3A_2575, %add3A_2584 : i32
      %swap3A_2586 = arith.index_cast %add3A_2585 : i32 to index
      %swap3A_2587 = tpu.vector_load %arg15[%swap3A_2586] {strides = array<i32>} : memref<4096xi32, #tpu.memory_space<vmem>>, vector<16xi32>,
      tpu.vector_store %arg15[%swap3A_2586], %cond3A_2370#7 {strides = array<i32>} : memref<4096xi32, #tpu.memory_space<vmem>>, vector<16xi32>,
      %add3A_2588 = arith.constant 1 : i32
      %add3A_2589 = arith.addi %add3A_2299, %add3A_2588 : i32
      %broadcast_in_dim3A_2590 = vector.broadcast %add3A_2589 : i32 to vector<16xi32>
      %swap3A_2591 = arith.index_cast %multiple_of3A_2575 : i32 to index
      %swap3A_2592 = tpu.vector_load %arg16[%swap3A_2591] {strides = array<i32>} : memref<4096xi32, #tpu.memory_space<vmem>>, vector<16xi32>,
      tpu.vector_store %arg16[%swap3A_2591], %broadcast_in_dim3A_2590 {strides = array<i32>} : memref<4096xi32, #tpu.memory_space<vmem>>, vector<16xi32>,
      %add3A_2593 = arith.constant 16 : i32
      %add3A_2594 = arith.addi %multiple_of3A_2575, %add3A_2593 : i32
      %swap3A_2595 = arith.index_cast %add3A_2594 : i32 to index
      %swap3A_2596 = tpu.vector_load %arg16[%swap3A_2595] {strides = array<i32>} : memref<4096xi32, #tpu.memory_space<vmem>>, vector<16xi32>,
      tpu.vector_store %arg16[%swap3A_2595], %broadcast_in_dim3A_2590 {strides = array<i32>} : memref<4096xi32, #tpu.memory_space<vmem>>, vector<16xi32>,
      %scan3A_2597 = arith.constant 0 : i32
      scf.yield %scan3A_2597 : i32
    }
    %scan3A_2287 = arith.constant 64 : i32
    %mul3A_2288 = arith.constant 32 : i32
    %mul3A_2289 = arith.muli %mul3A_2, %mul3A_2288 : i32
    %run_scoped3A = arith.constant 0 : i32
    "tpu.region"() ({
      %run_scoped3A_2295 = tpu.sem_alloc : memref<!tpu.dma_semaphore, #tpu.memory_space<semaphore_mem>>
      %dma_start3A_2296 = tpu.memref_slice %arg6[%run_scoped3A, %mul3A_2289] : memref<2x131072xi32, #tpu.memory_space<hbm>> -> memref<1x4096xi32, #tpu.memory_space<hbm>>
      %dma_start3A_2297 = tpu.memref_squeeze %dma_start3A_2296 : memref<1x4096xi32, #tpu.memory_space<hbm>> -> memref<4096xi32, #tpu.memory_space<hbm>>
      %dma_start3A_2298 = tpu.memref_slice %arg6[%run_scoped3A, %mul3A_2289] : memref<2x131072xi32, #tpu.memory_space<hbm>> -> memref<1x4096xi32, #tpu.memory_space<hbm>>
      %dma_start3A_2299 = tpu.memref_squeeze %dma_start3A_2298 : memref<1x4096xi32, #tpu.memory_space<hbm>> -> memref<4096xi32, #tpu.memory_space<hbm>>
      tpu.enqueue_dma source(%arg15 : memref<4096xi32, #tpu.memory_space<vmem>>) target(%dma_start3A_2299 : memref<4096xi32, #tpu.memory_space<hbm>>) target_semaphore(%run_scoped3A_2295 : memref<!tpu.dma_semaphore, #tpu.memory_space<semaphore_mem>>)
      %dma_wait3A_2300 = tpu.memref_slice %arg6[%run_scoped3A, %mul3A_2289] : memref<2x131072xi32, #tpu.memory_space<hbm>> -> memref<1x4096xi32, #tpu.memory_space<hbm>>
      %dma_wait3A_2301 = tpu.memref_squeeze %dma_wait3A_2300 : memref<1x4096xi32, #tpu.memory_space<hbm>> -> memref<4096xi32, #tpu.memory_space<hbm>>
      %dma_wait3A_2302 = tpu.memref_slice %arg6[%run_scoped3A, %mul3A_2289] : memref<2x131072xi32, #tpu.memory_space<hbm>> -> memref<1x4096xi32, #tpu.memory_space<hbm>>
      %dma_wait3A_2303 = tpu.memref_squeeze %dma_wait3A_2302 : memref<1x4096xi32, #tpu.memory_space<hbm>> -> memref<4096xi32, #tpu.memory_space<hbm>>
      tpu.wait_dma2 semaphore(%run_scoped3A_2295 : memref<!tpu.dma_semaphore, #tpu.memory_space<semaphore_mem>>) src(%arg15 : memref<4096xi32, #tpu.memory_space<vmem>>) dst(%dma_wait3A_2303 : memref<4096xi32, #tpu.memory_space<hbm>>)
      tpu.yield
    }) : () -> ()
    %mul3A_2290 = arith.constant 32 : i32
    %mul3A_2291 = arith.muli %mul3A_2, %mul3A_2290 : i32
    %run_scoped3A_2292 = arith.constant 1 : i32
    "tpu.region"() ({
      %run_scoped3A_2295 = tpu.sem_alloc : memref<!tpu.dma_semaphore, #tpu.memory_space<semaphore_mem>>
      %dma_start3A_2296 = tpu.memref_slice %arg6[%run_scoped3A_2292, %mul3A_2291] : memref<2x131072xi32, #tpu.memory_space<hbm>> -> memref<1x4096xi32, #tpu.memory_space<hbm>>
      %dma_start3A_2297 = tpu.memref_squeeze %dma_start3A_2296 : memref<1x4096xi32, #tpu.memory_space<hbm>> -> memref<4096xi32, #tpu.memory_space<hbm>>
      %dma_start3A_2298 = tpu.memref_slice %arg6[%run_scoped3A_2292, %mul3A_2291] : memref<2x131072xi32, #tpu.memory_space<hbm>> -> memref<1x4096xi32, #tpu.memory_space<hbm>>
      %dma_start3A_2299 = tpu.memref_squeeze %dma_start3A_2298 : memref<1x4096xi32, #tpu.memory_space<hbm>> -> memref<4096xi32, #tpu.memory_space<hbm>>
      tpu.enqueue_dma source(%arg16 : memref<4096xi32, #tpu.memory_space<vmem>>) target(%dma_start3A_2299 : memref<4096xi32, #tpu.memory_space<hbm>>) target_semaphore(%run_scoped3A_2295 : memref<!tpu.dma_semaphore, #tpu.memory_space<semaphore_mem>>)
      %dma_wait3A_2300 = tpu.memref_slice %arg6[%run_scoped3A_2292, %mul3A_2291] : memref<2x131072xi32, #tpu.memory_space<hbm>> -> memref<1x4096xi32, #tpu.memory_space<hbm>>
      %dma_wait3A_2301 = tpu.memref_squeeze %dma_wait3A_2300 : memref<1x4096xi32, #tpu.memory_space<hbm>> -> memref<4096xi32, #tpu.memory_space<hbm>>
      %dma_wait3A_2302 = tpu.memref_slice %arg6[%run_scoped3A_2292, %mul3A_2291] : memref<2x131072xi32, #tpu.memory_space<hbm>> -> memref<1x4096xi32, #tpu.memory_space<hbm>>
      %dma_wait3A_2303 = tpu.memref_squeeze %dma_wait3A_2302 : memref<1x4096xi32, #tpu.memory_space<hbm>> -> memref<4096xi32, #tpu.memory_space<hbm>>
      tpu.wait_dma2 semaphore(%run_scoped3A_2295 : memref<!tpu.dma_semaphore, #tpu.memory_space<semaphore_mem>>) src(%arg16 : memref<4096xi32, #tpu.memory_space<vmem>>) dst(%dma_wait3A_2303 : memref<4096xi32, #tpu.memory_space<hbm>>)
      tpu.yield
    }) : () -> ()
    %mul3A_2293 = arith.constant 32 : i32
    %mul3A_2294 = arith.muli %mul3A_2, %mul3A_2293 : i32
    "tpu.region"() ({
      %run_scoped3A_2295 = tpu.sem_alloc : memref<!tpu.dma_semaphore, #tpu.memory_space<semaphore_mem>>
      %dma_start3A_2296 = tpu.memref_slice %arg7[%mul3A_2294] : memref<131072xf32, #tpu.memory_space<hbm>> -> memref<4096xf32, #tpu.memory_space<hbm>>
      %dma_start3A_2297 = tpu.memref_slice %arg7[%mul3A_2294] : memref<131072xf32, #tpu.memory_space<hbm>> -> memref<4096xf32, #tpu.memory_space<hbm>>
      tpu.enqueue_dma source(%arg14 : memref<4096xf32, #tpu.memory_space<vmem>>) target(%dma_start3A_2297 : memref<4096xf32, #tpu.memory_space<hbm>>) target_semaphore(%run_scoped3A_2295 : memref<!tpu.dma_semaphore, #tpu.memory_space<semaphore_mem>>)
      %dma_wait3A_2298 = tpu.memref_slice %arg7[%mul3A_2294] : memref<131072xf32, #tpu.memory_space<hbm>> -> memref<4096xf32, #tpu.memory_space<hbm>>
      %dma_wait3A_2299 = tpu.memref_slice %arg7[%mul3A_2294] : memref<131072xf32, #tpu.memory_space<hbm>> -> memref<4096xf32, #tpu.memory_space<hbm>>
      tpu.wait_dma2 semaphore(%run_scoped3A_2295 : memref<!tpu.dma_semaphore, #tpu.memory_space<semaphore_mem>>) src(%arg14 : memref<4096xf32, #tpu.memory_space<vmem>>) dst(%dma_wait3A_2299 : memref<4096xf32, #tpu.memory_space<hbm>>)
      tpu.yield
    }) : () -> ()
    return
  }
}

</mosaic_0001>

<sc_bundles>
// kernel: kernel.3.cloned.1.call-start
scs
__scs_entry_jumppad:
0x0: {  	(pc) =	sbr.rel $0x88, $3  }
0x1: {  	(tag) =	ssettag $0x0;
	lr =	simm.s32 $0x1  }
0x2: {  	[smem:$0x3F9F] =	sst lr;
	_ =	strace $0xD0000000  }
0x3: {  	_ = 	snop  }
0x4: {  	_ = 	snop  }
0x5: {  	_ = 	snop  }
0x6: {  	_ = 	snop  }
0x7: {  	_ = 	snop  }
__scs_overlays_trampoline_lowered:
0x8: {  	[smem:$0x3FAE] =	sst s0  }
0x9: {  	[smem:$0x3FAF] =	sst s1  }
0xa: {  	[smem:$0x3FB0] =	sst s2  }
0xb: {  	[smem:$0x3FB1] =	sst s3  }
0xc: {  	[smem:$0x3FB2] =	sst s4  }
0xd: {  	[smem:$0x3FB3] =	sst s5  }
0xe: {  	[smem:$0x3FB4] =	sst s6  }
0xf: {  	[smem:$0x3FB5] =	sst s7  }
0x10: {  	[smem:$0x3FB6] =	sst s8  }
0x11: {  	[smem:$0x3FB7] =	sst s9;
	s0 =	simm.s32 @!p0 $0x0  }
0x12: {  	s1 =	sld [smem:$0x3F9D];
	s0 =	simm.s32 @p0 $0x1  }
0x13: {  	[smem:$0x3FB8] =	sst s0;
	s0 =	simm.s32 @!p1 $0x0  }
0x14: {  	s2 =	sld [smem:$0x3F9C];
	s0 =	simm.s32 @p1 $0x1  }
0x15: {  	[smem:$0x3FB9] =	sst s0;
	s0 =	simm.s32 @!p2 $0x0  }
0x16: {  	s3 =	sld [smem:$0x3FDB];
	s0 =	simm.s32 @p2 $0x1  }
0x17: {  	s4 =	simm.s32 $0x1BF5;
	[smem:$0x3FBB] =	sst s0  }
0x18: {  	s0 =	sld [smem:$0x3F9E];
	_ =	swait.ge [sflag:s4], $0x0  }
0x19: {  	s7 =	sld [smem:$0x3F9F]  }
0x1a: {  	s8 =	sadd.s32 $0xFFFFE003, lr  }
0x1b: {  	s9 =	sadd.s32 $0xFFFFFEF7, lr;
	s5 =	simm.s32 $0xFFFFFFFF;
	p2 =	slt.u32 s8, $0xFFFFF086  }
0x1c: {  	p1 =	slt.u32 s9, $0xF7A;
	s5 =	simm.s32 @!p2 $0x0  }
0x1d: {  	s5 =	simm.s32 @p1 $0x1;
	p0 =	seq.s32 s7, s2  }
0x1e: {  	s7 =	smul.u32 @!p0 $0xF7A, s2;
	p2 =	seq.s32 @!p0 s5, $0x0  }
0x1f: {  	s9 =	smul.u32 $0xF7A, s1;
	s8 =	simm.s32 @!p0 $0x1BF5;
	p2 =	por !p2, p0  }
0x20: {  	[sflag:s8] =	ssyncset.s32 @!p0 $0xFFFFF086;
	s6 =	sadd.s32 @!p0 s3, s7;
	s7 =	simm.s32 @!p0 $0x108  }
0x21: {  	s3 =	sadd.s32 s3, s9;
	s6 =	sadd.s32 @!p0 $0x88, s6;
	s7 =	simm.s32 @p2 $0x1082  }
0x22: {  	[simem:s7], [sflag:s8] =	dma.local @!p0 [hbm:s6], $0xF7A  }
0x23: {  	s9 =	sor.u32 $0xD0000000, s2;
	s6 =	simm.s32 $0x108;
	_ =	swait.ge @!p0 [sflag:s8], $0x0  }
0x24: {  	s3 =	sadd.s32 $0x88, s3;
	s6 =	simm.s32 @!p1 $0x1082;
	[sflag:s4] =	ssyncset.s32 $0xFFFFF086  }
0x25: {  	[simem:s6], [sflag:s4] =	dma.local [hbm:s3], $0xF7A  }
0x26: {  	[smem:$0x3F9F] =	sst s1;
	(tag) =	ssettag s2;
	_ =	strace s9  }
0x27: {  	s1 =	sld [smem:$0x3FAF]  }
0x28: {  	s2 =	sld [smem:$0x3FB0]  }
0x29: {  	s4 =	sld [smem:$0x3FB2]  }
0x2a: {  	p0 =	seq.s32 s5, $0x0;
	s5 =	sld [smem:$0x3FB3]  }
0x2b: {  	s6 =	sld [smem:$0x3FB4]  }
0x2c: {  	s7 =	sld [smem:$0x3FB5]  }
0x2d: {  	s3 =	simm.s32 $0x108;
	s8 =	sld [smem:$0x3FB6]  }
0x2e: {  	s3 =	simm.s32 @!p0 $0x1082;
	s9 =	sld [smem:$0x3FB7]  }
0x2f: {  	lr =	sadd.s32 s0, s3;
	s0 =	sld [smem:$0x3FAE]  }
0x30: {  	s3 =	sld [smem:$0x3FB1]  }
0x31: {  	[smem:$0x3FBA] =	sst s10  }
0x32: {  	s10 =	sld [smem:$0x3FB8];
	_ =	sdelay $0x3  }
0x33: {  	p0 =	seq.s32 s10, $0x1;
	s10 =	sld [smem:$0x3FBA];
	_ =	sdelay $0x3  }
0x34: {  	[smem:$0x3FBA] =	sst s10  }
0x35: {  	s10 =	sld [smem:$0x3FB9];
	_ =	sdelay $0x3  }
0x36: {  	p1 =	seq.s32 s10, $0x1;
	s10 =	sld [smem:$0x3FBA];
	_ =	sdelay $0x3  }
0x37: {  	[smem:$0x3FBA] =	sst s10  }
0x38: {  	s10 =	sld [smem:$0x3FBB]  }
0x39: {  	_ = 	snop;
	(pc) =	sbr.ind lr, $3  }
0x3a: {  	_ = 	snop  }
0x3b: {  	_ = 	snop  }
0x3c: {  	p2 =	seq.s32 s10, $0x1;
	s10 =	sld [smem:$0x3FBA]  }
0x3d: {  	_ =	shalt  }
0x3e: {  	_ =	shalt  }
0x3f: {  	_ =	shalt  }
0x40: {  	_ =	shalt  }
0x41: {  	_ =	shalt  }
0x42: {  	_ =	shalt  }
0x43: {  	_ =	shalt  }
0x44: {  	_ =	shalt  }
0x45: {  	_ =	shalt  }
0x46: {  	_ =	shalt  }
0x47: {  	_ =	shalt  }
0x48: {  	_ =	shalt  }
0x49: {  	_ =	shalt  }
0x4a: {  	_ =	shalt  }
0x4b: {  	_ =	shalt  }
0x4c: {  	_ =	shalt  }
0x4d: {  	_ =	shalt  }
0x4e: {  	_ =	shalt  }
0x4f: {  	_ =	shalt  }
0x50: {  	_ =	shalt  }
0x51: {  	_ =	shalt  }
0x52: {  	_ =	shalt  }
0x53: {  	_ =	shalt  }
0x54: {  	_ =	shalt  }
0x55: {  	_ =	shalt  }
0x56: {  	_ =	shalt  }
0x57: {  	_ =	shalt  }
0x58: {  	_ =	shalt  }
0x59: {  	_ =	shalt  }
0x5a: {  	_ =	shalt  }
0x5b: {  	_ =	shalt  }
0x5c: {  	_ =	shalt  }
0x5d: {  	_ =	shalt  }
0x5e: {  	_ =	shalt  }
0x5f: {  	_ =	shalt  }
0x60: {  	_ =	shalt  }
0x61: {  	_ =	shalt  }
0x62: {  	_ =	shalt  }
0x63: {  	_ =	shalt  }
0x64: {  	_ =	shalt  }
0x65: {  	_ =	shalt  }
0x66: {  	_ =	shalt  }
0x67: {  	_ =	shalt  }
0x68: {  	_ =	shalt  }
0x69: {  	_ =	shalt  }
0x6a: {  	_ =	shalt  }
0x6b: {  	_ =	shalt  }
0x6c: {  	_ =	shalt  }
0x6d: {  	_ =	shalt  }
0x6e: {  	_ =	shalt  }
0x6f: {  	_ =	shalt  }
0x70: {  	_ =	shalt  }
0x71: {  	_ =	shalt  }
0x72: {  	_ =	shalt  }
0x73: {  	_ =	shalt  }
0x74: {  	_ =	shalt  }
0x75: {  	_ =	shalt  }
0x76: {  	_ =	shalt  }
0x77: {  	_ =	shalt  }
0x78: {  	_ =	shalt  }
0x79: {  	_ =	shalt  }
0x7a: {  	_ =	shalt  }
0x7b: {  	_ =	shalt  }
0x7c: {  	_ =	shalt  }
0x7d: {  	_ =	shalt  }
0x7e: {  	_ =	shalt  }
0x7f: {  	_ =	shalt  }
0x80: {  	_ =	shalt  }
0x81: {  	_ =	shalt  }
0x82: {  	_ =	shalt  }
0x83: {  	_ =	shalt  }
0x84: {  	_ =	shalt  }
0x85: {  	_ =	shalt  }
0x86: {  	_ =	shalt  }
0x87: {  	_ =	shalt  }
.Lfunc_end0:
.L_simem_size_0:
called_computation_lowered:
.L_overlay_start_0:
0x88: {  	s2 =	sld [smem:$0x3FD9]  }
0x89: {  	s3 =	sld [smem:$0x3FFE];
	_ =	sdelay $0x1  }
0x8a: {  	s1 =	srdreg.scid  }
0x8b: {  	s0 =	sand.u32 $0x1, s1  }
0x8c: {  	s14 =	sshll.u32 s0, $0xA;
	s2 =	sadd.s32 s3, s2  }
0x8d: {  	s2 =	sadd.s32 s2, s14  }
0x8e: {  	[smem:$0x3FC6] =	sst s2  }
0x8f: {  	_ = 	snop  }
0x90: {  	s2 =	sld [smem:$0x3FD0];
	_ =	sdelay $0x2  }
0x91: {  	s4 =	simm.s32 $0xA;
	s5 =	simm.s32 $0x10;
	s15 =	sld [smem:$0x3FC8]  }
0x92: {  	[smem:s5], [sflag:s4] =	dma.local [hbm:s2], $0x1  }
0x93: {  	_ =	swait.eq [sflag:s4], $0x1  }
0x94: {  	[sflag:s4] =	ssyncset.done $0x0  }
0x95: {  	s16 =	sld [smem:$0x10];
	[sflag:s4] =	ssyncadd.s32 $0xFFFFFFFF  }
0x96: {  	s17 =	sld [smem:$0x11];
	(tm) =	ssettm $0x1  }
0x97: {  	s18 =	sld [smem:$0x3FFB];
	_ =	sdelay $0x3  }
0x98: {  	_ =	strace s18  }
0x99: {  	s5 =	sld [smem:$0x3FFC];
	_ =	sdelay $0x3  }
0x9a: {  	_ =	strace s5  }
0x9b: {  	s5 =	sld [smem:$0x3FFD];
	_ =	sdelay $0x3  }
0x9c: {  	_ =	strace s5  }
0x9d: {  	_ =	strace $0x8FFFFFFF  }
0x9e: {  	s19 =	sld [smem:$0x3FDB];
	_ =	sdelay $0x1  }
0x9f: {  	s6 =	simm.s32 $_scs_section_size  }
0xa0: {  	s7 =	simm.s32 $_size__tile_overlayer_lowered;
	s8 =	simm.s32 $_tile_overlayer_lowered  }
0xa1: {  	s22 =	simm.s32 $0x1BFF;
	s21 =	sshll.u32 s8, $0x1;
	s5 =	sadd.s32 s6, s19  }
0xa2: {  	s9 =	simm.s32 $0x0;
	s20 =	sshll.u32 s7, $0x1;
	s7 =	sadd.s32 s21, s5  }
0xa3: {  	[timem:s9], [sflag:s22] =	dma.local [hbm:s7], s20  }
0xa4: {  	_ =	swait.ge [sflag:s22], s20  }
0xa5: {  	s6 =	ssub.s32 $0x0, s20;
	[sflag:s22] =	ssyncset.done $0x0  }
0xa6: {  	[sflag:s22] =	ssyncadd.s32 s6;
	_ =	sdelay $0x1  }
0xa7: {  	s23 =	simm.s32 $0x1B8B  }
0xa8: {  	_ =	swait.ge [sflag:s23], $0x1  }
0xa9: {  	[sflag:s23] =	ssyncset.done $0x0  }
0xaa: {  	s25 =	simm.s32 $0x1B8E;
	s24 =	sld [smem:$0x3FFE];
	[sflag:s23] =	ssyncadd.s32 $0xFFFFFFFF  }
0xab: {  	s26 =	simm.s32 $execute0_lowered;
	[smem:$0x3FD2] =	sst s25  }
0xac: {  	s7 =	sshll.u32 s26, $0x1;
	_ =	strace $0x80000046;
	[dreg:$0x1] =	wrdreg $0xFFFFFFFF  }
0xad: {  	s28 =	simm.s32 $_size_execute0_lowered;
	s5 =	sadd.s32 s5, s7;
	[dreg:$0x0] =	wrdreg $0x0  }
0xae: {  	s7 =	sshll.u32 s28, $0x1;
	[dreg:$0x2] =	wrdreg s5  }
0xaf: {  	[dreg:$0x3] =	wrdreg s7  }
0xb0: {  	[dreg:$0x4] =	wrdreg $0xC0  }
0xb1: {  	_ =	task [dreg:s9], $0x5FFFF  }
0xb2: {  	[dreg:$0x1] =	wrdreg $0xFFFFFFFF  }
0xb3: {  	[dreg:$0x0] =	wrdreg $0x60  }
0xb4: {  	[dreg:$0x2] =	wrdreg s24  }
0xb5: {  	[dreg:$0x3] =	wrdreg s15  }
0xb6: {  	[dreg:$0x4] =	wrdreg s16  }
0xb7: {  	[dreg:$0x5] =	wrdreg s17  }
0xb8: {  	[dreg:$0x6] =	wrdreg $0x9  }
0xb9: {  	_ =	task.clear_ibuf [dreg:s9], $0x7FFFF;
	_ =	strace $0x90000046  }
0xba: {  	s29 =	simm.s32 $0x9;
	_ =	strace $0x80000048  }
0xbb: {  	_ =	swait.ge [sflag:s29], $0x1  }
0xbc: {  	[sflag:s29] =	ssyncadd.s32 $0xFFFFFFFF  }
0xbd: {  	_ =	strace $0x90000048  }
0xbe: {  	_ =	sfence  }
0xbf: {  	s30 =	sld [smem:$0x0];
	_ =	sdelay $0x2  }
0xc0: {  	s31 =	sshll.u32 s1, $0xD;
	s1 =	sshrl.u32 s1, $0x2  }
0xc1: {  	s3 =	sand.u32 $0x4000, s31;
	s1 =	sadd.s32 s1, s30  }
0xc2: {  	s0 =	sor.u32 s3, s0;
	s1 =	sshll.u32 s1, $0x11  }
0xc3: {  	s0 =	sor.u32 s1, s0  }
0xc4: {  	s0 =	sadd.s32 $0x8F2B, s0  }
0xc5: {  	[sflag:s0] =	ssyncadd.remote.s32 $0x1  }
0xc6: {  	_ =	sfence.sel $0xFFFF  }
0xc7: {  	[dreg:$0x0] =	wrdreg $0xFFFFFFFF;
	(pc) =	sbr.abs _section_cstart, $3  }
0xc8: {  	[dreg:$0x1] =	wrdreg $0xFFFFFFFF  }
0xc9: {  	_ =	task.clear_ibuf [dreg:s9], $0x2FFFF;
	_ =	strace $0x9FFFFFFF  }
0xca: {  	(tm) =	ssettm $0x7FFFFFFF  }
0xcb: {  	_ =	shalt  }
tec
execute0_lowered:
.L_overlay_start_1:
0x0: {  	(tag) =	ssettag $0x1  }
0x1: {  	s0 =	rddreg [dreg:$0x0]  }
0x2: {  	s1 =	rddreg [dreg:$0x2]  }
0x3: {  	s3 =	rddreg [dreg:$0x3]  }
0x4: {  	s2 =	simm.s32 $0x0;
	s5 =	srdreg.scid;
	s9 =	stileid.u32  }
0x5: {  	s14 =	simm.s32 $0x2100;
	s15 =	simm.s32 $0x3180;
	s16 =	simm.s32 $0x2  }
0x6: {  	s17 =	simm.s32 $0x1;
	s18 =	simm.s32 $0x80;
	s19 =	simm.s32 $0x100  }
0x7: {  	s20 =	simm.s32 $0x5400;
	s21 =	simm.s32 $0x6400;
	s22 =	simm.s32 $0x4400  }
0x8: {  	s23 =	simm.s32 $0x0;
	[smem:$0x7FF] =	sst s2;
	s5 =	sand.u32 $0x1, s5  }
0x9: {  	s4 =	sadd.s32 $0xC00, s0;
	_ =	strace $0x80000047;
	s7 =	ssub.s32 $0x2, s5  }
.Ltmp0:
0xa: {  	s6 =	sshll.u32 s5, $0x4;
	s5 =	sadd.s32 $0xA00, s0;
	(pc) =	sbr.rel .LBB2_1-.Ltmp0, $4  }
0xb: {  	s8 =	sshrl.u32 s7, $0x1;
	s9 =	sor.u32 s9, s6;
	s6 =	sadd.s32 $0x800, s0  }
0xc: {  	s30 =	ssub.s32 s7, s8;
	s31 =	sshll.u32 s9, $0xA;
	s11 =	sshll.u32 s9, $0x9  }
0xd: {  	v0 =	vimm.s32 $0x800;
	v1 =	vimm.s32 $0x0;
	s7 =	sshll.u32 s9, $0x7;
	s8 =	sadd.s32 s1, s31;
	s9 =	sshrl.u32 s11, $0x2  }
0xe: {  	v2 =	vimm.s32 $0x400;
	v3 =	vlaneseq.u32;
	s11 =	sadd.s32 s3, s11;
	s12 =	smax.u32 s30, $0x1;
	v4 =	vmov s7;
	s10 =	sadd.s32 $0x10, s8  }
.LBB2_15:
0xf: {  	[hbm4b:s8+s18] =	stream.strided.scatter [tilespmem:s20], [sflag:$0x2], $0x1000, s19, s18, $0x38;
	[tilespmem:$0x7400] =	vst v63  }
0x10: {  	_ =	swait.ge [sflag:s16], $0x1000  }
0x11: {  	[sflag:s16] =	ssyncset.done $0x0  }
0x12: {  	[sflag:s16] =	ssyncadd.s32 $0xFFFFF000  }
0x13: {  	[hbm4b:s10+s18] =	stream.strided.scatter [tilespmem:s21], [sflag:$0x2], $0x1000, s19, s18, $0x38;
	[tilespmem:$0x7400] =	vst v63  }
0x14: {  	s23 =	sadd.s32 $0x1, s23;
	_ =	swait.ge [sflag:s16], $0x1000  }
0x15: {  	p0 =	sne.s32 s23, s12;
	[sflag:s16] =	ssyncset.done $0x0  }
.Ltmp1:
0x16: {  	[sflag:s16] =	ssyncadd.s32 $0xFFFFF000;
	(pc) =	sbr.rel @!p0 .LBB2_16-.Ltmp1, $4  }
0x17: {  	[hbm4b:s11+s2] =	stream.linear.scatter [tilespmem:s22], [sflag:$0x2], $0x1000, $0x38;
	[tilespmem:$0x7400] =	vst v63  }
0x18: {  	_ =	swait.ge [sflag:s16], $0x1000  }
0x19: {  	[sflag:s16] =	ssyncset.done $0x0  }
0x1a: {  	[sflag:s16] =	ssyncadd.s32 $0xFFFFF000  }
.LBB2_1:
0x1b: {  	[tilespmem:s2], [sflag:$0x1] =	stream.linear.gather [hbm4b:s4+s2], $0x1000, $0x38;
	[tilespmem:$0x7400] =	vst v63  }
0x1c: {  	s0 =	simm.s32 $0x1080  }
0x1d: {  	[tilespmem:s0], [sflag:$0x1] =	stream.linear.gather [hbm4b:s5+s2], $0x1000, $0x38;
	[tilespmem:$0x7400] =	vst v63  }
0x1e: {  	_ = 	snop  }
0x1f: {  	[tilespmem:s14], [sflag:$0x1] =	stream.linear.gather [hbm4b:s6+s2], $0x1000, $0x38;
	[tilespmem:$0x7400] =	vst v63  }
0x20: {  	s31 =	rddreg [dreg:$0x1]  }
0x21: {  	[tilespmem:s15], [sflag:$0x2] =	stream.linear.gather [hbm4b:s31+s2], $0x1000, $0x38;
	[tilespmem:$0x7400] =	vst v63  }
0x22: {  	_ =	swait.ge [sflag:s16], $0x1000  }
0x23: {  	[sflag:s16] =	ssyncset.done $0x0  }
0x24: {  	[sflag:s16] =	ssyncadd.s32 $0xFFFFF000  }
0x25: {  	v5 =	vld [tilespmem:s9+$0x3180]  }
0x26: {  	v7 =	vld.idx.msk [tilespmem:v0+s15+$0x0], $0xffff;
	_ =	sdelay $0x4  }
0x27: {  	v6 =	vadd.s32 $0x1, v5;
	vm0 =	vlt.s32 v7, v5  }
0x28: {  	vm1 =	vlt.s32 v7, v6;
	v7 =	vsel vm0, $0xC00, v2  }
0x29: {  	v8 =	vsel vm1, $0xC00, v2;
	_ =	sdelay $0x3  }
0x2a: {  	v9 =	vld.idx.msk [tilespmem:v7+s15+$0x0], $0xffff  }
0x2b: {  	v10 =	vld.idx.msk [tilespmem:v8+s15+$0x0], $0xffff;
	_ =	sdelay $0x2  }
0x2c: {  	v11 =	vsel vm0, $0x801, v1;
	v12 =	vsel vm0, $0x1000, v0;
	v13 =	vsel vm1, $0x801, v1  }
0x2d: {  	v14 =	vsel vm1, $0x1000, v0;
	v42 =	vor.u32 $0x1, v7;
	vm6 =	vlt.s32 v9, v5  }
0x2e: {  	v43 =	vor.u32 $0x1, v8;
	vm7 =	vlt.s32 v10, v6;
	v7 =	vsel vm6, v12, v7  }
0x2f: {  	v9 =	vsel vm6, v42, v11;
	v8 =	vsel vm7, v14, v8;
	v44 =	vadd.s32 $0xFFFFFFFF, v7  }
0x30: {  	v10 =	vsel vm7, v43, v13;
	v45 =	vxor.u32 v44, v9;
	v46 =	vadd.s32 $0xFFFFFFFF, v8  }
0x31: {  	v11 =	vor.u32 v44, v9;
	v12 =	vshrl.u32 v45, $0x1;
	v47 =	vxor.u32 v46, v10  }
0x32: {  	v48 =	vor.u32 v46, v10;
	v11 =	vsub.s32 v11, v12;
	v49 =	vshrl.u32 v47, $0x1  }
0x33: {  	v12 =	vsub.s32 v48, v49;
	_ =	sdelay $0x3  }
0x34: {  	v50 =	vld.idx.msk [tilespmem:v11+s15+$0x0], $0xffff  }
0x35: {  	v51 =	vld.idx.msk [tilespmem:v12+s15+$0x0], $0xffff;
	_ =	sdelay $0x3  }
0x36: {  	v52 =	vor.u32 $0x1, v11;
	v53 =	vor.u32 $0x1, v12;
	vm8 =	vlt.s32 v50, v5  }
0x37: {  	vm9 =	vlt.s32 v51, v6;
	v9 =	vsel vm8, v52, v9;
	v7 =	vsel vm8, v7, v11  }
0x38: {  	v10 =	vsel vm9, v53, v10;
	v8 =	vsel vm9, v8, v12;
	v54 =	vxor.u32 v7, v9  }
0x39: {  	v55 =	vand.u32 v7, v9;
	v11 =	vshrl.u32 v54, $0x1;
	v56 =	vxor.u32 v8, v10  }
0x3a: {  	v57 =	vand.u32 v8, v10;
	v11 =	vadd.s32 v11, v55;
	v13 =	vshrl.u32 v56, $0x1  }
0x3b: {  	v12 =	vadd.s32 v13, v57;
	_ =	sdelay $0x3  }
0x3c: {  	v58 =	vld.idx.msk [tilespmem:v11+s15+$0x0], $0xffff  }
0x3d: {  	v59 =	vld.idx.msk [tilespmem:v12+s15+$0x0], $0xffff;
	_ =	sdelay $0x3  }
0x3e: {  	v60 =	vadd.s32 $0x1, v11;
	v61 =	vadd.s32 $0x1, v12;
	vm10 =	vlt.s32 v58, v5  }
0x3f: {  	vm11 =	vlt.s32 v59, v6;
	v9 =	vsel vm10, v60, v9;
	v7 =	vsel vm10, v7, v11  }
0x40: {  	v10 =	vsel vm11, v61, v10;
	v8 =	vsel vm11, v8, v12;
	v62 =	vadd.s32 v7, v9  }
0x41: {  	v11 =	vshrl.u32 v62, $0x1;
	v12 =	vadd.s32 v8, v10  }
0x42: {  	v12 =	vshrl.u32 v12, $0x1;
	_ =	sdelay $0x3  }
0x43: {  	v63 =	vld.idx.msk [tilespmem:v11+s15+$0x0], $0xffff  }
0x44: {  	v16 =	vld.idx.msk [tilespmem:v12+s15+$0x0], $0xffff;
	_ =	sdelay $0x3  }
0x45: {  	v17 =	vadd.s32 $0x1, v11;
	v18 =	vadd.s32 $0x1, v12;
	vm12 =	vlt.s32 v63, v5  }
0x46: {  	vm13 =	vlt.s32 v16, v6;
	v9 =	vsel vm12, v17, v9;
	v7 =	vsel vm12, v7, v11  }
0x47: {  	v10 =	vsel vm13, v18, v10;
	v8 =	vsel vm13, v8, v12;
	v19 =	vadd.s32 v7, v9  }
0x48: {  	v11 =	vshrl.u32 v19, $0x1;
	v12 =	vadd.s32 v8, v10  }
0x49: {  	v12 =	vshrl.u32 v12, $0x1;
	_ =	sdelay $0x3  }
0x4a: {  	v20 =	vld.idx.msk [tilespmem:v11+s15+$0x0], $0xffff  }
0x4b: {  	v21 =	vld.idx.msk [tilespmem:v12+s15+$0x0], $0xffff;
	_ =	sdelay $0x3  }
0x4c: {  	v22 =	vadd.s32 $0x1, v11;
	v23 =	vadd.s32 $0x1, v12;
	vm14 =	vlt.s32 v20, v5  }
0x4d: {  	vm15 =	vlt.s32 v21, v6;
	v9 =	vsel vm14, v22, v9;
	v7 =	vsel vm14, v7, v11  }
0x4e: {  	v10 =	vsel vm15, v23, v10;
	v8 =	vsel vm15, v8, v12;
	v24 =	vadd.s32 v7, v9  }
0x4f: {  	v11 =	vshrl.u32 v24, $0x1;
	v12 =	vadd.s32 v8, v10  }
0x50: {  	v12 =	vshrl.u32 v12, $0x1;
	_ =	sdelay $0x3  }
0x51: {  	v25 =	vld.idx.msk [tilespmem:v11+s15+$0x0], $0xffff  }
0x52: {  	v26 =	vld.idx.msk [tilespmem:v12+s15+$0x0], $0xffff;
	_ =	sdelay $0x3  }
0x53: {  	v27 =	vadd.s32 $0x1, v11;
	v28 =	vadd.s32 $0x1, v12;
	vm4 =	vlt.s32 v25, v5  }
0x54: {  	vm5 =	vlt.s32 v26, v6;
	v9 =	vsel vm4, v27, v9;
	v7 =	vsel vm4, v7, v11  }
0x55: {  	v10 =	vsel vm5, v28, v10;
	v8 =	vsel vm5, v8, v12;
	v29 =	vadd.s32 v7, v9  }
0x56: {  	v11 =	vshrl.u32 v29, $0x1;
	v12 =	vadd.s32 v8, v10  }
0x57: {  	v12 =	vshrl.u32 v12, $0x1;
	_ =	sdelay $0x3  }
0x58: {  	v30 =	vld.idx.msk [tilespmem:v11+s15+$0x0], $0xffff  }
0x59: {  	v31 =	vld.idx.msk [tilespmem:v12+s15+$0x0], $0xffff;
	_ =	sdelay $0x3  }
0x5a: {  	v32 =	vadd.s32 $0x1, v11;
	v33 =	vadd.s32 $0x1, v12;
	vm6 =	vlt.s32 v30, v5  }
0x5b: {  	vm7 =	vlt.s32 v31, v6;
	v9 =	vsel vm6, v32, v9;
	v7 =	vsel vm6, v7, v11  }
0x5c: {  	v10 =	vsel vm7, v33, v10;
	v8 =	vsel vm7, v8, v12;
	v34 =	vadd.s32 v7, v9  }
0x5d: {  	v11 =	vshrl.u32 v34, $0x1;
	v12 =	vadd.s32 v8, v10  }
0x5e: {  	v12 =	vshrl.u32 v12, $0x1;
	_ =	sdelay $0x3  }
0x5f: {  	v35 =	vld.idx.msk [tilespmem:v11+s15+$0x0], $0xffff  }
0x60: {  	v36 =	vld.idx.msk [tilespmem:v12+s15+$0x0], $0xffff;
	_ =	sdelay $0x3  }
0x61: {  	v37 =	vadd.s32 $0x1, v11;
	v38 =	vadd.s32 $0x1, v12;
	vm8 =	vlt.s32 v35, v5  }
0x62: {  	vm9 =	vlt.s32 v36, v6;
	v9 =	vsel vm8, v37, v9;
	v7 =	vsel vm8, v7, v11  }
0x63: {  	v10 =	vsel vm9, v38, v10;
	v8 =	vsel vm9, v8, v12;
	v39 =	vadd.s32 v7, v9  }
0x64: {  	v11 =	vshrl.u32 v39, $0x1;
	v12 =	vadd.s32 v8, v10  }
0x65: {  	v12 =	vshrl.u32 v12, $0x1;
	_ =	sdelay $0x3  }
0x66: {  	v40 =	vld.idx.msk [tilespmem:v11+s15+$0x0], $0xffff  }
0x67: {  	v41 =	vld.idx.msk [tilespmem:v12+s15+$0x0], $0xffff;
	_ =	sdelay $0x3  }
0x68: {  	v42 =	vadd.s32 $0x1, v11;
	v43 =	vadd.s32 $0x1, v12;
	vm10 =	vlt.s32 v40, v5  }
0x69: {  	vm11 =	vlt.s32 v41, v6;
	v9 =	vsel vm10, v42, v9;
	v7 =	vsel vm10, v7, v11  }
0x6a: {  	v10 =	vsel vm11, v43, v10;
	v8 =	vsel vm11, v8, v12;
	v44 =	vadd.s32 v7, v9  }
0x6b: {  	v11 =	vshrl.u32 v44, $0x1;
	v12 =	vadd.s32 v8, v10  }
0x6c: {  	v12 =	vshrl.u32 v12, $0x1;
	_ =	sdelay $0x3  }
0x6d: {  	v45 =	vld.idx.msk [tilespmem:v11+s15+$0x0], $0xffff  }
0x6e: {  	v46 =	vld.idx.msk [tilespmem:v12+s15+$0x0], $0xffff;
	_ =	sdelay $0x3  }
0x6f: {  	v47 =	vadd.s32 $0x1, v11;
	v48 =	vadd.s32 $0x1, v12;
	vm12 =	vlt.s32 v45, v5  }
0x70: {  	vm13 =	vlt.s32 v46, v6;
	v9 =	vsel vm12, v47, v9;
	v7 =	vsel vm12, v7, v11  }
0x71: {  	v10 =	vsel vm13, v48, v10;
	v8 =	vsel vm13, v8, v12;
	v7 =	vadd.s32 v7, v9  }
0x72: {  	v7 =	vshrl.u32 v7, $0x1;
	v8 =	vadd.s32 v8, v10  }
0x73: {  	v8 =	vshrl.u32 v8, $0x1;
	_ =	sdelay $0x3  }
0x74: {  	v49 =	vld.idx.msk [tilespmem:v7+s15+$0x0], $0xffff  }
0x75: {  	v50 =	vld.idx.msk [tilespmem:v8+s15+$0x0], $0xffff;
	_ =	sdelay $0x3  }
0x76: {  	vm14 =	vlt.s32 v49, v5;
	v5 =	vadd.s32 $0x1, v7  }
0x77: {  	vm15 =	vlt.s32 v50, v6;
	v5 =	vsel vm14, v5, v9;
	v6 =	vadd.s32 $0x1, v8  }
0x78: {  	v6 =	vsel vm15, v6, v10;
	[tilespmem:$0x4200] =	vst v5  }
0x79: {  	[tilespmem:$0x4300] =	vst v6  }
0x7a: {  	v5 =	vld [tilespmem:s9+$0x3190]  }
0x7b: {  	v7 =	vld.idx.msk [tilespmem:v0+s15+$0x0], $0xffff;
	_ =	sdelay $0x4  }
0x7c: {  	v6 =	vadd.s32 $0x1, v5;
	vm4 =	vlt.s32 v7, v5  }
0x7d: {  	vm5 =	vlt.s32 v7, v6;
	v7 =	vsel vm4, $0xC00, v2  }
0x7e: {  	v51 =	vsel vm5, $0xC00, v2;
	_ =	sdelay $0x3  }
0x7f: {  	v52 =	vld.idx.msk [tilespmem:v7+s15+$0x0], $0xffff  }
0x80: {  	v53 =	vld.idx.msk [tilespmem:v51+s15+$0x0], $0xffff;
	_ =	sdelay $0x2  }
0x81: {  	v54 =	vsel vm4, $0x801, v1;
	v55 =	vsel vm4, $0x1000, v0;
	v56 =	vsel vm5, $0x801, v1  }
0x82: {  	v57 =	vsel vm5, $0x1000, v0;
	v58 =	vor.u32 $0x1, v7;
	vm6 =	vlt.s32 v52, v5  }
0x83: {  	v59 =	vor.u32 $0x1, v51;
	vm7 =	vlt.s32 v53, v6;
	v7 =	vsel vm6, v55, v7  }
0x84: {  	v9 =	vsel vm6, v58, v54;
	v8 =	vsel vm7, v57, v51;
	v60 =	vadd.s32 $0xFFFFFFFF, v7  }
0x85: {  	v10 =	vsel vm7, v59, v56;
	v61 =	vxor.u32 v60, v9;
	v62 =	vadd.s32 $0xFFFFFFFF, v8  }
0x86: {  	v11 =	vor.u32 v60, v9;
	v12 =	vshrl.u32 v61, $0x1;
	v63 =	vxor.u32 v62, v10  }
0x87: {  	v16 =	vor.u32 v62, v10;
	v11 =	vsub.s32 v11, v12;
	v17 =	vshrl.u32 v63, $0x1  }
0x88: {  	v12 =	vsub.s32 v16, v17;
	_ =	sdelay $0x3  }
0x89: {  	v18 =	vld.idx.msk [tilespmem:v11+s15+$0x0], $0xffff  }
0x8a: {  	v19 =	vld.idx.msk [tilespmem:v12+s15+$0x0], $0xffff;
	_ =	sdelay $0x3  }
0x8b: {  	v20 =	vor.u32 $0x1, v11;
	v21 =	vor.u32 $0x1, v12;
	vm8 =	vlt.s32 v18, v5  }
0x8c: {  	vm9 =	vlt.s32 v19, v6;
	v9 =	vsel vm8, v20, v9;
	v7 =	vsel vm8, v7, v11  }
0x8d: {  	v10 =	vsel vm9, v21, v10;
	v8 =	vsel vm9, v8, v12;
	v22 =	vxor.u32 v7, v9  }
0x8e: {  	v23 =	vand.u32 v7, v9;
	v11 =	vshrl.u32 v22, $0x1;
	v24 =	vxor.u32 v8, v10  }
0x8f: {  	v25 =	vand.u32 v8, v10;
	v11 =	vadd.s32 v11, v23;
	v13 =	vshrl.u32 v24, $0x1  }
0x90: {  	v12 =	vadd.s32 v13, v25;
	_ =	sdelay $0x3  }
0x91: {  	v26 =	vld.idx.msk [tilespmem:v11+s15+$0x0], $0xffff  }
0x92: {  	v27 =	vld.idx.msk [tilespmem:v12+s15+$0x0], $0xffff;
	_ =	sdelay $0x3  }
0x93: {  	v28 =	vadd.s32 $0x1, v11;
	v29 =	vadd.s32 $0x1, v12;
	vm10 =	vlt.s32 v26, v5  }
0x94: {  	vm11 =	vlt.s32 v27, v6;
	v9 =	vsel vm10, v28, v9;
	v7 =	vsel vm10, v7, v11  }
0x95: {  	v10 =	vsel vm11, v29, v10;
	v8 =	vsel vm11, v8, v12;
	v30 =	vadd.s32 v7, v9  }
0x96: {  	v11 =	vshrl.u32 v30, $0x1;
	v12 =	vadd.s32 v8, v10  }
0x97: {  	v12 =	vshrl.u32 v12, $0x1;
	_ =	sdelay $0x3  }
0x98: {  	v31 =	vld.idx.msk [tilespmem:v11+s15+$0x0], $0xffff  }
0x99: {  	v32 =	vld.idx.msk [tilespmem:v12+s15+$0x0], $0xffff;
	_ =	sdelay $0x3  }
0x9a: {  	v33 =	vadd.s32 $0x1, v11;
	v34 =	vadd.s32 $0x1, v12;
	vm12 =	vlt.s32 v31, v5  }
0x9b: {  	vm13 =	vlt.s32 v32, v6;
	v9 =	vsel vm12, v33, v9;
	v7 =	vsel vm12, v7, v11  }
0x9c: {  	v10 =	vsel vm13, v34, v10;
	v8 =	vsel vm13, v8, v12;
	v35 =	vadd.s32 v7, v9  }
0x9d: {  	v11 =	vshrl.u32 v35, $0x1;
	v12 =	vadd.s32 v8, v10  }
0x9e: {  	v12 =	vshrl.u32 v12, $0x1;
	_ =	sdelay $0x3  }
0x9f: {  	v36 =	vld.idx.msk [tilespmem:v11+s15+$0x0], $0xffff  }
0xa0: {  	v37 =	vld.idx.msk [tilespmem:v12+s15+$0x0], $0xffff;
	_ =	sdelay $0x3  }
0xa1: {  	v38 =	vadd.s32 $0x1, v11;
	v39 =	vadd.s32 $0x1, v12;
	vm14 =	vlt.s32 v36, v5  }
0xa2: {  	vm15 =	vlt.s32 v37, v6;
	v9 =	vsel vm14, v38, v9;
	v7 =	vsel vm14, v7, v11  }
0xa3: {  	v10 =	vsel vm15, v39, v10;
	v8 =	vsel vm15, v8, v12;
	v40 =	vadd.s32 v7, v9  }
0xa4: {  	v11 =	vshrl.u32 v40, $0x1;
	v12 =	vadd.s32 v8, v10  }
0xa5: {  	v12 =	vshrl.u32 v12, $0x1;
	_ =	sdelay $0x3  }
0xa6: {  	v41 =	vld.idx.msk [tilespmem:v11+s15+$0x0], $0xffff  }
0xa7: {  	v42 =	vld.idx.msk [tilespmem:v12+s15+$0x0], $0xffff;
	_ =	sdelay $0x3  }
0xa8: {  	v43 =	vadd.s32 $0x1, v11;
	v44 =	vadd.s32 $0x1, v12;
	vm4 =	vlt.s32 v41, v5  }
0xa9: {  	vm5 =	vlt.s32 v42, v6;
	v9 =	vsel vm4, v43, v9;
	v7 =	vsel vm4, v7, v11  }
0xaa: {  	v10 =	vsel vm5, v44, v10;
	v8 =	vsel vm5, v8, v12;
	v45 =	vadd.s32 v7, v9  }
0xab: {  	v11 =	vshrl.u32 v45, $0x1;
	v12 =	vadd.s32 v8, v10  }
0xac: {  	v12 =	vshrl.u32 v12, $0x1;
	_ =	sdelay $0x3  }
0xad: {  	v46 =	vld.idx.msk [tilespmem:v11+s15+$0x0], $0xffff  }
0xae: {  	v47 =	vld.idx.msk [tilespmem:v12+s15+$0x0], $0xffff;
	_ =	sdelay $0x3  }
0xaf: {  	v48 =	vadd.s32 $0x1, v11;
	v49 =	vadd.s32 $0x1, v12;
	vm6 =	vlt.s32 v46, v5  }
0xb0: {  	vm7 =	vlt.s32 v47, v6;
	v9 =	vsel vm6, v48, v9;
	v7 =	vsel vm6, v7, v11  }
0xb1: {  	v10 =	vsel vm7, v49, v10;
	v8 =	vsel vm7, v8, v12;
	v50 =	vadd.s32 v7, v9  }
0xb2: {  	v11 =	vshrl.u32 v50, $0x1;
	v12 =	vadd.s32 v8, v10  }
0xb3: {  	v12 =	vshrl.u32 v12, $0x1;
	_ =	sdelay $0x3  }
0xb4: {  	v51 =	vld.idx.msk [tilespmem:v11+s15+$0x0], $0xffff  }
0xb5: {  	v52 =	vld.idx.msk [tilespmem:v12+s15+$0x0], $0xffff;
	_ =	sdelay $0x3  }
0xb6: {  	v53 =	vadd.s32 $0x1, v11;
	v54 =	vadd.s32 $0x1, v12;
	vm8 =	vlt.s32 v51, v5  }
0xb7: {  	vm9 =	vlt.s32 v52, v6;
	v9 =	vsel vm8, v53, v9;
	v7 =	vsel vm8, v7, v11  }
0xb8: {  	v10 =	vsel vm9, v54, v10;
	v8 =	vsel vm9, v8, v12;
	v55 =	vadd.s32 v7, v9  }
0xb9: {  	v11 =	vshrl.u32 v55, $0x1;
	v12 =	vadd.s32 v8, v10  }
0xba: {  	v12 =	vshrl.u32 v12, $0x1;
	_ =	sdelay $0x3  }
0xbb: {  	v56 =	vld.idx.msk [tilespmem:v11+s15+$0x0], $0xffff  }
0xbc: {  	v57 =	vld.idx.msk [tilespmem:v12+s15+$0x0], $0xffff;
	_ =	sdelay $0x3  }
0xbd: {  	v58 =	vadd.s32 $0x1, v11;
	v59 =	vadd.s32 $0x1, v12;
	vm10 =	vlt.s32 v56, v5  }
0xbe: {  	vm11 =	vlt.s32 v57, v6;
	v9 =	vsel vm10, v58, v9;
	v7 =	vsel vm10, v7, v11  }
0xbf: {  	v10 =	vsel vm11, v59, v10;
	v8 =	vsel vm11, v8, v12;
	v60 =	vadd.s32 v7, v9  }
0xc0: {  	v11 =	vshrl.u32 v60, $0x1;
	v12 =	vadd.s32 v8, v10  }
0xc1: {  	v12 =	vshrl.u32 v12, $0x1;
	_ =	sdelay $0x3  }
0xc2: {  	v61 =	vld.idx.msk [tilespmem:v11+s15+$0x0], $0xffff  }
0xc3: {  	v62 =	vld.idx.msk [tilespmem:v12+s15+$0x0], $0xffff;
	_ =	sdelay $0x3  }
0xc4: {  	v63 =	vadd.s32 $0x1, v11;
	v16 =	vadd.s32 $0x1, v12;
	vm12 =	vlt.s32 v61, v5  }
0xc5: {  	vm13 =	vlt.s32 v62, v6;
	v9 =	vsel vm12, v63, v9;
	v7 =	vsel vm12, v7, v11  }
0xc6: {  	v10 =	vsel vm13, v16, v10;
	v8 =	vsel vm13, v8, v12;
	v7 =	vadd.s32 v7, v9  }
0xc7: {  	v7 =	vshrl.u32 v7, $0x1;
	v8 =	vadd.s32 v8, v10  }
0xc8: {  	v8 =	vshrl.u32 v8, $0x1;
	_ =	sdelay $0x3  }
0xc9: {  	v17 =	vld.idx.msk [tilespmem:v7+s15+$0x0], $0xffff  }
0xca: {  	v18 =	vld.idx.msk [tilespmem:v8+s15+$0x0], $0xffff;
	_ =	sdelay $0x3  }
0xcb: {  	vm14 =	vlt.s32 v17, v5;
	v5 =	vadd.s32 $0x1, v7  }
0xcc: {  	vm15 =	vlt.s32 v18, v6;
	v5 =	vsel vm14, v5, v9;
	v6 =	vadd.s32 $0x1, v8  }
0xcd: {  	v6 =	vsel vm15, v6, v10;
	[tilespmem:$0x4210] =	vst v5  }
0xce: {  	[tilespmem:$0x4310] =	vst v6  }
0xcf: {  	v5 =	vld [tilespmem:s9+$0x31A0]  }
0xd0: {  	v7 =	vld.idx.msk [tilespmem:v0+s15+$0x0], $0xffff;
	_ =	sdelay $0x4  }
0xd1: {  	v6 =	vadd.s32 $0x1, v5;
	vm4 =	vlt.s32 v7, v5  }
0xd2: {  	vm5 =	vlt.s32 v7, v6;
	v7 =	vsel vm4, $0xC00, v2  }
0xd3: {  	v19 =	vsel vm5, $0xC00, v2;
	_ =	sdelay $0x3  }
0xd4: {  	v20 =	vld.idx.msk [tilespmem:v7+s15+$0x0], $0xffff  }
0xd5: {  	v21 =	vld.idx.msk [tilespmem:v19+s15+$0x0], $0xffff;
	_ =	sdelay $0x2  }
0xd6: {  	v22 =	vsel vm4, $0x801, v1;
	v23 =	vsel vm4, $0x1000, v0;
	v24 =	vsel vm5, $0x801, v1  }
0xd7: {  	v25 =	vsel vm5, $0x1000, v0;
	v26 =	vor.u32 $0x1, v7;
	vm6 =	vlt.s32 v20, v5  }
0xd8: {  	v27 =	vor.u32 $0x1, v19;
	vm7 =	vlt.s32 v21, v6;
	v7 =	vsel vm6, v23, v7  }
0xd9: {  	v9 =	vsel vm6, v26, v22;
	v8 =	vsel vm7, v25, v19;
	v28 =	vadd.s32 $0xFFFFFFFF, v7  }
0xda: {  	v10 =	vsel vm7, v27, v24;
	v29 =	vxor.u32 v28, v9;
	v30 =	vadd.s32 $0xFFFFFFFF, v8  }
0xdb: {  	v11 =	vor.u32 v28, v9;
	v12 =	vshrl.u32 v29, $0x1;
	v31 =	vxor.u32 v30, v10  }
0xdc: {  	v32 =	vor.u32 v30, v10;
	v11 =	vsub.s32 v11, v12;
	v33 =	vshrl.u32 v31, $0x1  }
0xdd: {  	v12 =	vsub.s32 v32, v33;
	_ =	sdelay $0x3  }
0xde: {  	v34 =	vld.idx.msk [tilespmem:v11+s15+$0x0], $0xffff  }
0xdf: {  	v35 =	vld.idx.msk [tilespmem:v12+s15+$0x0], $0xffff;
	_ =	sdelay $0x3  }
0xe0: {  	v36 =	vor.u32 $0x1, v11;
	v37 =	vor.u32 $0x1, v12;
	vm8 =	vlt.s32 v34, v5  }
0xe1: {  	vm9 =	vlt.s32 v35, v6;
	v9 =	vsel vm8, v36, v9;
	v7 =	vsel vm8, v7, v11  }
0xe2: {  	v10 =	vsel vm9, v37, v10;
	v8 =	vsel vm9, v8, v12;
	v38 =	vxor.u32 v7, v9  }
0xe3: {  	v39 =	vand.u32 v7, v9;
	v11 =	vshrl.u32 v38, $0x1;
	v40 =	vxor.u32 v8, v10  }
0xe4: {  	v41 =	vand.u32 v8, v10;
	v11 =	vadd.s32 v11, v39;
	v13 =	vshrl.u32 v40, $0x1  }
0xe5: {  	v12 =	vadd.s32 v13, v41;
	_ =	sdelay $0x3  }
0xe6: {  	v42 =	vld.idx.msk [tilespmem:v11+s15+$0x0], $0xffff  }
0xe7: {  	v43 =	vld.idx.msk [tilespmem:v12+s15+$0x0], $0xffff;
	_ =	sdelay $0x3  }
0xe8: {  	v44 =	vadd.s32 $0x1, v11;
	v45 =	vadd.s32 $0x1, v12;
	vm10 =	vlt.s32 v42, v5  }
0xe9: {  	vm11 =	vlt.s32 v43, v6;
	v9 =	vsel vm10, v44, v9;
	v7 =	vsel vm10, v7, v11  }
0xea: {  	v10 =	vsel vm11, v45, v10;
	v8 =	vsel vm11, v8, v12;
	v46 =	vadd.s32 v7, v9  }
0xeb: {  	v11 =	vshrl.u32 v46, $0x1;
	v12 =	vadd.s32 v8, v10  }
0xec: {  	v12 =	vshrl.u32 v12, $0x1;
	_ =	sdelay $0x3  }
0xed: {  	v47 =	vld.idx.msk [tilespmem:v11+s15+$0x0], $0xffff  }
0xee: {  	v48 =	vld.idx.msk [tilespmem:v12+s15+$0x0], $0xffff;
	_ =	sdelay $0x3  }
0xef: {  	v49 =	vadd.s32 $0x1, v11;
	v50 =	vadd.s32 $0x1, v12;
	vm12 =	vlt.s32 v47, v5  }
0xf0: {  	vm13 =	vlt.s32 v48, v6;
	v9 =	vsel vm12, v49, v9;
	v7 =	vsel vm12, v7, v11  }
0xf1: {  	v10 =	vsel vm13, v50, v10;
	v8 =	vsel vm13, v8, v12;
	v51 =	vadd.s32 v7, v9  }
0xf2: {  	v11 =	vshrl.u32 v51, $0x1;
	v12 =	vadd.s32 v8, v10  }
0xf3: {  	v12 =	vshrl.u32 v12, $0x1;
	_ =	sdelay $0x3  }
0xf4: {  	v52 =	vld.idx.msk [tilespmem:v11+s15+$0x0], $0xffff  }
0xf5: {  	v53 =	vld.idx.msk [tilespmem:v12+s15+$0x0], $0xffff;
	_ =	sdelay $0x3  }
0xf6: {  	v54 =	vadd.s32 $0x1, v11;
	v55 =	vadd.s32 $0x1, v12;
	vm14 =	vlt.s32 v52, v5  }
0xf7: {  	vm15 =	vlt.s32 v53, v6;
	v9 =	vsel vm14, v54, v9;
	v7 =	vsel vm14, v7, v11  }
0xf8: {  	v10 =	vsel vm15, v55, v10;
	v8 =	vsel vm15, v8, v12;
	v56 =	vadd.s32 v7, v9  }
0xf9: {  	v11 =	vshrl.u32 v56, $0x1;
	v12 =	vadd.s32 v8, v10  }
0xfa: {  	v12 =	vshrl.u32 v12, $0x1;
	_ =	sdelay $0x3  }
0xfb: {  	v57 =	vld.idx.msk [tilespmem:v11+s15+$0x0], $0xffff  }
0xfc: {  	v58 =	vld.idx.msk [tilespmem:v12+s15+$0x0], $0xffff;
	_ =	sdelay $0x3  }
0xfd: {  	v59 =	vadd.s32 $0x1, v11;
	v60 =	vadd.s32 $0x1, v12;
	vm4 =	vlt.s32 v57, v5  }
0xfe: {  	vm5 =	vlt.s32 v58, v6;
	v9 =	vsel vm4, v59, v9;
	v7 =	vsel vm4, v7, v11  }
0xff: {  	v10 =	vsel vm5, v60, v10;
	v8 =	vsel vm5, v8, v12;
	v61 =	vadd.s32 v7, v9  }
0x100: {  	v11 =	vshrl.u32 v61, $0x1;
	v12 =	vadd.s32 v8, v10  }
0x101: {  	v12 =	vshrl.u32 v12, $0x1;
	_ =	sdelay $0x3  }
0x102: {  	v62 =	vld.idx.msk [tilespmem:v11+s15+$0x0], $0xffff  }
0x103: {  	v63 =	vld.idx.msk [tilespmem:v12+s15+$0x0], $0xffff;
	_ =	sdelay $0x3  }
0x104: {  	v16 =	vadd.s32 $0x1, v11;
	v17 =	vadd.s32 $0x1, v12;
	vm6 =	vlt.s32 v62, v5  }
0x105: {  	vm7 =	vlt.s32 v63, v6;
	v9 =	vsel vm6, v16, v9;
	v7 =	vsel vm6, v7, v11  }
0x106: {  	v10 =	vsel vm7, v17, v10;
	v8 =	vsel vm7, v8, v12;
	v18 =	vadd.s32 v7, v9  }
0x107: {  	v11 =	vshrl.u32 v18, $0x1;
	v12 =	vadd.s32 v8, v10  }
0x108: {  	v12 =	vshrl.u32 v12, $0x1;
	_ =	sdelay $0x3  }
0x109: {  	v19 =	vld.idx.msk [tilespmem:v11+s15+$0x0], $0xffff  }
0x10a: {  	v20 =	vld.idx.msk [tilespmem:v12+s15+$0x0], $0xffff;
	_ =	sdelay $0x3  }
0x10b: {  	v21 =	vadd.s32 $0x1, v11;
	v22 =	vadd.s32 $0x1, v12;
	vm8 =	vlt.s32 v19, v5  }
0x10c: {  	vm9 =	vlt.s32 v20, v6;
	v9 =	vsel vm8, v21, v9;
	v7 =	vsel vm8, v7, v11  }
0x10d: {  	v10 =	vsel vm9, v22, v10;
	v8 =	vsel vm9, v8, v12;
	v23 =	vadd.s32 v7, v9  }
0x10e: {  	v11 =	vshrl.u32 v23, $0x1;
	v12 =	vadd.s32 v8, v10  }
0x10f: {  	v12 =	vshrl.u32 v12, $0x1;
	_ =	sdelay $0x3  }
0x110: {  	v24 =	vld.idx.msk [tilespmem:v11+s15+$0x0], $0xffff  }
0x111: {  	v25 =	vld.idx.msk [tilespmem:v12+s15+$0x0], $0xffff;
	_ =	sdelay $0x3  }
0x112: {  	v26 =	vadd.s32 $0x1, v11;
	v27 =	vadd.s32 $0x1, v12;
	vm10 =	vlt.s32 v24, v5  }
0x113: {  	vm11 =	vlt.s32 v25, v6;
	v9 =	vsel vm10, v26, v9;
	v7 =	vsel vm10, v7, v11  }
0x114: {  	v10 =	vsel vm11, v27, v10;
	v8 =	vsel vm11, v8, v12;
	v28 =	vadd.s32 v7, v9  }
0x115: {  	v11 =	vshrl.u32 v28, $0x1;
	v12 =	vadd.s32 v8, v10  }
0x116: {  	v12 =	vshrl.u32 v12, $0x1;
	_ =	sdelay $0x3  }
0x117: {  	v29 =	vld.idx.msk [tilespmem:v11+s15+$0x0], $0xffff  }
0x118: {  	v30 =	vld.idx.msk [tilespmem:v12+s15+$0x0], $0xffff;
	_ =	sdelay $0x3  }
0x119: {  	v31 =	vadd.s32 $0x1, v11;
	v32 =	vadd.s32 $0x1, v12;
	vm12 =	vlt.s32 v29, v5  }
0x11a: {  	vm13 =	vlt.s32 v30, v6;
	v9 =	vsel vm12, v31, v9;
	v7 =	vsel vm12, v7, v11  }
0x11b: {  	v10 =	vsel vm13, v32, v10;
	v8 =	vsel vm13, v8, v12;
	v7 =	vadd.s32 v7, v9  }
0x11c: {  	v7 =	vshrl.u32 v7, $0x1;
	v8 =	vadd.s32 v8, v10  }
0x11d: {  	v8 =	vshrl.u32 v8, $0x1;
	_ =	sdelay $0x3  }
0x11e: {  	v33 =	vld.idx.msk [tilespmem:v7+s15+$0x0], $0xffff  }
0x11f: {  	v34 =	vld.idx.msk [tilespmem:v8+s15+$0x0], $0xffff;
	_ =	sdelay $0x3  }
0x120: {  	vm14 =	vlt.s32 v33, v5;
	v5 =	vadd.s32 $0x1, v7  }
0x121: {  	vm15 =	vlt.s32 v34, v6;
	v5 =	vsel vm14, v5, v9;
	v6 =	vadd.s32 $0x1, v8  }
0x122: {  	v6 =	vsel vm15, v6, v10;
	[tilespmem:$0x4220] =	vst v5  }
0x123: {  	[tilespmem:$0x4320] =	vst v6  }
0x124: {  	v5 =	vld [tilespmem:s9+$0x31B0]  }
0x125: {  	v7 =	vld.idx.msk [tilespmem:v0+s15+$0x0], $0xffff;
	_ =	sdelay $0x4  }
0x126: {  	v6 =	vadd.s32 $0x1, v5;
	vm4 =	vlt.s32 v7, v5  }
0x127: {  	vm5 =	vlt.s32 v7, v6;
	v7 =	vsel vm4, $0xC00, v2  }
0x128: {  	v35 =	vsel vm5, $0xC00, v2;
	_ =	sdelay $0x3  }
0x129: {  	v36 =	vld.idx.msk [tilespmem:v7+s15+$0x0], $0xffff  }
0x12a: {  	v37 =	vld.idx.msk [tilespmem:v35+s15+$0x0], $0xffff;
	_ =	sdelay $0x2  }
0x12b: {  	v38 =	vsel vm4, $0x801, v1;
	v39 =	vsel vm4, $0x1000, v0;
	v40 =	vsel vm5, $0x801, v1  }
0x12c: {  	v41 =	vsel vm5, $0x1000, v0;
	v42 =	vor.u32 $0x1, v7;
	vm6 =	vlt.s32 v36, v5  }
0x12d: {  	v43 =	vor.u32 $0x1, v35;
	vm7 =	vlt.s32 v37, v6;
	v7 =	vsel vm6, v39, v7  }
0x12e: {  	v9 =	vsel vm6, v42, v38;
	v8 =	vsel vm7, v41, v35;
	v44 =	vadd.s32 $0xFFFFFFFF, v7  }
0x12f: {  	v10 =	vsel vm7, v43, v40;
	v45 =	vxor.u32 v44, v9;
	v46 =	vadd.s32 $0xFFFFFFFF, v8  }
0x130: {  	v11 =	vor.u32 v44, v9;
	v12 =	vshrl.u32 v45, $0x1;
	v47 =	vxor.u32 v46, v10  }
0x131: {  	v48 =	vor.u32 v46, v10;
	v11 =	vsub.s32 v11, v12;
	v49 =	vshrl.u32 v47, $0x1  }
0x132: {  	v12 =	vsub.s32 v48, v49;
	_ =	sdelay $0x3  }
0x133: {  	v50 =	vld.idx.msk [tilespmem:v11+s15+$0x0], $0xffff  }
0x134: {  	v51 =	vld.idx.msk [tilespmem:v12+s15+$0x0], $0xffff;
	_ =	sdelay $0x3  }
0x135: {  	v52 =	vor.u32 $0x1, v11;
	v53 =	vor.u32 $0x1, v12;
	vm8 =	vlt.s32 v50, v5  }
0x136: {  	vm9 =	vlt.s32 v51, v6;
	v9 =	vsel vm8, v52, v9;
	v7 =	vsel vm8, v7, v11  }
0x137: {  	v10 =	vsel vm9, v53, v10;
	v8 =	vsel vm9, v8, v12;
	v54 =	vxor.u32 v7, v9  }
0x138: {  	v55 =	vand.u32 v7, v9;
	v11 =	vshrl.u32 v54, $0x1;
	v56 =	vxor.u32 v8, v10  }
0x139: {  	v57 =	vand.u32 v8, v10;
	v11 =	vadd.s32 v11, v55;
	v13 =	vshrl.u32 v56, $0x1  }
0x13a: {  	v12 =	vadd.s32 v13, v57;
	_ =	sdelay $0x3  }
0x13b: {  	v58 =	vld.idx.msk [tilespmem:v11+s15+$0x0], $0xffff  }
0x13c: {  	v59 =	vld.idx.msk [tilespmem:v12+s15+$0x0], $0xffff;
	_ =	sdelay $0x3  }
0x13d: {  	v60 =	vadd.s32 $0x1, v11;
	v61 =	vadd.s32 $0x1, v12;
	vm10 =	vlt.s32 v58, v5  }
0x13e: {  	vm11 =	vlt.s32 v59, v6;
	v9 =	vsel vm10, v60, v9;
	v7 =	vsel vm10, v7, v11  }
0x13f: {  	v10 =	vsel vm11, v61, v10;
	v8 =	vsel vm11, v8, v12;
	v62 =	vadd.s32 v7, v9  }
0x140: {  	v11 =	vshrl.u32 v62, $0x1;
	v12 =	vadd.s32 v8, v10  }
0x141: {  	v12 =	vshrl.u32 v12, $0x1;
	_ =	sdelay $0x3  }
0x142: {  	v63 =	vld.idx.msk [tilespmem:v11+s15+$0x0], $0xffff  }
0x143: {  	v16 =	vld.idx.msk [tilespmem:v12+s15+$0x0], $0xffff;
	_ =	sdelay $0x3  }
0x144: {  	v17 =	vadd.s32 $0x1, v11;
	v18 =	vadd.s32 $0x1, v12;
	vm12 =	vlt.s32 v63, v5  }
0x145: {  	vm13 =	vlt.s32 v16, v6;
	v9 =	vsel vm12, v17, v9;
	v7 =	vsel vm12, v7, v11  }
0x146: {  	v10 =	vsel vm13, v18, v10;
	v8 =	vsel vm13, v8, v12;
	v19 =	vadd.s32 v7, v9  }
0x147: {  	v11 =	vshrl.u32 v19, $0x1;
	v12 =	vadd.s32 v8, v10  }
0x148: {  	v12 =	vshrl.u32 v12, $0x1;
	_ =	sdelay $0x3  }
0x149: {  	v20 =	vld.idx.msk [tilespmem:v11+s15+$0x0], $0xffff  }
0x14a: {  	v21 =	vld.idx.msk [tilespmem:v12+s15+$0x0], $0xffff;
	_ =	sdelay $0x3  }
0x14b: {  	v22 =	vadd.s32 $0x1, v11;
	v23 =	vadd.s32 $0x1, v12;
	vm14 =	vlt.s32 v20, v5  }
0x14c: {  	vm15 =	vlt.s32 v21, v6;
	v9 =	vsel vm14, v22, v9;
	v7 =	vsel vm14, v7, v11  }
0x14d: {  	v10 =	vsel vm15, v23, v10;
	v8 =	vsel vm15, v8, v12;
	v24 =	vadd.s32 v7, v9  }
0x14e: {  	v11 =	vshrl.u32 v24, $0x1;
	v12 =	vadd.s32 v8, v10  }
0x14f: {  	v12 =	vshrl.u32 v12, $0x1;
	_ =	sdelay $0x3  }
0x150: {  	v25 =	vld.idx.msk [tilespmem:v11+s15+$0x0], $0xffff  }
0x151: {  	v26 =	vld.idx.msk [tilespmem:v12+s15+$0x0], $0xffff;
	_ =	sdelay $0x3  }
0x152: {  	v27 =	vadd.s32 $0x1, v11;
	v28 =	vadd.s32 $0x1, v12;
	vm4 =	vlt.s32 v25, v5  }
0x153: {  	vm5 =	vlt.s32 v26, v6;
	v9 =	vsel vm4, v27, v9;
	v7 =	vsel vm4, v7, v11  }
0x154: {  	v10 =	vsel vm5, v28, v10;
	v8 =	vsel vm5, v8, v12;
	v29 =	vadd.s32 v7, v9  }
0x155: {  	v11 =	vshrl.u32 v29, $0x1;
	v12 =	vadd.s32 v8, v10  }
0x156: {  	v12 =	vshrl.u32 v12, $0x1;
	_ =	sdelay $0x3  }
0x157: {  	v30 =	vld.idx.msk [tilespmem:v11+s15+$0x0], $0xffff  }
0x158: {  	v31 =	vld.idx.msk [tilespmem:v12+s15+$0x0], $0xffff;
	_ =	sdelay $0x3  }
0x159: {  	v32 =	vadd.s32 $0x1, v11;
	v33 =	vadd.s32 $0x1, v12;
	vm6 =	vlt.s32 v30, v5  }
0x15a: {  	vm7 =	vlt.s32 v31, v6;
	v9 =	vsel vm6, v32, v9;
	v7 =	vsel vm6, v7, v11  }
0x15b: {  	v10 =	vsel vm7, v33, v10;
	v8 =	vsel vm7, v8, v12;
	v34 =	vadd.s32 v7, v9  }
0x15c: {  	v11 =	vshrl.u32 v34, $0x1;
	v12 =	vadd.s32 v8, v10  }
0x15d: {  	v12 =	vshrl.u32 v12, $0x1;
	_ =	sdelay $0x3  }
0x15e: {  	v35 =	vld.idx.msk [tilespmem:v11+s15+$0x0], $0xffff  }
0x15f: {  	v36 =	vld.idx.msk [tilespmem:v12+s15+$0x0], $0xffff;
	_ =	sdelay $0x3  }
0x160: {  	v37 =	vadd.s32 $0x1, v11;
	v38 =	vadd.s32 $0x1, v12;
	vm8 =	vlt.s32 v35, v5  }
0x161: {  	vm9 =	vlt.s32 v36, v6;
	v9 =	vsel vm8, v37, v9;
	v7 =	vsel vm8, v7, v11  }
0x162: {  	v10 =	vsel vm9, v38, v10;
	v8 =	vsel vm9, v8, v12;
	v39 =	vadd.s32 v7, v9  }
0x163: {  	v11 =	vshrl.u32 v39, $0x1;
	v12 =	vadd.s32 v8, v10  }
0x164: {  	v12 =	vshrl.u32 v12, $0x1;
	_ =	sdelay $0x3  }
0x165: {  	v40 =	vld.idx.msk [tilespmem:v11+s15+$0x0], $0xffff  }
0x166: {  	v41 =	vld.idx.msk [tilespmem:v12+s15+$0x0], $0xffff;
	_ =	sdelay $0x3  }
0x167: {  	v42 =	vadd.s32 $0x1, v11;
	v43 =	vadd.s32 $0x1, v12;
	vm10 =	vlt.s32 v40, v5  }
0x168: {  	vm11 =	vlt.s32 v41, v6;
	v9 =	vsel vm10, v42, v9;
	v7 =	vsel vm10, v7, v11  }
0x169: {  	v10 =	vsel vm11, v43, v10;
	v8 =	vsel vm11, v8, v12;
	v44 =	vadd.s32 v7, v9  }
0x16a: {  	v11 =	vshrl.u32 v44, $0x1;
	v12 =	vadd.s32 v8, v10  }
0x16b: {  	v12 =	vshrl.u32 v12, $0x1;
	_ =	sdelay $0x3  }
0x16c: {  	v45 =	vld.idx.msk [tilespmem:v11+s15+$0x0], $0xffff  }
0x16d: {  	v46 =	vld.idx.msk [tilespmem:v12+s15+$0x0], $0xffff;
	_ =	sdelay $0x3  }
0x16e: {  	v47 =	vadd.s32 $0x1, v11;
	v48 =	vadd.s32 $0x1, v12;
	vm12 =	vlt.s32 v45, v5  }
0x16f: {  	vm13 =	vlt.s32 v46, v6;
	v9 =	vsel vm12, v47, v9;
	v7 =	vsel vm12, v7, v11  }
0x170: {  	v10 =	vsel vm13, v48, v10;
	v8 =	vsel vm13, v8, v12;
	v7 =	vadd.s32 v7, v9  }
0x171: {  	v7 =	vshrl.u32 v7, $0x1;
	v8 =	vadd.s32 v8, v10  }
0x172: {  	v8 =	vshrl.u32 v8, $0x1;
	_ =	sdelay $0x3  }
0x173: {  	v49 =	vld.idx.msk [tilespmem:v7+s15+$0x0], $0xffff  }
0x174: {  	v50 =	vld.idx.msk [tilespmem:v8+s15+$0x0], $0xffff;
	_ =	sdelay $0x3  }
0x175: {  	vm14 =	vlt.s32 v49, v5;
	v5 =	vadd.s32 $0x1, v7  }
0x176: {  	vm15 =	vlt.s32 v50, v6;
	v5 =	vsel vm14, v5, v9;
	v6 =	vadd.s32 $0x1, v8  }
0x177: {  	v6 =	vsel vm15, v6, v10;
	[tilespmem:$0x4230] =	vst v5  }
0x178: {  	[tilespmem:$0x4330] =	vst v6  }
0x179: {  	v5 =	vld [tilespmem:s9+$0x31C0]  }
0x17a: {  	v7 =	vld.idx.msk [tilespmem:v0+s15+$0x0], $0xffff;
	_ =	sdelay $0x4  }
0x17b: {  	v6 =	vadd.s32 $0x1, v5;
	vm4 =	vlt.s32 v7, v5  }
0x17c: {  	vm5 =	vlt.s32 v7, v6;
	v7 =	vsel vm4, $0xC00, v2  }
0x17d: {  	v51 =	vsel vm5, $0xC00, v2;
	_ =	sdelay $0x3  }
0x17e: {  	v52 =	vld.idx.msk [tilespmem:v7+s15+$0x0], $0xffff  }
0x17f: {  	v53 =	vld.idx.msk [tilespmem:v51+s15+$0x0], $0xffff;
	_ =	sdelay $0x2  }
0x180: {  	v54 =	vsel vm4, $0x801, v1;
	v55 =	vsel vm4, $0x1000, v0;
	v56 =	vsel vm5, $0x801, v1  }
0x181: {  	v57 =	vsel vm5, $0x1000, v0;
	v58 =	vor.u32 $0x1, v7;
	vm6 =	vlt.s32 v52, v5  }
0x182: {  	v59 =	vor.u32 $0x1, v51;
	vm7 =	vlt.s32 v53, v6;
	v7 =	vsel vm6, v55, v7  }
0x183: {  	v9 =	vsel vm6, v58, v54;
	v8 =	vsel vm7, v57, v51;
	v60 =	vadd.s32 $0xFFFFFFFF, v7  }
0x184: {  	v10 =	vsel vm7, v59, v56;
	v61 =	vxor.u32 v60, v9;
	v62 =	vadd.s32 $0xFFFFFFFF, v8  }
0x185: {  	v11 =	vor.u32 v60, v9;
	v12 =	vshrl.u32 v61, $0x1;
	v63 =	vxor.u32 v62, v10  }
0x186: {  	v16 =	vor.u32 v62, v10;
	v11 =	vsub.s32 v11, v12;
	v17 =	vshrl.u32 v63, $0x1  }
0x187: {  	v12 =	vsub.s32 v16, v17;
	_ =	sdelay $0x3  }
0x188: {  	v18 =	vld.idx.msk [tilespmem:v11+s15+$0x0], $0xffff  }
0x189: {  	v19 =	vld.idx.msk [tilespmem:v12+s15+$0x0], $0xffff;
	_ =	sdelay $0x3  }
0x18a: {  	v20 =	vor.u32 $0x1, v11;
	v21 =	vor.u32 $0x1, v12;
	vm8 =	vlt.s32 v18, v5  }
0x18b: {  	vm9 =	vlt.s32 v19, v6;
	v9 =	vsel vm8, v20, v9;
	v7 =	vsel vm8, v7, v11  }
0x18c: {  	v10 =	vsel vm9, v21, v10;
	v8 =	vsel vm9, v8, v12;
	v22 =	vxor.u32 v7, v9  }
0x18d: {  	v23 =	vand.u32 v7, v9;
	v11 =	vshrl.u32 v22, $0x1;
	v24 =	vxor.u32 v8, v10  }
0x18e: {  	v25 =	vand.u32 v8, v10;
	v11 =	vadd.s32 v11, v23;
	v13 =	vshrl.u32 v24, $0x1  }
0x18f: {  	v12 =	vadd.s32 v13, v25;
	_ =	sdelay $0x3  }
0x190: {  	v26 =	vld.idx.msk [tilespmem:v11+s15+$0x0], $0xffff  }
0x191: {  	v27 =	vld.idx.msk [tilespmem:v12+s15+$0x0], $0xffff;
	_ =	sdelay $0x3  }
0x192: {  	v28 =	vadd.s32 $0x1, v11;
	v29 =	vadd.s32 $0x1, v12;
	vm10 =	vlt.s32 v26, v5  }
0x193: {  	vm11 =	vlt.s32 v27, v6;
	v9 =	vsel vm10, v28, v9;
	v7 =	vsel vm10, v7, v11  }
0x194: {  	v10 =	vsel vm11, v29, v10;
	v8 =	vsel vm11, v8, v12;
	v30 =	vadd.s32 v7, v9  }
0x195: {  	v11 =	vshrl.u32 v30, $0x1;
	v12 =	vadd.s32 v8, v10  }
0x196: {  	v12 =	vshrl.u32 v12, $0x1;
	_ =	sdelay $0x3  }
0x197: {  	v31 =	vld.idx.msk [tilespmem:v11+s15+$0x0], $0xffff  }
0x198: {  	v32 =	vld.idx.msk [tilespmem:v12+s15+$0x0], $0xffff;
	_ =	sdelay $0x3  }
0x199: {  	v33 =	vadd.s32 $0x1, v11;
	v34 =	vadd.s32 $0x1, v12;
	vm12 =	vlt.s32 v31, v5  }
0x19a: {  	vm13 =	vlt.s32 v32, v6;
	v9 =	vsel vm12, v33, v9;
	v7 =	vsel vm12, v7, v11  }
0x19b: {  	v10 =	vsel vm13, v34, v10;
	v8 =	vsel vm13, v8, v12;
	v35 =	vadd.s32 v7, v9  }
0x19c: {  	v11 =	vshrl.u32 v35, $0x1;
	v12 =	vadd.s32 v8, v10  }
0x19d: {  	v12 =	vshrl.u32 v12, $0x1;
	_ =	sdelay $0x3  }
0x19e: {  	v36 =	vld.idx.msk [tilespmem:v11+s15+$0x0], $0xffff  }
0x19f: {  	v37 =	vld.idx.msk [tilespmem:v12+s15+$0x0], $0xffff;
	_ =	sdelay $0x3  }
0x1a0: {  	v38 =	vadd.s32 $0x1, v11;
	v39 =	vadd.s32 $0x1, v12;
	vm14 =	vlt.s32 v36, v5  }
0x1a1: {  	vm15 =	vlt.s32 v37, v6;
	v9 =	vsel vm14, v38, v9;
	v7 =	vsel vm14, v7, v11  }
0x1a2: {  	v10 =	vsel vm15, v39, v10;
	v8 =	vsel vm15, v8, v12;
	v40 =	vadd.s32 v7, v9  }
0x1a3: {  	v11 =	vshrl.u32 v40, $0x1;
	v12 =	vadd.s32 v8, v10  }
0x1a4: {  	v12 =	vshrl.u32 v12, $0x1;
	_ =	sdelay $0x3  }
0x1a5: {  	v41 =	vld.idx.msk [tilespmem:v11+s15+$0x0], $0xffff  }
0x1a6: {  	v42 =	vld.idx.msk [tilespmem:v12+s15+$0x0], $0xffff;
	_ =	sdelay $0x3  }
0x1a7: {  	v43 =	vadd.s32 $0x1, v11;
	v44 =	vadd.s32 $0x1, v12;
	vm4 =	vlt.s32 v41, v5  }
0x1a8: {  	vm5 =	vlt.s32 v42, v6;
	v9 =	vsel vm4, v43, v9;
	v7 =	vsel vm4, v7, v11  }
0x1a9: {  	v10 =	vsel vm5, v44, v10;
	v8 =	vsel vm5, v8, v12;
	v45 =	vadd.s32 v7, v9  }
0x1aa: {  	v11 =	vshrl.u32 v45, $0x1;
	v12 =	vadd.s32 v8, v10  }
0x1ab: {  	v12 =	vshrl.u32 v12, $0x1;
	_ =	sdelay $0x3  }
0x1ac: {  	v46 =	vld.idx.msk [tilespmem:v11+s15+$0x0], $0xffff  }
0x1ad: {  	v47 =	vld.idx.msk [tilespmem:v12+s15+$0x0], $0xffff;
	_ =	sdelay $0x3  }
0x1ae: {  	v48 =	vadd.s32 $0x1, v11;
	v49 =	vadd.s32 $0x1, v12;
	vm6 =	vlt.s32 v46, v5  }
0x1af: {  	vm7 =	vlt.s32 v47, v6;
	v9 =	vsel vm6, v48, v9;
	v7 =	vsel vm6, v7, v11  }
0x1b0: {  	v10 =	vsel vm7, v49, v10;
	v8 =	vsel vm7, v8, v12;
	v50 =	vadd.s32 v7, v9  }
0x1b1: {  	v11 =	vshrl.u32 v50, $0x1;
	v12 =	vadd.s32 v8, v10  }
0x1b2: {  	v12 =	vshrl.u32 v12, $0x1;
	_ =	sdelay $0x3  }
0x1b3: {  	v51 =	vld.idx.msk [tilespmem:v11+s15+$0x0], $0xffff  }
0x1b4: {  	v52 =	vld.idx.msk [tilespmem:v12+s15+$0x0], $0xffff;
	_ =	sdelay $0x3  }
0x1b5: {  	v53 =	vadd.s32 $0x1, v11;
	v54 =	vadd.s32 $0x1, v12;
	vm8 =	vlt.s32 v51, v5  }
0x1b6: {  	vm9 =	vlt.s32 v52, v6;
	v9 =	vsel vm8, v53, v9;
	v7 =	vsel vm8, v7, v11  }
0x1b7: {  	v10 =	vsel vm9, v54, v10;
	v8 =	vsel vm9, v8, v12;
	v55 =	vadd.s32 v7, v9  }
0x1b8: {  	v11 =	vshrl.u32 v55, $0x1;
	v12 =	vadd.s32 v8, v10  }
0x1b9: {  	v12 =	vshrl.u32 v12, $0x1;
	_ =	sdelay $0x3  }
0x1ba: {  	v56 =	vld.idx.msk [tilespmem:v11+s15+$0x0], $0xffff  }
0x1bb: {  	v57 =	vld.idx.msk [tilespmem:v12+s15+$0x0], $0xffff;
	_ =	sdelay $0x3  }
0x1bc: {  	v58 =	vadd.s32 $0x1, v11;
	v59 =	vadd.s32 $0x1, v12;
	vm10 =	vlt.s32 v56, v5  }
0x1bd: {  	vm11 =	vlt.s32 v57, v6;
	v9 =	vsel vm10, v58, v9;
	v7 =	vsel vm10, v7, v11  }
0x1be: {  	v10 =	vsel vm11, v59, v10;
	v8 =	vsel vm11, v8, v12;
	v60 =	vadd.s32 v7, v9  }
0x1bf: {  	v11 =	vshrl.u32 v60, $0x1;
	v12 =	vadd.s32 v8, v10  }
0x1c0: {  	v12 =	vshrl.u32 v12, $0x1;
	_ =	sdelay $0x3  }
0x1c1: {  	v61 =	vld.idx.msk [tilespmem:v11+s15+$0x0], $0xffff  }
0x1c2: {  	v62 =	vld.idx.msk [tilespmem:v12+s15+$0x0], $0xffff;
	_ =	sdelay $0x3  }
0x1c3: {  	v63 =	vadd.s32 $0x1, v11;
	v15 =	vadd.s32 $0x1, v12;
	vm12 =	vlt.s32 v61, v5  }
0x1c4: {  	vm13 =	vlt.s32 v62, v6;
	v9 =	vsel vm12, v63, v9;
	v7 =	vsel vm12, v7, v11  }
0x1c5: {  	v10 =	vsel vm13, v15, v10;
	v8 =	vsel vm13, v8, v12;
	v7 =	vadd.s32 v7, v9  }
0x1c6: {  	v7 =	vshrl.u32 v7, $0x1;
	v8 =	vadd.s32 v8, v10  }
0x1c7: {  	v8 =	vshrl.u32 v8, $0x1;
	_ =	sdelay $0x3  }
0x1c8: {  	v16 =	vld.idx.msk [tilespmem:v7+s15+$0x0], $0xffff  }
0x1c9: {  	v17 =	vld.idx.msk [tilespmem:v8+s15+$0x0], $0xffff;
	_ =	sdelay $0x3  }
0x1ca: {  	vm14 =	vlt.s32 v16, v5;
	v5 =	vadd.s32 $0x1, v7  }
0x1cb: {  	vm15 =	vlt.s32 v17, v6;
	v5 =	vsel vm14, v5, v9;
	v6 =	vadd.s32 $0x1, v8  }
0x1cc: {  	v6 =	vsel vm15, v6, v10;
	[tilespmem:$0x4240] =	vst v5  }
0x1cd: {  	[tilespmem:$0x4340] =	vst v6  }
0x1ce: {  	v5 =	vld [tilespmem:s9+$0x31D0]  }
0x1cf: {  	v7 =	vld.idx.msk [tilespmem:v0+s15+$0x0], $0xffff;
	_ =	sdelay $0x4  }
0x1d0: {  	v6 =	vadd.s32 $0x1, v5;
	vm4 =	vlt.s32 v7, v5  }
0x1d1: {  	vm5 =	vlt.s32 v7, v6;
	v7 =	vsel vm4, $0xC00, v2  }
0x1d2: {  	v18 =	vsel vm5, $0xC00, v2;
	_ =	sdelay $0x3  }
0x1d3: {  	v19 =	vld.idx.msk [tilespmem:v7+s15+$0x0], $0xffff  }
0x1d4: {  	v20 =	vld.idx.msk [tilespmem:v18+s15+$0x0], $0xffff;
	_ =	sdelay $0x2  }
0x1d5: {  	v21 =	vsel vm4, $0x801, v1;
	v22 =	vsel vm4, $0x1000, v0;
	v23 =	vsel vm5, $0x801, v1  }
0x1d6: {  	v24 =	vsel vm5, $0x1000, v0;
	v25 =	vor.u32 $0x1, v7;
	vm6 =	vlt.s32 v19, v5  }
0x1d7: {  	v26 =	vor.u32 $0x1, v18;
	vm7 =	vlt.s32 v20, v6;
	v7 =	vsel vm6, v22, v7  }
0x1d8: {  	v9 =	vsel vm6, v25, v21;
	v8 =	vsel vm7, v24, v18;
	v27 =	vadd.s32 $0xFFFFFFFF, v7  }
0x1d9: {  	v10 =	vsel vm7, v26, v23;
	v28 =	vxor.u32 v27, v9;
	v29 =	vadd.s32 $0xFFFFFFFF, v8  }
0x1da: {  	v11 =	vor.u32 v27, v9;
	v12 =	vshrl.u32 v28, $0x1;
	v30 =	vxor.u32 v29, v10  }
0x1db: {  	v31 =	vor.u32 v29, v10;
	v11 =	vsub.s32 v11, v12;
	v32 =	vshrl.u32 v30, $0x1  }
0x1dc: {  	v12 =	vsub.s32 v31, v32;
	_ =	sdelay $0x3  }
0x1dd: {  	v33 =	vld.idx.msk [tilespmem:v11+s15+$0x0], $0xffff  }
0x1de: {  	v34 =	vld.idx.msk [tilespmem:v12+s15+$0x0], $0xffff;
	_ =	sdelay $0x3  }
0x1df: {  	v35 =	vor.u32 $0x1, v11;
	v36 =	vor.u32 $0x1, v12;
	vm8 =	vlt.s32 v33, v5  }
0x1e0: {  	vm9 =	vlt.s32 v34, v6;
	v9 =	vsel vm8, v35, v9;
	v7 =	vsel vm8, v7, v11  }
0x1e1: {  	v10 =	vsel vm9, v36, v10;
	v8 =	vsel vm9, v8, v12;
	v37 =	vxor.u32 v7, v9  }
0x1e2: {  	v38 =	vand.u32 v7, v9;
	v11 =	vshrl.u32 v37, $0x1;
	v39 =	vxor.u32 v8, v10  }
0x1e3: {  	v40 =	vand.u32 v8, v10;
	v11 =	vadd.s32 v11, v38;
	v13 =	vshrl.u32 v39, $0x1  }
0x1e4: {  	v12 =	vadd.s32 v13, v40;
	_ =	sdelay $0x3  }
0x1e5: {  	v41 =	vld.idx.msk [tilespmem:v11+s15+$0x0], $0xffff  }
0x1e6: {  	v42 =	vld.idx.msk [tilespmem:v12+s15+$0x0], $0xffff;
	_ =	sdelay $0x3  }
0x1e7: {  	v43 =	vadd.s32 $0x1, v11;
	v44 =	vadd.s32 $0x1, v12;
	vm10 =	vlt.s32 v41, v5  }
0x1e8: {  	vm11 =	vlt.s32 v42, v6;
	v9 =	vsel vm10, v43, v9;
	v7 =	vsel vm10, v7, v11  }
0x1e9: {  	v10 =	vsel vm11, v44, v10;
	v8 =	vsel vm11, v8, v12;
	v45 =	vadd.s32 v7, v9  }
0x1ea: {  	v11 =	vshrl.u32 v45, $0x1;
	v12 =	vadd.s32 v8, v10  }
0x1eb: {  	v12 =	vshrl.u32 v12, $0x1;
	_ =	sdelay $0x3  }
0x1ec: {  	v46 =	vld.idx.msk [tilespmem:v11+s15+$0x0], $0xffff  }
0x1ed: {  	v47 =	vld.idx.msk [tilespmem:v12+s15+$0x0], $0xffff;
	_ =	sdelay $0x3  }
0x1ee: {  	v48 =	vadd.s32 $0x1, v11;
	v49 =	vadd.s32 $0x1, v12;
	vm12 =	vlt.s32 v46, v5  }
0x1ef: {  	vm13 =	vlt.s32 v47, v6;
	v9 =	vsel vm12, v48, v9;
	v7 =	vsel vm12, v7, v11  }
0x1f0: {  	v10 =	vsel vm13, v49, v10;
	v8 =	vsel vm13, v8, v12;
	v50 =	vadd.s32 v7, v9  }
0x1f1: {  	v11 =	vshrl.u32 v50, $0x1;
	v12 =	vadd.s32 v8, v10  }
0x1f2: {  	v12 =	vshrl.u32 v12, $0x1;
	_ =	sdelay $0x3  }
0x1f3: {  	v51 =	vld.idx.msk [tilespmem:v11+s15+$0x0], $0xffff  }
0x1f4: {  	v52 =	vld.idx.msk [tilespmem:v12+s15+$0x0], $0xffff;
	_ =	sdelay $0x3  }
0x1f5: {  	v53 =	vadd.s32 $0x1, v11;
	v54 =	vadd.s32 $0x1, v12;
	vm14 =	vlt.s32 v51, v5  }
0x1f6: {  	vm15 =	vlt.s32 v52, v6;
	v9 =	vsel vm14, v53, v9;
	v7 =	vsel vm14, v7, v11  }
0x1f7: {  	v10 =	vsel vm15, v54, v10;
	v8 =	vsel vm15, v8, v12;
	v55 =	vadd.s32 v7, v9  }
0x1f8: {  	v11 =	vshrl.u32 v55, $0x1;
	v12 =	vadd.s32 v8, v10  }
0x1f9: {  	v12 =	vshrl.u32 v12, $0x1;
	_ =	sdelay $0x3  }
0x1fa: {  	v56 =	vld.idx.msk [tilespmem:v11+s15+$0x0], $0xffff  }
0x1fb: {  	v57 =	vld.idx.msk [tilespmem:v12+s15+$0x0], $0xffff;
	_ =	sdelay $0x3  }
0x1fc: {  	v58 =	vadd.s32 $0x1, v11;
	v59 =	vadd.s32 $0x1, v12;
	vm4 =	vlt.s32 v56, v5  }
0x1fd: {  	vm5 =	vlt.s32 v57, v6;
	v9 =	vsel vm4, v58, v9;
	v7 =	vsel vm4, v7, v11  }
0x1fe: {  	v10 =	vsel vm5, v59, v10;
	v8 =	vsel vm5, v8, v12;
	v60 =	vadd.s32 v7, v9  }
0x1ff: {  	v11 =	vshrl.u32 v60, $0x1;
	v12 =	vadd.s32 v8, v10  }
0x200: {  	v12 =	vshrl.u32 v12, $0x1;
	_ =	sdelay $0x3  }
0x201: {  	v61 =	vld.idx.msk [tilespmem:v11+s15+$0x0], $0xffff  }
0x202: {  	v62 =	vld.idx.msk [tilespmem:v12+s15+$0x0], $0xffff;
	_ =	sdelay $0x3  }
0x203: {  	v63 =	vadd.s32 $0x1, v11;
	v15 =	vadd.s32 $0x1, v12;
	vm6 =	vlt.s32 v61, v5  }
0x204: {  	vm7 =	vlt.s32 v62, v6;
	v9 =	vsel vm6, v63, v9;
	v7 =	vsel vm6, v7, v11  }
0x205: {  	v10 =	vsel vm7, v15, v10;
	v8 =	vsel vm7, v8, v12;
	v16 =	vadd.s32 v7, v9  }
0x206: {  	v11 =	vshrl.u32 v16, $0x1;
	v12 =	vadd.s32 v8, v10  }
0x207: {  	v12 =	vshrl.u32 v12, $0x1;
	_ =	sdelay $0x3  }
0x208: {  	v17 =	vld.idx.msk [tilespmem:v11+s15+$0x0], $0xffff  }
0x209: {  	v18 =	vld.idx.msk [tilespmem:v12+s15+$0x0], $0xffff;
	_ =	sdelay $0x3  }
0x20a: {  	v19 =	vadd.s32 $0x1, v11;
	v20 =	vadd.s32 $0x1, v12;
	vm8 =	vlt.s32 v17, v5  }
0x20b: {  	vm9 =	vlt.s32 v18, v6;
	v9 =	vsel vm8, v19, v9;
	v7 =	vsel vm8, v7, v11  }
0x20c: {  	v10 =	vsel vm9, v20, v10;
	v8 =	vsel vm9, v8, v12;
	v21 =	vadd.s32 v7, v9  }
0x20d: {  	v11 =	vshrl.u32 v21, $0x1;
	v12 =	vadd.s32 v8, v10  }
0x20e: {  	v12 =	vshrl.u32 v12, $0x1;
	_ =	sdelay $0x3  }
0x20f: {  	v22 =	vld.idx.msk [tilespmem:v11+s15+$0x0], $0xffff  }
0x210: {  	v23 =	vld.idx.msk [tilespmem:v12+s15+$0x0], $0xffff;
	_ =	sdelay $0x3  }
0x211: {  	v24 =	vadd.s32 $0x1, v11;
	v25 =	vadd.s32 $0x1, v12;
	vm10 =	vlt.s32 v22, v5  }
0x212: {  	vm11 =	vlt.s32 v23, v6;
	v9 =	vsel vm10, v24, v9;
	v7 =	vsel vm10, v7, v11  }
0x213: {  	v10 =	vsel vm11, v25, v10;
	v8 =	vsel vm11, v8, v12;
	v26 =	vadd.s32 v7, v9  }
0x214: {  	v11 =	vshrl.u32 v26, $0x1;
	v12 =	vadd.s32 v8, v10  }
0x215: {  	v12 =	vshrl.u32 v12, $0x1;
	_ =	sdelay $0x3  }
0x216: {  	v27 =	vld.idx.msk [tilespmem:v11+s15+$0x0], $0xffff  }
0x217: {  	v28 =	vld.idx.msk [tilespmem:v12+s15+$0x0], $0xffff;
	_ =	sdelay $0x3  }
0x218: {  	v29 =	vadd.s32 $0x1, v11;
	v30 =	vadd.s32 $0x1, v12;
	vm12 =	vlt.s32 v27, v5  }
0x219: {  	vm13 =	vlt.s32 v28, v6;
	v9 =	vsel vm12, v29, v9;
	v7 =	vsel vm12, v7, v11  }
0x21a: {  	v10 =	vsel vm13, v30, v10;
	v8 =	vsel vm13, v8, v12;
	v7 =	vadd.s32 v7, v9  }
0x21b: {  	v7 =	vshrl.u32 v7, $0x1;
	v8 =	vadd.s32 v8, v10  }
0x21c: {  	v8 =	vshrl.u32 v8, $0x1;
	_ =	sdelay $0x3  }
0x21d: {  	v31 =	vld.idx.msk [tilespmem:v7+s15+$0x0], $0xffff  }
0x21e: {  	v32 =	vld.idx.msk [tilespmem:v8+s15+$0x0], $0xffff;
	_ =	sdelay $0x3  }
0x21f: {  	vm14 =	vlt.s32 v31, v5;
	v5 =	vadd.s32 $0x1, v7  }
0x220: {  	vm15 =	vlt.s32 v32, v6;
	v5 =	vsel vm14, v5, v9;
	v6 =	vadd.s32 $0x1, v8  }
0x221: {  	v6 =	vsel vm15, v6, v10;
	[tilespmem:$0x4250] =	vst v5  }
0x222: {  	[tilespmem:$0x4350] =	vst v6  }
0x223: {  	v5 =	vld [tilespmem:s9+$0x31E0]  }
0x224: {  	v7 =	vld.idx.msk [tilespmem:v0+s15+$0x0], $0xffff;
	_ =	sdelay $0x4  }
0x225: {  	v6 =	vadd.s32 $0x1, v5;
	vm4 =	vlt.s32 v7, v5  }
0x226: {  	vm5 =	vlt.s32 v7, v6;
	v7 =	vsel vm4, $0xC00, v2  }
0x227: {  	v33 =	vsel vm5, $0xC00, v2;
	_ =	sdelay $0x3  }
0x228: {  	v34 =	vld.idx.msk [tilespmem:v7+s15+$0x0], $0xffff  }
0x229: {  	v35 =	vld.idx.msk [tilespmem:v33+s15+$0x0], $0xffff;
	_ =	sdelay $0x2  }
0x22a: {  	v36 =	vsel vm4, $0x801, v1;
	v37 =	vsel vm4, $0x1000, v0;
	v38 =	vsel vm5, $0x801, v1  }
0x22b: {  	v39 =	vsel vm5, $0x1000, v0;
	v40 =	vor.u32 $0x1, v7;
	vm6 =	vlt.s32 v34, v5  }
0x22c: {  	v41 =	vor.u32 $0x1, v33;
	vm7 =	vlt.s32 v35, v6;
	v7 =	vsel vm6, v37, v7  }
0x22d: {  	v9 =	vsel vm6, v40, v36;
	v8 =	vsel vm7, v39, v33;
	v42 =	vadd.s32 $0xFFFFFFFF, v7  }
0x22e: {  	v10 =	vsel vm7, v41, v38;
	v43 =	vxor.u32 v42, v9;
	v44 =	vadd.s32 $0xFFFFFFFF, v8  }
0x22f: {  	v11 =	vor.u32 v42, v9;
	v12 =	vshrl.u32 v43, $0x1;
	v45 =	vxor.u32 v44, v10  }
0x230: {  	v46 =	vor.u32 v44, v10;
	v11 =	vsub.s32 v11, v12;
	v47 =	vshrl.u32 v45, $0x1  }
0x231: {  	v12 =	vsub.s32 v46, v47;
	_ =	sdelay $0x3  }
0x232: {  	v48 =	vld.idx.msk [tilespmem:v11+s15+$0x0], $0xffff  }
0x233: {  	v49 =	vld.idx.msk [tilespmem:v12+s15+$0x0], $0xffff;
	_ =	sdelay $0x3  }
0x234: {  	v50 =	vor.u32 $0x1, v11;
	v51 =	vor.u32 $0x1, v12;
	vm8 =	vlt.s32 v48, v5  }
0x235: {  	vm9 =	vlt.s32 v49, v6;
	v9 =	vsel vm8, v50, v9;
	v7 =	vsel vm8, v7, v11  }
0x236: {  	v10 =	vsel vm9, v51, v10;
	v8 =	vsel vm9, v8, v12;
	v52 =	vxor.u32 v7, v9  }
0x237: {  	v53 =	vand.u32 v7, v9;
	v11 =	vshrl.u32 v52, $0x1;
	v54 =	vxor.u32 v8, v10  }
0x238: {  	v55 =	vand.u32 v8, v10;
	v11 =	vadd.s32 v11, v53;
	v13 =	vshrl.u32 v54, $0x1  }
0x239: {  	v12 =	vadd.s32 v13, v55;
	_ =	sdelay $0x3  }
0x23a: {  	v56 =	vld.idx.msk [tilespmem:v11+s15+$0x0], $0xffff  }
0x23b: {  	v57 =	vld.idx.msk [tilespmem:v12+s15+$0x0], $0xffff;
	_ =	sdelay $0x3  }
0x23c: {  	v58 =	vadd.s32 $0x1, v11;
	v59 =	vadd.s32 $0x1, v12;
	vm10 =	vlt.s32 v56, v5  }
0x23d: {  	vm11 =	vlt.s32 v57, v6;
	v9 =	vsel vm10, v58, v9;
	v7 =	vsel vm10, v7, v11  }
0x23e: {  	v10 =	vsel vm11, v59, v10;
	v8 =	vsel vm11, v8, v12;
	v60 =	vadd.s32 v7, v9  }
0x23f: {  	v11 =	vshrl.u32 v60, $0x1;
	v12 =	vadd.s32 v8, v10  }
0x240: {  	v12 =	vshrl.u32 v12, $0x1;
	_ =	sdelay $0x3  }
0x241: {  	v61 =	vld.idx.msk [tilespmem:v11+s15+$0x0], $0xffff  }
0x242: {  	v62 =	vld.idx.msk [tilespmem:v12+s15+$0x0], $0xffff;
	_ =	sdelay $0x3  }
0x243: {  	v63 =	vadd.s32 $0x1, v11;
	v15 =	vadd.s32 $0x1, v12;
	vm12 =	vlt.s32 v61, v5  }
0x244: {  	vm13 =	vlt.s32 v62, v6;
	v9 =	vsel vm12, v63, v9;
	v7 =	vsel vm12, v7, v11  }
0x245: {  	v10 =	vsel vm13, v15, v10;
	v8 =	vsel vm13, v8, v12;
	v16 =	vadd.s32 v7, v9  }
0x246: {  	v11 =	vshrl.u32 v16, $0x1;
	v12 =	vadd.s32 v8, v10  }
0x247: {  	v12 =	vshrl.u32 v12, $0x1;
	_ =	sdelay $0x3  }
0x248: {  	v17 =	vld.idx.msk [tilespmem:v11+s15+$0x0], $0xffff  }
0x249: {  	v18 =	vld.idx.msk [tilespmem:v12+s15+$0x0], $0xffff;
	_ =	sdelay $0x3  }
0x24a: {  	v19 =	vadd.s32 $0x1, v11;
	v20 =	vadd.s32 $0x1, v12;
	vm14 =	vlt.s32 v17, v5  }
0x24b: {  	vm15 =	vlt.s32 v18, v6;
	v9 =	vsel vm14, v19, v9;
	v7 =	vsel vm14, v7, v11  }
0x24c: {  	v10 =	vsel vm15, v20, v10;
	v8 =	vsel vm15, v8, v12;
	v21 =	vadd.s32 v7, v9  }
0x24d: {  	v11 =	vshrl.u32 v21, $0x1;
	v12 =	vadd.s32 v8, v10  }
0x24e: {  	v12 =	vshrl.u32 v12, $0x1;
	_ =	sdelay $0x3  }
0x24f: {  	v22 =	vld.idx.msk [tilespmem:v11+s15+$0x0], $0xffff  }
0x250: {  	v23 =	vld.idx.msk [tilespmem:v12+s15+$0x0], $0xffff;
	_ =	sdelay $0x3  }
0x251: {  	v24 =	vadd.s32 $0x1, v11;
	v25 =	vadd.s32 $0x1, v12;
	vm4 =	vlt.s32 v22, v5  }
0x252: {  	vm5 =	vlt.s32 v23, v6;
	v9 =	vsel vm4, v24, v9;
	v7 =	vsel vm4, v7, v11  }
0x253: {  	v10 =	vsel vm5, v25, v10;
	v8 =	vsel vm5, v8, v12;
	v26 =	vadd.s32 v7, v9  }
0x254: {  	v11 =	vshrl.u32 v26, $0x1;
	v12 =	vadd.s32 v8, v10  }
0x255: {  	v12 =	vshrl.u32 v12, $0x1;
	_ =	sdelay $0x3  }
0x256: {  	v27 =	vld.idx.msk [tilespmem:v11+s15+$0x0], $0xffff  }
0x257: {  	v28 =	vld.idx.msk [tilespmem:v12+s15+$0x0], $0xffff;
	_ =	sdelay $0x3  }
0x258: {  	v29 =	vadd.s32 $0x1, v11;
	v30 =	vadd.s32 $0x1, v12;
	vm6 =	vlt.s32 v27, v5  }
0x259: {  	vm7 =	vlt.s32 v28, v6;
	v9 =	vsel vm6, v29, v9;
	v7 =	vsel vm6, v7, v11  }
0x25a: {  	v10 =	vsel vm7, v30, v10;
	v8 =	vsel vm7, v8, v12;
	v31 =	vadd.s32 v7, v9  }
0x25b: {  	v11 =	vshrl.u32 v31, $0x1;
	v12 =	vadd.s32 v8, v10  }
0x25c: {  	v12 =	vshrl.u32 v12, $0x1;
	_ =	sdelay $0x3  }
0x25d: {  	v32 =	vld.idx.msk [tilespmem:v11+s15+$0x0], $0xffff  }
0x25e: {  	v33 =	vld.idx.msk [tilespmem:v12+s15+$0x0], $0xffff;
	_ =	sdelay $0x3  }
0x25f: {  	v34 =	vadd.s32 $0x1, v11;
	v35 =	vadd.s32 $0x1, v12;
	vm8 =	vlt.s32 v32, v5  }
0x260: {  	vm9 =	vlt.s32 v33, v6;
	v9 =	vsel vm8, v34, v9;
	v7 =	vsel vm8, v7, v11  }
0x261: {  	v10 =	vsel vm9, v35, v10;
	v8 =	vsel vm9, v8, v12;
	v36 =	vadd.s32 v7, v9  }
0x262: {  	v11 =	vshrl.u32 v36, $0x1;
	v12 =	vadd.s32 v8, v10  }
0x263: {  	v12 =	vshrl.u32 v12, $0x1;
	_ =	sdelay $0x3  }
0x264: {  	v37 =	vld.idx.msk [tilespmem:v11+s15+$0x0], $0xffff  }
0x265: {  	v38 =	vld.idx.msk [tilespmem:v12+s15+$0x0], $0xffff;
	_ =	sdelay $0x3  }
0x266: {  	v39 =	vadd.s32 $0x1, v11;
	v40 =	vadd.s32 $0x1, v12;
	vm10 =	vlt.s32 v37, v5  }
0x267: {  	vm11 =	vlt.s32 v38, v6;
	v9 =	vsel vm10, v39, v9;
	v7 =	vsel vm10, v7, v11  }
0x268: {  	v10 =	vsel vm11, v40, v10;
	v8 =	vsel vm11, v8, v12;
	v41 =	vadd.s32 v7, v9  }
0x269: {  	v11 =	vshrl.u32 v41, $0x1;
	v12 =	vadd.s32 v8, v10  }
0x26a: {  	v12 =	vshrl.u32 v12, $0x1;
	_ =	sdelay $0x3  }
0x26b: {  	v42 =	vld.idx.msk [tilespmem:v11+s15+$0x0], $0xffff  }
0x26c: {  	v43 =	vld.idx.msk [tilespmem:v12+s15+$0x0], $0xffff;
	_ =	sdelay $0x3  }
0x26d: {  	v44 =	vadd.s32 $0x1, v11;
	v45 =	vadd.s32 $0x1, v12;
	vm12 =	vlt.s32 v42, v5  }
0x26e: {  	vm13 =	vlt.s32 v43, v6;
	v9 =	vsel vm12, v44, v9;
	v7 =	vsel vm12, v7, v11  }
0x26f: {  	v10 =	vsel vm13, v45, v10;
	v8 =	vsel vm13, v8, v12;
	v7 =	vadd.s32 v7, v9  }
0x270: {  	v7 =	vshrl.u32 v7, $0x1;
	v8 =	vadd.s32 v8, v10  }
0x271: {  	v8 =	vshrl.u32 v8, $0x1;
	_ =	sdelay $0x3  }
0x272: {  	v46 =	vld.idx.msk [tilespmem:v7+s15+$0x0], $0xffff  }
0x273: {  	v47 =	vld.idx.msk [tilespmem:v8+s15+$0x0], $0xffff;
	_ =	sdelay $0x3  }
0x274: {  	vm14 =	vlt.s32 v46, v5;
	v5 =	vadd.s32 $0x1, v7  }
0x275: {  	vm15 =	vlt.s32 v47, v6;
	v5 =	vsel vm14, v5, v9;
	v6 =	vadd.s32 $0x1, v8  }
0x276: {  	v6 =	vsel vm15, v6, v10;
	[tilespmem:$0x4260] =	vst v5  }
0x277: {  	[tilespmem:$0x4360] =	vst v6  }
0x278: {  	v5 =	vld [tilespmem:s9+$0x31F0]  }
0x279: {  	v7 =	vld.idx.msk [tilespmem:v0+s15+$0x0], $0xffff;
	_ =	sdelay $0x4  }
0x27a: {  	v6 =	vadd.s32 $0x1, v5;
	vm4 =	vlt.s32 v7, v5  }
0x27b: {  	vm5 =	vlt.s32 v7, v6;
	v7 =	vsel vm4, $0xC00, v2  }
0x27c: {  	v48 =	vsel vm5, $0xC00, v2;
	_ =	sdelay $0x3  }
0x27d: {  	v49 =	vld.idx.msk [tilespmem:v7+s15+$0x0], $0xffff  }
0x27e: {  	v50 =	vld.idx.msk [tilespmem:v48+s15+$0x0], $0xffff;
	_ =	sdelay $0x2  }
0x27f: {  	v51 =	vsel vm4, $0x801, v1;
	v52 =	vsel vm4, $0x1000, v0;
	v53 =	vsel vm5, $0x801, v1  }
0x280: {  	v54 =	vsel vm5, $0x1000, v0;
	v55 =	vor.u32 $0x1, v7;
	vm6 =	vlt.s32 v49, v5  }
0x281: {  	v56 =	vor.u32 $0x1, v48;
	vm7 =	vlt.s32 v50, v6;
	v7 =	vsel vm6, v52, v7  }
0x282: {  	v9 =	vsel vm6, v55, v51;
	v8 =	vsel vm7, v54, v48;
	v57 =	vadd.s32 $0xFFFFFFFF, v7  }
0x283: {  	v10 =	vsel vm7, v56, v53;
	v58 =	vxor.u32 v57, v9;
	v59 =	vadd.s32 $0xFFFFFFFF, v8  }
0x284: {  	v11 =	vor.u32 v57, v9;
	v12 =	vshrl.u32 v58, $0x1;
	v60 =	vxor.u32 v59, v10  }
0x285: {  	v61 =	vor.u32 v59, v10;
	v11 =	vsub.s32 v11, v12;
	v62 =	vshrl.u32 v60, $0x1  }
0x286: {  	v12 =	vsub.s32 v61, v62;
	_ =	sdelay $0x3  }
0x287: {  	v63 =	vld.idx.msk [tilespmem:v11+s15+$0x0], $0xffff  }
0x288: {  	v16 =	vld.idx.msk [tilespmem:v12+s15+$0x0], $0xffff;
	_ =	sdelay $0x3  }
0x289: {  	v17 =	vor.u32 $0x1, v11;
	v18 =	vor.u32 $0x1, v12;
	vm8 =	vlt.s32 v63, v5  }
0x28a: {  	vm9 =	vlt.s32 v16, v6;
	v9 =	vsel vm8, v17, v9;
	v7 =	vsel vm8, v7, v11  }
0x28b: {  	v10 =	vsel vm9, v18, v10;
	v8 =	vsel vm9, v8, v12;
	v19 =	vxor.u32 v7, v9  }
0x28c: {  	v20 =	vand.u32 v7, v9;
	v11 =	vshrl.u32 v19, $0x1;
	v21 =	vxor.u32 v8, v10  }
0x28d: {  	v22 =	vand.u32 v8, v10;
	v11 =	vadd.s32 v11, v20;
	v13 =	vshrl.u32 v21, $0x1  }
0x28e: {  	v12 =	vadd.s32 v13, v22;
	_ =	sdelay $0x3  }
0x28f: {  	v23 =	vld.idx.msk [tilespmem:v11+s15+$0x0], $0xffff  }
0x290: {  	v24 =	vld.idx.msk [tilespmem:v12+s15+$0x0], $0xffff;
	_ =	sdelay $0x3  }
0x291: {  	v25 =	vadd.s32 $0x1, v11;
	v26 =	vadd.s32 $0x1, v12;
	vm10 =	vlt.s32 v23, v5  }
0x292: {  	vm11 =	vlt.s32 v24, v6;
	v9 =	vsel vm10, v25, v9;
	v7 =	vsel vm10, v7, v11  }
0x293: {  	v10 =	vsel vm11, v26, v10;
	v8 =	vsel vm11, v8, v12;
	v27 =	vadd.s32 v7, v9  }
0x294: {  	v11 =	vshrl.u32 v27, $0x1;
	v12 =	vadd.s32 v8, v10  }
0x295: {  	v12 =	vshrl.u32 v12, $0x1;
	_ =	sdelay $0x3  }
0x296: {  	v28 =	vld.idx.msk [tilespmem:v11+s15+$0x0], $0xffff  }
0x297: {  	v29 =	vld.idx.msk [tilespmem:v12+s15+$0x0], $0xffff;
	_ =	sdelay $0x3  }
0x298: {  	v30 =	vadd.s32 $0x1, v11;
	v31 =	vadd.s32 $0x1, v12;
	vm12 =	vlt.s32 v28, v5  }
0x299: {  	vm13 =	vlt.s32 v29, v6;
	v9 =	vsel vm12, v30, v9;
	v7 =	vsel vm12, v7, v11  }
0x29a: {  	v10 =	vsel vm13, v31, v10;
	v8 =	vsel vm13, v8, v12;
	v32 =	vadd.s32 v7, v9  }
0x29b: {  	v11 =	vshrl.u32 v32, $0x1;
	v12 =	vadd.s32 v8, v10  }
0x29c: {  	v12 =	vshrl.u32 v12, $0x1;
	_ =	sdelay $0x3  }
0x29d: {  	v33 =	vld.idx.msk [tilespmem:v11+s15+$0x0], $0xffff  }
0x29e: {  	v34 =	vld.idx.msk [tilespmem:v12+s15+$0x0], $0xffff;
	_ =	sdelay $0x3  }
0x29f: {  	v35 =	vadd.s32 $0x1, v11;
	v36 =	vadd.s32 $0x1, v12;
	vm14 =	vlt.s32 v33, v5  }
0x2a0: {  	vm15 =	vlt.s32 v34, v6;
	v9 =	vsel vm14, v35, v9;
	v7 =	vsel vm14, v7, v11  }
0x2a1: {  	v10 =	vsel vm15, v36, v10;
	v8 =	vsel vm15, v8, v12;
	v37 =	vadd.s32 v7, v9  }
0x2a2: {  	v11 =	vshrl.u32 v37, $0x1;
	v12 =	vadd.s32 v8, v10  }
0x2a3: {  	v12 =	vshrl.u32 v12, $0x1;
	_ =	sdelay $0x3  }
0x2a4: {  	v38 =	vld.idx.msk [tilespmem:v11+s15+$0x0], $0xffff  }
0x2a5: {  	v39 =	vld.idx.msk [tilespmem:v12+s15+$0x0], $0xffff;
	_ =	sdelay $0x3  }
0x2a6: {  	v40 =	vadd.s32 $0x1, v11;
	v41 =	vadd.s32 $0x1, v12;
	vm4 =	vlt.s32 v38, v5  }
0x2a7: {  	vm5 =	vlt.s32 v39, v6;
	v9 =	vsel vm4, v40, v9;
	v7 =	vsel vm4, v7, v11  }
0x2a8: {  	v10 =	vsel vm5, v41, v10;
	v8 =	vsel vm5, v8, v12;
	v42 =	vadd.s32 v7, v9  }
0x2a9: {  	v11 =	vshrl.u32 v42, $0x1;
	v12 =	vadd.s32 v8, v10  }
0x2aa: {  	v12 =	vshrl.u32 v12, $0x1;
	_ =	sdelay $0x3  }
0x2ab: {  	v43 =	vld.idx.msk [tilespmem:v11+s15+$0x0], $0xffff  }
0x2ac: {  	v44 =	vld.idx.msk [tilespmem:v12+s15+$0x0], $0xffff;
	_ =	sdelay $0x3  }
0x2ad: {  	v45 =	vadd.s32 $0x1, v11;
	v46 =	vadd.s32 $0x1, v12;
	vm6 =	vlt.s32 v43, v5  }
0x2ae: {  	vm7 =	vlt.s32 v44, v6;
	v9 =	vsel vm6, v45, v9;
	v7 =	vsel vm6, v7, v11  }
0x2af: {  	v10 =	vsel vm7, v46, v10;
	v8 =	vsel vm7, v8, v12;
	v47 =	vadd.s32 v7, v9  }
0x2b0: {  	v11 =	vshrl.u32 v47, $0x1;
	v12 =	vadd.s32 v8, v10  }
0x2b1: {  	v12 =	vshrl.u32 v12, $0x1;
	_ =	sdelay $0x3  }
0x2b2: {  	v48 =	vld.idx.msk [tilespmem:v11+s15+$0x0], $0xffff  }
0x2b3: {  	v49 =	vld.idx.msk [tilespmem:v12+s15+$0x0], $0xffff;
	_ =	sdelay $0x3  }
0x2b4: {  	v50 =	vadd.s32 $0x1, v11;
	v51 =	vadd.s32 $0x1, v12;
	vm8 =	vlt.s32 v48, v5  }
0x2b5: {  	vm9 =	vlt.s32 v49, v6;
	v9 =	vsel vm8, v50, v9;
	v7 =	vsel vm8, v7, v11  }
0x2b6: {  	v10 =	vsel vm9, v51, v10;
	v8 =	vsel vm9, v8, v12;
	v52 =	vadd.s32 v7, v9  }
0x2b7: {  	v11 =	vshrl.u32 v52, $0x1;
	v12 =	vadd.s32 v8, v10  }
0x2b8: {  	v12 =	vshrl.u32 v12, $0x1;
	_ =	sdelay $0x3  }
0x2b9: {  	v53 =	vld.idx.msk [tilespmem:v11+s15+$0x0], $0xffff  }
0x2ba: {  	v54 =	vld.idx.msk [tilespmem:v12+s15+$0x0], $0xffff;
	_ =	sdelay $0x3  }
0x2bb: {  	v55 =	vadd.s32 $0x1, v11;
	v56 =	vadd.s32 $0x1, v12;
	vm10 =	vlt.s32 v53, v5  }
0x2bc: {  	vm11 =	vlt.s32 v54, v6;
	v9 =	vsel vm10, v55, v9;
	v7 =	vsel vm10, v7, v11  }
0x2bd: {  	v10 =	vsel vm11, v56, v10;
	v8 =	vsel vm11, v8, v12;
	v57 =	vadd.s32 v7, v9  }
0x2be: {  	v11 =	vshrl.u32 v57, $0x1;
	v12 =	vadd.s32 v8, v10  }
0x2bf: {  	v12 =	vshrl.u32 v12, $0x1;
	_ =	sdelay $0x3  }
0x2c0: {  	v58 =	vld.idx.msk [tilespmem:v11+s15+$0x0], $0xffff  }
0x2c1: {  	v59 =	vld.idx.msk [tilespmem:v12+s15+$0x0], $0xffff;
	_ =	sdelay $0x3  }
0x2c2: {  	v60 =	vadd.s32 $0x1, v11;
	v61 =	vadd.s32 $0x1, v12;
	vm12 =	vlt.s32 v58, v5  }
0x2c3: {  	vm13 =	vlt.s32 v59, v6;
	v9 =	vsel vm12, v60, v9;
	v7 =	vsel vm12, v7, v11  }
0x2c4: {  	v10 =	vsel vm13, v61, v10;
	v8 =	vsel vm13, v8, v12;
	v7 =	vadd.s32 v7, v9  }
0x2c5: {  	v7 =	vshrl.u32 v7, $0x1;
	v8 =	vadd.s32 v8, v10  }
0x2c6: {  	v8 =	vshrl.u32 v8, $0x1;
	_ =	sdelay $0x3  }
0x2c7: {  	v62 =	vld.idx.msk [tilespmem:v7+s15+$0x0], $0xffff  }
0x2c8: {  	v63 =	vld.idx.msk [tilespmem:v8+s15+$0x0], $0xffff;
	_ =	sdelay $0x3  }
0x2c9: {  	vm14 =	vlt.s32 v62, v5;
	v5 =	vadd.s32 $0x1, v7  }
0x2ca: {  	vm15 =	vlt.s32 v63, v6;
	v5 =	vsel vm14, v5, v9;
	v6 =	vadd.s32 $0x1, v8  }
0x2cb: {  	v6 =	vsel vm15, v6, v10;
	[tilespmem:$0x4270] =	vst v5  }
0x2cc: {  	[tilespmem:$0x4370] =	vst v6  }
0x2cd: {  	_ =	swait.ge [sflag:s17], $0x1000  }
0x2ce: {  	[sflag:s17] =	ssyncset.done $0x0  }
0x2cf: {  	[sflag:s17] =	ssyncadd.s32 $0xFFFFF000  }
0x2d0: {  	_ =	swait.ge [sflag:s17], $0x1000  }
.Ltmp2:
0x2d1: {  	[sflag:s17] =	ssyncset.done $0x0;
	(pc) =	sbr.rel .LBB2_2-.Ltmp2, $4  }
0x2d2: {  	[sflag:s17] =	ssyncadd.s32 $0xFFFFF000  }
0x2d3: {  	_ =	swait.ge [sflag:s17], $0x1000  }
0x2d4: {  	[sflag:s17] =	ssyncset.done $0x0  }
0x2d5: {  	s24 =	simm.s32 $0x0;
	[sflag:s17] =	ssyncadd.s32 $0xFFFFF000  }
.LBB2_13:
0x2d6: {  	v24 =	vld [tilespmem:$0x0]  }
0x2d7: {  	v25 =	vld [tilespmem:$0x1080]  }
0x2d8: {  	v27 =	vld [tilespmem:$0x10]  }
0x2d9: {  	v28 =	vld [tilespmem:$0x1090]  }
0x2da: {  	v26 =	vld [tilespmem:$0x2100];
	v20 =	vbroadcast v8, $0x0;
	v21 =	vbroadcast v9, $0x0  }
0x2db: {  	v22 =	vbroadcast v7, $0x0;
	v29 =	vld [tilespmem:$0x2110];
	v19 =	vbroadcast v6, $0x0;
	v31 =	vadd.s32 $0x1, v3  }
0x2dc: {  	v62 =	vor.u32 $0x10, v3;
	v35 =	vadd.s32 $0x11, v3;
	v63 =	vor.u32 $0xC2C80000, v3  }
0x2dd: {  	v36 =	vor.u32 $0xC2C80010, v3;
	v10 =	vsub.f32 v20, v24;
	v18 =	vsub.f32 v21, v25  }
0x2de: {  	vm1 =	vlt.s32 v19, v31;
	v32 =	vsub.f32 v20, v27;
	v33 =	vsub.f32 v21, v28  }
0x2df: {  	v30 =	vsub.f32 v22, v26;
	v10 =	vmul.f32 v10, v10;
	v18 =	vmul.f32 v18, v18  }
0x2e0: {  	v34 =	vsub.f32 v22, v29;
	v32 =	vmul.f32 v32, v32;
	v33 =	vmul.f32 v33, v33  }
0x2e1: {  	v30 =	vmul.f32 v30, v30;
	v10 =	vadd.f32 v18, v10;
	v18 =	vbroadcast v5, $0x0  }
0x2e2: {  	vm2 =	vlt.s32 v19, v35;
	v61 =	vmul.f32 v34, v34;
	v32 =	vadd.f32 v33, v32  }
0x2e3: {  	vm0 =	vgt.s32 v18, v3;
	v30 =	vadd.f32 v30, v10;
	v10 =	vmov s26  }
0x2e4: {  	v32 =	vadd.f32 v61, v32;
	vm12 =	vgt.s32 v18, v62;
	vm0 =	vmor vm0, vm1  }
0x2e5: {  	vm11 =	veq.s32 v10, v3;
	vm1 =	vmor vm12, vm2;
	vm13 =	veq.s32 v10, v62  }
0x2e6: {  	vm0 =	vmor vm11, vm0;
	vm3 =	vge.f32 v30, $1.000000000e+02;
	vm1 =	vmor vm13, vm1  }
0x2e7: {  	vm14 =	vge.f32 v32, $1.000000000e+02;
	v30 =	vxor.u32 $0x80000000, v30;
	vm0 =	vmor vm0, vm3  }
0x2e8: {  	v32 =	vxor.u32 $0x80000000, v32;
	vm1 =	vmor vm1, vm14;
	v30 =	vsel vm0, v63, v30  }
0x2e9: {  	v41 =	vsel vm1, v36, v32;
	(xrf1) =	vsort.ascd.msk.u32 $0xffff, v30, v3  }
0x2ea: {  	(xrf1) =	vsort.dscd.msk.u32 $0xffff, v41, v62;
	_ =	sdelay $0xc  }
0x2eb: {  	v42, v32, _ =	vpop (xrf1)  }
0x2ec: {  	v37, v38, _ =	vpop (xrf1)  }
0x2ed: {  	v30 =	vxor.u32 $0x80000000, v42;
	v37 =	vxor.u32 $0x80000000, v37  }
0x2ee: {  	vm15 =	vlt.s32 v37, v30  }
0x2ef: {  	v39 =	vsel vm15, v37, v30  }
0x2f0: {  	v40 =	vsel vm15, v38, v32;
	v30 =	vsel vm15, v30, v37;
	v43 =	vxor.u32 $0x80000000, v39  }
0x2f1: {  	v32 =	vsel vm15, v32, v38;
	v30 =	vxor.u32 $0x80000000, v30;
	(xrf1) =	vsort.dscd.msk.u32 $0xffff, v43, v40  }
0x2f2: {  	(xrf1) =	vsort.dscd.msk.u32 $0xffff, v30, v32;
	_ =	sdelay $0xa  }
0x2f3: {  	v9 =	vbroadcast v9, $0x1  }
0x2f4: {  	v8 =	vbroadcast v8, $0x1;
	v6 =	vbroadcast v6, $0x1  }
0x2f5: {  	v25 =	vsub.f32 v9, v25;
	v30, v32, _ =	vpop (xrf1)  }
0x2f6: {  	vm9 =	vlt.s32 v6, v31;
	v24 =	vsub.f32 v8, v24;
	v49 =	vsub.f32 v9, v28;
	v45, v44, _ =	vpop (xrf1)  }
0x2f7: {  	v47 =	vmul.f32 v25, v25;
	v30 =	vxor.u32 $0x80000000, v30;
	v37 =	vxor.u32 $0x80000000, v45  }
0x2f8: {  	vm13 =	vlt.s32 v6, v35;
	vm5 =	vlt.s32 v30, v17;
	vm4 =	vlt.s32 v37, v23  }
0x2f9: {  	v17 =	vsel vm5, v30, v17;
	v16 =	vsel vm5, v32, v16;
	v23 =	vsel vm4, v37, v23  }
0x2fa: {  	v46 =	vsel vm4, v44, v15;
	v15 =	vbroadcast v7, $0x1;
	vm6 =	vgt.s32 v17, v23  }
0x2fb: {  	v7 =	vmul.f32 v24, v24;
	vm7 =	vlt.s32 v17, v23;
	v30 =	vsel vm6, v23, v17  }
0x2fc: {  	v32 =	vsel vm7, v16, v46;
	v17 =	vsel vm6, v17, v23;
	v16 =	vsel vm7, v46, v16  }
0x2fd: {  	v24 =	vadd.f32 v47, v7;
	v7 =	vbroadcast v5, $0x1;
	v5 =	vsub.f32 v8, v27  }
0x2fe: {  	v23 =	vsub.f32 v15, v26;
	v50 =	vsub.f32 v15, v29;
	v26 =	vmul.f32 v49, v49  }
0x2ff: {  	v48 =	vxor.u32 $0x80000000, v30;
	v17 =	vxor.u32 $0x80000000, v17;
	v51 =	vmul.f32 v5, v5  }
0x300: {  	v23 =	vmul.f32 v23, v23;
	vm8 =	vgt.s32 v7, v3;
	v5 =	vmov s25  }
0x301: {  	v53 =	vmul.f32 v50, v50;
	vm12 =	vgt.s32 v7, v62;
	v52 =	vadd.f32 v26, v51  }
0x302: {  	vm0 =	vmor vm8, vm9;
	vm10 =	veq.s32 v5, v3;
	v23 =	vadd.f32 v23, v24  }
0x303: {  	vm14 =	vmor vm12, vm13;
	vm15 =	veq.s32 v5, v62;
	v24 =	vadd.f32 v53, v52  }
0x304: {  	vm0 =	vmor vm10, vm0;
	vm1 =	vmor vm15, vm14;
	vm11 =	vge.f32 v23, $1.000000000e+02  }
0x305: {  	(xrf1) =	vsort.ascd.msk.u32 $0xffff, v48, v32;
	v23 =	vxor.u32 $0x80000000, v23;
	vm0 =	vmor vm0, vm11;
	vm4 =	vge.f32 v24, $1.000000000e+02  }
0x306: {  	(xrf1) =	vsort.ascd.msk.u32 $0xffff, v17, v16;
	v16 =	vsel vm0, v63, v23;
	v17 =	vxor.u32 $0x80000000, v24;
	vm1 =	vmor vm1, vm4  }
0x307: {  	(xrf1) =	vsort.ascd.msk.u32 $0xffff, v16, v3;
	v16 =	vsel vm1, v36, v17  }
0x308: {  	(xrf1) =	vsort.dscd.msk.u32 $0xffff, v16, v62;
	_ =	sdelay $0xa  }
0x309: {  	v16, v17, _ =	vpop (xrf1)  }
0x30a: {  	v23, v24, _ =	vpop (xrf1)  }
0x30b: {  	v55, v54, _ =	vpop (xrf1)  }
0x30c: {  	v57, v56, _ =	vpop (xrf1)  }
0x30d: {  	v25 =	vxor.u32 $0x80000000, v55;
	v27 =	vxor.u32 $0x80000000, v57  }
0x30e: {  	vm5 =	vlt.s32 v27, v25  }
0x30f: {  	v58 =	vsel vm5, v27, v25  }
0x310: {  	v59 =	vsel vm5, v56, v54;
	v25 =	vsel vm5, v25, v27;
	v60 =	vxor.u32 $0x80000000, v58  }
0x311: {  	v26 =	vsel vm5, v54, v56;
	v25 =	vxor.u32 $0x80000000, v25;
	(xrf1) =	vsort.dscd.msk.u32 $0xffff, v60, v59  }
0x312: {  	(xrf1) =	vsort.dscd.msk.u32 $0xffff, v25, v26;
	_ =	sdelay $0x2  }
0x313: {  	v61 =	vld [tilespmem:$0x20]  }
0x314: {  	v42 =	vld [tilespmem:$0x30];
	_ =	sdelay $0x4  }
0x315: {  	v44 =	vsub.f32 v20, v61;
	v20 =	vsub.f32 v20, v42;
	v63 =	vld [tilespmem:$0x10A0]  }
0x316: {  	v43 =	vld [tilespmem:$0x10B0]  }
0x317: {  	v20 =	vmul.f32 v20, v20;
	v50 =	vor.u32 $0x20, v3  }
0x318: {  	v30 =	vmul.f32 v44, v44;
	vm12 =	veq.s32 v10, v50;
	v51 =	vadd.s32 $0x21, v3  }
0x319: {  	vm10 =	vgt.s32 v18, v50;
	v52 =	vadd.s32 $0x31, v3;
	vm11 =	vlt.s32 v19, v51;
	v62, v27, _ =	vpop (xrf1)  }
0x31a: {  	v41 =	vld [tilespmem:$0x2120];
	vm14 =	vlt.s32 v19, v52;
	vm0 =	vmor vm10, vm11;
	v45 =	vsub.f32 v21, v63;
	v39, v40, _ =	vpop (xrf1)  }
0x31b: {  	v48 =	vld [tilespmem:$0x2130];
	v21 =	vsub.f32 v21, v43;
	v26 =	vxor.u32 $0x80000000, v62;
	v29 =	vxor.u32 $0x80000000, v39  }
0x31c: {  	v32 =	vmul.f32 v45, v45;
	vm7 =	vlt.s32 v26, v13;
	vm6 =	vlt.s32 v29, v14  }
0x31d: {  	v21 =	vmul.f32 v21, v21;
	v13 =	vsel vm7, v26, v13;
	v14 =	vsel vm6, v29, v14  }
0x31e: {  	v49 =	vadd.f32 v32, v30;
	v11 =	vsel vm7, v27, v11;
	vm8 =	vgt.s32 v13, v14  }
0x31f: {  	v12 =	vsel vm6, v40, v12;
	vm9 =	vlt.s32 v13, v14;
	v46 =	vsel vm8, v14, v13  }
0x320: {  	v13 =	vsel vm8, v13, v14;
	v14 =	vsub.f32 v22, v41;
	v22 =	vsub.f32 v22, v48  }
0x321: {  	v20 =	vadd.f32 v21, v20;
	v47 =	vsel vm9, v11, v12;
	v11 =	vsel vm9, v12, v11  }
0x322: {  	v12 =	vxor.u32 $0x80000000, v46;
	v14 =	vmul.f32 v14, v14;
	v21 =	vmul.f32 v22, v22  }
0x323: {  	vm0 =	vmor vm12, vm0;
	v13 =	vxor.u32 $0x80000000, v13;
	v22 =	vor.u32 $0x30, v3;
	(xrf1) =	vsort.ascd.msk.u32 $0xffff, v12, v47  }
0x324: {  	vm13 =	vgt.s32 v18, v22;
	v14 =	vadd.f32 v14, v49;
	v20 =	vadd.f32 v21, v20  }
0x325: {  	vm6 =	veq.s32 v10, v22;
	(xrf1) =	vsort.ascd.msk.u32 $0xffff, v13, v11;
	v13 =	vor.u32 $0xC2C80030, v3;
	vm1 =	vmor vm13, vm14  }
0x326: {  	vm1 =	vmor vm6, vm1;
	vm15 =	vge.f32 v14, $1.000000000e+02;
	vm7 =	vge.f32 v20, $1.000000000e+02  }
0x327: {  	v12 =	vxor.u32 $0x80000000, v14;
	v14 =	vor.u32 $0xC2C80020, v3;
	vm0 =	vmor vm0, vm15  }
0x328: {  	vm1 =	vmor vm1, vm7;
	v11 =	vsel vm0, v14, v12;
	v12 =	vxor.u32 $0x80000000, v20  }
0x329: {  	(xrf1) =	vsort.ascd.msk.u32 $0xffff, v11, v50;
	v11 =	vsel vm1, v13, v12  }
0x32a: {  	(xrf1) =	vsort.dscd.msk.u32 $0xffff, v11, v22;
	_ =	sdelay $0xa  }
0x32b: {  	v11, v12, _ =	vpop (xrf1)  }
0x32c: {  	v18, v19, _ =	vpop (xrf1)  }
0x32d: {  	v20, v21, _ =	vpop (xrf1)  }
0x32e: {  	v54, v53, _ =	vpop (xrf1)  }
0x32f: {  	v20 =	vxor.u32 $0x80000000, v20;
	v33 =	vxor.u32 $0x80000000, v54  }
0x330: {  	vm8 =	vlt.s32 v33, v20  }
0x331: {  	v55 =	vsel vm8, v33, v20  }
0x332: {  	v56 =	vsel vm8, v53, v21;
	v20 =	vsel vm8, v20, v33;
	v57 =	vxor.u32 $0x80000000, v55  }
0x333: {  	v21 =	vsel vm8, v21, v53;
	v20 =	vxor.u32 $0x80000000, v20;
	(xrf1) =	vsort.dscd.msk.u32 $0xffff, v57, v56  }
0x334: {  	(xrf1) =	vsort.dscd.msk.u32 $0xffff, v20, v21;
	_ =	sdelay $0xa  }
0x335: {  	v16 =	vxor.u32 $0x80000000, v16;
	v23 =	vxor.u32 $0x80000000, v23;
	v60 =	vsub.f32 v9, v63  }
0x336: {  	v9 =	vsub.f32 v9, v43;
	vm13 =	vgt.s32 v7, v50;
	vm14 =	vlt.s32 v6, v51  }
0x337: {  	v25 =	vmul.f32 v60, v60;
	vm2 =	vmor vm13, vm14;
	vm15 =	veq.s32 v5, v50;
	v20, v21, _ =	vpop (xrf1)  }
0x338: {  	v9 =	vmul.f32 v9, v9;
	vm7 =	vgt.s32 v7, v22;
	vm5 =	vmor vm15, vm2;
	v59, v58, _ =	vpop (xrf1)  }
0x339: {  	vm8 =	vlt.s32 v6, v52;
	v20 =	vxor.u32 $0x80000000, v20;
	v33 =	vxor.u32 $0x80000000, v59  }
0x33a: {  	vm1 =	vmor vm7, vm8;
	vm10 =	vlt.s32 v20, v23;
	vm9 =	vlt.s32 v33, v16  }
0x33b: {  	v20 =	vsel vm10, v20, v23;
	v23 =	vsub.f32 v8, v61;
	v61 =	vsub.f32 v15, v41  }
0x33c: {  	v21 =	vsel vm10, v21, v24;
	v8 =	vsub.f32 v8, v42;
	v15 =	vsub.f32 v15, v48  }
0x33d: {  	v16 =	vsel vm9, v33, v16;
	v17 =	vsel vm9, v58, v17;
	v23 =	vmul.f32 v23, v23  }
0x33e: {  	vm9 =	veq.s32 v5, v22;
	vm11 =	vgt.s32 v20, v16;
	v8 =	vmul.f32 v8, v8  }
0x33f: {  	vm12 =	vlt.s32 v20, v16;
	v63 =	vmul.f32 v61, v61;
	v23 =	vadd.f32 v25, v23  }
0x340: {  	vm1 =	vmor vm9, vm1;
	v8 =	vadd.f32 v9, v8;
	v9 =	vmul.f32 v15, v15  }
0x341: {  	v62 =	vsel vm11, v16, v20;
	v16 =	vsel vm11, v20, v16;
	v23 =	vadd.f32 v63, v23  }
0x342: {  	v20 =	vsel vm12, v21, v17;
	v15 =	vsel vm12, v17, v21;
	v8 =	vadd.f32 v9, v8  }
0x343: {  	v17 =	vxor.u32 $0x80000000, v62;
	v6 =	vxor.u32 $0x80000000, v16;
	vm6 =	vge.f32 v23, $1.000000000e+02  }
0x344: {  	(xrf1) =	vsort.ascd.msk.u32 $0xffff, v17, v20;
	vm10 =	vge.f32 v8, $1.000000000e+02;
	v7 =	vxor.u32 $0x80000000, v23;
	vm0 =	vmor vm5, vm6  }
0x345: {  	(xrf1) =	vsort.ascd.msk.u32 $0xffff, v6, v15;
	vm1 =	vmor vm1, vm10;
	v6 =	vsel vm0, v14, v7;
	v7 =	vxor.u32 $0x80000000, v8  }
0x346: {  	(xrf1) =	vsort.ascd.msk.u32 $0xffff, v6, v50;
	v6 =	vsel vm1, v13, v7  }
0x347: {  	(xrf1) =	vsort.dscd.msk.u32 $0xffff, v6, v22;
	_ =	sdelay $0xa  }
0x348: {  	v6, v15, _ =	vpop (xrf1)  }
0x349: {  	v7, v16, _ =	vpop (xrf1)  }
0x34a: {  	v8, v9, _ =	vpop (xrf1)  }
0x34b: {  	v13, v14, _ =	vpop (xrf1)  }
0x34c: {  	v8 =	vxor.u32 $0x80000000, v8;
	v13 =	vxor.u32 $0x80000000, v13  }
0x34d: {  	vm11 =	vlt.s32 v13, v8  }
0x34e: {  	v17 =	vsel vm11, v13, v8  }
0x34f: {  	v20 =	vsel vm11, v14, v9;
	v8 =	vsel vm11, v8, v13;
	v13 =	vxor.u32 $0x80000000, v17  }
0x350: {  	v9 =	vsel vm11, v9, v14;
	v8 =	vxor.u32 $0x80000000, v8;
	(xrf1) =	vsort.dscd.msk.u32 $0xffff, v13, v20  }
0x351: {  	(xrf1) =	vsort.dscd.msk.u32 $0xffff, v8, v9;
	_ =	sdelay $0xc  }
0x352: {  	v8, v9, _ =	vpop (xrf1)  }
0x353: {  	v11 =	vxor.u32 $0x80000000, v11;
	v13, v14, _ =	vpop (xrf1)  }
0x354: {  	v17 =	vxor.u32 $0x80000000, v18;
	v8 =	vxor.u32 $0x80000000, v8;
	v13 =	vxor.u32 $0x80000000, v13  }
0x355: {  	vm13 =	vlt.s32 v8, v17;
	vm12 =	vlt.s32 v13, v11  }
0x356: {  	v8 =	vsel vm13, v8, v17;
	v11 =	vsel vm12, v13, v11  }
0x357: {  	v9 =	vsel vm13, v9, v19;
	vm14 =	vgt.s32 v8, v11  }
0x358: {  	v12 =	vsel vm12, v14, v12;
	vm15 =	vlt.s32 v8, v11;
	v13 =	vsel vm14, v11, v8  }
0x359: {  	v14 =	vsel vm15, v9, v12;
	v8 =	vsel vm14, v8, v11;
	v11 =	vxor.u32 $0x80000000, v13  }
0x35a: {  	v9 =	vsel vm15, v12, v9;
	v8 =	vxor.u32 $0x80000000, v8;
	(xrf1) =	vsort.ascd.msk.u32 $0xffff, v11, v14  }
0x35b: {  	(xrf1) =	vsort.ascd.msk.u32 $0xffff, v8, v9;
	_ =	sdelay $0xc  }
0x35c: {  	v8, v12, _ =	vpop (xrf1)  }
0x35d: {  	v23 =	vxor.u32 $0x80000000, v6;
	v6, v11, _ =	vpop (xrf1)  }
0x35e: {  	v17 =	vxor.u32 $0x80000000, v7;
	v14 =	vxor.u32 $0x80000000, v8;
	v13 =	vxor.u32 $0x80000000, v6  }
.LBB2_14:
0x35f: {  	v6 =	vmax.f32 v23, $1.000000000e-30  }
0x360: {  	v7 =	vshra.s32 v6, $0x1;
	v8 =	vmul.f32 $5.000000000e-01, v6  }
0x361: {  	v9 =	vmax.f32 v17, $1.000000000e-30;
	v7 =	vsub.s32 $0x5F3759DF, v7  }
0x362: {  	v19 =	vshra.s32 v9, $0x1;
	v20 =	vmul.f32 $5.000000000e-01, v9;
	v18 =	vmul.f32 v7, v8  }
0x363: {  	v19 =	vsub.s32 $0x5F3759DF, v19  }
0x364: {  	v55 =	vmax.f32 v14, $1.000000000e-30;
	v21 =	vmul.f32 v19, v20;
	v18 =	vmul.f32 v7, v18  }
0x365: {  	v25 =	vmax.f32 v13, $1.000000000e-30;
	v22 =	vshra.s32 v55, $0x1  }
0x366: {  	v24 =	vmul.f32 $5.000000000e-01, v55;
	v21 =	vmul.f32 v19, v21;
	v18 =	vsub.f32 $1.500000000e+00, v18  }
0x367: {  	v26 =	vshra.s32 v25, $0x1;
	v27 =	vmul.f32 $5.000000000e-01, v25;
	v22 =	vsub.s32 $0x5F3759DF, v22  }
0x368: {  	v26 =	vsub.s32 $0x5F3759DF, v26;
	v54 =	vsub.f32 $1.500000000e+00, v21;
	v7 =	vmul.f32 v7, v18  }
0x369: {  	v28 =	vmul.f32 v22, v24;
	v56 =	vmul.f32 v26, v27  }
0x36a: {  	v18 =	vmul.f32 v19, v54;
	v8 =	vmul.f32 v7, v8  }
0x36b: {  	v28 =	vmul.f32 v22, v28;
	v19 =	vmul.f32 v26, v56  }
0x36c: {  	v20 =	vmul.f32 v18, v20;
	v8 =	vmul.f32 v8, v7  }
0x36d: {  	v28 =	vsub.f32 $1.500000000e+00, v28;
	v19 =	vsub.f32 $1.500000000e+00, v19  }
0x36e: {  	v20 =	vmul.f32 v20, v18;
	v8 =	vsub.f32 $1.500000000e+00, v8  }
0x36f: {  	v57 =	vmul.f32 v22, v28;
	v19 =	vmul.f32 v26, v19  }
0x370: {  	v20 =	vsub.f32 $1.500000000e+00, v20;
	v7 =	vmul.f32 v8, v7  }
0x371: {  	v22 =	vmul.f32 v57, v24;
	v58 =	vmul.f32 v19, v27  }
0x372: {  	v18 =	vmul.f32 v20, v18;
	v7 =	vmul.f32 v7, v6  }
0x373: {  	v22 =	vmul.f32 v22, v57;
	v20 =	vmul.f32 v58, v19  }
0x374: {  	v18 =	vmul.f32 v18, v9;
	(erf) = vrcp.f32 v7  }
0x375: {  	v22 =	vsub.f32 $1.500000000e+00, v22  }
0x376: {  	v20 =	vsub.f32 $1.500000000e+00, v20;
	(erf) = vrcp.f32 v18  }
0x377: {  	v8 =	vmul.f32 v22, v57  }
0x378: {  	v19 =	vmul.f32 v20, v19  }
0x379: {  	v8 =	vmul.f32 v8, v55  }
0x37a: {  	v19 =	vmul.f32 v19, v25  }
0x37b: {  	(erf) = vrcp.f32 v8  }
0x37c: {  	(erf) = vrcp.f32 v19  }
0x37d: {  	v59 =	vpop (erf)  }
0x37e: {  	v6 =	vmul.f32 v59, v6  }
0x37f: {  	v60 =	vpop (erf)  }
0x380: {  	v6 =	vadd.f32 v6, v7;
	v7 =	vmul.f32 v60, v9;
	_ =	sdelay $0x1  }
0x381: {  	s0 =	sshll.u32 s24, $0x6;
	v7 =	vadd.f32 v7, v18  }
0x382: {  	vm0 =	vgt.f32 v23, $0.0e+00;
	[tilespmem:s0+$0x5400] =	vst v15;
	v6 =	vmul.f32 $5.000000000e-01, v6  }
0x383: {  	vm1 =	vgt.s32 v23, $0x42C7FFFF;
	vm10 =	vgt.f32 v17, $0.0e+00;
	[tilespmem:s0+$0x5410] =	vst v16;
	v61 =	vpop (erf);
	v7 =	vmul.f32 $5.000000000e-01, v7  }
0x384: {  	vm11 =	vgt.s32 v17, $0x42C7FFFF;
	[tilespmem:s0+$0x6400] =	vst v10;
	v9 =	vmul.f32 v61, v55;
	v62 =	vpop (erf);
	v6 =	vnsel vm0, $0x0, v6  }
0x385: {  	[tilespmem:s0+$0x6410] =	vst v10;
	v63 =	vmul.f32 v62, v25;
	v6 =	vsel vm1, $0x41200000, v6;
	v7 =	vnsel vm10, $0x0, v7  }
0x386: {  	[tilespmem:s0+$0x4400] =	vst v6;
	v6 =	vadd.f32 v9, v8;
	v7 =	vsel vm11, $0x41200000, v7  }
0x387: {  	s24 =	sadd.s32 $0x1, s24;
	[tilespmem:s0+$0x4410] =	vst v7;
	v7 =	vadd.f32 v63, v19  }
0x388: {  	[tilespmem:s0+$0x5420] =	vst v12;
	p0 =	sne.s32 s24, $0x40;
	v6 =	vmul.f32 $5.000000000e-01, v6  }
.Ltmp3:
0x389: {  	vm12 =	vgt.f32 v14, $0.0e+00;
	[tilespmem:s0+$0x5430] =	vst v11;
	v7 =	vmul.f32 $5.000000000e-01, v7;
	(pc) =	sbr.rel @!p0 .LBB2_15-.Ltmp3, $4  }
0x38a: {  	vm13 =	vgt.s32 v14, $0x42C7FFFF;
	vm14 =	vgt.f32 v13, $0.0e+00;
	[tilespmem:s0+$0x6420] =	vst v5;
	v6 =	vnsel vm12, $0x0, v6  }
0x38b: {  	vm15 =	vgt.s32 v13, $0x42C7FFFF;
	[tilespmem:s0+$0x6430] =	vst v5;
	v6 =	vsel vm13, $0x41200000, v6;
	v7 =	vnsel vm14, $0x0, v7  }
0x38c: {  	[tilespmem:s0+$0x4420] =	vst v6;
	v7 =	vsel vm15, $0x41200000, v7  }
0x38d: {  	[tilespmem:s0+$0x4430] =	vst v7  }
.LBB2_2:
0x38e: {  	s1 =	sshll.u32 s24, $0x1  }
0x38f: {  	v5 =	vld [tilespmem:s1+$0x4200]  }
0x390: {  	v6 =	vld [tilespmem:s1+$0x4300];
	_ =	sdelay $0x3  }
0x391: {  	(v2sf) =	vpush v5, $0x0  }
0x392: {  	(v2sf) =	vpush v6, $0x0  }
0x393: {  	(v2sf) =	vpush v5, $0x1  }
0x394: {  	(v2sf) =	vpush v6, $0x1;
	_ =	sdelay $0xb  }
0x395: {  	s0 =	spop (v2sf)  }
0x396: {  	s3 =	spop (v2sf)  }
0x397: {  	s28 =	spop (v2sf)  }
0x398: {  	s13 =	spop (v2sf);
	p0 =	slt.s32 s0, s28  }
0x399: {  	s28 =	smov.u32 @p0 s0;
	p0 =	sgt.s32 s3, s13  }
0x39a: {  	s13 =	smov.u32 @p0 s3;
	s0 =	sshra.s32 s28, $0x5  }
0x39b: {  	p0 =	sgt.s32 s0, $0x2;
	s3 =	sadd.s32 $0x1F, s13  }
0x39c: {  	s0 =	simm.s32 @!p0 $0x2;
	s29 =	sshra.s32 s3, $0x5  }
0x39d: {  	p0 =	sle.s32 s29, s0  }
.Ltmp4:
0x39e: {  	_ = 	snop;
	(pc) =	sbr.rel @p0 .LBB2_3-.Ltmp4, $4  }
0x39f: {  	_ = 	snop  }
0x3a0: {  	v8 =	vld.idx.msk [tilespmem:v4+s1+$0x0 ss:$0x1], $0xffff  }
0x3a1: {  	s26 =	sadd.s32 s7, s1;
	v9 =	vld.idx.msk [tilespmem:v4+s1+$0x1080 ss:$0x1], $0xffff  }
0x3a2: {  	v7 =	vld.idx.msk [tilespmem:v4+s1+$0x2100 ss:$0x1], $0xffff;
	s25 =	sor.u32 $0x1, s26  }
0x3a3: {  	s1 =	sshll.u32 s0, $0x7  }
0x3a4: {  	s1 =	sshra.s32 s1, $0x2  }
0x3a5: {  	s30 =	sor.u32 $0x10, s1  }
0x3a6: {  	v15 =	vbroadcast v5, $0x0;
	s3 =	sadd.s32 $0x2110, s1;
	v10 =	vld [tilespmem:s30+$0xFFFFFFF0]  }
0x3a7: {  	v16 =	vbroadcast v6, $0x0;
	s13 =	sshll.u32 s0, $0x5;
	v19 =	vmov s26;
	v20 =	vbroadcast v5, $0x1;
	v11 =	vld [tilespmem:s3+$0x0]  }
0x3a8: {  	v21 =	vbroadcast v6, $0x1;
	v23 =	vmov s25;
	v24 =	vor.u32 $0x42C80000, v3;
	s31 =	sadd.s32 $0x10, s13;
	s1 =	sadd.s32 $0x1090, s1;
	v25 =	vld [tilespmem:s3+$0xFFFFFFF0]  }
0x3a9: {  	v12 =	vbroadcast v8, $0x0;
	v17 =	vbroadcast v8, $0x1;
	v27 =	vor.u32 s31, v3;
	v26 =	vld [tilespmem:s1+$0x0]  }
0x3aa: {  	v13 =	vbroadcast v9, $0x0;
	v18 =	vbroadcast v9, $0x1;
	v28 =	vld [tilespmem:s1+$0xFFFFFFF0];
	vm0 =	vlt.s32 v27, v20  }
0x3ab: {  	vm1 =	vge.s32 v27, v21;
	v29 =	vld [tilespmem:s30+$0x0];
	vm2 =	vge.s32 v27, v16;
	v14 =	vbroadcast v7, $0x0  }
0x3ac: {  	vm13 =	vlt.s32 v27, v15;
	vm3 =	veq.s32 v27, v23;
	v22 =	vbroadcast v7, $0x1  }
0x3ad: {  	vm10 =	veq.s32 v27, v19;
	v30 =	vsub.f32 v12, v10;
	v31 =	vsub.f32 v14, v11  }
0x3ae: {  	vm0 =	vmor vm0, vm1;
	v11 =	vsub.f32 v22, v11;
	v32 =	vsub.f32 v14, v25  }
0x3af: {  	vm1 =	vmor vm13, vm2;
	v10 =	vsub.f32 v17, v10;
	v33 =	vsub.f32 v18, v28  }
0x3b0: {  	vm0 =	vmor vm3, vm0;
	v34 =	vsub.f32 v18, v26;
	v35 =	vsub.f32 v17, v29  }
0x3b1: {  	v26 =	vsub.f32 v13, v26;
	v31 =	vmul.f32 v31, v31;
	v10 =	vmul.f32 v10, v10  }
0x3b2: {  	v25 =	vsub.f32 v22, v25;
	v33 =	vmul.f32 v33, v33;
	v34 =	vmul.f32 v34, v34  }
0x3b3: {  	v29 =	vsub.f32 v12, v29;
	v35 =	vmul.f32 v35, v35;
	v30 =	vmul.f32 v30, v30  }
0x3b4: {  	v28 =	vsub.f32 v13, v28;
	v11 =	vmul.f32 v11, v11;
	v63 =	vmul.f32 v25, v25  }
0x3b5: {  	vm1 =	vmor vm10, vm1;
	v26 =	vmul.f32 v26, v26;
	v32 =	vmul.f32 v32, v32  }
0x3b6: {  	v25 =	vor.u32 s13, v3;
	v29 =	vmul.f32 v29, v29;
	v28 =	vmul.f32 v28, v28  }
0x3b7: {  	vm14 =	vge.s32 v25, v16;
	vm15 =	vlt.s32 v25, v15;
	vm6 =	vge.s32 v25, v21  }
0x3b8: {  	vm7 =	vlt.s32 v25, v20;
	vm8 =	veq.s32 v25, v23;
	v10 =	vadd.f32 v33, v10  }
0x3b9: {  	vm9 =	veq.s32 v25, v19;
	v34 =	vadd.f32 v34, v35;
	v26 =	vadd.f32 v26, v29  }
0x3ba: {  	v29 =	vadd.s32 s31, v24;
	vm2 =	vmor vm15, vm14;
	v28 =	vadd.f32 v28, v30  }
0x3bb: {  	vm6 =	vmor vm7, vm6;
	v30 =	vadd.s32 s13, v24;
	v26 =	vadd.f32 v31, v26  }
0x3bc: {  	p0 =	sgt.s32 s29, $0x2;
	vm2 =	vmor vm9, vm2;
	v10 =	vadd.f32 v63, v10;
	v11 =	vadd.f32 v11, v34  }
0x3bd: {  	s0 =	sadd.s32 $0x1, s0;
	s29 =	simm.s32 @!p0 $0x2;
	vm12 =	vmor vm8, vm6;
	v28 =	vadd.f32 v32, v28;
	vm11 =	vge.f32 v26, $1.000000000e+02  }
0x3be: {  	p2 =	slt.u32 s0, s29;
	vm4 =	vge.f32 v10, $1.000000000e+02;
	vm5 =	vge.f32 v11, $1.000000000e+02;
	vm1 =	vmor vm1, vm11  }
.Ltmp5:
0x3bf: {  	vm14 =	vge.f32 v28, $1.000000000e+02;
	vm0 =	vmor vm0, vm5;
	v26 =	vsel vm1, v29, v26;
	(pc) =	sbr.rel @!p2 .LBB2_5-.Ltmp5, $4  }
0x3c0: {  	vm13 =	vmor vm12, vm4;
	v11 =	vsel vm0, v29, v11;
	v26 =	vxor.u32 $0x80000000, v26  }
0x3c1: {  	vm15 =	vmor vm2, vm14;
	v10 =	vsel vm13, v30, v10;
	v11 =	vxor.u32 $0x80000000, v11;
	(xrf1) =	vsort.dscd.msk.u32 $0xffff, v26, v27  }
0x3c2: {  	p1 =	por $0x0, $0x0;
	p0 =	por $0x0, $0x0;
	s1 =	sadd.s32 $0x20, s1;
	v26 =	vsel vm15, v30, v28;
	(xrf1) =	vsort.dscd.msk.u32 $0xffff, v11, v27;
	v27 =	vxor.u32 $0x80000000, v10  }
0x3c3: {  	s3 =	sadd.s32 $0x20, s3;
	s30 =	sadd.s32 $0x20, s30;
	s13 =	sadd.s32 $0x20, s13;
	v11 =	vimm.s32 $0x7F000000;
	v10 =	vimm.s32 $0x0;
	v29 =	vxor.u32 $0x80000000, v26;
	(xrf1) =	vsort.ascd.msk.u32 $0xffff, v27, v25  }
0x3c4: {  	v27 =	vld [tilespmem:s30+$0xFFFFFFF0];
	s31 =	sadd.s32 $0x10, s13  }
0x3c5: {  	v28 =	vld [tilespmem:s3+$0x0];
	(xrf1) =	vsort.ascd.msk.u32 $0xffff, v29, v25;
	v25 =	vor.u32 s13, v3;
	v60 =	vadd.s32 s13, v24;
	v30 =	vor.u32 s31, v3  }
0x3c6: {  	v31 =	vld [tilespmem:s3+$0xFFFFFFF0];
	vm4 =	vlt.s32 v25, v15;
	v57 =	vadd.s32 s31, v24;
	vm7 =	vge.s32 v25, v21  }
0x3c7: {  	v32 =	vld [tilespmem:s1+$0x0];
	vm8 =	vlt.s32 v25, v20;
	vm9 =	veq.s32 v25, v23;
	vm10 =	veq.s32 v25, v19  }
0x3c8: {  	v29 =	vld [tilespmem:s1+$0xFFFFFFF0];
	vm0 =	vlt.s32 v30, v20;
	vm1 =	vge.s32 v30, v21;
	vm2 =	vge.s32 v30, v16  }
0x3c9: {  	v34 =	vld [tilespmem:s30+$0x0];
	vm3 =	veq.s32 v30, v23;
	vm7 =	vmor vm8, vm7;
	vm14 =	veq.s32 v30, v19  }
0x3ca: {  	vm0 =	vmor vm0, vm1;
	v35 =	vsub.f32 v12, v27;
	v36 =	vsub.f32 v14, v28  }
0x3cb: {  	vm1 =	vlt.s32 v30, v15;
	v28 =	vsub.f32 v22, v28;
	v37 =	vsub.f32 v14, v31  }
0x3cc: {  	vm2 =	vmor vm1, vm2;
	v27 =	vsub.f32 v17, v27;
	v38 =	vsub.f32 v13, v32  }
0x3cd: {  	vm0 =	vmor vm3, vm0;
	v32 =	vsub.f32 v18, v32;
	v39 =	vsub.f32 v18, v29  }
0x3ce: {  	vm3 =	vge.s32 v25, v16;
	v40 =	vsub.f32 v17, v34;
	v31 =	vsub.f32 v22, v31  }
0x3cf: {  	v34 =	vsub.f32 v12, v34;
	v27 =	vmul.f32 v27, v27;
	v39 =	vmul.f32 v39, v39  }
0x3d0: {  	v29 =	vsub.f32 v13, v29;
	v35 =	vmul.f32 v35, v35;
	v38 =	vmul.f32 v38, v38  }
0x3d1: {  	v32 =	vmul.f32 v32, v32;
	v31 =	vmul.f32 v31, v31;
	v27 =	vadd.f32 v39, v27  }
0x3d2: {  	vm3 =	vmor vm4, vm3;
	v40 =	vmul.f32 v40, v40;
	v29 =	vmul.f32 v29, v29  }
0x3d3: {  	v28 =	vmul.f32 v28, v28;
	v31 =	vadd.f32 v31, v27;
	v27 =	vmul.f32 v34, v34  }
0x3d4: {  	v37 =	vmul.f32 v37, v37;
	v32 =	vadd.f32 v32, v40;
	v29 =	vadd.f32 v29, v35  }
0x3d5: {  	vm2 =	vmor vm14, vm2;
	v36 =	vmul.f32 v36, v36;
	v33, v26, _ =	vpop (xrf1);
	v56 =	vadd.f32 v38, v27  }
0x3d6: {  	vm3 =	vmor vm10, vm3;
	v28 =	vadd.f32 v28, v32;
	v29 =	vadd.f32 v37, v29;
	v41, v42, _ =	vpop (xrf1)  }
0x3d7: {  	v33 =	vxor.u32 $0x80000000, v33;
	v41 =	vxor.u32 $0x80000000, v41;
	v43, v44, _ =	vpop (xrf1);
	v32 =	vadd.f32 v36, v56  }
0x3d8: {  	vm5 =	vge.f32 v31, $1.000000000e+02;
	vm6 =	vge.f32 v28, $1.000000000e+02;
	v55 =	vxor.u32 $0x80000000, v43  }
0x3d9: {  	vm0 =	vmor vm0, vm6;
	vm1 =	vlt.s32 v41, v55;
	vm15 =	vge.f32 v32, $1.000000000e+02  }
0x3da: {  	v28 =	vsel vm0, v57, v28;
	v58 =	vsel vm1, v55, v41;
	vm2 =	vmor vm2, vm15  }
0x3db: {  	v34, v27, _ =	vpop (xrf1);
	v59 =	vsel vm1, v44, v42;
	v28 =	vxor.u32 $0x80000000, v28;
	v32 =	vsel vm2, v57, v32  }
0x3dc: {  	s0 =	sadd.s32 $0x1, s0;
	v34 =	vxor.u32 $0x80000000, v34;
	vm2 =	vmor vm9, vm7;
	v32 =	vxor.u32 $0x80000000, v32  }
0x3dd: {  	p2 =	slt.u32 s0, s29;
	v61 =	vxor.u32 $0x80000000, v58;
	vm0 =	vlt.s32 v33, v34;
	vm2 =	vmor vm2, vm5;
	(xrf1) =	vsort.dscd.msk.u32 $0xffff, v32, v30  }
.Ltmp6:
0x3de: {  	v62 =	vsel vm0, v33, v34;
	v31 =	vsel vm2, v60, v31;
	vm2 =	vge.f32 v29, $1.000000000e+02;
	(xrf1) =	vsort.dscd.msk.u32 $0xffff, v61, v59;
	(pc) =	sbr.rel @!p2 .LBB2_7-.Ltmp6, $4  }
0x3df: {  	vm2 =	vmor vm3, vm2;
	(xrf1) =	vsort.dscd.msk.u32 $0xffff, v28, v30;
	v28 =	vsel vm0, v26, v27;
	v30 =	vxor.u32 $0x80000000, v62  }
0x3e0: {  	v63 =	vsel vm1, v41, v55;
	v31 =	vxor.u32 $0x80000000, v31;
	v29 =	vsel vm2, v60, v29;
	(xrf1) =	vsort.dscd.msk.u32 $0xffff, v30, v28  }
0x3e1: {  	s3 =	sadd.s32 $0x20, s3;
	p0 =	por $0x1, $0x1;
	v28 =	vsel vm0, v34, v33;
	v30 =	vsel vm1, v42, v44;
	(xrf1) =	vsort.ascd.msk.u32 $0xffff, v31, v25;
	v31 =	vxor.u32 $0x80000000, v63  }
0x3e2: {  	s31 =	sadd.s32 $0x20, s1;
	s1 =	sadd.s32 $0x20, s13;
	s13 =	sadd.s32 $0x20, s30;
	v29 =	vxor.u32 $0x80000000, v29;
	v28 =	vxor.u32 $0x80000000, v28;
	(xrf1) =	vsort.dscd.msk.u32 $0xffff, v31, v30  }
0x3e3: {  	s30 =	sadd.s32 $0x10, s1;
	v33 =	vsel vm0, v27, v26  }
0x3e4: {  	v30 =	vld [tilespmem:s13+$0xFFFFFFF0];
	(xrf1) =	vsort.ascd.msk.u32 $0xffff, v29, v25;
	v25 =	vor.u32 s1, v3;
	v63 =	vadd.s32 s1, v24;
	v32 =	vor.u32 s30, v3  }
0x3e5: {  	v31 =	vld [tilespmem:s3+$0x0];
	vm6 =	vge.s32 v25, v16;
	vm7 =	vlt.s32 v25, v15;
	v60 =	vadd.s32 s30, v24  }
0x3e6: {  	v27 =	vld [tilespmem:s31+$0x0];
	vm8 =	vge.s32 v25, v21;
	vm9 =	vlt.s32 v25, v20;
	vm10 =	veq.s32 v25, v23  }
0x3e7: {  	v35 =	vld [tilespmem:s3+$0xFFFFFFF0];
	vm11 =	veq.s32 v25, v19;
	vm0 =	vlt.s32 v32, v20;
	vm1 =	vge.s32 v32, v21  }
0x3e8: {  	v29 =	vld [tilespmem:s31+$0xFFFFFFF0];
	vm2 =	vge.s32 v32, v16;
	vm3 =	veq.s32 v32, v23;
	vm8 =	vmor vm9, vm8  }
0x3e9: {  	vm6 =	vmor vm7, vm6;
	vm13 =	veq.s32 v32, v19;
	vm0 =	vmor vm0, vm1  }
0x3ea: {  	v38 =	vld [tilespmem:s13+$0x0];
	vm1 =	vlt.s32 v32, v15;
	v36 =	vsub.f32 v12, v30;
	v37 =	vsub.f32 v14, v31  }
0x3eb: {  	vm6 =	vmor vm11, vm6;
	v31 =	vsub.f32 v22, v31;
	v30 =	vsub.f32 v17, v30  }
0x3ec: {  	vm2 =	vmor vm1, vm2;
	v39 =	vsub.f32 v13, v27;
	v27 =	vsub.f32 v18, v27  }
0x3ed: {  	vm0 =	vmor vm3, vm0;
	v42 =	vsub.f32 v14, v35;
	v47 =	vsub.f32 v18, v29  }
0x3ee: {  	v35 =	vsub.f32 v22, v35;
	v37 =	vmul.f32 v37, v37;
	v36 =	vmul.f32 v36, v36  }
0x3ef: {  	v50 =	vsub.f32 v17, v38;
	v30 =	vmul.f32 v30, v30;
	v39 =	vmul.f32 v39, v39  }
0x3f0: {  	v29 =	vsub.f32 v13, v29;
	v27 =	vmul.f32 v27, v27;
	v31 =	vmul.f32 v31, v31  }
0x3f1: {  	v38 =	vsub.f32 v12, v38;
	v42 =	vmul.f32 v42, v42;
	v47 =	vmul.f32 v47, v47  }
0x3f2: {  	vm2 =	vmor vm13, vm2;
	v35 =	vmul.f32 v35, v35;
	v50 =	vmul.f32 v50, v50;
	v34, v26, _ =	vpop (xrf1)  }
0x3f3: {  	v57 =	vmul.f32 v38, v38;
	v29 =	vmul.f32 v29, v29;
	v40, v41, _ =	vpop (xrf1);
	v30 =	vadd.f32 v47, v30  }
0x3f4: {  	v34 =	vxor.u32 $0x80000000, v34;
	v27 =	vadd.f32 v27, v50;
	v40 =	vxor.u32 $0x80000000, v40  }
0x3f5: {  	v29 =	vadd.f32 v29, v36;
	v43, v44, _ =	vpop (xrf1);
	vm3 =	vlt.s32 v40, v11;
	v30 =	vadd.f32 v35, v30  }
0x3f6: {  	(xrf1) =	vsort.dscd.msk.u32 $0xffff, v28, v33;
	v45, v46, _ =	vpop (xrf1);
	v43 =	vxor.u32 $0x80000000, v43;
	v31 =	vadd.f32 v31, v27;
	v35 =	vadd.f32 v39, v57  }
0x3f7: {  	v29 =	vadd.f32 v42, v29;
	v48, v49, _ =	vpop (xrf1);
	v40 =	vsel vm3, v40, v11;
	v41 =	vsel vm3, v41, v10  }
0x3f8: {  	v55 =	vxor.u32 $0x80000000, v45;
	v51, v52, _ =	vpop (xrf1);
	v48 =	vxor.u32 $0x80000000, v48;
	v61 =	vadd.f32 v37, v35  }
0x3f9: {  	vm4 =	vge.f32 v30, $1.000000000e+02;
	vm12 =	vge.f32 v31, $1.000000000e+02;
	v51 =	vxor.u32 $0x80000000, v51  }
0x3fa: {  	vm1 =	vlt.s32 v43, v48;
	v50, v27, _ =	vpop (xrf1);
	vm0 =	vmor vm0, vm12;
	vm14 =	vge.f32 v61, $1.000000000e+02  }
0x3fb: {  	vm5 =	vlt.s32 v51, v11;
	v50 =	vxor.u32 $0x80000000, v50;
	vm2 =	vmor vm2, vm14  }
0x3fc: {  	v28 =	vsel vm1, v48, v43;
	v35 =	vsel vm1, v43, v48;
	v33 =	vsel vm2, v60, v61  }
0x3fd: {  	v62 =	vsel vm1, v49, v44;
	v31 =	vsel vm0, v60, v31;
	v33 =	vxor.u32 $0x80000000, v33  }
0x3fe: {  	v58 =	vsel vm5, v51, v11;
	v59 =	vsel vm5, v52, v10;
	v28 =	vxor.u32 $0x80000000, v28;
	(xrf1) =	vsort.dscd.msk.u32 $0xffff, v33, v32  }
0x3ff: {  	vm0 =	vlt.s32 v34, v50;
	v31 =	vxor.u32 $0x80000000, v31;
	v35 =	vxor.u32 $0x80000000, v35  }
0x400: {  	vm15 =	vgt.s32 v58, v40;
	vm3 =	vlt.s32 v58, v40;
	v56 =	vsel vm0, v34, v50  }
0x401: {  	vm2 =	vmor vm10, vm8;
	v57 =	vsel vm0, v26, v27;
	v34 =	vsel vm0, v50, v34;
	(xrf1) =	vsort.dscd.msk.u32 $0xffff, v28, v62  }
0x402: {  	v52 =	vsel vm15, v40, v58;
	vm2 =	vmor vm2, vm4;
	v54 =	vsel vm3, v41, v59  }
0x403: {  	v53 =	vxor.u32 $0x80000000, v52;
	v30 =	vsel vm2, v63, v30;
	vm2 =	vge.f32 v29, $1.000000000e+02;
	(xrf1) =	vsort.dscd.msk.u32 $0xffff, v31, v32  }
0x404: {  	s30 =	sadd.s32 $0x1, s0;
	v28 =	vsel vm15, v58, v40;
	vm2 =	vmor vm6, vm2;
	v58 =	vsel vm3, v59, v41  }
0x405: {  	p2 =	slt.u32 s30, s29;
	v38, v40, _ =	vpop (xrf1);
	v60 =	vxor.u32 $0x80000000, v30;
	v62 =	vsel vm1, v44, v49;
	v31 =	vxor.u32 $0x80000000, v56;
	(xrf1) =	vsort.ascd.msk.u32 $0xffff, v53, v58  }
.Ltmp7:
0x406: {  	v29 =	vsel vm2, v63, v29;
	vm2 =	vlt.s32 v55, v11;
	v59 =	vxor.u32 $0x80000000, v38;
	(xrf1) =	vsort.dscd.msk.u32 $0xffff, v31, v57;
	(pc) =	sbr.rel @!p2 .LBB2_10-.Ltmp7, $4  }
0x407: {  	v63 =	vxor.u32 $0x80000000, v28;
	v61 =	vsel vm2, v55, v11;
	vm1 =	vlt.s32 v59, v11;
	(xrf1) =	vsort.ascd.msk.u32 $0xffff, v60, v25  }
0x408: {  	v28 =	vxor.u32 $0x80000000, v34;
	v30 =	vsel vm2, v46, v10;
	v32 =	vsel vm1, v59, v11;
	(xrf1) =	vsort.dscd.msk.u32 $0xffff, v35, v62  }
0x409: {  	s31 =	sadd.s32 $0x20, s31;
	s3 =	sadd.s32 $0x20, s3;
	v31 =	vsel vm1, v40, v10;
	vm1 =	vlt.s32 v61, v32;
	vm2 =	vgt.s32 v61, v32  }
0x40a: {  	p1 =	por $0x1, $0x1;
	s0 =	sadd.s32 $0x20, s1;
	s1 =	sadd.s32 $0x20, s13;
	v29 =	vxor.u32 $0x80000000, v29;
	v33 =	vsel vm2, v32, v61;
	v32 =	vsel vm2, v61, v32;
	(xrf1) =	vsort.ascd.msk.u32 $0xffff, v63, v54  }
.LBB2_9:
0x40b: {  	s13 =	sadd.s32 $0x10, s0;
	v34 =	vld [tilespmem:s1+$0xFFFFFFF0];
	s30 =	sadd.s32 $0x1, s30;
	v35 =	vsel vm1, v30, v31;
	v31 =	vsel vm1, v31, v30;
	v33 =	vxor.u32 $0x80000000, v33  }
0x40c: {  	v37 =	vsel vm0, v27, v26;
	v36 =	vld [tilespmem:s3+$0x0];
	v30 =	vor.u32 s13, v3;
	p2 =	slt.u32 s30, s29;
	v27, v26, _ =	vpop (xrf1);
	(xrf1) =	vsort.ascd.msk.u32 $0xffff, v33, v35  }
0x40d: {  	v35 =	vld [tilespmem:s3+$0xFFFFFFF0];
	vm0 =	vlt.s32 v30, v20;
	vm1 =	vge.s32 v30, v21  }
0x40e: {  	v38 =	vxor.u32 $0x80000000, v32;
	vm2 =	vge.s32 v30, v16;
	v33 =	vld [tilespmem:s31+$0x0];
	vm0 =	vmor vm0, vm1  }
0x40f: {  	vm3 =	veq.s32 v30, v23;
	v32 =	vxor.u32 $0x80000000, v27;
	vm1 =	vlt.s32 v30, v15;
	v39 =	vld [tilespmem:s1+$0x0];
	(xrf1) =	vsort.ascd.msk.u32 $0xffff, v29, v25;
	v27, v29, _ =	vpop (xrf1)  }
0x410: {  	vm2 =	vmor vm1, vm2;
	vm0 =	vmor vm3, vm0;
	v40 =	vld [tilespmem:s31+$0xFFFFFFF0];
	v41 =	vsub.f32 v12, v34;
	(xrf1) =	vsort.ascd.msk.u32 $0xffff, v38, v31  }
0x411: {  	v25 =	vor.u32 s0, v3;
	v38 =	vsub.f32 v14, v36;
	v36 =	vsub.f32 v22, v36;
	v42, v31, _ =	vpop (xrf1)  }
0x412: {  	v34 =	vsub.f32 v17, v34;
	v27 =	vxor.u32 $0x80000000, v27;
	v43 =	vsub.f32 v14, v35  }
0x413: {  	v44 =	vsub.f32 v13, v33;
	v38 =	vmul.f32 v38, v38;
	v45 =	vsub.f32 v18, v33;
	v47, v46, _ =	vpop (xrf1)  }
0x414: {  	v41 =	vmul.f32 v41, v41;
	v34 =	vmul.f32 v34, v34;
	v48, v33, _ =	vpop (xrf1);
	v47 =	vxor.u32 $0x80000000, v47  }
0x415: {  	v44 =	vmul.f32 v44, v44;
	v45 =	vmul.f32 v45, v45;
	v49, v50, _ =	vpop (xrf1);
	vm3 =	vlt.s32 v27, v47  }
0x416: {  	v35 =	vsub.f32 v22, v35;
	v42 =	vxor.u32 $0x80000000, v42;
	v59 =	vsub.f32 v18, v40;
	v52, v53, _ =	vpop (xrf1)  }
0x417: {  	v36 =	vmul.f32 v36, v36;
	v54 =	vsub.f32 v17, v39;
	v49 =	vxor.u32 $0x80000000, v49  }
0x418: {  	v43 =	vmul.f32 v43, v43;
	v58 =	vmul.f32 v59, v59;
	v52 =	vxor.u32 $0x80000000, v52;
	v56, v55, _ =	vpop (xrf1)  }
0x419: {  	v35 =	vmul.f32 v35, v35;
	v54 =	vmul.f32 v54, v54;
	v56 =	vxor.u32 $0x80000000, v56  }
0x41a: {  	v40 =	vsub.f32 v13, v40;
	v47 =	vsel vm3, v27, v47;
	v34 =	vadd.f32 v58, v34;
	v57, v51, _ =	vpop (xrf1)  }
0x41b: {  	v45 =	vadd.f32 v45, v54;
	v58 =	vsub.f32 v12, v39;
	vm5 =	vlt.s32 v52, v56  }
0x41c: {  	vm6 =	vge.s32 v25, v16;
	vm1 =	vlt.s32 v42, v49;
	v34 =	vadd.f32 v35, v34  }
0x41d: {  	v36 =	vadd.f32 v36, v45;
	v35 =	vmul.f32 v58, v58;
	v45 =	vsel vm5, v52, v56;
	v39, v27, _ =	vpop (xrf1)  }
0x41e: {  	vm7 =	vlt.s32 v25, v15;
	v52 =	vsel vm5, v53, v55;
	vm4 =	vge.f32 v34, $1.000000000e+02;
	v54, v53, _ =	vpop (xrf1)  }
0x41f: {  	vm5 =	vge.f32 v36, $1.000000000e+02;
	v35 =	vadd.f32 v44, v35;
	v44 =	vxor.u32 $0x80000000, v54  }
0x420: {  	vm8 =	vge.s32 v25, v21;
	v39 =	vxor.u32 $0x80000000, v39;
	v54 =	vadd.s32 s13, v24;
	(xrf1) =	vsort.dscd.msk.u32 $0xffff, v28, v37  }
0x421: {  	vm9 =	vlt.s32 v25, v20;
	vm10 =	veq.s32 v25, v23;
	v28 =	vsel vm1, v49, v42  }
0x422: {  	vm11 =	veq.s32 v25, v19;
	vm8 =	vmor vm9, vm8;
	v37 =	vxor.u32 $0x80000000, v57  }
0x423: {  	vm7 =	vmor vm7, vm6;
	v35 =	vadd.f32 v38, v35;
	v38 =	vsel vm1, v42, v49  }
0x424: {  	vm6 =	veq.s32 v30, v19;
	v40 =	vmul.f32 v40, v40;
	v42 =	vsel vm1, v50, v31  }
0x425: {  	vm9 =	vmor vm6, vm2;
	vm6 =	vgt.s32 v45, v47;
	vm12 =	vge.f32 v35, $1.000000000e+02  }
0x426: {  	vm2 =	vmor vm11, vm7;
	v29 =	vsel vm3, v29, v46;
	vm7 =	vmor vm9, vm12  }
0x427: {  	v46 =	vadd.s32 s0, v24;
	v28 =	vxor.u32 $0x80000000, v28;
	v35 =	vsel vm7, v54, v35  }
0x428: {  	vm0 =	vmor vm0, vm5;
	v49 =	vsel vm6, v47, v45;
	v35 =	vxor.u32 $0x80000000, v35  }
0x429: {  	vm3 =	vmor vm10, vm8;
	v40 =	vadd.f32 v40, v41;
	(xrf1) =	vsort.dscd.msk.u32 $0xffff, v35, v30;
	v35 =	vxor.u32 $0x80000000, v49  }
0x42a: {  	vm5 =	vlt.s32 v45, v47;
	v36 =	vsel vm0, v54, v36;
	vm0 =	vlt.s32 v32, v39  }
0x42b: {  	v40 =	vadd.f32 v43, v40;
	vm3 =	vmor vm3, vm4;
	v41 =	vsel vm5, v29, v52  }
0x42c: {  	v34 =	vsel vm3, v46, v34;
	v36 =	vxor.u32 $0x80000000, v36;
	(xrf1) =	vsort.dscd.msk.u32 $0xffff, v28, v42;
	v28 =	vxor.u32 $0x80000000, v48  }
0x42d: {  	v43 =	vsel vm6, v45, v47;
	vm3 =	vge.f32 v40, $1.000000000e+02;
	v48 =	vsel vm0, v32, v39  }
0x42e: {  	vm2 =	vmor vm2, vm3;
	(xrf1) =	vsort.dscd.msk.u32 $0xffff, v36, v30;
	v30 =	vsel vm0, v26, v27;
	v36 =	vxor.u32 $0x80000000, v48;
	v42, v45, _ =	vpop (xrf1)  }
0x42f: {  	v40 =	vsel vm2, v46, v40;
	v32 =	vsel vm0, v39, v32;
	v39 =	vsel vm5, v52, v29  }
0x430: {  	v29 =	vxor.u32 $0x80000000, v40;
	vm2 =	vlt.s32 v28, v44;
	v40 =	vxor.u32 $0x80000000, v42;
	(xrf1) =	vsort.ascd.msk.u32 $0xffff, v35, v39  }
.Ltmp8:
0x431: {  	v34 =	vxor.u32 $0x80000000, v34;
	v35 =	vsel vm2, v28, v44;
	(xrf1) =	vsort.dscd.msk.u32 $0xffff, v36, v30;
	v30 =	vsel vm2, v33, v53;
	(pc) =	sbr.rel @p2 .LBB2_9-.Ltmp8, $4  }
0x432: {  	v31 =	vsel vm1, v31, v50;
	vm1 =	vlt.s32 v40, v37;
	v33 =	vxor.u32 $0x80000000, v38;
	(xrf1) =	vsort.ascd.msk.u32 $0xffff, v34, v25  }
0x433: {  	v28 =	vxor.u32 $0x80000000, v32;
	v32 =	vsel vm1, v40, v37;
	(xrf1) =	vsort.dscd.msk.u32 $0xffff, v33, v31;
	v31 =	vsel vm1, v45, v51  }
0x434: {  	s31 =	sadd.s32 $0x20, s31;
	vm2 =	vgt.s32 v35, v32;
	v34 =	vxor.u32 $0x80000000, v43;
	vm1 =	vlt.s32 v35, v32  }
0x435: {  	s3 =	sadd.s32 $0x20, s3;
	s1 =	sadd.s32 $0x20, s1;
	s0 =	sadd.s32 $0x20, s0;
	v33 =	vsel vm2, v32, v35;
	v32 =	vsel vm2, v35, v32;
	(xrf1) =	vsort.ascd.msk.u32 $0xffff, v34, v41  }
.LBB2_10:
0x436: {  	v12 =	vsel @p1 vm1, v30, v31;
	v13 =	vxor.u32 @p1 $0x80000000, v33  }
0x437: {  	(xrf1) =	vsort.ascd.msk.u32 @p1 $0xffff, v13, v12;
	v13 =	vxor.u32 @p1 $0x80000000, v32  }
0x438: {  	v12 =	vsel @p1 vm1, v31, v30;
	(xrf1) =	vsort.ascd.msk.u32 $0xffff, v29, v25  }
0x439: {  	(xrf1) =	vsort.ascd.msk.u32 @p1 $0xffff, v13, v12;
	_ =	sdelay $0x1  }
0x43a: {  	v12, v13, _ =	vpop (xrf1)  }
0x43b: {  	v14, v15, _ =	vpop @p0 (xrf1)  }
0x43c: {  	v18 =	vsel @p0 vm0, v27, v26;
	v16, v17, _ =	vpop (xrf1)  }
0x43d: {  	(xrf1) =	vsort.dscd.msk.u32 @p0 $0xffff, v28, v18;
	v19, v20, _ =	vpop @p1 (xrf1)  }
0x43e: {  	v12 =	vxor.u32 $0x80000000, v12;
	v21, v22, _ =	vpop @p0 (xrf1)  }
0x43f: {  	v14 =	vxor.u32 @p0 $0x80000000, v14;
	v16 =	vxor.u32 $0x80000000, v16;
	v18 =	vxor.u32 @p1 $0x80000000, v19;
	v19, v23, _ =	vpop (xrf1)  }
0x440: {  	v18 =	vpsel p1, v18, v11;
	v21 =	vxor.u32 @p0 $0x80000000, v21;
	v24, v25, _ =	vpop @p0 (xrf1);
	v19 =	vxor.u32 $0x80000000, v19  }
0x441: {  	vm0 =	vlt.s32 @p0 v14, v18;
	v24 =	vxor.u32 @p0 $0x80000000, v24;
	vm6 =	vlt.s32 v16, v19  }
0x442: {  	v14 =	vsel @p0 vm0, v14, v18;
	v26, v27, _ =	vpop @p1 (xrf1);
	v61 =	vsel vm6, v19, v16;
	v16 =	vsel vm6, v16, v19  }
0x443: {  	v19 =	vpsel p1, v20, v10;
	v20 =	vsel vm6, v23, v17;
	v26 =	vxor.u32 @p1 $0x80000000, v26  }
0x444: {  	v17 =	vsel vm6, v17, v23;
	v27 =	vpsel p1, v27, v10;
	v28, v29, _ =	vpop @p1 (xrf1);
	v18 =	vpsel p1, v26, v11  }
0x445: {  	v15 =	vsel @p0 vm0, v15, v19;
	v16 =	vxor.u32 $0x80000000, v16;
	v60, v59, _ =	vpop (xrf1);
	vm2 =	vlt.s32 @p0 v24, v18  }
0x446: {  	v28 =	vxor.u32 @p1 $0x80000000, v28;
	v31, v32, _ =	vpop @p1 (xrf1);
	v18 =	vsel @p0 vm2, v24, v18;
	v24 =	vsel @p0 vm2, v25, v27  }
0x447: {  	v26 =	vxor.u32 $0x80000000, v60;
	v27 =	vxor.u32 $0x80000000, v61;
	v25 =	vxor.u32 @p1 $0x80000000, v31  }
0x448: {  	vm2 =	vgt.s32 @p0 v18, v14;
	vm3 =	vlt.s32 @p0 v18, v14;
	vm7 =	vlt.s32 v12, v26  }
0x449: {  	v19 =	vsel @p0 vm2, v14, v18;
	v31 =	vsel @p0 vm3, v15, v24;
	v14 =	vsel @p0 vm2, v18, v14  }
0x44a: {  	(xrf1) =	vsort.dscd.msk.u32 $0xffff, v27, v20;
	v18 =	vsel vm7, v12, v26;
	v15 =	vsel @p0 vm3, v24, v15;
	v19 =	vxor.u32 @p0 $0x80000000, v19  }
0x44b: {  	v62 =	vsel vm7, v13, v59;
	v24 =	vpsel p1, v25, v11;
	v18 =	vxor.u32 $0x80000000, v18;
	v20, v27, _ =	vpop @p0 (xrf1);
	(xrf1) =	vsort.ascd.msk.u32 @p0 $0xffff, v19, v15  }
0x44c: {  	v12 =	vsel vm7, v26, v12;
	vm2 =	vlt.s32 @p0 v21, v24;
	v14 =	vxor.u32 @p0 $0x80000000, v14;
	(xrf1) =	vsort.dscd.msk.u32 $0xffff, v18, v62  }
0x44d: {  	v19 =	vsel @p0 vm2, v21, v24;
	v21 =	vpsel p1, v28, v11;
	v20 =	vxor.u32 @p0 $0x80000000, v20;
	(xrf1) =	vsort.dscd.msk.u32 $0xffff, v16, v17  }
0x44e: {  	v15 =	vpsel p1, v32, v10;
	vm1 =	vlt.s32 @p0 v20, v21;
	(xrf1) =	vsort.ascd.msk.u32 @p0 $0xffff, v14, v31  }
0x44f: {  	v15 =	vsel @p0 vm2, v22, v15;
	v22 =	vpsel p1, v29, v10;
	v18 =	vsel @p0 vm1, v20, v21  }
0x450: {  	v20 =	vsel @p0 vm1, v27, v22;
	v14 =	vpsel p0, v15, v0;
	vm2 =	vgt.s32 @p0 v19, v18  }
0x451: {  	vm1 =	vlt.s32 @p0 v19, v18;
	v15 =	vpsel p0, v20, v0;
	v16 =	vsel @p0 vm2, v18, v19  }
0x452: {  	v17 =	vsel @p0 vm2, v19, v18;
	vm1 =	vmmov @p0 vm1;
	v16 =	vpsel p0, v16, v0  }
0x453: {  	v17 =	vpsel p0, v17, v0;
	v18 =	vsel @p0 vm1, v14, v15;
	v16 =	vxor.u32 @p0 $0x80000000, v16  }
0x454: {  	v13 =	vsel vm7, v59, v13;
	v14 =	vsel @p0 vm1, v15, v14;
	v15 =	vxor.u32 @p0 $0x80000000, v17;
	(xrf1) =	vsort.ascd.msk.u32 @p0 $0xffff, v16, v18  }
0x455: {  	v12 =	vxor.u32 $0x80000000, v12;
	(xrf1) =	vsort.ascd.msk.u32 @p0 $0xffff, v15, v14  }
0x456: {  	(xrf1) =	vsort.dscd.msk.u32 $0xffff, v12, v13;
	_ =	sdelay $0x1  }
0x457: {  	v12, v13, _ =	vpop (xrf1)  }
0x458: {  	v14, v15, _ =	vpop @p0 (xrf1)  }
0x459: {  	v16, v17, _ =	vpop (xrf1)  }
0x45a: {  	v18, v19, _ =	vpop (xrf1)  }
0x45b: {  	v20, v21, _ =	vpop @p0 (xrf1)  }
0x45c: {  	v12 =	vxor.u32 $0x80000000, v12;
	v14 =	vxor.u32 @p0 $0x80000000, v14;
	v20 =	vxor.u32 @p0 $0x80000000, v20  }
0x45d: {  	v14 =	vpsel p0, v14, v11;
	v18 =	vxor.u32 $0x80000000, v18;
	v20 =	vpsel p0, v20, v11  }
0x45e: {  	v15 =	vpsel p0, v15, v10;
	vm8 =	vlt.s32 v12, v14;
	vm9 =	vlt.s32 v18, v20  }
0x45f: {  	v16 =	vxor.u32 $0x80000000, v16;
	v12 =	vsel vm8, v12, v14;
	v14 =	vsel vm9, v18, v20  }
0x460: {  	v21 =	vpsel p0, v21, v10;
	v13 =	vsel vm8, v13, v15;
	vm10 =	vgt.s32 v14, v12  }
0x461: {  	v18 =	vsel vm9, v19, v21;
	v22, v23, _ =	vpop @p0 (xrf1);
	vm11 =	vlt.s32 v14, v12;
	v15 =	vsel vm10, v12, v14  }
0x462: {  	v19, v20, _ =	vpop @p0 (xrf1);
	v21 =	vxor.u32 @p0 $0x80000000, v22;
	v22 =	vsel vm11, v13, v18;
	v12 =	vsel vm10, v14, v12  }
0x463: {  	v13 =	vsel vm11, v18, v13;
	v19 =	vxor.u32 @p0 $0x80000000, v19;
	v15 =	vxor.u32 $0x80000000, v15;
	v14, v63, _ =	vpop (xrf1)  }
0x464: {  	v19 =	vpsel p0, v19, v11;
	v14 =	vxor.u32 $0x80000000, v14;
	v11 =	vpsel p0, v21, v11  }
0x465: {  	v18 =	vpsel p0, v20, v10;
	vm12 =	vlt.s32 v16, v19;
	vm13 =	vlt.s32 v14, v11  }
0x466: {  	v10 =	vpsel p0, v23, v10;
	v16 =	vsel vm12, v16, v19;
	v11 =	vsel vm13, v14, v11  }
0x467: {  	v12 =	vxor.u32 $0x80000000, v12;
	(xrf1) =	vsort.ascd.msk.u32 $0xffff, v15, v13;
	v14 =	vsel vm12, v17, v18;
	vm14 =	vgt.s32 v16, v11  }
0x468: {  	v10 =	vsel vm13, v63, v10;
	vm15 =	vlt.s32 v16, v11;
	v13 =	vsel vm14, v11, v16  }
0x469: {  	(xrf1) =	vsort.ascd.msk.u32 $0xffff, v12, v22;
	v11 =	vsel vm14, v16, v11;
	v12 =	vsel vm15, v14, v10;
	v13 =	vxor.u32 $0x80000000, v13  }
0x46a: {  	v10 =	vsel vm15, v10, v14;
	v11 =	vxor.u32 $0x80000000, v11;
	(xrf1) =	vsort.ascd.msk.u32 $0xffff, v13, v12  }
0x46b: {  	(xrf1) =	vsort.ascd.msk.u32 $0xffff, v11, v10;
	_ =	sdelay $0xa  }
.Ltmp9:
0x46c: {  	v10, v12, _ =	vpop (xrf1);
	(pc) =	sbr.rel .LBB2_11-.Ltmp9, $4  }
0x46d: {  	v13, v11, _ =	vpop (xrf1)  }
0x46e: {  	v18, v15, _ =	vpop (xrf1)  }
0x46f: {  	v14 =	vxor.u32 $0x80000000, v10;
	v10, v16, _ =	vpop (xrf1)  }
0x470: {  	v13 =	vxor.u32 $0x80000000, v13;
	v23 =	vxor.u32 $0x80000000, v18;
	v17 =	vxor.u32 $0x80000000, v10  }
.LBB2_3:
0x471: {  	v15 =	vimm.s32 $0x0;
	v23 =	vimm.s32 $0x7F000000  }
0x472: {  	v17 =	vimm.s32 $0x7F000000;
	v16 =	vimm.s32 $0x0;
	v14 =	vimm.s32 $0x7F000000  }
0x473: {  	v12 =	vimm.s32 $0x0;
	v13 =	vimm.s32 $0x7F000000;
	v11 =	vimm.s32 $0x0  }
.LBB2_11:
0x474: {  	(v2sf) =	vpush v17, $0xF;
	_ =	sdelay $0x1  }
0x475: {  	(v2sf) =	vpush v13, $0xF;
	_ =	sdelay $0xc  }
0x476: {  	p0 =	slt.s32 s28, $0x40;
	s0 =	spop (v2sf)  }
0x477: {  	p1 =	sgt.s32 @!p0 s0, $0x42C7FFFF  }
0x478: {  	s0 =	spop (v2sf);
	p0 =	por p0, p1  }
0x479: {  	p1 =	sgt.s32 @!p0 s0, $0x42C7FFFF  }
0x47a: {  	p0 =	por p0, p1  }
.Ltmp10:
0x47b: {  	_ = 	snop;
	(pc) =	sbr.rel @p0 .LBB2_13-.Ltmp10, $1  }
0x47c: {  	_ =	sdelay $0x3  }
.Ltmp11:
0x47d: {  	(pc) =	sbr.rel .LBB2_14-.Ltmp11, $2  }
0x47e: {  	_ =	sdelay $0x2  }
0x47f: {  	v10 =	vmov s26;
	v5 =	vmov s25  }
.LBB2_5:
.Ltmp12:
0x480: {  	(pc) =	sbr.rel .LBB2_10-.Ltmp12, $2  }
0x481: {  	_ =	sdelay $0x2  }
0x482: {  	_ = 	snop  }
.LBB2_7:
.Ltmp13:
0x483: {  	(pc) =	sbr.rel .LBB2_10-.Ltmp13, $2  }
0x484: {  	_ =	sdelay $0x2  }
0x485: {  	_ = 	snop  }
.LBB2_16:
0x486: {  	_ =	sfence.sel $0x180000  }
0x487: {  	[bflag:$0x0] =	sbarrier.arrive $0xFFFF  }
0x488: {  	_ =	strace $0x90000047  }
0x489: {  	s0 =	stileid.u32;
	[bflag:$0x2] =	sbarrier.arrive $0xFFFF  }
0x48a: {  	p0 =	sne.s32 s0, $0x0;
	s0 =	rddreg [dreg:$0x4]  }
0x48b: {  	s0 =	sadd.s32 @!p0 $0x100000, s0  }
0x48c: {  	[sflag:s0] =	ssyncadd.tile.s32 @!p0 $0x1;
	_ =	shalt  }
.Lfunc_end2:
_tile_overlayer_lowered:
.L_overlay_start_2:
0x48d: {  	(tag) =	ssettag $0x2  }
0x48e: {  	s0 =	rddreg [dreg:$0x0];
	s2 =	stileid.u32  }
0x48f: {  	s1 =	rddreg [dreg:$0x1];
	p0 =	sne.s32 s2, $0x0  }
0x490: {  	s3 =	rddreg [dreg:$0x2];
	[bflag:$0x3] =	sbarrier.arrive $0xFFFF;
	s2 =	simm.s32 @!p0 $0x1C02  }
0x491: {  	[timem:s3], [sflag:s2] =	dma.local @!p0 [hbm:s0], s1  }
0x492: {  	s0 =	simm.s32 @!p0 $0x2  }
0x493: {  	_ =	swait.ge @!p0 [sflag:s0], s1  }
0x494: {  	s1 =	ssub.s32 @!p0 $0x0, s1;
	[sflag:s0] =	ssyncset.done @!p0 $0x0  }
0x495: {  	[sflag:s0] =	ssyncadd.s32 @!p0 s1  }
0x496: {  	[bflag:$0x3] =	sbarrier.arrive $0xFFFF  }
0x497: {  	_ =	shalt  }

</sc_bundles>
